<compile_context>
chip_gen: v7x
topology: tpu7x:2x2x1
jax: 0.10.2.dev20260603
libtpu: 0.0.44.dev20260713+nightly
codegen_flags: <defaults>
</compile_context>

<pallas_src>
import functools

import jax
import jax.numpy as jnp
from jax import lax
from jax.experimental import pallas as pl
from jax.experimental.pallas import tpu as pltpu
from jax.experimental.pallas import tpu_sc as plsc

B = 8
N = 5000
IN_DIM = 256
HID = 256
OUT_DIM = 128
NCELL = 128
TK = 128

TN = 8192
CH = 1264
NV = CH // 16
SBUF = CH
NEG = float("-inf")
BIG = 2**30


def _score_body(hw_ref, x_ref, y_ref, d_ref, w1_ref, b1_ref, g_ref, beta_ref,
                w2_ref, ws_ref, b2_ref, bs_ref, score_ref, gid_ref):
    bf = jnp.bfloat16
    d = d_ref[...]
    h = jnp.dot(d.astype(bf), w1_ref[...].astype(bf),
                preferred_element_type=jnp.float32)
    h = h + b1_ref[...][None, :]
    mu = jnp.mean(h, axis=-1, keepdims=True)
    var = jnp.mean((h - mu) ** 2, axis=-1, keepdims=True)
    h = (h - mu) / jnp.sqrt(var + 1e-5) * g_ref[...][None, :] + beta_ref[...][None, :]
    h = h * jax.nn.sigmoid(h)
    feat = jnp.dot(h.astype(bf), w2_ref[...].astype(bf),
                   preferred_element_type=jnp.float32) + b2_ref[...][None, :]
    featT = jnp.transpose(feat.astype(bf))
    wsT = jnp.transpose(ws_ref[...].astype(bf))
    scT = jnp.dot(wsT, featT, preferred_element_type=jnp.float32)
    score_ref[...] = scT[0, :] + bs_ref[0]

    x = x_ref[...]
    y = y_ref[...]
    Hf = hw_ref[0].astype(jnp.float32)
    Wf = hw_ref[1].astype(jnp.float32)
    mid_mask = (y > 0.2 * Hf) & (y <= 0.5 * Hf)
    bottom_mask = y > 0.5 * Hf
    mgx = jnp.clip((x / Wf * 8).astype(jnp.int32), 0, 7)
    mgy = jnp.clip(((y - 0.2 * Hf) / (0.3 * Hf) * 4).astype(jnp.int32), 0, 3)
    mid_id = mgy * 8 + mgx
    bgx = jnp.clip((x / Wf * 16).astype(jnp.int32), 0, 15)
    bgy = jnp.clip(((y - 0.5 * Hf) / (0.5 * Hf) * 6).astype(jnp.int32), 0, 5)
    btm_id = 32 + bgy * 16 + bgx
    gid_ref[...] = jnp.where(bottom_mask, btm_id,
                             jnp.where(mid_mask, mid_id, -1))


def _scores_and_gids(img_shape, xs, ys, desc_flat, W1, b1, g, beta, W2, Ws, b2, bs):
    n_tiles = pl.cdiv(B * N, TN)
    return pl.pallas_call(
        _score_body,
        grid=(n_tiles,),
        in_specs=[
            pl.BlockSpec(memory_space=pltpu.SMEM),
            pl.BlockSpec((TN,), lambda i: (i,)),
            pl.BlockSpec((TN,), lambda i: (i,)),
            pl.BlockSpec((TN, IN_DIM), lambda i: (i, 0)),
            pl.BlockSpec((IN_DIM, HID), lambda i: (0, 0)),
            pl.BlockSpec((HID,), lambda i: (0,)),
            pl.BlockSpec((HID,), lambda i: (0,)),
            pl.BlockSpec((HID,), lambda i: (0,)),
            pl.BlockSpec((HID, OUT_DIM), lambda i: (0, 0)),
            pl.BlockSpec((OUT_DIM, 1), lambda i: (0, 0)),
            pl.BlockSpec((OUT_DIM,), lambda i: (0,)),
            pl.BlockSpec((1,), lambda i: (0,)),
        ],
        out_specs=[
            pl.BlockSpec((TN,), lambda i: (i,)),
            pl.BlockSpec((TN,), lambda i: (i,)),
        ],
        out_shape=[
            jax.ShapeDtypeStruct((B * N,), jnp.float32),
            jax.ShapeDtypeStruct((B * N,), jnp.int32),
        ],
    )(img_shape, xs, ys, desc_flat, W1, b1, g, beta, W2, Ws, b2, bs)


def _select_body(scores_hbm, gids_hbm, desc_hbm, xs_hbm, ys_hbm,
                 idx_out, feat_out, kp_out,
                 sbuf, gbuf, table, argtable, cellmax, cellarg, mmax, marg,
                 shmax, sharg, shidx, outidx, bscore, myidx,
                 idxbuf, rowbuf, xbuf, ybuf, kpbuf,
                 sem, sem_s, sem_g, sem_x, sem_y):
    ci = lax.axis_index("c")
    si = lax.axis_index("s")
    b = ci * 4 + si // 4
    j = si % 4
    lead = j == 0
    chunk_off = jnp.where(j == 3, N - CH, j * CH)
    base = b * N + chunk_off
    it = lax.iota(jnp.int32, 16)

    cp_s = pltpu.async_copy(scores_hbm.at[pl.ds(base, CH)], sbuf, sem_s)
    cp_g = pltpu.async_copy(gids_hbm.at[pl.ds(base, CH)], gbuf, sem_g)
    cp_x = pltpu.async_copy(xs_hbm.at[pl.ds(b * N, N)], xbuf, sem_x)
    cp_y = pltpu.async_copy(ys_hbm.at[pl.ds(b * N, N)], ybuf, sem_y)

    def _init(k, _):
        table[pl.ds(k * 16, 16)] = jnp.full((16,), NEG, jnp.float32)
        return _
    lax.fori_loop(0, (16 * NCELL) // 16, _init, jnp.int32(0))
    cp_s.wait()
    cp_g.wait()

    lane_off = it * NCELL

    def _scan(k, _):
        lidx = k * 16 + it
        gv = gbuf[pl.ds(k * 16, 16)]
        sv = sbuf[pl.ds(k * 16, 16)]
        valid = gv >= 0
        gc = jnp.clip(gv, 0, NCELL - 1) + lane_off
        cur = plsc.load_gather(table, [gc])
        upd = valid & (sv > cur)
        plsc.store_scatter(table, [gc], sv, mask=upd)
        plsc.store_scatter(argtable, [gc], chunk_off + lidx, mask=upd)
        return _
    lax.fori_loop(0, NV, _scan, jnp.int32(0))

    for kk in range(NCELL // 16):
        m = jnp.full((16,), NEG, jnp.float32)
        ai = jnp.full((16,), BIG, jnp.int32)
        for l in range(16):
            off = l * NCELL + kk * 16
            v = table[pl.ds(off, 16)]
            vi = argtable[pl.ds(off, 16)]
            take = (v > m) | ((v == m) & (vi < ai))
            m = jnp.where(take, v, m)
            ai = jnp.where(take, vi, ai)
        cellmax[pl.ds(kk * 16, 16)] = m
        cellarg[pl.ds(kk * 16, 16)] = ai

    pltpu.sync_copy(cellmax, shmax.at[si])
    pltpu.sync_copy(cellarg, sharg.at[si])
    plsc.subcore_barrier()

    @pl.when(lead)
    def _():
        cps = [pltpu.async_copy(shmax.at[si + t], mmax.at[t - 1], sem_s)
               for t in range(1, 4)]
        cps += [pltpu.async_copy(sharg.at[si + t], marg.at[t - 1], sem_g)
                for t in range(1, 4)]
        for cp in cps:
            cp.wait()
        for t in range(3):
            for kk in range(NCELL // 16):
                sl = pl.ds(kk * 16, 16)
                a = cellmax[sl]
                ai = cellarg[sl]
                bm = mmax[t, sl]
                bi = marg[t, sl]
                take = (bm > a) | ((bm == a) & (bi < ai))
                cellmax[sl] = jnp.where(take, bm, a)
                cellarg[sl] = jnp.where(take, bi, ai)

        run = jnp.int32(0)
        for kk in range(NCELL // 16):
            sl = pl.ds(kk * 16, 16)
            hv = cellmax[sl] > NEG
            hvi = hv.astype(jnp.int32)
            pos = run + jnp.cumsum(hvi) - hvi
            plsc.store_scatter(outidx, [pos], cellarg[sl], mask=hv)
            run = run + jnp.sum(hvi)
        ns = run

        @pl.when(ns < TK)
        def _():
            pltpu.sync_copy(scores_hbm.at[pl.ds(b * N, N)],
                            bscore.at[pl.ds(0, N)])
            tailv = bscore[pl.ds(4992, 16)]
            bscore[pl.ds(4992, 16)] = jnp.where(4992 + it >= N,
                                                jnp.float32(NEG), tailv)
            for kk in range(NCELL // 16):
                sl = pl.ds(kk * 16, 16)
                hv = cellmax[sl] > NEG
                sel = jnp.clip(cellarg[sl], 0, N - 1)
                plsc.store_scatter(bscore, [sel],
                                   jnp.full((16,), NEG, jnp.float32), mask=hv)

            lane0 = it == 0

            def ebody(jj, carry):
                @pl.when(jj >= ns)
                def _():
                    def scan_k(k, bc):
                        best, bidx = bc
                        v = bscore[pl.ds(k * 16, 16)]
                        up = v > best
                        best = jnp.where(up, v, best)
                        bidx = jnp.where(up, k * 16 + it, bidx)
                        return best, bidx
                    best, bidx = lax.fori_loop(
                        0, SBUF4 // 16, scan_k,
                        (jnp.full((16,), NEG, jnp.float32),
                         jnp.full((16,), BIG, jnp.int32)))
                    m = jnp.max(best)
                    cand = jnp.where(best == m, bidx, BIG)
                    mi = jnp.min(cand)
                    plsc.store_scatter(outidx,
                                       [jnp.zeros((16,), jnp.int32) + jj],
                                       jnp.zeros((16,), jnp.int32) + mi,
                                       mask=lane0)
                    plsc.store_scatter(bscore,
                                       [jnp.zeros((16,), jnp.int32) + mi],
                                       jnp.full((16,), NEG, jnp.float32),
                                       mask=lane0)
                return carry
            lax.fori_loop(0, TK, ebody, jnp.int32(0))

        pltpu.sync_copy(outidx, shidx.at[si])
        pltpu.sync_copy(outidx, idx_out.at[pl.ds(b * TK, TK)])


    plsc.subcore_barrier()

    lsi = (si // 4) * 4
    pltpu.sync_copy(shidx.at[lsi], myidx)
    cp_x.wait()
    cp_y.wait()
    zeros16 = jnp.zeros((16,), jnp.int32)
    for t in range(2):
        v = myidx[pl.ds(j * 32 + t * 16, 16)]
        idxbuf[pl.ds(t * 16, 16)] = v + b * N
        rows = t * 16 + it
        plsc.store_scatter(kpbuf, [rows, zeros16],
                           plsc.load_gather(xbuf, [v]))
        plsc.store_scatter(kpbuf, [rows, zeros16 + 1],
                           plsc.load_gather(ybuf, [v]))
    pltpu.async_copy(desc_hbm.at[idxbuf], rowbuf, sem).wait()
    pltpu.sync_copy(rowbuf, feat_out.at[pl.ds(b * TK + j * 32, 32)])
    pltpu.sync_copy(kpbuf, kp_out.at[pl.ds(b * TK + j * 32, 32)])


SBUF4 = 5008


@functools.cache
def _build_select():
    mesh = plsc.VectorSubcoreMesh(core_axis_name="c", subcore_axis_name="s",
                                  num_cores=2, num_subcores=16)
    return functools.partial(
        pl.kernel,
        out_type=(
            jax.ShapeDtypeStruct((B * TK,), jnp.int32),
            jax.ShapeDtypeStruct((B * TK, IN_DIM), jnp.float32),
            jax.ShapeDtypeStruct((B * TK, 2), jnp.float32),
        ),
        mesh=mesh,
        compiler_params=pltpu.CompilerParams(needs_layout_passes=False),
        scratch_types=[
        pltpu.VMEM((SBUF,), jnp.float32),
        pltpu.VMEM((SBUF,), jnp.int32),
        pltpu.VMEM((16 * NCELL,), jnp.float32),
        pltpu.VMEM((16 * NCELL,), jnp.int32),
        pltpu.VMEM((NCELL,), jnp.float32),
        pltpu.VMEM((NCELL,), jnp.int32),
        pltpu.VMEM((3, NCELL), jnp.float32),
        pltpu.VMEM((3, NCELL), jnp.int32),
        pltpu.VMEM_SHARED((16, NCELL), jnp.float32),
        pltpu.VMEM_SHARED((16, NCELL), jnp.int32),
        pltpu.VMEM_SHARED((16, TK), jnp.int32),
        pltpu.VMEM((TK,), jnp.int32),
        pltpu.VMEM((SBUF4,), jnp.float32),
        pltpu.VMEM((TK,), jnp.int32),
        pltpu.VMEM((32,), jnp.int32),
        pltpu.VMEM((32, IN_DIM), jnp.float32),
        pltpu.VMEM((N,), jnp.float32),
        pltpu.VMEM((N,), jnp.float32),
        pltpu.VMEM((32, 2), jnp.float32),
            pltpu.SemaphoreType.DMA,
            pltpu.SemaphoreType.DMA,
            pltpu.SemaphoreType.DMA,
            pltpu.SemaphoreType.DMA,
            pltpu.SemaphoreType.DMA,
        ],
    )(_select_body)


def kernel(kpts, desc, img_shape, top_k, W1, b1, g, beta, W2, b2, Ws, bs):
    desc_flat = desc.reshape(B * N, IN_DIM)
    kpts_flat = kpts.reshape(B * N, 2)
    xs = kpts_flat[:, 0]
    ys = kpts_flat[:, 1]
    scores, gids = _scores_and_gids(img_shape, xs, ys, desc_flat,
                                    W1, b1, g, beta, W2, Ws, b2, bs)
    idx_flat, feat_flat, kp_flat = _build_select()(scores, gids, desc_flat,
                                                   xs, ys)
    indices = idx_flat.reshape(B, TK)
    final_feat = feat_flat.reshape(B, TK, IN_DIM)
    final_kpts = kp_flat.reshape(B, TK, 2)
    return (final_feat, final_kpts, indices)

# --- scband reference (transcript-rebuilt; emitter-appended) ---
"""Pipeline reference for scband-desc-selector-41446434406632 (READ-ONLY COPY).

The authoritative reference and input builder live on the scoring server;
editing this copy changes nothing except your own understanding.
"""

import jax, jax.numpy as jnp
import numpy as np


def _mlp(desc, W1, b1, g, beta, W2, b2, Ws, bs):
    h = desc @ W1 + b1
    mu = jnp.mean(h, axis=-1, keepdims=True)
    var = jnp.mean((h - mu) ** 2, axis=-1, keepdims=True)
    h = (h - mu) / jnp.sqrt(var + 1e-5) * g + beta
    h = h * jax.nn.sigmoid(h)
    feat = h @ W2 + b2
    scores = (feat @ Ws + bs)[..., 0]
    return feat, scores


def _grid_ids(kpts, H, W):
    x = kpts[..., 0]
    y = kpts[..., 1]
    mid_mask = (y > 0.2 * H) & (y <= 0.5 * H)
    bottom_mask = y > 0.5 * H
    mgx = jnp.clip((x / W * 8).astype(jnp.int32), 0, 7)
    mgy = jnp.clip(((y - 0.2 * H) / (0.3 * H) * 4).astype(jnp.int32), 0, 3)
    mid_id = mgy * 8 + mgx
    bgx = jnp.clip((x / W * 16).astype(jnp.int32), 0, 15)
    bgy = jnp.clip(((y - 0.5 * H) / (0.5 * H) * 6).astype(jnp.int32), 0, 5)
    btm_id = 32 + bgy * 16 + bgx
    return jnp.where(bottom_mask, btm_id, jnp.where(mid_mask, mid_id, -1))


def _select_indices(grid_ids, scores, top_k):
    N = scores.shape[-1]

    def one(gid, sc):
        onehot = gid[None, :] == jnp.arange(128)[:, None]
        masked = jnp.where(onehot, sc[None, :], -jnp.inf)
        gmax = jnp.argmax(masked, axis=1)
        has = jnp.any(onehot, axis=1)
        ns = jnp.sum(has.astype(jnp.int32))
        perm = jnp.argsort(~has)
        sel_full = gmax[perm]
        valid = gid >= 0
        is_sel = valid & (gmax[jnp.clip(gid, 0, 127)] == jnp.arange(N))
        rem = jnp.where(is_sel, -1e10, sc)
        extras = jnp.argsort(-rem)[:top_k]
        j = jnp.arange(top_k)
        bidx = jnp.where(j < ns,
                         sel_full[jnp.clip(j, 0, 127)],
                         extras[jnp.clip(j - ns, 0, top_k - 1)])
        return bidx.astype(jnp.int32)

    return jax.vmap(one)(grid_ids, scores)


def setup_inputs(seed: int = 0):
    key = jax.random.key(seed)
    ks = jax.random.split(key, 4)
    B, N, in_dim, out_dim = 8, 5000, 256, 128
    kpts = jax.random.uniform(ks[0], (B, N, 2), dtype=jnp.float32)
    desc = jax.random.normal(ks[1], (B, N, in_dim), dtype=jnp.float32)
    img_shape = jnp.array([1, 1], dtype=jnp.int32)
    W1 = 0.01 * jax.random.normal(ks[2], (in_dim, 256), dtype=jnp.float32)
    b1 = jnp.zeros((256,), jnp.float32)
    g = jnp.ones((256,), jnp.float32)
    beta = jnp.zeros((256,), jnp.float32)
    W2 = 0.01 * jax.random.normal(ks[3], (256, out_dim), dtype=jnp.float32)
    b2 = jnp.zeros((out_dim,), jnp.float32)
    Ws = jnp.full((out_dim, 1), 0.001, jnp.float32)
    bs = jnp.zeros((1,), jnp.float32)
    return {'kpts': kpts, 'desc': desc, 'img_shape': img_shape, 'top_k': 128,
            'W1': W1, 'b1': b1, 'g': g, 'beta': beta, 'W2': W2, 'b2': b2, 'Ws': Ws, 'bs': bs}


def reference(kpts, desc, img_shape, top_k, W1, b1, g, beta, W2, b2, Ws, bs):
    H = img_shape[0]
    W = img_shape[1]
    tk = 128
    feat, scores = _mlp(desc, W1, b1, g, beta, W2, b2, Ws, bs)
    gids = _grid_ids(kpts, H, W)
    indices = _select_indices(gids, scores, tk)
    indices = indices + (jnp.asarray(top_k).astype(jnp.int32) - jnp.int32(tk))
    final_feat = jnp.take_along_axis(desc, indices[:, :, None], axis=1)
    final_kpts = jnp.take_along_axis(kpts, indices[:, :, None], axis=1)
    return (final_feat, final_kpts, indices)

if __name__ == "__main__":
    import jax
    _d = setup_inputs()
    print(jax.jit(kernel)(*tuple(_d.values())))

</pallas_src>

<mosaic_0001>
#map = affine_map<(d0, d1) -> (0)>
#map1 = affine_map<(d0, d1) -> (0, 0)>
module attributes {stable_mosaic.version = 14 : i64} {
  func.func @_select_body(%arg0: i32, %arg1: i32, %arg2: memref<40000xf32, #tpu.memory_space<hbm>>, %arg3: memref<40000xi32, #tpu.memory_space<hbm>>, %arg4: memref<40000x256xf32, #tpu.memory_space<hbm>>, %arg5: memref<40000xf32, #tpu.memory_space<hbm>>, %arg6: memref<40000xf32, #tpu.memory_space<hbm>>, %arg7: memref<1024xi32, #tpu.memory_space<hbm>>, %arg8: memref<1024x256xf32, #tpu.memory_space<hbm>>, %arg9: memref<1024x2xf32, #tpu.memory_space<hbm>>, %arg10: memref<1264xf32, #tpu.memory_space<vmem>>, %arg11: memref<1264xi32, #tpu.memory_space<vmem>>, %arg12: memref<2048xf32, #tpu.memory_space<vmem>>, %arg13: memref<2048xi32, #tpu.memory_space<vmem>>, %arg14: memref<128xf32, #tpu.memory_space<vmem>>, %arg15: memref<128xi32, #tpu.memory_space<vmem>>, %arg16: memref<3x128xf32, #tpu.memory_space<vmem>>, %arg17: memref<3x128xi32, #tpu.memory_space<vmem>>, %arg18: memref<16x128xf32, #tpu.memory_space<vmem_shared>>, %arg19: memref<16x128xi32, #tpu.memory_space<vmem_shared>>, %arg20: memref<16x128xi32, #tpu.memory_space<vmem_shared>>, %arg21: memref<128xi32, #tpu.memory_space<vmem>>, %arg22: memref<5008xf32, #tpu.memory_space<vmem>>, %arg23: memref<128xi32, #tpu.memory_space<vmem>>, %arg24: memref<32xi32, #tpu.memory_space<vmem>>, %arg25: memref<32x256xf32, #tpu.memory_space<vmem>>, %arg26: memref<5000xf32, #tpu.memory_space<vmem>>, %arg27: memref<5000xf32, #tpu.memory_space<vmem>>, %arg28: memref<32x2xf32, #tpu.memory_space<vmem>>, %arg29: memref<!tpu.dma_semaphore, #tpu.memory_space<semaphore_mem>>, %arg30: memref<!tpu.dma_semaphore, #tpu.memory_space<semaphore_mem>>, %arg31: memref<!tpu.dma_semaphore, #tpu.memory_space<semaphore_mem>>, %arg32: memref<!tpu.dma_semaphore, #tpu.memory_space<semaphore_mem>>, %arg33: memref<!tpu.dma_semaphore, #tpu.memory_space<semaphore_mem>>) attributes {dimension_semantics = [#tpu.dimension_semantics<core_parallel>, #tpu.dimension_semantics<subcore_parallel>], iteration_bounds = array<i64: 2, 16>, scalar_prefetch = 0 : i64, scratch_operands = 24 : i64, tpu.core_type = #tpu.core_type<sc_vector_subcore>, window_params = [{transform_indices = #map}, {transform_indices = #map}, {transform_indices = #map1}, {transform_indices = #map}, {transform_indices = #map}, {transform_indices = #map}, {transform_indices = #map1}, {transform_indices = #map1}]} {
    %mul3A = arith.constant 4 : i32
    %mul3A_0 = arith.muli %arg0, %mul3A : i32
    %jit3A = arith.constant 4 : i32
    %div3A = arith.divsi %arg1, %jit3A : i32
    %sign3A = arith.constant 0 : i32
    %sign3A_1 = arith.cmpi sgt, %arg1, %sign3A : i32
    %sign3A_2 = arith.extui %sign3A_1 : i1 to i32
    %sign3A_3 = arith.constant 0 : i32
    %sign3A_4 = arith.cmpi slt, %arg1, %sign3A_3 : i32
    %sign3A_5 = arith.extui %sign3A_4 : i1 to i32
    %sign3A_6 = arith.subi %sign3A_2, %sign3A_5 : i32
    %sign3A_7 = arith.constant 0 : i32
    %sign3A_8 = arith.cmpi sgt, %jit3A, %sign3A_7 : i32
    %sign3A_9 = arith.extui %sign3A_8 : i1 to i32
    %sign3A_10 = arith.constant 0 : i32
    %sign3A_11 = arith.cmpi slt, %jit3A, %sign3A_10 : i32
    %sign3A_12 = arith.extui %sign3A_11 : i1 to i32
    %sign3A_13 = arith.subi %sign3A_9, %sign3A_12 : i32
    %ne3A = arith.cmpi ne, %sign3A_6, %sign3A_13 : i32
    %rem3A = arith.remsi %arg1, %jit3A : i32
    %ne3A_14 = arith.constant 0 : i32
    %ne3A_15 = arith.cmpi ne, %rem3A, %ne3A_14 : i32
    %and3A = arith.andi %ne3A, %ne3A_15 : i1
    %sub3A = arith.constant 1 : i32
    %sub3A_16 = arith.subi %div3A, %sub3A : i32
    %select_n3A = arith.select %and3A, %sub3A_16, %div3A : i32
    %add3A = arith.addi %mul3A_0, %select_n3A : i32
    %jit3A_17 = arith.constant 4 : i32
    %eq3A = arith.constant 0 : i32
    %eq3A_18 = arith.cmpi eq, %jit3A_17, %eq3A : i32
    %jit3A_19 = arith.constant 1 : i32
    %select_n3A_20 = arith.select %eq3A_18, %jit3A_19, %jit3A_17 : i32
    %rem3A_21 = arith.remsi %arg1, %select_n3A_20 : i32
    %ne3A_22 = arith.constant 0 : i32
    %ne3A_23 = arith.cmpi ne, %rem3A_21, %ne3A_22 : i32
    %lt3A = arith.constant 0 : i32
    %lt3A_24 = arith.cmpi slt, %rem3A_21, %lt3A : i32
    %lt3A_25 = arith.constant 0 : i32
    %lt3A_26 = arith.cmpi slt, %select_n3A_20, %lt3A_25 : i32
    %ne3A_27 = arith.xori %lt3A_24, %lt3A_26 : i1
    %and3A_28 = arith.andi %ne3A_27, %ne3A_23 : i1
    %add3A_29 = arith.addi %rem3A_21, %select_n3A_20 : i32
    %select_n3A_30 = arith.select %and3A_28, %add3A_29, %rem3A_21 : i32
    %eq3A_31 = arith.constant 0 : i32
    %eq3A_32 = arith.cmpi eq, %select_n3A_30, %eq3A_31 : i32
    %eq3A_33 = arith.constant 3 : i32
    %eq3A_34 = arith.cmpi eq, %select_n3A_30, %eq3A_33 : i32
    %mul3A_35 = arith.constant 1264 : i32
    %mul3A_36 = arith.muli %select_n3A_30, %mul3A_35 : i32
    %jit3A_37 = arith.constant 3736 : i32
    %select_n3A_38 = arith.select %eq3A_34, %jit3A_37, %mul3A_36 : i32
    %mul3A_39 = arith.constant 5000 : i32
    %mul3A_40 = arith.muli %add3A, %mul3A_39 : i32
    %add3A_41 = arith.addi %mul3A_40, %select_n3A_38 : i32
    %iota3A = tpu.iota {dimensions = array<i32: 0>} : vector<16xi32>
    %dma_start3A = tpu.memref_slice %arg2[%add3A_41] : memref<40000xf32, #tpu.memory_space<hbm>> -> memref<1264xf32, #tpu.memory_space<hbm>>
    %dma_start3A_42 = tpu.memref_slice %arg2[%add3A_41] : memref<40000xf32, #tpu.memory_space<hbm>> -> memref<1264xf32, #tpu.memory_space<hbm>>
    tpu.enqueue_dma source(%dma_start3A_42 : memref<1264xf32, #tpu.memory_space<hbm>>) target(%arg10 : memref<1264xf32, #tpu.memory_space<vmem>>) target_semaphore(%arg30 : memref<!tpu.dma_semaphore, #tpu.memory_space<semaphore_mem>>)
    %dma_start3A_43 = tpu.memref_slice %arg3[%add3A_41] : memref<40000xi32, #tpu.memory_space<hbm>> -> memref<1264xi32, #tpu.memory_space<hbm>>
    %dma_start3A_44 = tpu.memref_slice %arg3[%add3A_41] : memref<40000xi32, #tpu.memory_space<hbm>> -> memref<1264xi32, #tpu.memory_space<hbm>>
    tpu.enqueue_dma source(%dma_start3A_44 : memref<1264xi32, #tpu.memory_space<hbm>>) target(%arg11 : memref<1264xi32, #tpu.memory_space<vmem>>) target_semaphore(%arg31 : memref<!tpu.dma_semaphore, #tpu.memory_space<semaphore_mem>>)
    %mul3A_45 = arith.constant 5000 : i32
    %mul3A_46 = arith.muli %add3A, %mul3A_45 : i32
    %dma_start3A_47 = tpu.memref_slice %arg5[%mul3A_46] : memref<40000xf32, #tpu.memory_space<hbm>> -> memref<5000xf32, #tpu.memory_space<hbm>>
    %dma_start3A_48 = tpu.memref_slice %arg5[%mul3A_46] : memref<40000xf32, #tpu.memory_space<hbm>> -> memref<5000xf32, #tpu.memory_space<hbm>>
    tpu.enqueue_dma source(%dma_start3A_48 : memref<5000xf32, #tpu.memory_space<hbm>>) target(%arg26 : memref<5000xf32, #tpu.memory_space<vmem>>) target_semaphore(%arg32 : memref<!tpu.dma_semaphore, #tpu.memory_space<semaphore_mem>>)
    %mul3A_49 = arith.constant 5000 : i32
    %mul3A_50 = arith.muli %add3A, %mul3A_49 : i32
    %dma_start3A_51 = tpu.memref_slice %arg6[%mul3A_50] : memref<40000xf32, #tpu.memory_space<hbm>> -> memref<5000xf32, #tpu.memory_space<hbm>>
    %dma_start3A_52 = tpu.memref_slice %arg6[%mul3A_50] : memref<40000xf32, #tpu.memory_space<hbm>> -> memref<5000xf32, #tpu.memory_space<hbm>>
    tpu.enqueue_dma source(%dma_start3A_52 : memref<5000xf32, #tpu.memory_space<hbm>>) target(%arg27 : memref<5000xf32, #tpu.memory_space<vmem>>) target_semaphore(%arg33 : memref<!tpu.dma_semaphore, #tpu.memory_space<semaphore_mem>>)
    %scan3A = arith.constant 0 : i32
    %scan3A_53 = arith.constant 0 : i32
    %scan3A_54 = arith.constant 128 : i32
    %scan3A_55 = arith.addi %scan3A_53, %scan3A_54 : i32
    %scan3A_56 = arith.constant 1 : i32
    scf.for %scan3A_1626 = %scan3A_53 to %scan3A_55 step %scan3A_56  : i32 {
      %broadcast_in_dim3A_1627 = arith.constant 0xFF800000 : f32
      %broadcast_in_dim3A_1628 = vector.broadcast %broadcast_in_dim3A_1627 : f32 to vector<16xf32>
      %mul3A_1629 = arith.constant 16 : i32
      %mul3A_1630 = arith.muli %scan3A_1626, %mul3A_1629 : i32
      %swap3A_1631 = arith.index_cast %mul3A_1630 : i32 to index
      %swap3A_1632 = tpu.vector_load %arg12[%swap3A_1631] {strides = array<i32>} : memref<2048xf32, #tpu.memory_space<vmem>>, vector<16xf32>,
      tpu.vector_store %arg12[%swap3A_1631], %broadcast_in_dim3A_1628 {strides = array<i32>} : memref<2048xf32, #tpu.memory_space<vmem>>, vector<16xf32>,
    }
    %scan3A_57 = arith.constant 128 : i32
    %dma_wait3A = tpu.memref_slice %arg2[%add3A_41] : memref<40000xf32, #tpu.memory_space<hbm>> -> memref<1264xf32, #tpu.memory_space<hbm>>
    %dma_wait3A_58 = tpu.memref_slice %arg2[%add3A_41] : memref<40000xf32, #tpu.memory_space<hbm>> -> memref<1264xf32, #tpu.memory_space<hbm>>
    tpu.wait_dma2 semaphore(%arg30 : memref<!tpu.dma_semaphore, #tpu.memory_space<semaphore_mem>>) src(%dma_wait3A_58 : memref<1264xf32, #tpu.memory_space<hbm>>) dst(%arg10 : memref<1264xf32, #tpu.memory_space<vmem>>)
    %dma_wait3A_59 = tpu.memref_slice %arg3[%add3A_41] : memref<40000xi32, #tpu.memory_space<hbm>> -> memref<1264xi32, #tpu.memory_space<hbm>>
    %dma_wait3A_60 = tpu.memref_slice %arg3[%add3A_41] : memref<40000xi32, #tpu.memory_space<hbm>> -> memref<1264xi32, #tpu.memory_space<hbm>>
    tpu.wait_dma2 semaphore(%arg31 : memref<!tpu.dma_semaphore, #tpu.memory_space<semaphore_mem>>) src(%dma_wait3A_60 : memref<1264xi32, #tpu.memory_space<hbm>>) dst(%arg11 : memref<1264xi32, #tpu.memory_space<vmem>>)
    %mul3A_61 = arith.constant 128 : i32
    %mul3A_62 = vector.broadcast %mul3A_61 : i32 to vector<16xi32>
    %mul3A_63 = arith.muli %iota3A, %mul3A_62 : vector<16xi32>
    %scan3A_64 = arith.constant 0 : i32
    %scan3A_65 = arith.constant 0 : i32
    %scan3A_66 = arith.constant 79 : i32
    %scan3A_67 = arith.addi %scan3A_65, %scan3A_66 : i32
    %scan3A_68 = arith.constant 1 : i32
    scf.for %scan3A_1626 = %scan3A_65 to %scan3A_67 step %scan3A_68  : i32 {
      %mul3A_1627 = arith.constant 16 : i32
      %mul3A_1628 = arith.muli %scan3A_1626, %mul3A_1627 : i32
      %add3A_1629 = vector.broadcast %mul3A_1628 : i32 to vector<16xi32>
      %add3A_1630 = arith.addi %add3A_1629, %iota3A : vector<16xi32>
      %mul3A_1631 = arith.constant 16 : i32
      %mul3A_1632 = arith.muli %scan3A_1626, %mul3A_1631 : i32
      %get3A_1633 = arith.index_cast %mul3A_1632 : i32 to index
      %get3A_1634 = tpu.vector_load %arg11[%get3A_1633] {strides = array<i32>} : memref<1264xi32, #tpu.memory_space<vmem>>, vector<16xi32>,
      %mul3A_1635 = arith.constant 16 : i32
      %mul3A_1636 = arith.muli %scan3A_1626, %mul3A_1635 : i32
      %get3A_1637 = arith.index_cast %mul3A_1636 : i32 to index
      %get3A_1638 = tpu.vector_load %arg10[%get3A_1637] {strides = array<i32>} : memref<1264xf32, #tpu.memory_space<vmem>>, vector<16xf32>,
      %ge3A = arith.constant 0 : i32
      %ge3A_1639 = vector.broadcast %ge3A : i32 to vector<16xi32>
      %ge3A_1640 = arith.cmpi sge, %get3A_1634, %ge3A_1639 : vector<16xi32>
      %jit3A_1641 = arith.constant 0 : i32
      %jit3A_1642 = arith.constant 127 : i32
      %max3A = vector.broadcast %jit3A_1641 : i32 to vector<16xi32>
      %max3A_1643 = arith.maxsi %max3A, %get3A_1634 : vector<16xi32>
      %min3A = vector.broadcast %jit3A_1642 : i32 to vector<16xi32>
      %min3A_1644 = arith.minsi %min3A, %max3A_1643 : vector<16xi32>
      %add3A_1645 = arith.addi %min3A_1644, %mul3A_63 : vector<16xi32>
      %gather3A_1646 = tpu.vector_load_idx %arg12[%add3A_1645] : memref<2048xf32, #tpu.memory_space<vmem>>[vector<16xi32>], vector<16xf32>,
      %gt3A_1647 = arith.cmpf ogt, %get3A_1638, %gather3A_1646 : vector<16xf32>
      %and3A_1648 = arith.andi %ge3A_1640, %gt3A_1647 : vector<16xi1>
      tpu.vector_store_idx %arg12[%add3A_1645], %get3A_1638 masked %and3A_1648 : memref<2048xf32, #tpu.memory_space<vmem>>[vector<16xi32>], vector<16xf32>, vector<16xi1>
      %add3A_1649 = vector.broadcast %select_n3A_38 : i32 to vector<16xi32>
      %add3A_1650 = arith.addi %add3A_1649, %add3A_1630 : vector<16xi32>
      tpu.vector_store_idx %arg13[%add3A_1645], %add3A_1650 masked %and3A_1648 : memref<2048xi32, #tpu.memory_space<vmem>>[vector<16xi32>], vector<16xi32>, vector<16xi1>
    }
    %scan3A_69 = arith.constant 79 : i32
    %broadcast_in_dim3A = arith.constant 0xFF800000 : f32
    %broadcast_in_dim3A_70 = vector.broadcast %broadcast_in_dim3A : f32 to vector<16xf32>
    %broadcast_in_dim3A_71 = arith.constant 1073741824 : i32
    %broadcast_in_dim3A_72 = vector.broadcast %broadcast_in_dim3A_71 : i32 to vector<16xi32>
    %get3A = arith.constant 0 : index
    %get3A_73 = tpu.vector_load %arg12[%get3A] {strides = array<i32>} : memref<2048xf32, #tpu.memory_space<vmem>>, vector<16xf32>,
    %get3A_74 = arith.constant 0 : index
    %get3A_75 = tpu.vector_load %arg13[%get3A_74] {strides = array<i32>} : memref<2048xi32, #tpu.memory_space<vmem>>, vector<16xi32>,
    %gt3A = arith.cmpf ogt, %get3A_73, %broadcast_in_dim3A_70 : vector<16xf32>
    %eq3A_76 = arith.cmpf oeq, %get3A_73, %broadcast_in_dim3A_70 : vector<16xf32>
    %lt3A_77 = arith.cmpi slt, %get3A_75, %broadcast_in_dim3A_72 : vector<16xi32>
    %and3A_78 = arith.andi %eq3A_76, %lt3A_77 : vector<16xi1>
    %or3A = arith.ori %gt3A, %and3A_78 : vector<16xi1>
    %select_n3A_79 = arith.select %or3A, %get3A_73, %broadcast_in_dim3A_70 : vector<16xi1>, vector<16xf32>
    %select_n3A_80 = arith.select %or3A, %get3A_75, %broadcast_in_dim3A_72 : vector<16xi1>, vector<16xi32>
    %get3A_81 = arith.constant 128 : index
    %get3A_82 = tpu.vector_load %arg12[%get3A_81] {strides = array<i32>} : memref<2048xf32, #tpu.memory_space<vmem>>, vector<16xf32>,
    %get3A_83 = arith.constant 128 : index
    %get3A_84 = tpu.vector_load %arg13[%get3A_83] {strides = array<i32>} : memref<2048xi32, #tpu.memory_space<vmem>>, vector<16xi32>,
    %gt3A_85 = arith.cmpf ogt, %get3A_82, %select_n3A_79 : vector<16xf32>
    %eq3A_86 = arith.cmpf oeq, %get3A_82, %select_n3A_79 : vector<16xf32>
    %lt3A_87 = arith.cmpi slt, %get3A_84, %select_n3A_80 : vector<16xi32>
    %and3A_88 = arith.andi %eq3A_86, %lt3A_87 : vector<16xi1>
    %or3A_89 = arith.ori %gt3A_85, %and3A_88 : vector<16xi1>
    %select_n3A_90 = arith.select %or3A_89, %get3A_82, %select_n3A_79 : vector<16xi1>, vector<16xf32>
    %select_n3A_91 = arith.select %or3A_89, %get3A_84, %select_n3A_80 : vector<16xi1>, vector<16xi32>
    %get3A_92 = arith.constant 256 : index
    %get3A_93 = tpu.vector_load %arg12[%get3A_92] {strides = array<i32>} : memref<2048xf32, #tpu.memory_space<vmem>>, vector<16xf32>,
    %get3A_94 = arith.constant 256 : index
    %get3A_95 = tpu.vector_load %arg13[%get3A_94] {strides = array<i32>} : memref<2048xi32, #tpu.memory_space<vmem>>, vector<16xi32>,
    %gt3A_96 = arith.cmpf ogt, %get3A_93, %select_n3A_90 : vector<16xf32>
    %eq3A_97 = arith.cmpf oeq, %get3A_93, %select_n3A_90 : vector<16xf32>
    %lt3A_98 = arith.cmpi slt, %get3A_95, %select_n3A_91 : vector<16xi32>
    %and3A_99 = arith.andi %eq3A_97, %lt3A_98 : vector<16xi1>
    %or3A_100 = arith.ori %gt3A_96, %and3A_99 : vector<16xi1>
    %select_n3A_101 = arith.select %or3A_100, %get3A_93, %select_n3A_90 : vector<16xi1>, vector<16xf32>
    %select_n3A_102 = arith.select %or3A_100, %get3A_95, %select_n3A_91 : vector<16xi1>, vector<16xi32>
    %get3A_103 = arith.constant 384 : index
    %get3A_104 = tpu.vector_load %arg12[%get3A_103] {strides = array<i32>} : memref<2048xf32, #tpu.memory_space<vmem>>, vector<16xf32>,
    %get3A_105 = arith.constant 384 : index
    %get3A_106 = tpu.vector_load %arg13[%get3A_105] {strides = array<i32>} : memref<2048xi32, #tpu.memory_space<vmem>>, vector<16xi32>,
    %gt3A_107 = arith.cmpf ogt, %get3A_104, %select_n3A_101 : vector<16xf32>
    %eq3A_108 = arith.cmpf oeq, %get3A_104, %select_n3A_101 : vector<16xf32>
    %lt3A_109 = arith.cmpi slt, %get3A_106, %select_n3A_102 : vector<16xi32>
    %and3A_110 = arith.andi %eq3A_108, %lt3A_109 : vector<16xi1>
    %or3A_111 = arith.ori %gt3A_107, %and3A_110 : vector<16xi1>
    %select_n3A_112 = arith.select %or3A_111, %get3A_104, %select_n3A_101 : vector<16xi1>, vector<16xf32>
    %select_n3A_113 = arith.select %or3A_111, %get3A_106, %select_n3A_102 : vector<16xi1>, vector<16xi32>
    %get3A_114 = arith.constant 512 : index
    %get3A_115 = tpu.vector_load %arg12[%get3A_114] {strides = array<i32>} : memref<2048xf32, #tpu.memory_space<vmem>>, vector<16xf32>,
    %get3A_116 = arith.constant 512 : index
    %get3A_117 = tpu.vector_load %arg13[%get3A_116] {strides = array<i32>} : memref<2048xi32, #tpu.memory_space<vmem>>, vector<16xi32>,
    %gt3A_118 = arith.cmpf ogt, %get3A_115, %select_n3A_112 : vector<16xf32>
    %eq3A_119 = arith.cmpf oeq, %get3A_115, %select_n3A_112 : vector<16xf32>
    %lt3A_120 = arith.cmpi slt, %get3A_117, %select_n3A_113 : vector<16xi32>
    %and3A_121 = arith.andi %eq3A_119, %lt3A_120 : vector<16xi1>
    %or3A_122 = arith.ori %gt3A_118, %and3A_121 : vector<16xi1>
    %select_n3A_123 = arith.select %or3A_122, %get3A_115, %select_n3A_112 : vector<16xi1>, vector<16xf32>
    %select_n3A_124 = arith.select %or3A_122, %get3A_117, %select_n3A_113 : vector<16xi1>, vector<16xi32>
    %get3A_125 = arith.constant 640 : index
    %get3A_126 = tpu.vector_load %arg12[%get3A_125] {strides = array<i32>} : memref<2048xf32, #tpu.memory_space<vmem>>, vector<16xf32>,
    %get3A_127 = arith.constant 640 : index
    %get3A_128 = tpu.vector_load %arg13[%get3A_127] {strides = array<i32>} : memref<2048xi32, #tpu.memory_space<vmem>>, vector<16xi32>,
    %gt3A_129 = arith.cmpf ogt, %get3A_126, %select_n3A_123 : vector<16xf32>
    %eq3A_130 = arith.cmpf oeq, %get3A_126, %select_n3A_123 : vector<16xf32>
    %lt3A_131 = arith.cmpi slt, %get3A_128, %select_n3A_124 : vector<16xi32>
    %and3A_132 = arith.andi %eq3A_130, %lt3A_131 : vector<16xi1>
    %or3A_133 = arith.ori %gt3A_129, %and3A_132 : vector<16xi1>
    %select_n3A_134 = arith.select %or3A_133, %get3A_126, %select_n3A_123 : vector<16xi1>, vector<16xf32>
    %select_n3A_135 = arith.select %or3A_133, %get3A_128, %select_n3A_124 : vector<16xi1>, vector<16xi32>
    %get3A_136 = arith.constant 768 : index
    %get3A_137 = tpu.vector_load %arg12[%get3A_136] {strides = array<i32>} : memref<2048xf32, #tpu.memory_space<vmem>>, vector<16xf32>,
    %get3A_138 = arith.constant 768 : index
    %get3A_139 = tpu.vector_load %arg13[%get3A_138] {strides = array<i32>} : memref<2048xi32, #tpu.memory_space<vmem>>, vector<16xi32>,
    %gt3A_140 = arith.cmpf ogt, %get3A_137, %select_n3A_134 : vector<16xf32>
    %eq3A_141 = arith.cmpf oeq, %get3A_137, %select_n3A_134 : vector<16xf32>
    %lt3A_142 = arith.cmpi slt, %get3A_139, %select_n3A_135 : vector<16xi32>
    %and3A_143 = arith.andi %eq3A_141, %lt3A_142 : vector<16xi1>
    %or3A_144 = arith.ori %gt3A_140, %and3A_143 : vector<16xi1>
    %select_n3A_145 = arith.select %or3A_144, %get3A_137, %select_n3A_134 : vector<16xi1>, vector<16xf32>
    %select_n3A_146 = arith.select %or3A_144, %get3A_139, %select_n3A_135 : vector<16xi1>, vector<16xi32>
    %get3A_147 = arith.constant 896 : index
    %get3A_148 = tpu.vector_load %arg12[%get3A_147] {strides = array<i32>} : memref<2048xf32, #tpu.memory_space<vmem>>, vector<16xf32>,
    %get3A_149 = arith.constant 896 : index
    %get3A_150 = tpu.vector_load %arg13[%get3A_149] {strides = array<i32>} : memref<2048xi32, #tpu.memory_space<vmem>>, vector<16xi32>,
    %gt3A_151 = arith.cmpf ogt, %get3A_148, %select_n3A_145 : vector<16xf32>
    %eq3A_152 = arith.cmpf oeq, %get3A_148, %select_n3A_145 : vector<16xf32>
    %lt3A_153 = arith.cmpi slt, %get3A_150, %select_n3A_146 : vector<16xi32>
    %and3A_154 = arith.andi %eq3A_152, %lt3A_153 : vector<16xi1>
    %or3A_155 = arith.ori %gt3A_151, %and3A_154 : vector<16xi1>
    %select_n3A_156 = arith.select %or3A_155, %get3A_148, %select_n3A_145 : vector<16xi1>, vector<16xf32>
    %select_n3A_157 = arith.select %or3A_155, %get3A_150, %select_n3A_146 : vector<16xi1>, vector<16xi32>
    %get3A_158 = arith.constant 1024 : index
    %get3A_159 = tpu.vector_load %arg12[%get3A_158] {strides = array<i32>} : memref<2048xf32, #tpu.memory_space<vmem>>, vector<16xf32>,
    %get3A_160 = arith.constant 1024 : index
    %get3A_161 = tpu.vector_load %arg13[%get3A_160] {strides = array<i32>} : memref<2048xi32, #tpu.memory_space<vmem>>, vector<16xi32>,
    %gt3A_162 = arith.cmpf ogt, %get3A_159, %select_n3A_156 : vector<16xf32>
    %eq3A_163 = arith.cmpf oeq, %get3A_159, %select_n3A_156 : vector<16xf32>
    %lt3A_164 = arith.cmpi slt, %get3A_161, %select_n3A_157 : vector<16xi32>
    %and3A_165 = arith.andi %eq3A_163, %lt3A_164 : vector<16xi1>
    %or3A_166 = arith.ori %gt3A_162, %and3A_165 : vector<16xi1>
    %select_n3A_167 = arith.select %or3A_166, %get3A_159, %select_n3A_156 : vector<16xi1>, vector<16xf32>
    %select_n3A_168 = arith.select %or3A_166, %get3A_161, %select_n3A_157 : vector<16xi1>, vector<16xi32>
    %get3A_169 = arith.constant 1152 : index
    %get3A_170 = tpu.vector_load %arg12[%get3A_169] {strides = array<i32>} : memref<2048xf32, #tpu.memory_space<vmem>>, vector<16xf32>,
    %get3A_171 = arith.constant 1152 : index
    %get3A_172 = tpu.vector_load %arg13[%get3A_171] {strides = array<i32>} : memref<2048xi32, #tpu.memory_space<vmem>>, vector<16xi32>,
    %gt3A_173 = arith.cmpf ogt, %get3A_170, %select_n3A_167 : vector<16xf32>
    %eq3A_174 = arith.cmpf oeq, %get3A_170, %select_n3A_167 : vector<16xf32>
    %lt3A_175 = arith.cmpi slt, %get3A_172, %select_n3A_168 : vector<16xi32>
    %and3A_176 = arith.andi %eq3A_174, %lt3A_175 : vector<16xi1>
    %or3A_177 = arith.ori %gt3A_173, %and3A_176 : vector<16xi1>
    %select_n3A_178 = arith.select %or3A_177, %get3A_170, %select_n3A_167 : vector<16xi1>, vector<16xf32>
    %select_n3A_179 = arith.select %or3A_177, %get3A_172, %select_n3A_168 : vector<16xi1>, vector<16xi32>
    %get3A_180 = arith.constant 1280 : index
    %get3A_181 = tpu.vector_load %arg12[%get3A_180] {strides = array<i32>} : memref<2048xf32, #tpu.memory_space<vmem>>, vector<16xf32>,
    %get3A_182 = arith.constant 1280 : index
    %get3A_183 = tpu.vector_load %arg13[%get3A_182] {strides = array<i32>} : memref<2048xi32, #tpu.memory_space<vmem>>, vector<16xi32>,
    %gt3A_184 = arith.cmpf ogt, %get3A_181, %select_n3A_178 : vector<16xf32>
    %eq3A_185 = arith.cmpf oeq, %get3A_181, %select_n3A_178 : vector<16xf32>
    %lt3A_186 = arith.cmpi slt, %get3A_183, %select_n3A_179 : vector<16xi32>
    %and3A_187 = arith.andi %eq3A_185, %lt3A_186 : vector<16xi1>
    %or3A_188 = arith.ori %gt3A_184, %and3A_187 : vector<16xi1>
    %select_n3A_189 = arith.select %or3A_188, %get3A_181, %select_n3A_178 : vector<16xi1>, vector<16xf32>
    %select_n3A_190 = arith.select %or3A_188, %get3A_183, %select_n3A_179 : vector<16xi1>, vector<16xi32>
    %get3A_191 = arith.constant 1408 : index
    %get3A_192 = tpu.vector_load %arg12[%get3A_191] {strides = array<i32>} : memref<2048xf32, #tpu.memory_space<vmem>>, vector<16xf32>,
    %get3A_193 = arith.constant 1408 : index
    %get3A_194 = tpu.vector_load %arg13[%get3A_193] {strides = array<i32>} : memref<2048xi32, #tpu.memory_space<vmem>>, vector<16xi32>,
    %gt3A_195 = arith.cmpf ogt, %get3A_192, %select_n3A_189 : vector<16xf32>
    %eq3A_196 = arith.cmpf oeq, %get3A_192, %select_n3A_189 : vector<16xf32>
    %lt3A_197 = arith.cmpi slt, %get3A_194, %select_n3A_190 : vector<16xi32>
    %and3A_198 = arith.andi %eq3A_196, %lt3A_197 : vector<16xi1>
    %or3A_199 = arith.ori %gt3A_195, %and3A_198 : vector<16xi1>
    %select_n3A_200 = arith.select %or3A_199, %get3A_192, %select_n3A_189 : vector<16xi1>, vector<16xf32>
    %select_n3A_201 = arith.select %or3A_199, %get3A_194, %select_n3A_190 : vector<16xi1>, vector<16xi32>
    %get3A_202 = arith.constant 1536 : index
    %get3A_203 = tpu.vector_load %arg12[%get3A_202] {strides = array<i32>} : memref<2048xf32, #tpu.memory_space<vmem>>, vector<16xf32>,
    %get3A_204 = arith.constant 1536 : index
    %get3A_205 = tpu.vector_load %arg13[%get3A_204] {strides = array<i32>} : memref<2048xi32, #tpu.memory_space<vmem>>, vector<16xi32>,
    %gt3A_206 = arith.cmpf ogt, %get3A_203, %select_n3A_200 : vector<16xf32>
    %eq3A_207 = arith.cmpf oeq, %get3A_203, %select_n3A_200 : vector<16xf32>
    %lt3A_208 = arith.cmpi slt, %get3A_205, %select_n3A_201 : vector<16xi32>
    %and3A_209 = arith.andi %eq3A_207, %lt3A_208 : vector<16xi1>
    %or3A_210 = arith.ori %gt3A_206, %and3A_209 : vector<16xi1>
    %select_n3A_211 = arith.select %or3A_210, %get3A_203, %select_n3A_200 : vector<16xi1>, vector<16xf32>
    %select_n3A_212 = arith.select %or3A_210, %get3A_205, %select_n3A_201 : vector<16xi1>, vector<16xi32>
    %get3A_213 = arith.constant 1664 : index
    %get3A_214 = tpu.vector_load %arg12[%get3A_213] {strides = array<i32>} : memref<2048xf32, #tpu.memory_space<vmem>>, vector<16xf32>,
    %get3A_215 = arith.constant 1664 : index
    %get3A_216 = tpu.vector_load %arg13[%get3A_215] {strides = array<i32>} : memref<2048xi32, #tpu.memory_space<vmem>>, vector<16xi32>,
    %gt3A_217 = arith.cmpf ogt, %get3A_214, %select_n3A_211 : vector<16xf32>
    %eq3A_218 = arith.cmpf oeq, %get3A_214, %select_n3A_211 : vector<16xf32>
    %lt3A_219 = arith.cmpi slt, %get3A_216, %select_n3A_212 : vector<16xi32>
    %and3A_220 = arith.andi %eq3A_218, %lt3A_219 : vector<16xi1>
    %or3A_221 = arith.ori %gt3A_217, %and3A_220 : vector<16xi1>
    %select_n3A_222 = arith.select %or3A_221, %get3A_214, %select_n3A_211 : vector<16xi1>, vector<16xf32>
    %select_n3A_223 = arith.select %or3A_221, %get3A_216, %select_n3A_212 : vector<16xi1>, vector<16xi32>
    %get3A_224 = arith.constant 1792 : index
    %get3A_225 = tpu.vector_load %arg12[%get3A_224] {strides = array<i32>} : memref<2048xf32, #tpu.memory_space<vmem>>, vector<16xf32>,
    %get3A_226 = arith.constant 1792 : index
    %get3A_227 = tpu.vector_load %arg13[%get3A_226] {strides = array<i32>} : memref<2048xi32, #tpu.memory_space<vmem>>, vector<16xi32>,
    %gt3A_228 = arith.cmpf ogt, %get3A_225, %select_n3A_222 : vector<16xf32>
    %eq3A_229 = arith.cmpf oeq, %get3A_225, %select_n3A_222 : vector<16xf32>
    %lt3A_230 = arith.cmpi slt, %get3A_227, %select_n3A_223 : vector<16xi32>
    %and3A_231 = arith.andi %eq3A_229, %lt3A_230 : vector<16xi1>
    %or3A_232 = arith.ori %gt3A_228, %and3A_231 : vector<16xi1>
    %select_n3A_233 = arith.select %or3A_232, %get3A_225, %select_n3A_222 : vector<16xi1>, vector<16xf32>
    %select_n3A_234 = arith.select %or3A_232, %get3A_227, %select_n3A_223 : vector<16xi1>, vector<16xi32>
    %get3A_235 = arith.constant 1920 : index
    %get3A_236 = tpu.vector_load %arg12[%get3A_235] {strides = array<i32>} : memref<2048xf32, #tpu.memory_space<vmem>>, vector<16xf32>,
    %get3A_237 = arith.constant 1920 : index
    %get3A_238 = tpu.vector_load %arg13[%get3A_237] {strides = array<i32>} : memref<2048xi32, #tpu.memory_space<vmem>>, vector<16xi32>,
    %gt3A_239 = arith.cmpf ogt, %get3A_236, %select_n3A_233 : vector<16xf32>
    %eq3A_240 = arith.cmpf oeq, %get3A_236, %select_n3A_233 : vector<16xf32>
    %lt3A_241 = arith.cmpi slt, %get3A_238, %select_n3A_234 : vector<16xi32>
    %and3A_242 = arith.andi %eq3A_240, %lt3A_241 : vector<16xi1>
    %or3A_243 = arith.ori %gt3A_239, %and3A_242 : vector<16xi1>
    %select_n3A_244 = arith.select %or3A_243, %get3A_236, %select_n3A_233 : vector<16xi1>, vector<16xf32>
    %select_n3A_245 = arith.select %or3A_243, %get3A_238, %select_n3A_234 : vector<16xi1>, vector<16xi32>
    %swap3A = arith.constant 0 : index
    %swap3A_246 = tpu.vector_load %arg14[%swap3A] {strides = array<i32>} : memref<128xf32, #tpu.memory_space<vmem>>, vector<16xf32>,
    tpu.vector_store %arg14[%swap3A], %select_n3A_244 {strides = array<i32>} : memref<128xf32, #tpu.memory_space<vmem>>, vector<16xf32>,
    %swap3A_247 = arith.constant 0 : index
    %swap3A_248 = tpu.vector_load %arg15[%swap3A_247] {strides = array<i32>} : memref<128xi32, #tpu.memory_space<vmem>>, vector<16xi32>,
    tpu.vector_store %arg15[%swap3A_247], %select_n3A_245 {strides = array<i32>} : memref<128xi32, #tpu.memory_space<vmem>>, vector<16xi32>,
    %broadcast_in_dim3A_249 = arith.constant 0xFF800000 : f32
    %broadcast_in_dim3A_250 = vector.broadcast %broadcast_in_dim3A_249 : f32 to vector<16xf32>
    %broadcast_in_dim3A_251 = arith.constant 1073741824 : i32
    %broadcast_in_dim3A_252 = vector.broadcast %broadcast_in_dim3A_251 : i32 to vector<16xi32>
    %get3A_253 = arith.constant 16 : index
    %get3A_254 = tpu.vector_load %arg12[%get3A_253] {strides = array<i32>} : memref<2048xf32, #tpu.memory_space<vmem>>, vector<16xf32>,
    %get3A_255 = arith.constant 16 : index
    %get3A_256 = tpu.vector_load %arg13[%get3A_255] {strides = array<i32>} : memref<2048xi32, #tpu.memory_space<vmem>>, vector<16xi32>,
    %gt3A_257 = arith.cmpf ogt, %get3A_254, %broadcast_in_dim3A_250 : vector<16xf32>
    %eq3A_258 = arith.cmpf oeq, %get3A_254, %broadcast_in_dim3A_250 : vector<16xf32>
    %lt3A_259 = arith.cmpi slt, %get3A_256, %broadcast_in_dim3A_252 : vector<16xi32>
    %and3A_260 = arith.andi %eq3A_258, %lt3A_259 : vector<16xi1>
    %or3A_261 = arith.ori %gt3A_257, %and3A_260 : vector<16xi1>
    %select_n3A_262 = arith.select %or3A_261, %get3A_254, %broadcast_in_dim3A_250 : vector<16xi1>, vector<16xf32>
    %select_n3A_263 = arith.select %or3A_261, %get3A_256, %broadcast_in_dim3A_252 : vector<16xi1>, vector<16xi32>
    %get3A_264 = arith.constant 144 : index
    %get3A_265 = tpu.vector_load %arg12[%get3A_264] {strides = array<i32>} : memref<2048xf32, #tpu.memory_space<vmem>>, vector<16xf32>,
    %get3A_266 = arith.constant 144 : index
    %get3A_267 = tpu.vector_load %arg13[%get3A_266] {strides = array<i32>} : memref<2048xi32, #tpu.memory_space<vmem>>, vector<16xi32>,
    %gt3A_268 = arith.cmpf ogt, %get3A_265, %select_n3A_262 : vector<16xf32>
    %eq3A_269 = arith.cmpf oeq, %get3A_265, %select_n3A_262 : vector<16xf32>
    %lt3A_270 = arith.cmpi slt, %get3A_267, %select_n3A_263 : vector<16xi32>
    %and3A_271 = arith.andi %eq3A_269, %lt3A_270 : vector<16xi1>
    %or3A_272 = arith.ori %gt3A_268, %and3A_271 : vector<16xi1>
    %select_n3A_273 = arith.select %or3A_272, %get3A_265, %select_n3A_262 : vector<16xi1>, vector<16xf32>
    %select_n3A_274 = arith.select %or3A_272, %get3A_267, %select_n3A_263 : vector<16xi1>, vector<16xi32>
    %get3A_275 = arith.constant 272 : index
    %get3A_276 = tpu.vector_load %arg12[%get3A_275] {strides = array<i32>} : memref<2048xf32, #tpu.memory_space<vmem>>, vector<16xf32>,
    %get3A_277 = arith.constant 272 : index
    %get3A_278 = tpu.vector_load %arg13[%get3A_277] {strides = array<i32>} : memref<2048xi32, #tpu.memory_space<vmem>>, vector<16xi32>,
    %gt3A_279 = arith.cmpf ogt, %get3A_276, %select_n3A_273 : vector<16xf32>
    %eq3A_280 = arith.cmpf oeq, %get3A_276, %select_n3A_273 : vector<16xf32>
    %lt3A_281 = arith.cmpi slt, %get3A_278, %select_n3A_274 : vector<16xi32>
    %and3A_282 = arith.andi %eq3A_280, %lt3A_281 : vector<16xi1>
    %or3A_283 = arith.ori %gt3A_279, %and3A_282 : vector<16xi1>
    %select_n3A_284 = arith.select %or3A_283, %get3A_276, %select_n3A_273 : vector<16xi1>, vector<16xf32>
    %select_n3A_285 = arith.select %or3A_283, %get3A_278, %select_n3A_274 : vector<16xi1>, vector<16xi32>
    %get3A_286 = arith.constant 400 : index
    %get3A_287 = tpu.vector_load %arg12[%get3A_286] {strides = array<i32>} : memref<2048xf32, #tpu.memory_space<vmem>>, vector<16xf32>,
    %get3A_288 = arith.constant 400 : index
    %get3A_289 = tpu.vector_load %arg13[%get3A_288] {strides = array<i32>} : memref<2048xi32, #tpu.memory_space<vmem>>, vector<16xi32>,
    %gt3A_290 = arith.cmpf ogt, %get3A_287, %select_n3A_284 : vector<16xf32>
    %eq3A_291 = arith.cmpf oeq, %get3A_287, %select_n3A_284 : vector<16xf32>
    %lt3A_292 = arith.cmpi slt, %get3A_289, %select_n3A_285 : vector<16xi32>
    %and3A_293 = arith.andi %eq3A_291, %lt3A_292 : vector<16xi1>
    %or3A_294 = arith.ori %gt3A_290, %and3A_293 : vector<16xi1>
    %select_n3A_295 = arith.select %or3A_294, %get3A_287, %select_n3A_284 : vector<16xi1>, vector<16xf32>
    %select_n3A_296 = arith.select %or3A_294, %get3A_289, %select_n3A_285 : vector<16xi1>, vector<16xi32>
    %get3A_297 = arith.constant 528 : index
    %get3A_298 = tpu.vector_load %arg12[%get3A_297] {strides = array<i32>} : memref<2048xf32, #tpu.memory_space<vmem>>, vector<16xf32>,
    %get3A_299 = arith.constant 528 : index
    %get3A_300 = tpu.vector_load %arg13[%get3A_299] {strides = array<i32>} : memref<2048xi32, #tpu.memory_space<vmem>>, vector<16xi32>,
    %gt3A_301 = arith.cmpf ogt, %get3A_298, %select_n3A_295 : vector<16xf32>
    %eq3A_302 = arith.cmpf oeq, %get3A_298, %select_n3A_295 : vector<16xf32>
    %lt3A_303 = arith.cmpi slt, %get3A_300, %select_n3A_296 : vector<16xi32>
    %and3A_304 = arith.andi %eq3A_302, %lt3A_303 : vector<16xi1>
    %or3A_305 = arith.ori %gt3A_301, %and3A_304 : vector<16xi1>
    %select_n3A_306 = arith.select %or3A_305, %get3A_298, %select_n3A_295 : vector<16xi1>, vector<16xf32>
    %select_n3A_307 = arith.select %or3A_305, %get3A_300, %select_n3A_296 : vector<16xi1>, vector<16xi32>
    %get3A_308 = arith.constant 656 : index
    %get3A_309 = tpu.vector_load %arg12[%get3A_308] {strides = array<i32>} : memref<2048xf32, #tpu.memory_space<vmem>>, vector<16xf32>,
    %get3A_310 = arith.constant 656 : index
    %get3A_311 = tpu.vector_load %arg13[%get3A_310] {strides = array<i32>} : memref<2048xi32, #tpu.memory_space<vmem>>, vector<16xi32>,
    %gt3A_312 = arith.cmpf ogt, %get3A_309, %select_n3A_306 : vector<16xf32>
    %eq3A_313 = arith.cmpf oeq, %get3A_309, %select_n3A_306 : vector<16xf32>
    %lt3A_314 = arith.cmpi slt, %get3A_311, %select_n3A_307 : vector<16xi32>
    %and3A_315 = arith.andi %eq3A_313, %lt3A_314 : vector<16xi1>
    %or3A_316 = arith.ori %gt3A_312, %and3A_315 : vector<16xi1>
    %select_n3A_317 = arith.select %or3A_316, %get3A_309, %select_n3A_306 : vector<16xi1>, vector<16xf32>
    %select_n3A_318 = arith.select %or3A_316, %get3A_311, %select_n3A_307 : vector<16xi1>, vector<16xi32>
    %get3A_319 = arith.constant 784 : index
    %get3A_320 = tpu.vector_load %arg12[%get3A_319] {strides = array<i32>} : memref<2048xf32, #tpu.memory_space<vmem>>, vector<16xf32>,
    %get3A_321 = arith.constant 784 : index
    %get3A_322 = tpu.vector_load %arg13[%get3A_321] {strides = array<i32>} : memref<2048xi32, #tpu.memory_space<vmem>>, vector<16xi32>,
    %gt3A_323 = arith.cmpf ogt, %get3A_320, %select_n3A_317 : vector<16xf32>
    %eq3A_324 = arith.cmpf oeq, %get3A_320, %select_n3A_317 : vector<16xf32>
    %lt3A_325 = arith.cmpi slt, %get3A_322, %select_n3A_318 : vector<16xi32>
    %and3A_326 = arith.andi %eq3A_324, %lt3A_325 : vector<16xi1>
    %or3A_327 = arith.ori %gt3A_323, %and3A_326 : vector<16xi1>
    %select_n3A_328 = arith.select %or3A_327, %get3A_320, %select_n3A_317 : vector<16xi1>, vector<16xf32>
    %select_n3A_329 = arith.select %or3A_327, %get3A_322, %select_n3A_318 : vector<16xi1>, vector<16xi32>
    %get3A_330 = arith.constant 912 : index
    %get3A_331 = tpu.vector_load %arg12[%get3A_330] {strides = array<i32>} : memref<2048xf32, #tpu.memory_space<vmem>>, vector<16xf32>,
    %get3A_332 = arith.constant 912 : index
    %get3A_333 = tpu.vector_load %arg13[%get3A_332] {strides = array<i32>} : memref<2048xi32, #tpu.memory_space<vmem>>, vector<16xi32>,
    %gt3A_334 = arith.cmpf ogt, %get3A_331, %select_n3A_328 : vector<16xf32>
    %eq3A_335 = arith.cmpf oeq, %get3A_331, %select_n3A_328 : vector<16xf32>
    %lt3A_336 = arith.cmpi slt, %get3A_333, %select_n3A_329 : vector<16xi32>
    %and3A_337 = arith.andi %eq3A_335, %lt3A_336 : vector<16xi1>
    %or3A_338 = arith.ori %gt3A_334, %and3A_337 : vector<16xi1>
    %select_n3A_339 = arith.select %or3A_338, %get3A_331, %select_n3A_328 : vector<16xi1>, vector<16xf32>
    %select_n3A_340 = arith.select %or3A_338, %get3A_333, %select_n3A_329 : vector<16xi1>, vector<16xi32>
    %get3A_341 = arith.constant 1040 : index
    %get3A_342 = tpu.vector_load %arg12[%get3A_341] {strides = array<i32>} : memref<2048xf32, #tpu.memory_space<vmem>>, vector<16xf32>,
    %get3A_343 = arith.constant 1040 : index
    %get3A_344 = tpu.vector_load %arg13[%get3A_343] {strides = array<i32>} : memref<2048xi32, #tpu.memory_space<vmem>>, vector<16xi32>,
    %gt3A_345 = arith.cmpf ogt, %get3A_342, %select_n3A_339 : vector<16xf32>
    %eq3A_346 = arith.cmpf oeq, %get3A_342, %select_n3A_339 : vector<16xf32>
    %lt3A_347 = arith.cmpi slt, %get3A_344, %select_n3A_340 : vector<16xi32>
    %and3A_348 = arith.andi %eq3A_346, %lt3A_347 : vector<16xi1>
    %or3A_349 = arith.ori %gt3A_345, %and3A_348 : vector<16xi1>
    %select_n3A_350 = arith.select %or3A_349, %get3A_342, %select_n3A_339 : vector<16xi1>, vector<16xf32>
    %select_n3A_351 = arith.select %or3A_349, %get3A_344, %select_n3A_340 : vector<16xi1>, vector<16xi32>
    %get3A_352 = arith.constant 1168 : index
    %get3A_353 = tpu.vector_load %arg12[%get3A_352] {strides = array<i32>} : memref<2048xf32, #tpu.memory_space<vmem>>, vector<16xf32>,
    %get3A_354 = arith.constant 1168 : index
    %get3A_355 = tpu.vector_load %arg13[%get3A_354] {strides = array<i32>} : memref<2048xi32, #tpu.memory_space<vmem>>, vector<16xi32>,
    %gt3A_356 = arith.cmpf ogt, %get3A_353, %select_n3A_350 : vector<16xf32>
    %eq3A_357 = arith.cmpf oeq, %get3A_353, %select_n3A_350 : vector<16xf32>
    %lt3A_358 = arith.cmpi slt, %get3A_355, %select_n3A_351 : vector<16xi32>
    %and3A_359 = arith.andi %eq3A_357, %lt3A_358 : vector<16xi1>
    %or3A_360 = arith.ori %gt3A_356, %and3A_359 : vector<16xi1>
    %select_n3A_361 = arith.select %or3A_360, %get3A_353, %select_n3A_350 : vector<16xi1>, vector<16xf32>
    %select_n3A_362 = arith.select %or3A_360, %get3A_355, %select_n3A_351 : vector<16xi1>, vector<16xi32>
    %get3A_363 = arith.constant 1296 : index
    %get3A_364 = tpu.vector_load %arg12[%get3A_363] {strides = array<i32>} : memref<2048xf32, #tpu.memory_space<vmem>>, vector<16xf32>,
    %get3A_365 = arith.constant 1296 : index
    %get3A_366 = tpu.vector_load %arg13[%get3A_365] {strides = array<i32>} : memref<2048xi32, #tpu.memory_space<vmem>>, vector<16xi32>,
    %gt3A_367 = arith.cmpf ogt, %get3A_364, %select_n3A_361 : vector<16xf32>
    %eq3A_368 = arith.cmpf oeq, %get3A_364, %select_n3A_361 : vector<16xf32>
    %lt3A_369 = arith.cmpi slt, %get3A_366, %select_n3A_362 : vector<16xi32>
    %and3A_370 = arith.andi %eq3A_368, %lt3A_369 : vector<16xi1>
    %or3A_371 = arith.ori %gt3A_367, %and3A_370 : vector<16xi1>
    %select_n3A_372 = arith.select %or3A_371, %get3A_364, %select_n3A_361 : vector<16xi1>, vector<16xf32>
    %select_n3A_373 = arith.select %or3A_371, %get3A_366, %select_n3A_362 : vector<16xi1>, vector<16xi32>
    %get3A_374 = arith.constant 1424 : index
    %get3A_375 = tpu.vector_load %arg12[%get3A_374] {strides = array<i32>} : memref<2048xf32, #tpu.memory_space<vmem>>, vector<16xf32>,
    %get3A_376 = arith.constant 1424 : index
    %get3A_377 = tpu.vector_load %arg13[%get3A_376] {strides = array<i32>} : memref<2048xi32, #tpu.memory_space<vmem>>, vector<16xi32>,
    %gt3A_378 = arith.cmpf ogt, %get3A_375, %select_n3A_372 : vector<16xf32>
    %eq3A_379 = arith.cmpf oeq, %get3A_375, %select_n3A_372 : vector<16xf32>
    %lt3A_380 = arith.cmpi slt, %get3A_377, %select_n3A_373 : vector<16xi32>
    %and3A_381 = arith.andi %eq3A_379, %lt3A_380 : vector<16xi1>
    %or3A_382 = arith.ori %gt3A_378, %and3A_381 : vector<16xi1>
    %select_n3A_383 = arith.select %or3A_382, %get3A_375, %select_n3A_372 : vector<16xi1>, vector<16xf32>
    %select_n3A_384 = arith.select %or3A_382, %get3A_377, %select_n3A_373 : vector<16xi1>, vector<16xi32>
    %get3A_385 = arith.constant 1552 : index
    %get3A_386 = tpu.vector_load %arg12[%get3A_385] {strides = array<i32>} : memref<2048xf32, #tpu.memory_space<vmem>>, vector<16xf32>,
    %get3A_387 = arith.constant 1552 : index
    %get3A_388 = tpu.vector_load %arg13[%get3A_387] {strides = array<i32>} : memref<2048xi32, #tpu.memory_space<vmem>>, vector<16xi32>,
    %gt3A_389 = arith.cmpf ogt, %get3A_386, %select_n3A_383 : vector<16xf32>
    %eq3A_390 = arith.cmpf oeq, %get3A_386, %select_n3A_383 : vector<16xf32>
    %lt3A_391 = arith.cmpi slt, %get3A_388, %select_n3A_384 : vector<16xi32>
    %and3A_392 = arith.andi %eq3A_390, %lt3A_391 : vector<16xi1>
    %or3A_393 = arith.ori %gt3A_389, %and3A_392 : vector<16xi1>
    %select_n3A_394 = arith.select %or3A_393, %get3A_386, %select_n3A_383 : vector<16xi1>, vector<16xf32>
    %select_n3A_395 = arith.select %or3A_393, %get3A_388, %select_n3A_384 : vector<16xi1>, vector<16xi32>
    %get3A_396 = arith.constant 1680 : index
    %get3A_397 = tpu.vector_load %arg12[%get3A_396] {strides = array<i32>} : memref<2048xf32, #tpu.memory_space<vmem>>, vector<16xf32>,
    %get3A_398 = arith.constant 1680 : index
    %get3A_399 = tpu.vector_load %arg13[%get3A_398] {strides = array<i32>} : memref<2048xi32, #tpu.memory_space<vmem>>, vector<16xi32>,
    %gt3A_400 = arith.cmpf ogt, %get3A_397, %select_n3A_394 : vector<16xf32>
    %eq3A_401 = arith.cmpf oeq, %get3A_397, %select_n3A_394 : vector<16xf32>
    %lt3A_402 = arith.cmpi slt, %get3A_399, %select_n3A_395 : vector<16xi32>
    %and3A_403 = arith.andi %eq3A_401, %lt3A_402 : vector<16xi1>
    %or3A_404 = arith.ori %gt3A_400, %and3A_403 : vector<16xi1>
    %select_n3A_405 = arith.select %or3A_404, %get3A_397, %select_n3A_394 : vector<16xi1>, vector<16xf32>
    %select_n3A_406 = arith.select %or3A_404, %get3A_399, %select_n3A_395 : vector<16xi1>, vector<16xi32>
    %get3A_407 = arith.constant 1808 : index
    %get3A_408 = tpu.vector_load %arg12[%get3A_407] {strides = array<i32>} : memref<2048xf32, #tpu.memory_space<vmem>>, vector<16xf32>,
    %get3A_409 = arith.constant 1808 : index
    %get3A_410 = tpu.vector_load %arg13[%get3A_409] {strides = array<i32>} : memref<2048xi32, #tpu.memory_space<vmem>>, vector<16xi32>,
    %gt3A_411 = arith.cmpf ogt, %get3A_408, %select_n3A_405 : vector<16xf32>
    %eq3A_412 = arith.cmpf oeq, %get3A_408, %select_n3A_405 : vector<16xf32>
    %lt3A_413 = arith.cmpi slt, %get3A_410, %select_n3A_406 : vector<16xi32>
    %and3A_414 = arith.andi %eq3A_412, %lt3A_413 : vector<16xi1>
    %or3A_415 = arith.ori %gt3A_411, %and3A_414 : vector<16xi1>
    %select_n3A_416 = arith.select %or3A_415, %get3A_408, %select_n3A_405 : vector<16xi1>, vector<16xf32>
    %select_n3A_417 = arith.select %or3A_415, %get3A_410, %select_n3A_406 : vector<16xi1>, vector<16xi32>
    %get3A_418 = arith.constant 1936 : index
    %get3A_419 = tpu.vector_load %arg12[%get3A_418] {strides = array<i32>} : memref<2048xf32, #tpu.memory_space<vmem>>, vector<16xf32>,
    %get3A_420 = arith.constant 1936 : index
    %get3A_421 = tpu.vector_load %arg13[%get3A_420] {strides = array<i32>} : memref<2048xi32, #tpu.memory_space<vmem>>, vector<16xi32>,
    %gt3A_422 = arith.cmpf ogt, %get3A_419, %select_n3A_416 : vector<16xf32>
    %eq3A_423 = arith.cmpf oeq, %get3A_419, %select_n3A_416 : vector<16xf32>
    %lt3A_424 = arith.cmpi slt, %get3A_421, %select_n3A_417 : vector<16xi32>
    %and3A_425 = arith.andi %eq3A_423, %lt3A_424 : vector<16xi1>
    %or3A_426 = arith.ori %gt3A_422, %and3A_425 : vector<16xi1>
    %select_n3A_427 = arith.select %or3A_426, %get3A_419, %select_n3A_416 : vector<16xi1>, vector<16xf32>
    %select_n3A_428 = arith.select %or3A_426, %get3A_421, %select_n3A_417 : vector<16xi1>, vector<16xi32>
    %swap3A_429 = arith.constant 16 : index
    %swap3A_430 = tpu.vector_load %arg14[%swap3A_429] {strides = array<i32>} : memref<128xf32, #tpu.memory_space<vmem>>, vector<16xf32>,
    tpu.vector_store %arg14[%swap3A_429], %select_n3A_427 {strides = array<i32>} : memref<128xf32, #tpu.memory_space<vmem>>, vector<16xf32>,
    %swap3A_431 = arith.constant 16 : index
    %swap3A_432 = tpu.vector_load %arg15[%swap3A_431] {strides = array<i32>} : memref<128xi32, #tpu.memory_space<vmem>>, vector<16xi32>,
    tpu.vector_store %arg15[%swap3A_431], %select_n3A_428 {strides = array<i32>} : memref<128xi32, #tpu.memory_space<vmem>>, vector<16xi32>,
    %broadcast_in_dim3A_433 = arith.constant 0xFF800000 : f32
    %broadcast_in_dim3A_434 = vector.broadcast %broadcast_in_dim3A_433 : f32 to vector<16xf32>
    %broadcast_in_dim3A_435 = arith.constant 1073741824 : i32
    %broadcast_in_dim3A_436 = vector.broadcast %broadcast_in_dim3A_435 : i32 to vector<16xi32>
    %get3A_437 = arith.constant 32 : index
    %get3A_438 = tpu.vector_load %arg12[%get3A_437] {strides = array<i32>} : memref<2048xf32, #tpu.memory_space<vmem>>, vector<16xf32>,
    %get3A_439 = arith.constant 32 : index
    %get3A_440 = tpu.vector_load %arg13[%get3A_439] {strides = array<i32>} : memref<2048xi32, #tpu.memory_space<vmem>>, vector<16xi32>,
    %gt3A_441 = arith.cmpf ogt, %get3A_438, %broadcast_in_dim3A_434 : vector<16xf32>
    %eq3A_442 = arith.cmpf oeq, %get3A_438, %broadcast_in_dim3A_434 : vector<16xf32>
    %lt3A_443 = arith.cmpi slt, %get3A_440, %broadcast_in_dim3A_436 : vector<16xi32>
    %and3A_444 = arith.andi %eq3A_442, %lt3A_443 : vector<16xi1>
    %or3A_445 = arith.ori %gt3A_441, %and3A_444 : vector<16xi1>
    %select_n3A_446 = arith.select %or3A_445, %get3A_438, %broadcast_in_dim3A_434 : vector<16xi1>, vector<16xf32>
    %select_n3A_447 = arith.select %or3A_445, %get3A_440, %broadcast_in_dim3A_436 : vector<16xi1>, vector<16xi32>
    %get3A_448 = arith.constant 160 : index
    %get3A_449 = tpu.vector_load %arg12[%get3A_448] {strides = array<i32>} : memref<2048xf32, #tpu.memory_space<vmem>>, vector<16xf32>,
    %get3A_450 = arith.constant 160 : index
    %get3A_451 = tpu.vector_load %arg13[%get3A_450] {strides = array<i32>} : memref<2048xi32, #tpu.memory_space<vmem>>, vector<16xi32>,
    %gt3A_452 = arith.cmpf ogt, %get3A_449, %select_n3A_446 : vector<16xf32>
    %eq3A_453 = arith.cmpf oeq, %get3A_449, %select_n3A_446 : vector<16xf32>
    %lt3A_454 = arith.cmpi slt, %get3A_451, %select_n3A_447 : vector<16xi32>
    %and3A_455 = arith.andi %eq3A_453, %lt3A_454 : vector<16xi1>
    %or3A_456 = arith.ori %gt3A_452, %and3A_455 : vector<16xi1>
    %select_n3A_457 = arith.select %or3A_456, %get3A_449, %select_n3A_446 : vector<16xi1>, vector<16xf32>
    %select_n3A_458 = arith.select %or3A_456, %get3A_451, %select_n3A_447 : vector<16xi1>, vector<16xi32>
    %get3A_459 = arith.constant 288 : index
    %get3A_460 = tpu.vector_load %arg12[%get3A_459] {strides = array<i32>} : memref<2048xf32, #tpu.memory_space<vmem>>, vector<16xf32>,
    %get3A_461 = arith.constant 288 : index
    %get3A_462 = tpu.vector_load %arg13[%get3A_461] {strides = array<i32>} : memref<2048xi32, #tpu.memory_space<vmem>>, vector<16xi32>,
    %gt3A_463 = arith.cmpf ogt, %get3A_460, %select_n3A_457 : vector<16xf32>
    %eq3A_464 = arith.cmpf oeq, %get3A_460, %select_n3A_457 : vector<16xf32>
    %lt3A_465 = arith.cmpi slt, %get3A_462, %select_n3A_458 : vector<16xi32>
    %and3A_466 = arith.andi %eq3A_464, %lt3A_465 : vector<16xi1>
    %or3A_467 = arith.ori %gt3A_463, %and3A_466 : vector<16xi1>
    %select_n3A_468 = arith.select %or3A_467, %get3A_460, %select_n3A_457 : vector<16xi1>, vector<16xf32>
    %select_n3A_469 = arith.select %or3A_467, %get3A_462, %select_n3A_458 : vector<16xi1>, vector<16xi32>
    %get3A_470 = arith.constant 416 : index
    %get3A_471 = tpu.vector_load %arg12[%get3A_470] {strides = array<i32>} : memref<2048xf32, #tpu.memory_space<vmem>>, vector<16xf32>,
    %get3A_472 = arith.constant 416 : index
    %get3A_473 = tpu.vector_load %arg13[%get3A_472] {strides = array<i32>} : memref<2048xi32, #tpu.memory_space<vmem>>, vector<16xi32>,
    %gt3A_474 = arith.cmpf ogt, %get3A_471, %select_n3A_468 : vector<16xf32>
    %eq3A_475 = arith.cmpf oeq, %get3A_471, %select_n3A_468 : vector<16xf32>
    %lt3A_476 = arith.cmpi slt, %get3A_473, %select_n3A_469 : vector<16xi32>
    %and3A_477 = arith.andi %eq3A_475, %lt3A_476 : vector<16xi1>
    %or3A_478 = arith.ori %gt3A_474, %and3A_477 : vector<16xi1>
    %select_n3A_479 = arith.select %or3A_478, %get3A_471, %select_n3A_468 : vector<16xi1>, vector<16xf32>
    %select_n3A_480 = arith.select %or3A_478, %get3A_473, %select_n3A_469 : vector<16xi1>, vector<16xi32>
    %get3A_481 = arith.constant 544 : index
    %get3A_482 = tpu.vector_load %arg12[%get3A_481] {strides = array<i32>} : memref<2048xf32, #tpu.memory_space<vmem>>, vector<16xf32>,
    %get3A_483 = arith.constant 544 : index
    %get3A_484 = tpu.vector_load %arg13[%get3A_483] {strides = array<i32>} : memref<2048xi32, #tpu.memory_space<vmem>>, vector<16xi32>,
    %gt3A_485 = arith.cmpf ogt, %get3A_482, %select_n3A_479 : vector<16xf32>
    %eq3A_486 = arith.cmpf oeq, %get3A_482, %select_n3A_479 : vector<16xf32>
    %lt3A_487 = arith.cmpi slt, %get3A_484, %select_n3A_480 : vector<16xi32>
    %and3A_488 = arith.andi %eq3A_486, %lt3A_487 : vector<16xi1>
    %or3A_489 = arith.ori %gt3A_485, %and3A_488 : vector<16xi1>
    %select_n3A_490 = arith.select %or3A_489, %get3A_482, %select_n3A_479 : vector<16xi1>, vector<16xf32>
    %select_n3A_491 = arith.select %or3A_489, %get3A_484, %select_n3A_480 : vector<16xi1>, vector<16xi32>
    %get3A_492 = arith.constant 672 : index
    %get3A_493 = tpu.vector_load %arg12[%get3A_492] {strides = array<i32>} : memref<2048xf32, #tpu.memory_space<vmem>>, vector<16xf32>,
    %get3A_494 = arith.constant 672 : index
    %get3A_495 = tpu.vector_load %arg13[%get3A_494] {strides = array<i32>} : memref<2048xi32, #tpu.memory_space<vmem>>, vector<16xi32>,
    %gt3A_496 = arith.cmpf ogt, %get3A_493, %select_n3A_490 : vector<16xf32>
    %eq3A_497 = arith.cmpf oeq, %get3A_493, %select_n3A_490 : vector<16xf32>
    %lt3A_498 = arith.cmpi slt, %get3A_495, %select_n3A_491 : vector<16xi32>
    %and3A_499 = arith.andi %eq3A_497, %lt3A_498 : vector<16xi1>
    %or3A_500 = arith.ori %gt3A_496, %and3A_499 : vector<16xi1>
    %select_n3A_501 = arith.select %or3A_500, %get3A_493, %select_n3A_490 : vector<16xi1>, vector<16xf32>
    %select_n3A_502 = arith.select %or3A_500, %get3A_495, %select_n3A_491 : vector<16xi1>, vector<16xi32>
    %get3A_503 = arith.constant 800 : index
    %get3A_504 = tpu.vector_load %arg12[%get3A_503] {strides = array<i32>} : memref<2048xf32, #tpu.memory_space<vmem>>, vector<16xf32>,
    %get3A_505 = arith.constant 800 : index
    %get3A_506 = tpu.vector_load %arg13[%get3A_505] {strides = array<i32>} : memref<2048xi32, #tpu.memory_space<vmem>>, vector<16xi32>,
    %gt3A_507 = arith.cmpf ogt, %get3A_504, %select_n3A_501 : vector<16xf32>
    %eq3A_508 = arith.cmpf oeq, %get3A_504, %select_n3A_501 : vector<16xf32>
    %lt3A_509 = arith.cmpi slt, %get3A_506, %select_n3A_502 : vector<16xi32>
    %and3A_510 = arith.andi %eq3A_508, %lt3A_509 : vector<16xi1>
    %or3A_511 = arith.ori %gt3A_507, %and3A_510 : vector<16xi1>
    %select_n3A_512 = arith.select %or3A_511, %get3A_504, %select_n3A_501 : vector<16xi1>, vector<16xf32>
    %select_n3A_513 = arith.select %or3A_511, %get3A_506, %select_n3A_502 : vector<16xi1>, vector<16xi32>
    %get3A_514 = arith.constant 928 : index
    %get3A_515 = tpu.vector_load %arg12[%get3A_514] {strides = array<i32>} : memref<2048xf32, #tpu.memory_space<vmem>>, vector<16xf32>,
    %get3A_516 = arith.constant 928 : index
    %get3A_517 = tpu.vector_load %arg13[%get3A_516] {strides = array<i32>} : memref<2048xi32, #tpu.memory_space<vmem>>, vector<16xi32>,
    %gt3A_518 = arith.cmpf ogt, %get3A_515, %select_n3A_512 : vector<16xf32>
    %eq3A_519 = arith.cmpf oeq, %get3A_515, %select_n3A_512 : vector<16xf32>
    %lt3A_520 = arith.cmpi slt, %get3A_517, %select_n3A_513 : vector<16xi32>
    %and3A_521 = arith.andi %eq3A_519, %lt3A_520 : vector<16xi1>
    %or3A_522 = arith.ori %gt3A_518, %and3A_521 : vector<16xi1>
    %select_n3A_523 = arith.select %or3A_522, %get3A_515, %select_n3A_512 : vector<16xi1>, vector<16xf32>
    %select_n3A_524 = arith.select %or3A_522, %get3A_517, %select_n3A_513 : vector<16xi1>, vector<16xi32>
    %get3A_525 = arith.constant 1056 : index
    %get3A_526 = tpu.vector_load %arg12[%get3A_525] {strides = array<i32>} : memref<2048xf32, #tpu.memory_space<vmem>>, vector<16xf32>,
    %get3A_527 = arith.constant 1056 : index
    %get3A_528 = tpu.vector_load %arg13[%get3A_527] {strides = array<i32>} : memref<2048xi32, #tpu.memory_space<vmem>>, vector<16xi32>,
    %gt3A_529 = arith.cmpf ogt, %get3A_526, %select_n3A_523 : vector<16xf32>
    %eq3A_530 = arith.cmpf oeq, %get3A_526, %select_n3A_523 : vector<16xf32>
    %lt3A_531 = arith.cmpi slt, %get3A_528, %select_n3A_524 : vector<16xi32>
    %and3A_532 = arith.andi %eq3A_530, %lt3A_531 : vector<16xi1>
    %or3A_533 = arith.ori %gt3A_529, %and3A_532 : vector<16xi1>
    %select_n3A_534 = arith.select %or3A_533, %get3A_526, %select_n3A_523 : vector<16xi1>, vector<16xf32>
    %select_n3A_535 = arith.select %or3A_533, %get3A_528, %select_n3A_524 : vector<16xi1>, vector<16xi32>
    %get3A_536 = arith.constant 1184 : index
    %get3A_537 = tpu.vector_load %arg12[%get3A_536] {strides = array<i32>} : memref<2048xf32, #tpu.memory_space<vmem>>, vector<16xf32>,
    %get3A_538 = arith.constant 1184 : index
    %get3A_539 = tpu.vector_load %arg13[%get3A_538] {strides = array<i32>} : memref<2048xi32, #tpu.memory_space<vmem>>, vector<16xi32>,
    %gt3A_540 = arith.cmpf ogt, %get3A_537, %select_n3A_534 : vector<16xf32>
    %eq3A_541 = arith.cmpf oeq, %get3A_537, %select_n3A_534 : vector<16xf32>
    %lt3A_542 = arith.cmpi slt, %get3A_539, %select_n3A_535 : vector<16xi32>
    %and3A_543 = arith.andi %eq3A_541, %lt3A_542 : vector<16xi1>
    %or3A_544 = arith.ori %gt3A_540, %and3A_543 : vector<16xi1>
    %select_n3A_545 = arith.select %or3A_544, %get3A_537, %select_n3A_534 : vector<16xi1>, vector<16xf32>
    %select_n3A_546 = arith.select %or3A_544, %get3A_539, %select_n3A_535 : vector<16xi1>, vector<16xi32>
    %get3A_547 = arith.constant 1312 : index
    %get3A_548 = tpu.vector_load %arg12[%get3A_547] {strides = array<i32>} : memref<2048xf32, #tpu.memory_space<vmem>>, vector<16xf32>,
    %get3A_549 = arith.constant 1312 : index
    %get3A_550 = tpu.vector_load %arg13[%get3A_549] {strides = array<i32>} : memref<2048xi32, #tpu.memory_space<vmem>>, vector<16xi32>,
    %gt3A_551 = arith.cmpf ogt, %get3A_548, %select_n3A_545 : vector<16xf32>
    %eq3A_552 = arith.cmpf oeq, %get3A_548, %select_n3A_545 : vector<16xf32>
    %lt3A_553 = arith.cmpi slt, %get3A_550, %select_n3A_546 : vector<16xi32>
    %and3A_554 = arith.andi %eq3A_552, %lt3A_553 : vector<16xi1>
    %or3A_555 = arith.ori %gt3A_551, %and3A_554 : vector<16xi1>
    %select_n3A_556 = arith.select %or3A_555, %get3A_548, %select_n3A_545 : vector<16xi1>, vector<16xf32>
    %select_n3A_557 = arith.select %or3A_555, %get3A_550, %select_n3A_546 : vector<16xi1>, vector<16xi32>
    %get3A_558 = arith.constant 1440 : index
    %get3A_559 = tpu.vector_load %arg12[%get3A_558] {strides = array<i32>} : memref<2048xf32, #tpu.memory_space<vmem>>, vector<16xf32>,
    %get3A_560 = arith.constant 1440 : index
    %get3A_561 = tpu.vector_load %arg13[%get3A_560] {strides = array<i32>} : memref<2048xi32, #tpu.memory_space<vmem>>, vector<16xi32>,
    %gt3A_562 = arith.cmpf ogt, %get3A_559, %select_n3A_556 : vector<16xf32>
    %eq3A_563 = arith.cmpf oeq, %get3A_559, %select_n3A_556 : vector<16xf32>
    %lt3A_564 = arith.cmpi slt, %get3A_561, %select_n3A_557 : vector<16xi32>
    %and3A_565 = arith.andi %eq3A_563, %lt3A_564 : vector<16xi1>
    %or3A_566 = arith.ori %gt3A_562, %and3A_565 : vector<16xi1>
    %select_n3A_567 = arith.select %or3A_566, %get3A_559, %select_n3A_556 : vector<16xi1>, vector<16xf32>
    %select_n3A_568 = arith.select %or3A_566, %get3A_561, %select_n3A_557 : vector<16xi1>, vector<16xi32>
    %get3A_569 = arith.constant 1568 : index
    %get3A_570 = tpu.vector_load %arg12[%get3A_569] {strides = array<i32>} : memref<2048xf32, #tpu.memory_space<vmem>>, vector<16xf32>,
    %get3A_571 = arith.constant 1568 : index
    %get3A_572 = tpu.vector_load %arg13[%get3A_571] {strides = array<i32>} : memref<2048xi32, #tpu.memory_space<vmem>>, vector<16xi32>,
    %gt3A_573 = arith.cmpf ogt, %get3A_570, %select_n3A_567 : vector<16xf32>
    %eq3A_574 = arith.cmpf oeq, %get3A_570, %select_n3A_567 : vector<16xf32>
    %lt3A_575 = arith.cmpi slt, %get3A_572, %select_n3A_568 : vector<16xi32>
    %and3A_576 = arith.andi %eq3A_574, %lt3A_575 : vector<16xi1>
    %or3A_577 = arith.ori %gt3A_573, %and3A_576 : vector<16xi1>
    %select_n3A_578 = arith.select %or3A_577, %get3A_570, %select_n3A_567 : vector<16xi1>, vector<16xf32>
    %select_n3A_579 = arith.select %or3A_577, %get3A_572, %select_n3A_568 : vector<16xi1>, vector<16xi32>
    %get3A_580 = arith.constant 1696 : index
    %get3A_581 = tpu.vector_load %arg12[%get3A_580] {strides = array<i32>} : memref<2048xf32, #tpu.memory_space<vmem>>, vector<16xf32>,
    %get3A_582 = arith.constant 1696 : index
    %get3A_583 = tpu.vector_load %arg13[%get3A_582] {strides = array<i32>} : memref<2048xi32, #tpu.memory_space<vmem>>, vector<16xi32>,
    %gt3A_584 = arith.cmpf ogt, %get3A_581, %select_n3A_578 : vector<16xf32>
    %eq3A_585 = arith.cmpf oeq, %get3A_581, %select_n3A_578 : vector<16xf32>
    %lt3A_586 = arith.cmpi slt, %get3A_583, %select_n3A_579 : vector<16xi32>
    %and3A_587 = arith.andi %eq3A_585, %lt3A_586 : vector<16xi1>
    %or3A_588 = arith.ori %gt3A_584, %and3A_587 : vector<16xi1>
    %select_n3A_589 = arith.select %or3A_588, %get3A_581, %select_n3A_578 : vector<16xi1>, vector<16xf32>
    %select_n3A_590 = arith.select %or3A_588, %get3A_583, %select_n3A_579 : vector<16xi1>, vector<16xi32>
    %get3A_591 = arith.constant 1824 : index
    %get3A_592 = tpu.vector_load %arg12[%get3A_591] {strides = array<i32>} : memref<2048xf32, #tpu.memory_space<vmem>>, vector<16xf32>,
    %get3A_593 = arith.constant 1824 : index
    %get3A_594 = tpu.vector_load %arg13[%get3A_593] {strides = array<i32>} : memref<2048xi32, #tpu.memory_space<vmem>>, vector<16xi32>,
    %gt3A_595 = arith.cmpf ogt, %get3A_592, %select_n3A_589 : vector<16xf32>
    %eq3A_596 = arith.cmpf oeq, %get3A_592, %select_n3A_589 : vector<16xf32>
    %lt3A_597 = arith.cmpi slt, %get3A_594, %select_n3A_590 : vector<16xi32>
    %and3A_598 = arith.andi %eq3A_596, %lt3A_597 : vector<16xi1>
    %or3A_599 = arith.ori %gt3A_595, %and3A_598 : vector<16xi1>
    %select_n3A_600 = arith.select %or3A_599, %get3A_592, %select_n3A_589 : vector<16xi1>, vector<16xf32>
    %select_n3A_601 = arith.select %or3A_599, %get3A_594, %select_n3A_590 : vector<16xi1>, vector<16xi32>
    %get3A_602 = arith.constant 1952 : index
    %get3A_603 = tpu.vector_load %arg12[%get3A_602] {strides = array<i32>} : memref<2048xf32, #tpu.memory_space<vmem>>, vector<16xf32>,
    %get3A_604 = arith.constant 1952 : index
    %get3A_605 = tpu.vector_load %arg13[%get3A_604] {strides = array<i32>} : memref<2048xi32, #tpu.memory_space<vmem>>, vector<16xi32>,
    %gt3A_606 = arith.cmpf ogt, %get3A_603, %select_n3A_600 : vector<16xf32>
    %eq3A_607 = arith.cmpf oeq, %get3A_603, %select_n3A_600 : vector<16xf32>
    %lt3A_608 = arith.cmpi slt, %get3A_605, %select_n3A_601 : vector<16xi32>
    %and3A_609 = arith.andi %eq3A_607, %lt3A_608 : vector<16xi1>
    %or3A_610 = arith.ori %gt3A_606, %and3A_609 : vector<16xi1>
    %select_n3A_611 = arith.select %or3A_610, %get3A_603, %select_n3A_600 : vector<16xi1>, vector<16xf32>
    %select_n3A_612 = arith.select %or3A_610, %get3A_605, %select_n3A_601 : vector<16xi1>, vector<16xi32>
    %swap3A_613 = arith.constant 32 : index
    %swap3A_614 = tpu.vector_load %arg14[%swap3A_613] {strides = array<i32>} : memref<128xf32, #tpu.memory_space<vmem>>, vector<16xf32>,
    tpu.vector_store %arg14[%swap3A_613], %select_n3A_611 {strides = array<i32>} : memref<128xf32, #tpu.memory_space<vmem>>, vector<16xf32>,
    %swap3A_615 = arith.constant 32 : index
    %swap3A_616 = tpu.vector_load %arg15[%swap3A_615] {strides = array<i32>} : memref<128xi32, #tpu.memory_space<vmem>>, vector<16xi32>,
    tpu.vector_store %arg15[%swap3A_615], %select_n3A_612 {strides = array<i32>} : memref<128xi32, #tpu.memory_space<vmem>>, vector<16xi32>,
    %broadcast_in_dim3A_617 = arith.constant 0xFF800000 : f32
    %broadcast_in_dim3A_618 = vector.broadcast %broadcast_in_dim3A_617 : f32 to vector<16xf32>
    %broadcast_in_dim3A_619 = arith.constant 1073741824 : i32
    %broadcast_in_dim3A_620 = vector.broadcast %broadcast_in_dim3A_619 : i32 to vector<16xi32>
    %get3A_621 = arith.constant 48 : index
    %get3A_622 = tpu.vector_load %arg12[%get3A_621] {strides = array<i32>} : memref<2048xf32, #tpu.memory_space<vmem>>, vector<16xf32>,
    %get3A_623 = arith.constant 48 : index
    %get3A_624 = tpu.vector_load %arg13[%get3A_623] {strides = array<i32>} : memref<2048xi32, #tpu.memory_space<vmem>>, vector<16xi32>,
    %gt3A_625 = arith.cmpf ogt, %get3A_622, %broadcast_in_dim3A_618 : vector<16xf32>
    %eq3A_626 = arith.cmpf oeq, %get3A_622, %broadcast_in_dim3A_618 : vector<16xf32>
    %lt3A_627 = arith.cmpi slt, %get3A_624, %broadcast_in_dim3A_620 : vector<16xi32>
    %and3A_628 = arith.andi %eq3A_626, %lt3A_627 : vector<16xi1>
    %or3A_629 = arith.ori %gt3A_625, %and3A_628 : vector<16xi1>
    %select_n3A_630 = arith.select %or3A_629, %get3A_622, %broadcast_in_dim3A_618 : vector<16xi1>, vector<16xf32>
    %select_n3A_631 = arith.select %or3A_629, %get3A_624, %broadcast_in_dim3A_620 : vector<16xi1>, vector<16xi32>
    %get3A_632 = arith.constant 176 : index
    %get3A_633 = tpu.vector_load %arg12[%get3A_632] {strides = array<i32>} : memref<2048xf32, #tpu.memory_space<vmem>>, vector<16xf32>,
    %get3A_634 = arith.constant 176 : index
    %get3A_635 = tpu.vector_load %arg13[%get3A_634] {strides = array<i32>} : memref<2048xi32, #tpu.memory_space<vmem>>, vector<16xi32>,
    %gt3A_636 = arith.cmpf ogt, %get3A_633, %select_n3A_630 : vector<16xf32>
    %eq3A_637 = arith.cmpf oeq, %get3A_633, %select_n3A_630 : vector<16xf32>
    %lt3A_638 = arith.cmpi slt, %get3A_635, %select_n3A_631 : vector<16xi32>
    %and3A_639 = arith.andi %eq3A_637, %lt3A_638 : vector<16xi1>
    %or3A_640 = arith.ori %gt3A_636, %and3A_639 : vector<16xi1>
    %select_n3A_641 = arith.select %or3A_640, %get3A_633, %select_n3A_630 : vector<16xi1>, vector<16xf32>
    %select_n3A_642 = arith.select %or3A_640, %get3A_635, %select_n3A_631 : vector<16xi1>, vector<16xi32>
    %get3A_643 = arith.constant 304 : index
    %get3A_644 = tpu.vector_load %arg12[%get3A_643] {strides = array<i32>} : memref<2048xf32, #tpu.memory_space<vmem>>, vector<16xf32>,
    %get3A_645 = arith.constant 304 : index
    %get3A_646 = tpu.vector_load %arg13[%get3A_645] {strides = array<i32>} : memref<2048xi32, #tpu.memory_space<vmem>>, vector<16xi32>,
    %gt3A_647 = arith.cmpf ogt, %get3A_644, %select_n3A_641 : vector<16xf32>
    %eq3A_648 = arith.cmpf oeq, %get3A_644, %select_n3A_641 : vector<16xf32>
    %lt3A_649 = arith.cmpi slt, %get3A_646, %select_n3A_642 : vector<16xi32>
    %and3A_650 = arith.andi %eq3A_648, %lt3A_649 : vector<16xi1>
    %or3A_651 = arith.ori %gt3A_647, %and3A_650 : vector<16xi1>
    %select_n3A_652 = arith.select %or3A_651, %get3A_644, %select_n3A_641 : vector<16xi1>, vector<16xf32>
    %select_n3A_653 = arith.select %or3A_651, %get3A_646, %select_n3A_642 : vector<16xi1>, vector<16xi32>
    %get3A_654 = arith.constant 432 : index
    %get3A_655 = tpu.vector_load %arg12[%get3A_654] {strides = array<i32>} : memref<2048xf32, #tpu.memory_space<vmem>>, vector<16xf32>,
    %get3A_656 = arith.constant 432 : index
    %get3A_657 = tpu.vector_load %arg13[%get3A_656] {strides = array<i32>} : memref<2048xi32, #tpu.memory_space<vmem>>, vector<16xi32>,
    %gt3A_658 = arith.cmpf ogt, %get3A_655, %select_n3A_652 : vector<16xf32>
    %eq3A_659 = arith.cmpf oeq, %get3A_655, %select_n3A_652 : vector<16xf32>
    %lt3A_660 = arith.cmpi slt, %get3A_657, %select_n3A_653 : vector<16xi32>
    %and3A_661 = arith.andi %eq3A_659, %lt3A_660 : vector<16xi1>
    %or3A_662 = arith.ori %gt3A_658, %and3A_661 : vector<16xi1>
    %select_n3A_663 = arith.select %or3A_662, %get3A_655, %select_n3A_652 : vector<16xi1>, vector<16xf32>
    %select_n3A_664 = arith.select %or3A_662, %get3A_657, %select_n3A_653 : vector<16xi1>, vector<16xi32>
    %get3A_665 = arith.constant 560 : index
    %get3A_666 = tpu.vector_load %arg12[%get3A_665] {strides = array<i32>} : memref<2048xf32, #tpu.memory_space<vmem>>, vector<16xf32>,
    %get3A_667 = arith.constant 560 : index
    %get3A_668 = tpu.vector_load %arg13[%get3A_667] {strides = array<i32>} : memref<2048xi32, #tpu.memory_space<vmem>>, vector<16xi32>,
    %gt3A_669 = arith.cmpf ogt, %get3A_666, %select_n3A_663 : vector<16xf32>
    %eq3A_670 = arith.cmpf oeq, %get3A_666, %select_n3A_663 : vector<16xf32>
    %lt3A_671 = arith.cmpi slt, %get3A_668, %select_n3A_664 : vector<16xi32>
    %and3A_672 = arith.andi %eq3A_670, %lt3A_671 : vector<16xi1>
    %or3A_673 = arith.ori %gt3A_669, %and3A_672 : vector<16xi1>
    %select_n3A_674 = arith.select %or3A_673, %get3A_666, %select_n3A_663 : vector<16xi1>, vector<16xf32>
    %select_n3A_675 = arith.select %or3A_673, %get3A_668, %select_n3A_664 : vector<16xi1>, vector<16xi32>
    %get3A_676 = arith.constant 688 : index
    %get3A_677 = tpu.vector_load %arg12[%get3A_676] {strides = array<i32>} : memref<2048xf32, #tpu.memory_space<vmem>>, vector<16xf32>,
    %get3A_678 = arith.constant 688 : index
    %get3A_679 = tpu.vector_load %arg13[%get3A_678] {strides = array<i32>} : memref<2048xi32, #tpu.memory_space<vmem>>, vector<16xi32>,
    %gt3A_680 = arith.cmpf ogt, %get3A_677, %select_n3A_674 : vector<16xf32>
    %eq3A_681 = arith.cmpf oeq, %get3A_677, %select_n3A_674 : vector<16xf32>
    %lt3A_682 = arith.cmpi slt, %get3A_679, %select_n3A_675 : vector<16xi32>
    %and3A_683 = arith.andi %eq3A_681, %lt3A_682 : vector<16xi1>
    %or3A_684 = arith.ori %gt3A_680, %and3A_683 : vector<16xi1>
    %select_n3A_685 = arith.select %or3A_684, %get3A_677, %select_n3A_674 : vector<16xi1>, vector<16xf32>
    %select_n3A_686 = arith.select %or3A_684, %get3A_679, %select_n3A_675 : vector<16xi1>, vector<16xi32>
    %get3A_687 = arith.constant 816 : index
    %get3A_688 = tpu.vector_load %arg12[%get3A_687] {strides = array<i32>} : memref<2048xf32, #tpu.memory_space<vmem>>, vector<16xf32>,
    %get3A_689 = arith.constant 816 : index
    %get3A_690 = tpu.vector_load %arg13[%get3A_689] {strides = array<i32>} : memref<2048xi32, #tpu.memory_space<vmem>>, vector<16xi32>,
    %gt3A_691 = arith.cmpf ogt, %get3A_688, %select_n3A_685 : vector<16xf32>
    %eq3A_692 = arith.cmpf oeq, %get3A_688, %select_n3A_685 : vector<16xf32>
    %lt3A_693 = arith.cmpi slt, %get3A_690, %select_n3A_686 : vector<16xi32>
    %and3A_694 = arith.andi %eq3A_692, %lt3A_693 : vector<16xi1>
    %or3A_695 = arith.ori %gt3A_691, %and3A_694 : vector<16xi1>
    %select_n3A_696 = arith.select %or3A_695, %get3A_688, %select_n3A_685 : vector<16xi1>, vector<16xf32>
    %select_n3A_697 = arith.select %or3A_695, %get3A_690, %select_n3A_686 : vector<16xi1>, vector<16xi32>
    %get3A_698 = arith.constant 944 : index
    %get3A_699 = tpu.vector_load %arg12[%get3A_698] {strides = array<i32>} : memref<2048xf32, #tpu.memory_space<vmem>>, vector<16xf32>,
    %get3A_700 = arith.constant 944 : index
    %get3A_701 = tpu.vector_load %arg13[%get3A_700] {strides = array<i32>} : memref<2048xi32, #tpu.memory_space<vmem>>, vector<16xi32>,
    %gt3A_702 = arith.cmpf ogt, %get3A_699, %select_n3A_696 : vector<16xf32>
    %eq3A_703 = arith.cmpf oeq, %get3A_699, %select_n3A_696 : vector<16xf32>
    %lt3A_704 = arith.cmpi slt, %get3A_701, %select_n3A_697 : vector<16xi32>
    %and3A_705 = arith.andi %eq3A_703, %lt3A_704 : vector<16xi1>
    %or3A_706 = arith.ori %gt3A_702, %and3A_705 : vector<16xi1>
    %select_n3A_707 = arith.select %or3A_706, %get3A_699, %select_n3A_696 : vector<16xi1>, vector<16xf32>
    %select_n3A_708 = arith.select %or3A_706, %get3A_701, %select_n3A_697 : vector<16xi1>, vector<16xi32>
    %get3A_709 = arith.constant 1072 : index
    %get3A_710 = tpu.vector_load %arg12[%get3A_709] {strides = array<i32>} : memref<2048xf32, #tpu.memory_space<vmem>>, vector<16xf32>,
    %get3A_711 = arith.constant 1072 : index
    %get3A_712 = tpu.vector_load %arg13[%get3A_711] {strides = array<i32>} : memref<2048xi32, #tpu.memory_space<vmem>>, vector<16xi32>,
    %gt3A_713 = arith.cmpf ogt, %get3A_710, %select_n3A_707 : vector<16xf32>
    %eq3A_714 = arith.cmpf oeq, %get3A_710, %select_n3A_707 : vector<16xf32>
    %lt3A_715 = arith.cmpi slt, %get3A_712, %select_n3A_708 : vector<16xi32>
    %and3A_716 = arith.andi %eq3A_714, %lt3A_715 : vector<16xi1>
    %or3A_717 = arith.ori %gt3A_713, %and3A_716 : vector<16xi1>
    %select_n3A_718 = arith.select %or3A_717, %get3A_710, %select_n3A_707 : vector<16xi1>, vector<16xf32>
    %select_n3A_719 = arith.select %or3A_717, %get3A_712, %select_n3A_708 : vector<16xi1>, vector<16xi32>
    %get3A_720 = arith.constant 1200 : index
    %get3A_721 = tpu.vector_load %arg12[%get3A_720] {strides = array<i32>} : memref<2048xf32, #tpu.memory_space<vmem>>, vector<16xf32>,
    %get3A_722 = arith.constant 1200 : index
    %get3A_723 = tpu.vector_load %arg13[%get3A_722] {strides = array<i32>} : memref<2048xi32, #tpu.memory_space<vmem>>, vector<16xi32>,
    %gt3A_724 = arith.cmpf ogt, %get3A_721, %select_n3A_718 : vector<16xf32>
    %eq3A_725 = arith.cmpf oeq, %get3A_721, %select_n3A_718 : vector<16xf32>
    %lt3A_726 = arith.cmpi slt, %get3A_723, %select_n3A_719 : vector<16xi32>
    %and3A_727 = arith.andi %eq3A_725, %lt3A_726 : vector<16xi1>
    %or3A_728 = arith.ori %gt3A_724, %and3A_727 : vector<16xi1>
    %select_n3A_729 = arith.select %or3A_728, %get3A_721, %select_n3A_718 : vector<16xi1>, vector<16xf32>
    %select_n3A_730 = arith.select %or3A_728, %get3A_723, %select_n3A_719 : vector<16xi1>, vector<16xi32>
    %get3A_731 = arith.constant 1328 : index
    %get3A_732 = tpu.vector_load %arg12[%get3A_731] {strides = array<i32>} : memref<2048xf32, #tpu.memory_space<vmem>>, vector<16xf32>,
    %get3A_733 = arith.constant 1328 : index
    %get3A_734 = tpu.vector_load %arg13[%get3A_733] {strides = array<i32>} : memref<2048xi32, #tpu.memory_space<vmem>>, vector<16xi32>,
    %gt3A_735 = arith.cmpf ogt, %get3A_732, %select_n3A_729 : vector<16xf32>
    %eq3A_736 = arith.cmpf oeq, %get3A_732, %select_n3A_729 : vector<16xf32>
    %lt3A_737 = arith.cmpi slt, %get3A_734, %select_n3A_730 : vector<16xi32>
    %and3A_738 = arith.andi %eq3A_736, %lt3A_737 : vector<16xi1>
    %or3A_739 = arith.ori %gt3A_735, %and3A_738 : vector<16xi1>
    %select_n3A_740 = arith.select %or3A_739, %get3A_732, %select_n3A_729 : vector<16xi1>, vector<16xf32>
    %select_n3A_741 = arith.select %or3A_739, %get3A_734, %select_n3A_730 : vector<16xi1>, vector<16xi32>
    %get3A_742 = arith.constant 1456 : index
    %get3A_743 = tpu.vector_load %arg12[%get3A_742] {strides = array<i32>} : memref<2048xf32, #tpu.memory_space<vmem>>, vector<16xf32>,
    %get3A_744 = arith.constant 1456 : index
    %get3A_745 = tpu.vector_load %arg13[%get3A_744] {strides = array<i32>} : memref<2048xi32, #tpu.memory_space<vmem>>, vector<16xi32>,
    %gt3A_746 = arith.cmpf ogt, %get3A_743, %select_n3A_740 : vector<16xf32>
    %eq3A_747 = arith.cmpf oeq, %get3A_743, %select_n3A_740 : vector<16xf32>
    %lt3A_748 = arith.cmpi slt, %get3A_745, %select_n3A_741 : vector<16xi32>
    %and3A_749 = arith.andi %eq3A_747, %lt3A_748 : vector<16xi1>
    %or3A_750 = arith.ori %gt3A_746, %and3A_749 : vector<16xi1>
    %select_n3A_751 = arith.select %or3A_750, %get3A_743, %select_n3A_740 : vector<16xi1>, vector<16xf32>
    %select_n3A_752 = arith.select %or3A_750, %get3A_745, %select_n3A_741 : vector<16xi1>, vector<16xi32>
    %get3A_753 = arith.constant 1584 : index
    %get3A_754 = tpu.vector_load %arg12[%get3A_753] {strides = array<i32>} : memref<2048xf32, #tpu.memory_space<vmem>>, vector<16xf32>,
    %get3A_755 = arith.constant 1584 : index
    %get3A_756 = tpu.vector_load %arg13[%get3A_755] {strides = array<i32>} : memref<2048xi32, #tpu.memory_space<vmem>>, vector<16xi32>,
    %gt3A_757 = arith.cmpf ogt, %get3A_754, %select_n3A_751 : vector<16xf32>
    %eq3A_758 = arith.cmpf oeq, %get3A_754, %select_n3A_751 : vector<16xf32>
    %lt3A_759 = arith.cmpi slt, %get3A_756, %select_n3A_752 : vector<16xi32>
    %and3A_760 = arith.andi %eq3A_758, %lt3A_759 : vector<16xi1>
    %or3A_761 = arith.ori %gt3A_757, %and3A_760 : vector<16xi1>
    %select_n3A_762 = arith.select %or3A_761, %get3A_754, %select_n3A_751 : vector<16xi1>, vector<16xf32>
    %select_n3A_763 = arith.select %or3A_761, %get3A_756, %select_n3A_752 : vector<16xi1>, vector<16xi32>
    %get3A_764 = arith.constant 1712 : index
    %get3A_765 = tpu.vector_load %arg12[%get3A_764] {strides = array<i32>} : memref<2048xf32, #tpu.memory_space<vmem>>, vector<16xf32>,
    %get3A_766 = arith.constant 1712 : index
    %get3A_767 = tpu.vector_load %arg13[%get3A_766] {strides = array<i32>} : memref<2048xi32, #tpu.memory_space<vmem>>, vector<16xi32>,
    %gt3A_768 = arith.cmpf ogt, %get3A_765, %select_n3A_762 : vector<16xf32>
    %eq3A_769 = arith.cmpf oeq, %get3A_765, %select_n3A_762 : vector<16xf32>
    %lt3A_770 = arith.cmpi slt, %get3A_767, %select_n3A_763 : vector<16xi32>
    %and3A_771 = arith.andi %eq3A_769, %lt3A_770 : vector<16xi1>
    %or3A_772 = arith.ori %gt3A_768, %and3A_771 : vector<16xi1>
    %select_n3A_773 = arith.select %or3A_772, %get3A_765, %select_n3A_762 : vector<16xi1>, vector<16xf32>
    %select_n3A_774 = arith.select %or3A_772, %get3A_767, %select_n3A_763 : vector<16xi1>, vector<16xi32>
    %get3A_775 = arith.constant 1840 : index
    %get3A_776 = tpu.vector_load %arg12[%get3A_775] {strides = array<i32>} : memref<2048xf32, #tpu.memory_space<vmem>>, vector<16xf32>,
    %get3A_777 = arith.constant 1840 : index
    %get3A_778 = tpu.vector_load %arg13[%get3A_777] {strides = array<i32>} : memref<2048xi32, #tpu.memory_space<vmem>>, vector<16xi32>,
    %gt3A_779 = arith.cmpf ogt, %get3A_776, %select_n3A_773 : vector<16xf32>
    %eq3A_780 = arith.cmpf oeq, %get3A_776, %select_n3A_773 : vector<16xf32>
    %lt3A_781 = arith.cmpi slt, %get3A_778, %select_n3A_774 : vector<16xi32>
    %and3A_782 = arith.andi %eq3A_780, %lt3A_781 : vector<16xi1>
    %or3A_783 = arith.ori %gt3A_779, %and3A_782 : vector<16xi1>
    %select_n3A_784 = arith.select %or3A_783, %get3A_776, %select_n3A_773 : vector<16xi1>, vector<16xf32>
    %select_n3A_785 = arith.select %or3A_783, %get3A_778, %select_n3A_774 : vector<16xi1>, vector<16xi32>
    %get3A_786 = arith.constant 1968 : index
    %get3A_787 = tpu.vector_load %arg12[%get3A_786] {strides = array<i32>} : memref<2048xf32, #tpu.memory_space<vmem>>, vector<16xf32>,
    %get3A_788 = arith.constant 1968 : index
    %get3A_789 = tpu.vector_load %arg13[%get3A_788] {strides = array<i32>} : memref<2048xi32, #tpu.memory_space<vmem>>, vector<16xi32>,
    %gt3A_790 = arith.cmpf ogt, %get3A_787, %select_n3A_784 : vector<16xf32>
    %eq3A_791 = arith.cmpf oeq, %get3A_787, %select_n3A_784 : vector<16xf32>
    %lt3A_792 = arith.cmpi slt, %get3A_789, %select_n3A_785 : vector<16xi32>
    %and3A_793 = arith.andi %eq3A_791, %lt3A_792 : vector<16xi1>
    %or3A_794 = arith.ori %gt3A_790, %and3A_793 : vector<16xi1>
    %select_n3A_795 = arith.select %or3A_794, %get3A_787, %select_n3A_784 : vector<16xi1>, vector<16xf32>
    %select_n3A_796 = arith.select %or3A_794, %get3A_789, %select_n3A_785 : vector<16xi1>, vector<16xi32>
    %swap3A_797 = arith.constant 48 : index
    %swap3A_798 = tpu.vector_load %arg14[%swap3A_797] {strides = array<i32>} : memref<128xf32, #tpu.memory_space<vmem>>, vector<16xf32>,
    tpu.vector_store %arg14[%swap3A_797], %select_n3A_795 {strides = array<i32>} : memref<128xf32, #tpu.memory_space<vmem>>, vector<16xf32>,
    %swap3A_799 = arith.constant 48 : index
    %swap3A_800 = tpu.vector_load %arg15[%swap3A_799] {strides = array<i32>} : memref<128xi32, #tpu.memory_space<vmem>>, vector<16xi32>,
    tpu.vector_store %arg15[%swap3A_799], %select_n3A_796 {strides = array<i32>} : memref<128xi32, #tpu.memory_space<vmem>>, vector<16xi32>,
    %broadcast_in_dim3A_801 = arith.constant 0xFF800000 : f32
    %broadcast_in_dim3A_802 = vector.broadcast %broadcast_in_dim3A_801 : f32 to vector<16xf32>
    %broadcast_in_dim3A_803 = arith.constant 1073741824 : i32
    %broadcast_in_dim3A_804 = vector.broadcast %broadcast_in_dim3A_803 : i32 to vector<16xi32>
    %get3A_805 = arith.constant 64 : index
    %get3A_806 = tpu.vector_load %arg12[%get3A_805] {strides = array<i32>} : memref<2048xf32, #tpu.memory_space<vmem>>, vector<16xf32>,
    %get3A_807 = arith.constant 64 : index
    %get3A_808 = tpu.vector_load %arg13[%get3A_807] {strides = array<i32>} : memref<2048xi32, #tpu.memory_space<vmem>>, vector<16xi32>,
    %gt3A_809 = arith.cmpf ogt, %get3A_806, %broadcast_in_dim3A_802 : vector<16xf32>
    %eq3A_810 = arith.cmpf oeq, %get3A_806, %broadcast_in_dim3A_802 : vector<16xf32>
    %lt3A_811 = arith.cmpi slt, %get3A_808, %broadcast_in_dim3A_804 : vector<16xi32>
    %and3A_812 = arith.andi %eq3A_810, %lt3A_811 : vector<16xi1>
    %or3A_813 = arith.ori %gt3A_809, %and3A_812 : vector<16xi1>
    %select_n3A_814 = arith.select %or3A_813, %get3A_806, %broadcast_in_dim3A_802 : vector<16xi1>, vector<16xf32>
    %select_n3A_815 = arith.select %or3A_813, %get3A_808, %broadcast_in_dim3A_804 : vector<16xi1>, vector<16xi32>
    %get3A_816 = arith.constant 192 : index
    %get3A_817 = tpu.vector_load %arg12[%get3A_816] {strides = array<i32>} : memref<2048xf32, #tpu.memory_space<vmem>>, vector<16xf32>,
    %get3A_818 = arith.constant 192 : index
    %get3A_819 = tpu.vector_load %arg13[%get3A_818] {strides = array<i32>} : memref<2048xi32, #tpu.memory_space<vmem>>, vector<16xi32>,
    %gt3A_820 = arith.cmpf ogt, %get3A_817, %select_n3A_814 : vector<16xf32>
    %eq3A_821 = arith.cmpf oeq, %get3A_817, %select_n3A_814 : vector<16xf32>
    %lt3A_822 = arith.cmpi slt, %get3A_819, %select_n3A_815 : vector<16xi32>
    %and3A_823 = arith.andi %eq3A_821, %lt3A_822 : vector<16xi1>
    %or3A_824 = arith.ori %gt3A_820, %and3A_823 : vector<16xi1>
    %select_n3A_825 = arith.select %or3A_824, %get3A_817, %select_n3A_814 : vector<16xi1>, vector<16xf32>
    %select_n3A_826 = arith.select %or3A_824, %get3A_819, %select_n3A_815 : vector<16xi1>, vector<16xi32>
    %get3A_827 = arith.constant 320 : index
    %get3A_828 = tpu.vector_load %arg12[%get3A_827] {strides = array<i32>} : memref<2048xf32, #tpu.memory_space<vmem>>, vector<16xf32>,
    %get3A_829 = arith.constant 320 : index
    %get3A_830 = tpu.vector_load %arg13[%get3A_829] {strides = array<i32>} : memref<2048xi32, #tpu.memory_space<vmem>>, vector<16xi32>,
    %gt3A_831 = arith.cmpf ogt, %get3A_828, %select_n3A_825 : vector<16xf32>
    %eq3A_832 = arith.cmpf oeq, %get3A_828, %select_n3A_825 : vector<16xf32>
    %lt3A_833 = arith.cmpi slt, %get3A_830, %select_n3A_826 : vector<16xi32>
    %and3A_834 = arith.andi %eq3A_832, %lt3A_833 : vector<16xi1>
    %or3A_835 = arith.ori %gt3A_831, %and3A_834 : vector<16xi1>
    %select_n3A_836 = arith.select %or3A_835, %get3A_828, %select_n3A_825 : vector<16xi1>, vector<16xf32>
    %select_n3A_837 = arith.select %or3A_835, %get3A_830, %select_n3A_826 : vector<16xi1>, vector<16xi32>
    %get3A_838 = arith.constant 448 : index
    %get3A_839 = tpu.vector_load %arg12[%get3A_838] {strides = array<i32>} : memref<2048xf32, #tpu.memory_space<vmem>>, vector<16xf32>,
    %get3A_840 = arith.constant 448 : index
    %get3A_841 = tpu.vector_load %arg13[%get3A_840] {strides = array<i32>} : memref<2048xi32, #tpu.memory_space<vmem>>, vector<16xi32>,
    %gt3A_842 = arith.cmpf ogt, %get3A_839, %select_n3A_836 : vector<16xf32>
    %eq3A_843 = arith.cmpf oeq, %get3A_839, %select_n3A_836 : vector<16xf32>
    %lt3A_844 = arith.cmpi slt, %get3A_841, %select_n3A_837 : vector<16xi32>
    %and3A_845 = arith.andi %eq3A_843, %lt3A_844 : vector<16xi1>
    %or3A_846 = arith.ori %gt3A_842, %and3A_845 : vector<16xi1>
    %select_n3A_847 = arith.select %or3A_846, %get3A_839, %select_n3A_836 : vector<16xi1>, vector<16xf32>
    %select_n3A_848 = arith.select %or3A_846, %get3A_841, %select_n3A_837 : vector<16xi1>, vector<16xi32>
    %get3A_849 = arith.constant 576 : index
    %get3A_850 = tpu.vector_load %arg12[%get3A_849] {strides = array<i32>} : memref<2048xf32, #tpu.memory_space<vmem>>, vector<16xf32>,
    %get3A_851 = arith.constant 576 : index
    %get3A_852 = tpu.vector_load %arg13[%get3A_851] {strides = array<i32>} : memref<2048xi32, #tpu.memory_space<vmem>>, vector<16xi32>,
    %gt3A_853 = arith.cmpf ogt, %get3A_850, %select_n3A_847 : vector<16xf32>
    %eq3A_854 = arith.cmpf oeq, %get3A_850, %select_n3A_847 : vector<16xf32>
    %lt3A_855 = arith.cmpi slt, %get3A_852, %select_n3A_848 : vector<16xi32>
    %and3A_856 = arith.andi %eq3A_854, %lt3A_855 : vector<16xi1>
    %or3A_857 = arith.ori %gt3A_853, %and3A_856 : vector<16xi1>
    %select_n3A_858 = arith.select %or3A_857, %get3A_850, %select_n3A_847 : vector<16xi1>, vector<16xf32>
    %select_n3A_859 = arith.select %or3A_857, %get3A_852, %select_n3A_848 : vector<16xi1>, vector<16xi32>
    %get3A_860 = arith.constant 704 : index
    %get3A_861 = tpu.vector_load %arg12[%get3A_860] {strides = array<i32>} : memref<2048xf32, #tpu.memory_space<vmem>>, vector<16xf32>,
    %get3A_862 = arith.constant 704 : index
    %get3A_863 = tpu.vector_load %arg13[%get3A_862] {strides = array<i32>} : memref<2048xi32, #tpu.memory_space<vmem>>, vector<16xi32>,
    %gt3A_864 = arith.cmpf ogt, %get3A_861, %select_n3A_858 : vector<16xf32>
    %eq3A_865 = arith.cmpf oeq, %get3A_861, %select_n3A_858 : vector<16xf32>
    %lt3A_866 = arith.cmpi slt, %get3A_863, %select_n3A_859 : vector<16xi32>
    %and3A_867 = arith.andi %eq3A_865, %lt3A_866 : vector<16xi1>
    %or3A_868 = arith.ori %gt3A_864, %and3A_867 : vector<16xi1>
    %select_n3A_869 = arith.select %or3A_868, %get3A_861, %select_n3A_858 : vector<16xi1>, vector<16xf32>
    %select_n3A_870 = arith.select %or3A_868, %get3A_863, %select_n3A_859 : vector<16xi1>, vector<16xi32>
    %get3A_871 = arith.constant 832 : index
    %get3A_872 = tpu.vector_load %arg12[%get3A_871] {strides = array<i32>} : memref<2048xf32, #tpu.memory_space<vmem>>, vector<16xf32>,
    %get3A_873 = arith.constant 832 : index
    %get3A_874 = tpu.vector_load %arg13[%get3A_873] {strides = array<i32>} : memref<2048xi32, #tpu.memory_space<vmem>>, vector<16xi32>,
    %gt3A_875 = arith.cmpf ogt, %get3A_872, %select_n3A_869 : vector<16xf32>
    %eq3A_876 = arith.cmpf oeq, %get3A_872, %select_n3A_869 : vector<16xf32>
    %lt3A_877 = arith.cmpi slt, %get3A_874, %select_n3A_870 : vector<16xi32>
    %and3A_878 = arith.andi %eq3A_876, %lt3A_877 : vector<16xi1>
    %or3A_879 = arith.ori %gt3A_875, %and3A_878 : vector<16xi1>
    %select_n3A_880 = arith.select %or3A_879, %get3A_872, %select_n3A_869 : vector<16xi1>, vector<16xf32>
    %select_n3A_881 = arith.select %or3A_879, %get3A_874, %select_n3A_870 : vector<16xi1>, vector<16xi32>
    %get3A_882 = arith.constant 960 : index
    %get3A_883 = tpu.vector_load %arg12[%get3A_882] {strides = array<i32>} : memref<2048xf32, #tpu.memory_space<vmem>>, vector<16xf32>,
    %get3A_884 = arith.constant 960 : index
    %get3A_885 = tpu.vector_load %arg13[%get3A_884] {strides = array<i32>} : memref<2048xi32, #tpu.memory_space<vmem>>, vector<16xi32>,
    %gt3A_886 = arith.cmpf ogt, %get3A_883, %select_n3A_880 : vector<16xf32>
    %eq3A_887 = arith.cmpf oeq, %get3A_883, %select_n3A_880 : vector<16xf32>
    %lt3A_888 = arith.cmpi slt, %get3A_885, %select_n3A_881 : vector<16xi32>
    %and3A_889 = arith.andi %eq3A_887, %lt3A_888 : vector<16xi1>
    %or3A_890 = arith.ori %gt3A_886, %and3A_889 : vector<16xi1>
    %select_n3A_891 = arith.select %or3A_890, %get3A_883, %select_n3A_880 : vector<16xi1>, vector<16xf32>
    %select_n3A_892 = arith.select %or3A_890, %get3A_885, %select_n3A_881 : vector<16xi1>, vector<16xi32>
    %get3A_893 = arith.constant 1088 : index
    %get3A_894 = tpu.vector_load %arg12[%get3A_893] {strides = array<i32>} : memref<2048xf32, #tpu.memory_space<vmem>>, vector<16xf32>,
    %get3A_895 = arith.constant 1088 : index
    %get3A_896 = tpu.vector_load %arg13[%get3A_895] {strides = array<i32>} : memref<2048xi32, #tpu.memory_space<vmem>>, vector<16xi32>,
    %gt3A_897 = arith.cmpf ogt, %get3A_894, %select_n3A_891 : vector<16xf32>
    %eq3A_898 = arith.cmpf oeq, %get3A_894, %select_n3A_891 : vector<16xf32>
    %lt3A_899 = arith.cmpi slt, %get3A_896, %select_n3A_892 : vector<16xi32>
    %and3A_900 = arith.andi %eq3A_898, %lt3A_899 : vector<16xi1>
    %or3A_901 = arith.ori %gt3A_897, %and3A_900 : vector<16xi1>
    %select_n3A_902 = arith.select %or3A_901, %get3A_894, %select_n3A_891 : vector<16xi1>, vector<16xf32>
    %select_n3A_903 = arith.select %or3A_901, %get3A_896, %select_n3A_892 : vector<16xi1>, vector<16xi32>
    %get3A_904 = arith.constant 1216 : index
    %get3A_905 = tpu.vector_load %arg12[%get3A_904] {strides = array<i32>} : memref<2048xf32, #tpu.memory_space<vmem>>, vector<16xf32>,
    %get3A_906 = arith.constant 1216 : index
    %get3A_907 = tpu.vector_load %arg13[%get3A_906] {strides = array<i32>} : memref<2048xi32, #tpu.memory_space<vmem>>, vector<16xi32>,
    %gt3A_908 = arith.cmpf ogt, %get3A_905, %select_n3A_902 : vector<16xf32>
    %eq3A_909 = arith.cmpf oeq, %get3A_905, %select_n3A_902 : vector<16xf32>
    %lt3A_910 = arith.cmpi slt, %get3A_907, %select_n3A_903 : vector<16xi32>
    %and3A_911 = arith.andi %eq3A_909, %lt3A_910 : vector<16xi1>
    %or3A_912 = arith.ori %gt3A_908, %and3A_911 : vector<16xi1>
    %select_n3A_913 = arith.select %or3A_912, %get3A_905, %select_n3A_902 : vector<16xi1>, vector<16xf32>
    %select_n3A_914 = arith.select %or3A_912, %get3A_907, %select_n3A_903 : vector<16xi1>, vector<16xi32>
    %get3A_915 = arith.constant 1344 : index
    %get3A_916 = tpu.vector_load %arg12[%get3A_915] {strides = array<i32>} : memref<2048xf32, #tpu.memory_space<vmem>>, vector<16xf32>,
    %get3A_917 = arith.constant 1344 : index
    %get3A_918 = tpu.vector_load %arg13[%get3A_917] {strides = array<i32>} : memref<2048xi32, #tpu.memory_space<vmem>>, vector<16xi32>,
    %gt3A_919 = arith.cmpf ogt, %get3A_916, %select_n3A_913 : vector<16xf32>
    %eq3A_920 = arith.cmpf oeq, %get3A_916, %select_n3A_913 : vector<16xf32>
    %lt3A_921 = arith.cmpi slt, %get3A_918, %select_n3A_914 : vector<16xi32>
    %and3A_922 = arith.andi %eq3A_920, %lt3A_921 : vector<16xi1>
    %or3A_923 = arith.ori %gt3A_919, %and3A_922 : vector<16xi1>
    %select_n3A_924 = arith.select %or3A_923, %get3A_916, %select_n3A_913 : vector<16xi1>, vector<16xf32>
    %select_n3A_925 = arith.select %or3A_923, %get3A_918, %select_n3A_914 : vector<16xi1>, vector<16xi32>
    %get3A_926 = arith.constant 1472 : index
    %get3A_927 = tpu.vector_load %arg12[%get3A_926] {strides = array<i32>} : memref<2048xf32, #tpu.memory_space<vmem>>, vector<16xf32>,
    %get3A_928 = arith.constant 1472 : index
    %get3A_929 = tpu.vector_load %arg13[%get3A_928] {strides = array<i32>} : memref<2048xi32, #tpu.memory_space<vmem>>, vector<16xi32>,
    %gt3A_930 = arith.cmpf ogt, %get3A_927, %select_n3A_924 : vector<16xf32>
    %eq3A_931 = arith.cmpf oeq, %get3A_927, %select_n3A_924 : vector<16xf32>
    %lt3A_932 = arith.cmpi slt, %get3A_929, %select_n3A_925 : vector<16xi32>
    %and3A_933 = arith.andi %eq3A_931, %lt3A_932 : vector<16xi1>
    %or3A_934 = arith.ori %gt3A_930, %and3A_933 : vector<16xi1>
    %select_n3A_935 = arith.select %or3A_934, %get3A_927, %select_n3A_924 : vector<16xi1>, vector<16xf32>
    %select_n3A_936 = arith.select %or3A_934, %get3A_929, %select_n3A_925 : vector<16xi1>, vector<16xi32>
    %get3A_937 = arith.constant 1600 : index
    %get3A_938 = tpu.vector_load %arg12[%get3A_937] {strides = array<i32>} : memref<2048xf32, #tpu.memory_space<vmem>>, vector<16xf32>,
    %get3A_939 = arith.constant 1600 : index
    %get3A_940 = tpu.vector_load %arg13[%get3A_939] {strides = array<i32>} : memref<2048xi32, #tpu.memory_space<vmem>>, vector<16xi32>,
    %gt3A_941 = arith.cmpf ogt, %get3A_938, %select_n3A_935 : vector<16xf32>
    %eq3A_942 = arith.cmpf oeq, %get3A_938, %select_n3A_935 : vector<16xf32>
    %lt3A_943 = arith.cmpi slt, %get3A_940, %select_n3A_936 : vector<16xi32>
    %and3A_944 = arith.andi %eq3A_942, %lt3A_943 : vector<16xi1>
    %or3A_945 = arith.ori %gt3A_941, %and3A_944 : vector<16xi1>
    %select_n3A_946 = arith.select %or3A_945, %get3A_938, %select_n3A_935 : vector<16xi1>, vector<16xf32>
    %select_n3A_947 = arith.select %or3A_945, %get3A_940, %select_n3A_936 : vector<16xi1>, vector<16xi32>
    %get3A_948 = arith.constant 1728 : index
    %get3A_949 = tpu.vector_load %arg12[%get3A_948] {strides = array<i32>} : memref<2048xf32, #tpu.memory_space<vmem>>, vector<16xf32>,
    %get3A_950 = arith.constant 1728 : index
    %get3A_951 = tpu.vector_load %arg13[%get3A_950] {strides = array<i32>} : memref<2048xi32, #tpu.memory_space<vmem>>, vector<16xi32>,
    %gt3A_952 = arith.cmpf ogt, %get3A_949, %select_n3A_946 : vector<16xf32>
    %eq3A_953 = arith.cmpf oeq, %get3A_949, %select_n3A_946 : vector<16xf32>
    %lt3A_954 = arith.cmpi slt, %get3A_951, %select_n3A_947 : vector<16xi32>
    %and3A_955 = arith.andi %eq3A_953, %lt3A_954 : vector<16xi1>
    %or3A_956 = arith.ori %gt3A_952, %and3A_955 : vector<16xi1>
    %select_n3A_957 = arith.select %or3A_956, %get3A_949, %select_n3A_946 : vector<16xi1>, vector<16xf32>
    %select_n3A_958 = arith.select %or3A_956, %get3A_951, %select_n3A_947 : vector<16xi1>, vector<16xi32>
    %get3A_959 = arith.constant 1856 : index
    %get3A_960 = tpu.vector_load %arg12[%get3A_959] {strides = array<i32>} : memref<2048xf32, #tpu.memory_space<vmem>>, vector<16xf32>,
    %get3A_961 = arith.constant 1856 : index
    %get3A_962 = tpu.vector_load %arg13[%get3A_961] {strides = array<i32>} : memref<2048xi32, #tpu.memory_space<vmem>>, vector<16xi32>,
    %gt3A_963 = arith.cmpf ogt, %get3A_960, %select_n3A_957 : vector<16xf32>
    %eq3A_964 = arith.cmpf oeq, %get3A_960, %select_n3A_957 : vector<16xf32>
    %lt3A_965 = arith.cmpi slt, %get3A_962, %select_n3A_958 : vector<16xi32>
    %and3A_966 = arith.andi %eq3A_964, %lt3A_965 : vector<16xi1>
    %or3A_967 = arith.ori %gt3A_963, %and3A_966 : vector<16xi1>
    %select_n3A_968 = arith.select %or3A_967, %get3A_960, %select_n3A_957 : vector<16xi1>, vector<16xf32>
    %select_n3A_969 = arith.select %or3A_967, %get3A_962, %select_n3A_958 : vector<16xi1>, vector<16xi32>
    %get3A_970 = arith.constant 1984 : index
    %get3A_971 = tpu.vector_load %arg12[%get3A_970] {strides = array<i32>} : memref<2048xf32, #tpu.memory_space<vmem>>, vector<16xf32>,
    %get3A_972 = arith.constant 1984 : index
    %get3A_973 = tpu.vector_load %arg13[%get3A_972] {strides = array<i32>} : memref<2048xi32, #tpu.memory_space<vmem>>, vector<16xi32>,
    %gt3A_974 = arith.cmpf ogt, %get3A_971, %select_n3A_968 : vector<16xf32>
    %eq3A_975 = arith.cmpf oeq, %get3A_971, %select_n3A_968 : vector<16xf32>
    %lt3A_976 = arith.cmpi slt, %get3A_973, %select_n3A_969 : vector<16xi32>
    %and3A_977 = arith.andi %eq3A_975, %lt3A_976 : vector<16xi1>
    %or3A_978 = arith.ori %gt3A_974, %and3A_977 : vector<16xi1>
    %select_n3A_979 = arith.select %or3A_978, %get3A_971, %select_n3A_968 : vector<16xi1>, vector<16xf32>
    %select_n3A_980 = arith.select %or3A_978, %get3A_973, %select_n3A_969 : vector<16xi1>, vector<16xi32>
    %swap3A_981 = arith.constant 64 : index
    %swap3A_982 = tpu.vector_load %arg14[%swap3A_981] {strides = array<i32>} : memref<128xf32, #tpu.memory_space<vmem>>, vector<16xf32>,
    tpu.vector_store %arg14[%swap3A_981], %select_n3A_979 {strides = array<i32>} : memref<128xf32, #tpu.memory_space<vmem>>, vector<16xf32>,
    %swap3A_983 = arith.constant 64 : index
    %swap3A_984 = tpu.vector_load %arg15[%swap3A_983] {strides = array<i32>} : memref<128xi32, #tpu.memory_space<vmem>>, vector<16xi32>,
    tpu.vector_store %arg15[%swap3A_983], %select_n3A_980 {strides = array<i32>} : memref<128xi32, #tpu.memory_space<vmem>>, vector<16xi32>,
    %broadcast_in_dim3A_985 = arith.constant 0xFF800000 : f32
    %broadcast_in_dim3A_986 = vector.broadcast %broadcast_in_dim3A_985 : f32 to vector<16xf32>
    %broadcast_in_dim3A_987 = arith.constant 1073741824 : i32
    %broadcast_in_dim3A_988 = vector.broadcast %broadcast_in_dim3A_987 : i32 to vector<16xi32>
    %get3A_989 = arith.constant 80 : index
    %get3A_990 = tpu.vector_load %arg12[%get3A_989] {strides = array<i32>} : memref<2048xf32, #tpu.memory_space<vmem>>, vector<16xf32>,
    %get3A_991 = arith.constant 80 : index
    %get3A_992 = tpu.vector_load %arg13[%get3A_991] {strides = array<i32>} : memref<2048xi32, #tpu.memory_space<vmem>>, vector<16xi32>,
    %gt3A_993 = arith.cmpf ogt, %get3A_990, %broadcast_in_dim3A_986 : vector<16xf32>
    %eq3A_994 = arith.cmpf oeq, %get3A_990, %broadcast_in_dim3A_986 : vector<16xf32>
    %lt3A_995 = arith.cmpi slt, %get3A_992, %broadcast_in_dim3A_988 : vector<16xi32>
    %and3A_996 = arith.andi %eq3A_994, %lt3A_995 : vector<16xi1>
    %or3A_997 = arith.ori %gt3A_993, %and3A_996 : vector<16xi1>
    %select_n3A_998 = arith.select %or3A_997, %get3A_990, %broadcast_in_dim3A_986 : vector<16xi1>, vector<16xf32>
    %select_n3A_999 = arith.select %or3A_997, %get3A_992, %broadcast_in_dim3A_988 : vector<16xi1>, vector<16xi32>
    %get3A_1000 = arith.constant 208 : index
    %get3A_1001 = tpu.vector_load %arg12[%get3A_1000] {strides = array<i32>} : memref<2048xf32, #tpu.memory_space<vmem>>, vector<16xf32>,
    %get3A_1002 = arith.constant 208 : index
    %get3A_1003 = tpu.vector_load %arg13[%get3A_1002] {strides = array<i32>} : memref<2048xi32, #tpu.memory_space<vmem>>, vector<16xi32>,
    %gt3A_1004 = arith.cmpf ogt, %get3A_1001, %select_n3A_998 : vector<16xf32>
    %eq3A_1005 = arith.cmpf oeq, %get3A_1001, %select_n3A_998 : vector<16xf32>
    %lt3A_1006 = arith.cmpi slt, %get3A_1003, %select_n3A_999 : vector<16xi32>
    %and3A_1007 = arith.andi %eq3A_1005, %lt3A_1006 : vector<16xi1>
    %or3A_1008 = arith.ori %gt3A_1004, %and3A_1007 : vector<16xi1>
    %select_n3A_1009 = arith.select %or3A_1008, %get3A_1001, %select_n3A_998 : vector<16xi1>, vector<16xf32>
    %select_n3A_1010 = arith.select %or3A_1008, %get3A_1003, %select_n3A_999 : vector<16xi1>, vector<16xi32>
    %get3A_1011 = arith.constant 336 : index
    %get3A_1012 = tpu.vector_load %arg12[%get3A_1011] {strides = array<i32>} : memref<2048xf32, #tpu.memory_space<vmem>>, vector<16xf32>,
    %get3A_1013 = arith.constant 336 : index
    %get3A_1014 = tpu.vector_load %arg13[%get3A_1013] {strides = array<i32>} : memref<2048xi32, #tpu.memory_space<vmem>>, vector<16xi32>,
    %gt3A_1015 = arith.cmpf ogt, %get3A_1012, %select_n3A_1009 : vector<16xf32>
    %eq3A_1016 = arith.cmpf oeq, %get3A_1012, %select_n3A_1009 : vector<16xf32>
    %lt3A_1017 = arith.cmpi slt, %get3A_1014, %select_n3A_1010 : vector<16xi32>
    %and3A_1018 = arith.andi %eq3A_1016, %lt3A_1017 : vector<16xi1>
    %or3A_1019 = arith.ori %gt3A_1015, %and3A_1018 : vector<16xi1>
    %select_n3A_1020 = arith.select %or3A_1019, %get3A_1012, %select_n3A_1009 : vector<16xi1>, vector<16xf32>
    %select_n3A_1021 = arith.select %or3A_1019, %get3A_1014, %select_n3A_1010 : vector<16xi1>, vector<16xi32>
    %get3A_1022 = arith.constant 464 : index
    %get3A_1023 = tpu.vector_load %arg12[%get3A_1022] {strides = array<i32>} : memref<2048xf32, #tpu.memory_space<vmem>>, vector<16xf32>,
    %get3A_1024 = arith.constant 464 : index
    %get3A_1025 = tpu.vector_load %arg13[%get3A_1024] {strides = array<i32>} : memref<2048xi32, #tpu.memory_space<vmem>>, vector<16xi32>,
    %gt3A_1026 = arith.cmpf ogt, %get3A_1023, %select_n3A_1020 : vector<16xf32>
    %eq3A_1027 = arith.cmpf oeq, %get3A_1023, %select_n3A_1020 : vector<16xf32>
    %lt3A_1028 = arith.cmpi slt, %get3A_1025, %select_n3A_1021 : vector<16xi32>
    %and3A_1029 = arith.andi %eq3A_1027, %lt3A_1028 : vector<16xi1>
    %or3A_1030 = arith.ori %gt3A_1026, %and3A_1029 : vector<16xi1>
    %select_n3A_1031 = arith.select %or3A_1030, %get3A_1023, %select_n3A_1020 : vector<16xi1>, vector<16xf32>
    %select_n3A_1032 = arith.select %or3A_1030, %get3A_1025, %select_n3A_1021 : vector<16xi1>, vector<16xi32>
    %get3A_1033 = arith.constant 592 : index
    %get3A_1034 = tpu.vector_load %arg12[%get3A_1033] {strides = array<i32>} : memref<2048xf32, #tpu.memory_space<vmem>>, vector<16xf32>,
    %get3A_1035 = arith.constant 592 : index
    %get3A_1036 = tpu.vector_load %arg13[%get3A_1035] {strides = array<i32>} : memref<2048xi32, #tpu.memory_space<vmem>>, vector<16xi32>,
    %gt3A_1037 = arith.cmpf ogt, %get3A_1034, %select_n3A_1031 : vector<16xf32>
    %eq3A_1038 = arith.cmpf oeq, %get3A_1034, %select_n3A_1031 : vector<16xf32>
    %lt3A_1039 = arith.cmpi slt, %get3A_1036, %select_n3A_1032 : vector<16xi32>
    %and3A_1040 = arith.andi %eq3A_1038, %lt3A_1039 : vector<16xi1>
    %or3A_1041 = arith.ori %gt3A_1037, %and3A_1040 : vector<16xi1>
    %select_n3A_1042 = arith.select %or3A_1041, %get3A_1034, %select_n3A_1031 : vector<16xi1>, vector<16xf32>
    %select_n3A_1043 = arith.select %or3A_1041, %get3A_1036, %select_n3A_1032 : vector<16xi1>, vector<16xi32>
    %get3A_1044 = arith.constant 720 : index
    %get3A_1045 = tpu.vector_load %arg12[%get3A_1044] {strides = array<i32>} : memref<2048xf32, #tpu.memory_space<vmem>>, vector<16xf32>,
    %get3A_1046 = arith.constant 720 : index
    %get3A_1047 = tpu.vector_load %arg13[%get3A_1046] {strides = array<i32>} : memref<2048xi32, #tpu.memory_space<vmem>>, vector<16xi32>,
    %gt3A_1048 = arith.cmpf ogt, %get3A_1045, %select_n3A_1042 : vector<16xf32>
    %eq3A_1049 = arith.cmpf oeq, %get3A_1045, %select_n3A_1042 : vector<16xf32>
    %lt3A_1050 = arith.cmpi slt, %get3A_1047, %select_n3A_1043 : vector<16xi32>
    %and3A_1051 = arith.andi %eq3A_1049, %lt3A_1050 : vector<16xi1>
    %or3A_1052 = arith.ori %gt3A_1048, %and3A_1051 : vector<16xi1>
    %select_n3A_1053 = arith.select %or3A_1052, %get3A_1045, %select_n3A_1042 : vector<16xi1>, vector<16xf32>
    %select_n3A_1054 = arith.select %or3A_1052, %get3A_1047, %select_n3A_1043 : vector<16xi1>, vector<16xi32>
    %get3A_1055 = arith.constant 848 : index
    %get3A_1056 = tpu.vector_load %arg12[%get3A_1055] {strides = array<i32>} : memref<2048xf32, #tpu.memory_space<vmem>>, vector<16xf32>,
    %get3A_1057 = arith.constant 848 : index
    %get3A_1058 = tpu.vector_load %arg13[%get3A_1057] {strides = array<i32>} : memref<2048xi32, #tpu.memory_space<vmem>>, vector<16xi32>,
    %gt3A_1059 = arith.cmpf ogt, %get3A_1056, %select_n3A_1053 : vector<16xf32>
    %eq3A_1060 = arith.cmpf oeq, %get3A_1056, %select_n3A_1053 : vector<16xf32>
    %lt3A_1061 = arith.cmpi slt, %get3A_1058, %select_n3A_1054 : vector<16xi32>
    %and3A_1062 = arith.andi %eq3A_1060, %lt3A_1061 : vector<16xi1>
    %or3A_1063 = arith.ori %gt3A_1059, %and3A_1062 : vector<16xi1>
    %select_n3A_1064 = arith.select %or3A_1063, %get3A_1056, %select_n3A_1053 : vector<16xi1>, vector<16xf32>
    %select_n3A_1065 = arith.select %or3A_1063, %get3A_1058, %select_n3A_1054 : vector<16xi1>, vector<16xi32>
    %get3A_1066 = arith.constant 976 : index
    %get3A_1067 = tpu.vector_load %arg12[%get3A_1066] {strides = array<i32>} : memref<2048xf32, #tpu.memory_space<vmem>>, vector<16xf32>,
    %get3A_1068 = arith.constant 976 : index
    %get3A_1069 = tpu.vector_load %arg13[%get3A_1068] {strides = array<i32>} : memref<2048xi32, #tpu.memory_space<vmem>>, vector<16xi32>,
    %gt3A_1070 = arith.cmpf ogt, %get3A_1067, %select_n3A_1064 : vector<16xf32>
    %eq3A_1071 = arith.cmpf oeq, %get3A_1067, %select_n3A_1064 : vector<16xf32>
    %lt3A_1072 = arith.cmpi slt, %get3A_1069, %select_n3A_1065 : vector<16xi32>
    %and3A_1073 = arith.andi %eq3A_1071, %lt3A_1072 : vector<16xi1>
    %or3A_1074 = arith.ori %gt3A_1070, %and3A_1073 : vector<16xi1>
    %select_n3A_1075 = arith.select %or3A_1074, %get3A_1067, %select_n3A_1064 : vector<16xi1>, vector<16xf32>
    %select_n3A_1076 = arith.select %or3A_1074, %get3A_1069, %select_n3A_1065 : vector<16xi1>, vector<16xi32>
    %get3A_1077 = arith.constant 1104 : index
    %get3A_1078 = tpu.vector_load %arg12[%get3A_1077] {strides = array<i32>} : memref<2048xf32, #tpu.memory_space<vmem>>, vector<16xf32>,
    %get3A_1079 = arith.constant 1104 : index
    %get3A_1080 = tpu.vector_load %arg13[%get3A_1079] {strides = array<i32>} : memref<2048xi32, #tpu.memory_space<vmem>>, vector<16xi32>,
    %gt3A_1081 = arith.cmpf ogt, %get3A_1078, %select_n3A_1075 : vector<16xf32>
    %eq3A_1082 = arith.cmpf oeq, %get3A_1078, %select_n3A_1075 : vector<16xf32>
    %lt3A_1083 = arith.cmpi slt, %get3A_1080, %select_n3A_1076 : vector<16xi32>
    %and3A_1084 = arith.andi %eq3A_1082, %lt3A_1083 : vector<16xi1>
    %or3A_1085 = arith.ori %gt3A_1081, %and3A_1084 : vector<16xi1>
    %select_n3A_1086 = arith.select %or3A_1085, %get3A_1078, %select_n3A_1075 : vector<16xi1>, vector<16xf32>
    %select_n3A_1087 = arith.select %or3A_1085, %get3A_1080, %select_n3A_1076 : vector<16xi1>, vector<16xi32>
    %get3A_1088 = arith.constant 1232 : index
    %get3A_1089 = tpu.vector_load %arg12[%get3A_1088] {strides = array<i32>} : memref<2048xf32, #tpu.memory_space<vmem>>, vector<16xf32>,
    %get3A_1090 = arith.constant 1232 : index
    %get3A_1091 = tpu.vector_load %arg13[%get3A_1090] {strides = array<i32>} : memref<2048xi32, #tpu.memory_space<vmem>>, vector<16xi32>,
    %gt3A_1092 = arith.cmpf ogt, %get3A_1089, %select_n3A_1086 : vector<16xf32>
    %eq3A_1093 = arith.cmpf oeq, %get3A_1089, %select_n3A_1086 : vector<16xf32>
    %lt3A_1094 = arith.cmpi slt, %get3A_1091, %select_n3A_1087 : vector<16xi32>
    %and3A_1095 = arith.andi %eq3A_1093, %lt3A_1094 : vector<16xi1>
    %or3A_1096 = arith.ori %gt3A_1092, %and3A_1095 : vector<16xi1>
    %select_n3A_1097 = arith.select %or3A_1096, %get3A_1089, %select_n3A_1086 : vector<16xi1>, vector<16xf32>
    %select_n3A_1098 = arith.select %or3A_1096, %get3A_1091, %select_n3A_1087 : vector<16xi1>, vector<16xi32>
    %get3A_1099 = arith.constant 1360 : index
    %get3A_1100 = tpu.vector_load %arg12[%get3A_1099] {strides = array<i32>} : memref<2048xf32, #tpu.memory_space<vmem>>, vector<16xf32>,
    %get3A_1101 = arith.constant 1360 : index
    %get3A_1102 = tpu.vector_load %arg13[%get3A_1101] {strides = array<i32>} : memref<2048xi32, #tpu.memory_space<vmem>>, vector<16xi32>,
    %gt3A_1103 = arith.cmpf ogt, %get3A_1100, %select_n3A_1097 : vector<16xf32>
    %eq3A_1104 = arith.cmpf oeq, %get3A_1100, %select_n3A_1097 : vector<16xf32>
    %lt3A_1105 = arith.cmpi slt, %get3A_1102, %select_n3A_1098 : vector<16xi32>
    %and3A_1106 = arith.andi %eq3A_1104, %lt3A_1105 : vector<16xi1>
    %or3A_1107 = arith.ori %gt3A_1103, %and3A_1106 : vector<16xi1>
    %select_n3A_1108 = arith.select %or3A_1107, %get3A_1100, %select_n3A_1097 : vector<16xi1>, vector<16xf32>
    %select_n3A_1109 = arith.select %or3A_1107, %get3A_1102, %select_n3A_1098 : vector<16xi1>, vector<16xi32>
    %get3A_1110 = arith.constant 1488 : index
    %get3A_1111 = tpu.vector_load %arg12[%get3A_1110] {strides = array<i32>} : memref<2048xf32, #tpu.memory_space<vmem>>, vector<16xf32>,
    %get3A_1112 = arith.constant 1488 : index
    %get3A_1113 = tpu.vector_load %arg13[%get3A_1112] {strides = array<i32>} : memref<2048xi32, #tpu.memory_space<vmem>>, vector<16xi32>,
    %gt3A_1114 = arith.cmpf ogt, %get3A_1111, %select_n3A_1108 : vector<16xf32>
    %eq3A_1115 = arith.cmpf oeq, %get3A_1111, %select_n3A_1108 : vector<16xf32>
    %lt3A_1116 = arith.cmpi slt, %get3A_1113, %select_n3A_1109 : vector<16xi32>
    %and3A_1117 = arith.andi %eq3A_1115, %lt3A_1116 : vector<16xi1>
    %or3A_1118 = arith.ori %gt3A_1114, %and3A_1117 : vector<16xi1>
    %select_n3A_1119 = arith.select %or3A_1118, %get3A_1111, %select_n3A_1108 : vector<16xi1>, vector<16xf32>
    %select_n3A_1120 = arith.select %or3A_1118, %get3A_1113, %select_n3A_1109 : vector<16xi1>, vector<16xi32>
    %get3A_1121 = arith.constant 1616 : index
    %get3A_1122 = tpu.vector_load %arg12[%get3A_1121] {strides = array<i32>} : memref<2048xf32, #tpu.memory_space<vmem>>, vector<16xf32>,
    %get3A_1123 = arith.constant 1616 : index
    %get3A_1124 = tpu.vector_load %arg13[%get3A_1123] {strides = array<i32>} : memref<2048xi32, #tpu.memory_space<vmem>>, vector<16xi32>,
    %gt3A_1125 = arith.cmpf ogt, %get3A_1122, %select_n3A_1119 : vector<16xf32>
    %eq3A_1126 = arith.cmpf oeq, %get3A_1122, %select_n3A_1119 : vector<16xf32>
    %lt3A_1127 = arith.cmpi slt, %get3A_1124, %select_n3A_1120 : vector<16xi32>
    %and3A_1128 = arith.andi %eq3A_1126, %lt3A_1127 : vector<16xi1>
    %or3A_1129 = arith.ori %gt3A_1125, %and3A_1128 : vector<16xi1>
    %select_n3A_1130 = arith.select %or3A_1129, %get3A_1122, %select_n3A_1119 : vector<16xi1>, vector<16xf32>
    %select_n3A_1131 = arith.select %or3A_1129, %get3A_1124, %select_n3A_1120 : vector<16xi1>, vector<16xi32>
    %get3A_1132 = arith.constant 1744 : index
    %get3A_1133 = tpu.vector_load %arg12[%get3A_1132] {strides = array<i32>} : memref<2048xf32, #tpu.memory_space<vmem>>, vector<16xf32>,
    %get3A_1134 = arith.constant 1744 : index
    %get3A_1135 = tpu.vector_load %arg13[%get3A_1134] {strides = array<i32>} : memref<2048xi32, #tpu.memory_space<vmem>>, vector<16xi32>,
    %gt3A_1136 = arith.cmpf ogt, %get3A_1133, %select_n3A_1130 : vector<16xf32>
    %eq3A_1137 = arith.cmpf oeq, %get3A_1133, %select_n3A_1130 : vector<16xf32>
    %lt3A_1138 = arith.cmpi slt, %get3A_1135, %select_n3A_1131 : vector<16xi32>
    %and3A_1139 = arith.andi %eq3A_1137, %lt3A_1138 : vector<16xi1>
    %or3A_1140 = arith.ori %gt3A_1136, %and3A_1139 : vector<16xi1>
    %select_n3A_1141 = arith.select %or3A_1140, %get3A_1133, %select_n3A_1130 : vector<16xi1>, vector<16xf32>
    %select_n3A_1142 = arith.select %or3A_1140, %get3A_1135, %select_n3A_1131 : vector<16xi1>, vector<16xi32>
    %get3A_1143 = arith.constant 1872 : index
    %get3A_1144 = tpu.vector_load %arg12[%get3A_1143] {strides = array<i32>} : memref<2048xf32, #tpu.memory_space<vmem>>, vector<16xf32>,
    %get3A_1145 = arith.constant 1872 : index
    %get3A_1146 = tpu.vector_load %arg13[%get3A_1145] {strides = array<i32>} : memref<2048xi32, #tpu.memory_space<vmem>>, vector<16xi32>,
    %gt3A_1147 = arith.cmpf ogt, %get3A_1144, %select_n3A_1141 : vector<16xf32>
    %eq3A_1148 = arith.cmpf oeq, %get3A_1144, %select_n3A_1141 : vector<16xf32>
    %lt3A_1149 = arith.cmpi slt, %get3A_1146, %select_n3A_1142 : vector<16xi32>
    %and3A_1150 = arith.andi %eq3A_1148, %lt3A_1149 : vector<16xi1>
    %or3A_1151 = arith.ori %gt3A_1147, %and3A_1150 : vector<16xi1>
    %select_n3A_1152 = arith.select %or3A_1151, %get3A_1144, %select_n3A_1141 : vector<16xi1>, vector<16xf32>
    %select_n3A_1153 = arith.select %or3A_1151, %get3A_1146, %select_n3A_1142 : vector<16xi1>, vector<16xi32>
    %get3A_1154 = arith.constant 2000 : index
    %get3A_1155 = tpu.vector_load %arg12[%get3A_1154] {strides = array<i32>} : memref<2048xf32, #tpu.memory_space<vmem>>, vector<16xf32>,
    %get3A_1156 = arith.constant 2000 : index
    %get3A_1157 = tpu.vector_load %arg13[%get3A_1156] {strides = array<i32>} : memref<2048xi32, #tpu.memory_space<vmem>>, vector<16xi32>,
    %gt3A_1158 = arith.cmpf ogt, %get3A_1155, %select_n3A_1152 : vector<16xf32>
    %eq3A_1159 = arith.cmpf oeq, %get3A_1155, %select_n3A_1152 : vector<16xf32>
    %lt3A_1160 = arith.cmpi slt, %get3A_1157, %select_n3A_1153 : vector<16xi32>
    %and3A_1161 = arith.andi %eq3A_1159, %lt3A_1160 : vector<16xi1>
    %or3A_1162 = arith.ori %gt3A_1158, %and3A_1161 : vector<16xi1>
    %select_n3A_1163 = arith.select %or3A_1162, %get3A_1155, %select_n3A_1152 : vector<16xi1>, vector<16xf32>
    %select_n3A_1164 = arith.select %or3A_1162, %get3A_1157, %select_n3A_1153 : vector<16xi1>, vector<16xi32>
    %swap3A_1165 = arith.constant 80 : index
    %swap3A_1166 = tpu.vector_load %arg14[%swap3A_1165] {strides = array<i32>} : memref<128xf32, #tpu.memory_space<vmem>>, vector<16xf32>,
    tpu.vector_store %arg14[%swap3A_1165], %select_n3A_1163 {strides = array<i32>} : memref<128xf32, #tpu.memory_space<vmem>>, vector<16xf32>,
    %swap3A_1167 = arith.constant 80 : index
    %swap3A_1168 = tpu.vector_load %arg15[%swap3A_1167] {strides = array<i32>} : memref<128xi32, #tpu.memory_space<vmem>>, vector<16xi32>,
    tpu.vector_store %arg15[%swap3A_1167], %select_n3A_1164 {strides = array<i32>} : memref<128xi32, #tpu.memory_space<vmem>>, vector<16xi32>,
    %broadcast_in_dim3A_1169 = arith.constant 0xFF800000 : f32
    %broadcast_in_dim3A_1170 = vector.broadcast %broadcast_in_dim3A_1169 : f32 to vector<16xf32>
    %broadcast_in_dim3A_1171 = arith.constant 1073741824 : i32
    %broadcast_in_dim3A_1172 = vector.broadcast %broadcast_in_dim3A_1171 : i32 to vector<16xi32>
    %get3A_1173 = arith.constant 96 : index
    %get3A_1174 = tpu.vector_load %arg12[%get3A_1173] {strides = array<i32>} : memref<2048xf32, #tpu.memory_space<vmem>>, vector<16xf32>,
    %get3A_1175 = arith.constant 96 : index
    %get3A_1176 = tpu.vector_load %arg13[%get3A_1175] {strides = array<i32>} : memref<2048xi32, #tpu.memory_space<vmem>>, vector<16xi32>,
    %gt3A_1177 = arith.cmpf ogt, %get3A_1174, %broadcast_in_dim3A_1170 : vector<16xf32>
    %eq3A_1178 = arith.cmpf oeq, %get3A_1174, %broadcast_in_dim3A_1170 : vector<16xf32>
    %lt3A_1179 = arith.cmpi slt, %get3A_1176, %broadcast_in_dim3A_1172 : vector<16xi32>
    %and3A_1180 = arith.andi %eq3A_1178, %lt3A_1179 : vector<16xi1>
    %or3A_1181 = arith.ori %gt3A_1177, %and3A_1180 : vector<16xi1>
    %select_n3A_1182 = arith.select %or3A_1181, %get3A_1174, %broadcast_in_dim3A_1170 : vector<16xi1>, vector<16xf32>
    %select_n3A_1183 = arith.select %or3A_1181, %get3A_1176, %broadcast_in_dim3A_1172 : vector<16xi1>, vector<16xi32>
    %get3A_1184 = arith.constant 224 : index
    %get3A_1185 = tpu.vector_load %arg12[%get3A_1184] {strides = array<i32>} : memref<2048xf32, #tpu.memory_space<vmem>>, vector<16xf32>,
    %get3A_1186 = arith.constant 224 : index
    %get3A_1187 = tpu.vector_load %arg13[%get3A_1186] {strides = array<i32>} : memref<2048xi32, #tpu.memory_space<vmem>>, vector<16xi32>,
    %gt3A_1188 = arith.cmpf ogt, %get3A_1185, %select_n3A_1182 : vector<16xf32>
    %eq3A_1189 = arith.cmpf oeq, %get3A_1185, %select_n3A_1182 : vector<16xf32>
    %lt3A_1190 = arith.cmpi slt, %get3A_1187, %select_n3A_1183 : vector<16xi32>
    %and3A_1191 = arith.andi %eq3A_1189, %lt3A_1190 : vector<16xi1>
    %or3A_1192 = arith.ori %gt3A_1188, %and3A_1191 : vector<16xi1>
    %select_n3A_1193 = arith.select %or3A_1192, %get3A_1185, %select_n3A_1182 : vector<16xi1>, vector<16xf32>
    %select_n3A_1194 = arith.select %or3A_1192, %get3A_1187, %select_n3A_1183 : vector<16xi1>, vector<16xi32>
    %get3A_1195 = arith.constant 352 : index
    %get3A_1196 = tpu.vector_load %arg12[%get3A_1195] {strides = array<i32>} : memref<2048xf32, #tpu.memory_space<vmem>>, vector<16xf32>,
    %get3A_1197 = arith.constant 352 : index
    %get3A_1198 = tpu.vector_load %arg13[%get3A_1197] {strides = array<i32>} : memref<2048xi32, #tpu.memory_space<vmem>>, vector<16xi32>,
    %gt3A_1199 = arith.cmpf ogt, %get3A_1196, %select_n3A_1193 : vector<16xf32>
    %eq3A_1200 = arith.cmpf oeq, %get3A_1196, %select_n3A_1193 : vector<16xf32>
    %lt3A_1201 = arith.cmpi slt, %get3A_1198, %select_n3A_1194 : vector<16xi32>
    %and3A_1202 = arith.andi %eq3A_1200, %lt3A_1201 : vector<16xi1>
    %or3A_1203 = arith.ori %gt3A_1199, %and3A_1202 : vector<16xi1>
    %select_n3A_1204 = arith.select %or3A_1203, %get3A_1196, %select_n3A_1193 : vector<16xi1>, vector<16xf32>
    %select_n3A_1205 = arith.select %or3A_1203, %get3A_1198, %select_n3A_1194 : vector<16xi1>, vector<16xi32>
    %get3A_1206 = arith.constant 480 : index
    %get3A_1207 = tpu.vector_load %arg12[%get3A_1206] {strides = array<i32>} : memref<2048xf32, #tpu.memory_space<vmem>>, vector<16xf32>,
    %get3A_1208 = arith.constant 480 : index
    %get3A_1209 = tpu.vector_load %arg13[%get3A_1208] {strides = array<i32>} : memref<2048xi32, #tpu.memory_space<vmem>>, vector<16xi32>,
    %gt3A_1210 = arith.cmpf ogt, %get3A_1207, %select_n3A_1204 : vector<16xf32>
    %eq3A_1211 = arith.cmpf oeq, %get3A_1207, %select_n3A_1204 : vector<16xf32>
    %lt3A_1212 = arith.cmpi slt, %get3A_1209, %select_n3A_1205 : vector<16xi32>
    %and3A_1213 = arith.andi %eq3A_1211, %lt3A_1212 : vector<16xi1>
    %or3A_1214 = arith.ori %gt3A_1210, %and3A_1213 : vector<16xi1>
    %select_n3A_1215 = arith.select %or3A_1214, %get3A_1207, %select_n3A_1204 : vector<16xi1>, vector<16xf32>
    %select_n3A_1216 = arith.select %or3A_1214, %get3A_1209, %select_n3A_1205 : vector<16xi1>, vector<16xi32>
    %get3A_1217 = arith.constant 608 : index
    %get3A_1218 = tpu.vector_load %arg12[%get3A_1217] {strides = array<i32>} : memref<2048xf32, #tpu.memory_space<vmem>>, vector<16xf32>,
    %get3A_1219 = arith.constant 608 : index
    %get3A_1220 = tpu.vector_load %arg13[%get3A_1219] {strides = array<i32>} : memref<2048xi32, #tpu.memory_space<vmem>>, vector<16xi32>,
    %gt3A_1221 = arith.cmpf ogt, %get3A_1218, %select_n3A_1215 : vector<16xf32>
    %eq3A_1222 = arith.cmpf oeq, %get3A_1218, %select_n3A_1215 : vector<16xf32>
    %lt3A_1223 = arith.cmpi slt, %get3A_1220, %select_n3A_1216 : vector<16xi32>
    %and3A_1224 = arith.andi %eq3A_1222, %lt3A_1223 : vector<16xi1>
    %or3A_1225 = arith.ori %gt3A_1221, %and3A_1224 : vector<16xi1>
    %select_n3A_1226 = arith.select %or3A_1225, %get3A_1218, %select_n3A_1215 : vector<16xi1>, vector<16xf32>
    %select_n3A_1227 = arith.select %or3A_1225, %get3A_1220, %select_n3A_1216 : vector<16xi1>, vector<16xi32>
    %get3A_1228 = arith.constant 736 : index
    %get3A_1229 = tpu.vector_load %arg12[%get3A_1228] {strides = array<i32>} : memref<2048xf32, #tpu.memory_space<vmem>>, vector<16xf32>,
    %get3A_1230 = arith.constant 736 : index
    %get3A_1231 = tpu.vector_load %arg13[%get3A_1230] {strides = array<i32>} : memref<2048xi32, #tpu.memory_space<vmem>>, vector<16xi32>,
    %gt3A_1232 = arith.cmpf ogt, %get3A_1229, %select_n3A_1226 : vector<16xf32>
    %eq3A_1233 = arith.cmpf oeq, %get3A_1229, %select_n3A_1226 : vector<16xf32>
    %lt3A_1234 = arith.cmpi slt, %get3A_1231, %select_n3A_1227 : vector<16xi32>
    %and3A_1235 = arith.andi %eq3A_1233, %lt3A_1234 : vector<16xi1>
    %or3A_1236 = arith.ori %gt3A_1232, %and3A_1235 : vector<16xi1>
    %select_n3A_1237 = arith.select %or3A_1236, %get3A_1229, %select_n3A_1226 : vector<16xi1>, vector<16xf32>
    %select_n3A_1238 = arith.select %or3A_1236, %get3A_1231, %select_n3A_1227 : vector<16xi1>, vector<16xi32>
    %get3A_1239 = arith.constant 864 : index
    %get3A_1240 = tpu.vector_load %arg12[%get3A_1239] {strides = array<i32>} : memref<2048xf32, #tpu.memory_space<vmem>>, vector<16xf32>,
    %get3A_1241 = arith.constant 864 : index
    %get3A_1242 = tpu.vector_load %arg13[%get3A_1241] {strides = array<i32>} : memref<2048xi32, #tpu.memory_space<vmem>>, vector<16xi32>,
    %gt3A_1243 = arith.cmpf ogt, %get3A_1240, %select_n3A_1237 : vector<16xf32>
    %eq3A_1244 = arith.cmpf oeq, %get3A_1240, %select_n3A_1237 : vector<16xf32>
    %lt3A_1245 = arith.cmpi slt, %get3A_1242, %select_n3A_1238 : vector<16xi32>
    %and3A_1246 = arith.andi %eq3A_1244, %lt3A_1245 : vector<16xi1>
    %or3A_1247 = arith.ori %gt3A_1243, %and3A_1246 : vector<16xi1>
    %select_n3A_1248 = arith.select %or3A_1247, %get3A_1240, %select_n3A_1237 : vector<16xi1>, vector<16xf32>
    %select_n3A_1249 = arith.select %or3A_1247, %get3A_1242, %select_n3A_1238 : vector<16xi1>, vector<16xi32>
    %get3A_1250 = arith.constant 992 : index
    %get3A_1251 = tpu.vector_load %arg12[%get3A_1250] {strides = array<i32>} : memref<2048xf32, #tpu.memory_space<vmem>>, vector<16xf32>,
    %get3A_1252 = arith.constant 992 : index
    %get3A_1253 = tpu.vector_load %arg13[%get3A_1252] {strides = array<i32>} : memref<2048xi32, #tpu.memory_space<vmem>>, vector<16xi32>,
    %gt3A_1254 = arith.cmpf ogt, %get3A_1251, %select_n3A_1248 : vector<16xf32>
    %eq3A_1255 = arith.cmpf oeq, %get3A_1251, %select_n3A_1248 : vector<16xf32>
    %lt3A_1256 = arith.cmpi slt, %get3A_1253, %select_n3A_1249 : vector<16xi32>
    %and3A_1257 = arith.andi %eq3A_1255, %lt3A_1256 : vector<16xi1>
    %or3A_1258 = arith.ori %gt3A_1254, %and3A_1257 : vector<16xi1>
    %select_n3A_1259 = arith.select %or3A_1258, %get3A_1251, %select_n3A_1248 : vector<16xi1>, vector<16xf32>
    %select_n3A_1260 = arith.select %or3A_1258, %get3A_1253, %select_n3A_1249 : vector<16xi1>, vector<16xi32>
    %get3A_1261 = arith.constant 1120 : index
    %get3A_1262 = tpu.vector_load %arg12[%get3A_1261] {strides = array<i32>} : memref<2048xf32, #tpu.memory_space<vmem>>, vector<16xf32>,
    %get3A_1263 = arith.constant 1120 : index
    %get3A_1264 = tpu.vector_load %arg13[%get3A_1263] {strides = array<i32>} : memref<2048xi32, #tpu.memory_space<vmem>>, vector<16xi32>,
    %gt3A_1265 = arith.cmpf ogt, %get3A_1262, %select_n3A_1259 : vector<16xf32>
    %eq3A_1266 = arith.cmpf oeq, %get3A_1262, %select_n3A_1259 : vector<16xf32>
    %lt3A_1267 = arith.cmpi slt, %get3A_1264, %select_n3A_1260 : vector<16xi32>
    %and3A_1268 = arith.andi %eq3A_1266, %lt3A_1267 : vector<16xi1>
    %or3A_1269 = arith.ori %gt3A_1265, %and3A_1268 : vector<16xi1>
    %select_n3A_1270 = arith.select %or3A_1269, %get3A_1262, %select_n3A_1259 : vector<16xi1>, vector<16xf32>
    %select_n3A_1271 = arith.select %or3A_1269, %get3A_1264, %select_n3A_1260 : vector<16xi1>, vector<16xi32>
    %get3A_1272 = arith.constant 1248 : index
    %get3A_1273 = tpu.vector_load %arg12[%get3A_1272] {strides = array<i32>} : memref<2048xf32, #tpu.memory_space<vmem>>, vector<16xf32>,
    %get3A_1274 = arith.constant 1248 : index
    %get3A_1275 = tpu.vector_load %arg13[%get3A_1274] {strides = array<i32>} : memref<2048xi32, #tpu.memory_space<vmem>>, vector<16xi32>,
    %gt3A_1276 = arith.cmpf ogt, %get3A_1273, %select_n3A_1270 : vector<16xf32>
    %eq3A_1277 = arith.cmpf oeq, %get3A_1273, %select_n3A_1270 : vector<16xf32>
    %lt3A_1278 = arith.cmpi slt, %get3A_1275, %select_n3A_1271 : vector<16xi32>
    %and3A_1279 = arith.andi %eq3A_1277, %lt3A_1278 : vector<16xi1>
    %or3A_1280 = arith.ori %gt3A_1276, %and3A_1279 : vector<16xi1>
    %select_n3A_1281 = arith.select %or3A_1280, %get3A_1273, %select_n3A_1270 : vector<16xi1>, vector<16xf32>
    %select_n3A_1282 = arith.select %or3A_1280, %get3A_1275, %select_n3A_1271 : vector<16xi1>, vector<16xi32>
    %get3A_1283 = arith.constant 1376 : index
    %get3A_1284 = tpu.vector_load %arg12[%get3A_1283] {strides = array<i32>} : memref<2048xf32, #tpu.memory_space<vmem>>, vector<16xf32>,
    %get3A_1285 = arith.constant 1376 : index
    %get3A_1286 = tpu.vector_load %arg13[%get3A_1285] {strides = array<i32>} : memref<2048xi32, #tpu.memory_space<vmem>>, vector<16xi32>,
    %gt3A_1287 = arith.cmpf ogt, %get3A_1284, %select_n3A_1281 : vector<16xf32>
    %eq3A_1288 = arith.cmpf oeq, %get3A_1284, %select_n3A_1281 : vector<16xf32>
    %lt3A_1289 = arith.cmpi slt, %get3A_1286, %select_n3A_1282 : vector<16xi32>
    %and3A_1290 = arith.andi %eq3A_1288, %lt3A_1289 : vector<16xi1>
    %or3A_1291 = arith.ori %gt3A_1287, %and3A_1290 : vector<16xi1>
    %select_n3A_1292 = arith.select %or3A_1291, %get3A_1284, %select_n3A_1281 : vector<16xi1>, vector<16xf32>
    %select_n3A_1293 = arith.select %or3A_1291, %get3A_1286, %select_n3A_1282 : vector<16xi1>, vector<16xi32>
    %get3A_1294 = arith.constant 1504 : index
    %get3A_1295 = tpu.vector_load %arg12[%get3A_1294] {strides = array<i32>} : memref<2048xf32, #tpu.memory_space<vmem>>, vector<16xf32>,
    %get3A_1296 = arith.constant 1504 : index
    %get3A_1297 = tpu.vector_load %arg13[%get3A_1296] {strides = array<i32>} : memref<2048xi32, #tpu.memory_space<vmem>>, vector<16xi32>,
    %gt3A_1298 = arith.cmpf ogt, %get3A_1295, %select_n3A_1292 : vector<16xf32>
    %eq3A_1299 = arith.cmpf oeq, %get3A_1295, %select_n3A_1292 : vector<16xf32>
    %lt3A_1300 = arith.cmpi slt, %get3A_1297, %select_n3A_1293 : vector<16xi32>
    %and3A_1301 = arith.andi %eq3A_1299, %lt3A_1300 : vector<16xi1>
    %or3A_1302 = arith.ori %gt3A_1298, %and3A_1301 : vector<16xi1>
    %select_n3A_1303 = arith.select %or3A_1302, %get3A_1295, %select_n3A_1292 : vector<16xi1>, vector<16xf32>
    %select_n3A_1304 = arith.select %or3A_1302, %get3A_1297, %select_n3A_1293 : vector<16xi1>, vector<16xi32>
    %get3A_1305 = arith.constant 1632 : index
    %get3A_1306 = tpu.vector_load %arg12[%get3A_1305] {strides = array<i32>} : memref<2048xf32, #tpu.memory_space<vmem>>, vector<16xf32>,
    %get3A_1307 = arith.constant 1632 : index
    %get3A_1308 = tpu.vector_load %arg13[%get3A_1307] {strides = array<i32>} : memref<2048xi32, #tpu.memory_space<vmem>>, vector<16xi32>,
    %gt3A_1309 = arith.cmpf ogt, %get3A_1306, %select_n3A_1303 : vector<16xf32>
    %eq3A_1310 = arith.cmpf oeq, %get3A_1306, %select_n3A_1303 : vector<16xf32>
    %lt3A_1311 = arith.cmpi slt, %get3A_1308, %select_n3A_1304 : vector<16xi32>
    %and3A_1312 = arith.andi %eq3A_1310, %lt3A_1311 : vector<16xi1>
    %or3A_1313 = arith.ori %gt3A_1309, %and3A_1312 : vector<16xi1>
    %select_n3A_1314 = arith.select %or3A_1313, %get3A_1306, %select_n3A_1303 : vector<16xi1>, vector<16xf32>
    %select_n3A_1315 = arith.select %or3A_1313, %get3A_1308, %select_n3A_1304 : vector<16xi1>, vector<16xi32>
    %get3A_1316 = arith.constant 1760 : index
    %get3A_1317 = tpu.vector_load %arg12[%get3A_1316] {strides = array<i32>} : memref<2048xf32, #tpu.memory_space<vmem>>, vector<16xf32>,
    %get3A_1318 = arith.constant 1760 : index
    %get3A_1319 = tpu.vector_load %arg13[%get3A_1318] {strides = array<i32>} : memref<2048xi32, #tpu.memory_space<vmem>>, vector<16xi32>,
    %gt3A_1320 = arith.cmpf ogt, %get3A_1317, %select_n3A_1314 : vector<16xf32>
    %eq3A_1321 = arith.cmpf oeq, %get3A_1317, %select_n3A_1314 : vector<16xf32>
    %lt3A_1322 = arith.cmpi slt, %get3A_1319, %select_n3A_1315 : vector<16xi32>
    %and3A_1323 = arith.andi %eq3A_1321, %lt3A_1322 : vector<16xi1>
    %or3A_1324 = arith.ori %gt3A_1320, %and3A_1323 : vector<16xi1>
    %select_n3A_1325 = arith.select %or3A_1324, %get3A_1317, %select_n3A_1314 : vector<16xi1>, vector<16xf32>
    %select_n3A_1326 = arith.select %or3A_1324, %get3A_1319, %select_n3A_1315 : vector<16xi1>, vector<16xi32>
    %get3A_1327 = arith.constant 1888 : index
    %get3A_1328 = tpu.vector_load %arg12[%get3A_1327] {strides = array<i32>} : memref<2048xf32, #tpu.memory_space<vmem>>, vector<16xf32>,
    %get3A_1329 = arith.constant 1888 : index
    %get3A_1330 = tpu.vector_load %arg13[%get3A_1329] {strides = array<i32>} : memref<2048xi32, #tpu.memory_space<vmem>>, vector<16xi32>,
    %gt3A_1331 = arith.cmpf ogt, %get3A_1328, %select_n3A_1325 : vector<16xf32>
    %eq3A_1332 = arith.cmpf oeq, %get3A_1328, %select_n3A_1325 : vector<16xf32>
    %lt3A_1333 = arith.cmpi slt, %get3A_1330, %select_n3A_1326 : vector<16xi32>
    %and3A_1334 = arith.andi %eq3A_1332, %lt3A_1333 : vector<16xi1>
    %or3A_1335 = arith.ori %gt3A_1331, %and3A_1334 : vector<16xi1>
    %select_n3A_1336 = arith.select %or3A_1335, %get3A_1328, %select_n3A_1325 : vector<16xi1>, vector<16xf32>
    %select_n3A_1337 = arith.select %or3A_1335, %get3A_1330, %select_n3A_1326 : vector<16xi1>, vector<16xi32>
    %get3A_1338 = arith.constant 2016 : index
    %get3A_1339 = tpu.vector_load %arg12[%get3A_1338] {strides = array<i32>} : memref<2048xf32, #tpu.memory_space<vmem>>, vector<16xf32>,
    %get3A_1340 = arith.constant 2016 : index
    %get3A_1341 = tpu.vector_load %arg13[%get3A_1340] {strides = array<i32>} : memref<2048xi32, #tpu.memory_space<vmem>>, vector<16xi32>,
    %gt3A_1342 = arith.cmpf ogt, %get3A_1339, %select_n3A_1336 : vector<16xf32>
    %eq3A_1343 = arith.cmpf oeq, %get3A_1339, %select_n3A_1336 : vector<16xf32>
    %lt3A_1344 = arith.cmpi slt, %get3A_1341, %select_n3A_1337 : vector<16xi32>
    %and3A_1345 = arith.andi %eq3A_1343, %lt3A_1344 : vector<16xi1>
    %or3A_1346 = arith.ori %gt3A_1342, %and3A_1345 : vector<16xi1>
    %select_n3A_1347 = arith.select %or3A_1346, %get3A_1339, %select_n3A_1336 : vector<16xi1>, vector<16xf32>
    %select_n3A_1348 = arith.select %or3A_1346, %get3A_1341, %select_n3A_1337 : vector<16xi1>, vector<16xi32>
    %swap3A_1349 = arith.constant 96 : index
    %swap3A_1350 = tpu.vector_load %arg14[%swap3A_1349] {strides = array<i32>} : memref<128xf32, #tpu.memory_space<vmem>>, vector<16xf32>,
    tpu.vector_store %arg14[%swap3A_1349], %select_n3A_1347 {strides = array<i32>} : memref<128xf32, #tpu.memory_space<vmem>>, vector<16xf32>,
    %swap3A_1351 = arith.constant 96 : index
    %swap3A_1352 = tpu.vector_load %arg15[%swap3A_1351] {strides = array<i32>} : memref<128xi32, #tpu.memory_space<vmem>>, vector<16xi32>,
    tpu.vector_store %arg15[%swap3A_1351], %select_n3A_1348 {strides = array<i32>} : memref<128xi32, #tpu.memory_space<vmem>>, vector<16xi32>,
    %broadcast_in_dim3A_1353 = arith.constant 0xFF800000 : f32
    %broadcast_in_dim3A_1354 = vector.broadcast %broadcast_in_dim3A_1353 : f32 to vector<16xf32>
    %broadcast_in_dim3A_1355 = arith.constant 1073741824 : i32
    %broadcast_in_dim3A_1356 = vector.broadcast %broadcast_in_dim3A_1355 : i32 to vector<16xi32>
    %get3A_1357 = arith.constant 112 : index
    %get3A_1358 = tpu.vector_load %arg12[%get3A_1357] {strides = array<i32>} : memref<2048xf32, #tpu.memory_space<vmem>>, vector<16xf32>,
    %get3A_1359 = arith.constant 112 : index
    %get3A_1360 = tpu.vector_load %arg13[%get3A_1359] {strides = array<i32>} : memref<2048xi32, #tpu.memory_space<vmem>>, vector<16xi32>,
    %gt3A_1361 = arith.cmpf ogt, %get3A_1358, %broadcast_in_dim3A_1354 : vector<16xf32>
    %eq3A_1362 = arith.cmpf oeq, %get3A_1358, %broadcast_in_dim3A_1354 : vector<16xf32>
    %lt3A_1363 = arith.cmpi slt, %get3A_1360, %broadcast_in_dim3A_1356 : vector<16xi32>
    %and3A_1364 = arith.andi %eq3A_1362, %lt3A_1363 : vector<16xi1>
    %or3A_1365 = arith.ori %gt3A_1361, %and3A_1364 : vector<16xi1>
    %select_n3A_1366 = arith.select %or3A_1365, %get3A_1358, %broadcast_in_dim3A_1354 : vector<16xi1>, vector<16xf32>
    %select_n3A_1367 = arith.select %or3A_1365, %get3A_1360, %broadcast_in_dim3A_1356 : vector<16xi1>, vector<16xi32>
    %get3A_1368 = arith.constant 240 : index
    %get3A_1369 = tpu.vector_load %arg12[%get3A_1368] {strides = array<i32>} : memref<2048xf32, #tpu.memory_space<vmem>>, vector<16xf32>,
    %get3A_1370 = arith.constant 240 : index
    %get3A_1371 = tpu.vector_load %arg13[%get3A_1370] {strides = array<i32>} : memref<2048xi32, #tpu.memory_space<vmem>>, vector<16xi32>,
    %gt3A_1372 = arith.cmpf ogt, %get3A_1369, %select_n3A_1366 : vector<16xf32>
    %eq3A_1373 = arith.cmpf oeq, %get3A_1369, %select_n3A_1366 : vector<16xf32>
    %lt3A_1374 = arith.cmpi slt, %get3A_1371, %select_n3A_1367 : vector<16xi32>
    %and3A_1375 = arith.andi %eq3A_1373, %lt3A_1374 : vector<16xi1>
    %or3A_1376 = arith.ori %gt3A_1372, %and3A_1375 : vector<16xi1>
    %select_n3A_1377 = arith.select %or3A_1376, %get3A_1369, %select_n3A_1366 : vector<16xi1>, vector<16xf32>
    %select_n3A_1378 = arith.select %or3A_1376, %get3A_1371, %select_n3A_1367 : vector<16xi1>, vector<16xi32>
    %get3A_1379 = arith.constant 368 : index
    %get3A_1380 = tpu.vector_load %arg12[%get3A_1379] {strides = array<i32>} : memref<2048xf32, #tpu.memory_space<vmem>>, vector<16xf32>,
    %get3A_1381 = arith.constant 368 : index
    %get3A_1382 = tpu.vector_load %arg13[%get3A_1381] {strides = array<i32>} : memref<2048xi32, #tpu.memory_space<vmem>>, vector<16xi32>,
    %gt3A_1383 = arith.cmpf ogt, %get3A_1380, %select_n3A_1377 : vector<16xf32>
    %eq3A_1384 = arith.cmpf oeq, %get3A_1380, %select_n3A_1377 : vector<16xf32>
    %lt3A_1385 = arith.cmpi slt, %get3A_1382, %select_n3A_1378 : vector<16xi32>
    %and3A_1386 = arith.andi %eq3A_1384, %lt3A_1385 : vector<16xi1>
    %or3A_1387 = arith.ori %gt3A_1383, %and3A_1386 : vector<16xi1>
    %select_n3A_1388 = arith.select %or3A_1387, %get3A_1380, %select_n3A_1377 : vector<16xi1>, vector<16xf32>
    %select_n3A_1389 = arith.select %or3A_1387, %get3A_1382, %select_n3A_1378 : vector<16xi1>, vector<16xi32>
    %get3A_1390 = arith.constant 496 : index
    %get3A_1391 = tpu.vector_load %arg12[%get3A_1390] {strides = array<i32>} : memref<2048xf32, #tpu.memory_space<vmem>>, vector<16xf32>,
    %get3A_1392 = arith.constant 496 : index
    %get3A_1393 = tpu.vector_load %arg13[%get3A_1392] {strides = array<i32>} : memref<2048xi32, #tpu.memory_space<vmem>>, vector<16xi32>,
    %gt3A_1394 = arith.cmpf ogt, %get3A_1391, %select_n3A_1388 : vector<16xf32>
    %eq3A_1395 = arith.cmpf oeq, %get3A_1391, %select_n3A_1388 : vector<16xf32>
    %lt3A_1396 = arith.cmpi slt, %get3A_1393, %select_n3A_1389 : vector<16xi32>
    %and3A_1397 = arith.andi %eq3A_1395, %lt3A_1396 : vector<16xi1>
    %or3A_1398 = arith.ori %gt3A_1394, %and3A_1397 : vector<16xi1>
    %select_n3A_1399 = arith.select %or3A_1398, %get3A_1391, %select_n3A_1388 : vector<16xi1>, vector<16xf32>
    %select_n3A_1400 = arith.select %or3A_1398, %get3A_1393, %select_n3A_1389 : vector<16xi1>, vector<16xi32>
    %get3A_1401 = arith.constant 624 : index
    %get3A_1402 = tpu.vector_load %arg12[%get3A_1401] {strides = array<i32>} : memref<2048xf32, #tpu.memory_space<vmem>>, vector<16xf32>,
    %get3A_1403 = arith.constant 624 : index
    %get3A_1404 = tpu.vector_load %arg13[%get3A_1403] {strides = array<i32>} : memref<2048xi32, #tpu.memory_space<vmem>>, vector<16xi32>,
    %gt3A_1405 = arith.cmpf ogt, %get3A_1402, %select_n3A_1399 : vector<16xf32>
    %eq3A_1406 = arith.cmpf oeq, %get3A_1402, %select_n3A_1399 : vector<16xf32>
    %lt3A_1407 = arith.cmpi slt, %get3A_1404, %select_n3A_1400 : vector<16xi32>
    %and3A_1408 = arith.andi %eq3A_1406, %lt3A_1407 : vector<16xi1>
    %or3A_1409 = arith.ori %gt3A_1405, %and3A_1408 : vector<16xi1>
    %select_n3A_1410 = arith.select %or3A_1409, %get3A_1402, %select_n3A_1399 : vector<16xi1>, vector<16xf32>
    %select_n3A_1411 = arith.select %or3A_1409, %get3A_1404, %select_n3A_1400 : vector<16xi1>, vector<16xi32>
    %get3A_1412 = arith.constant 752 : index
    %get3A_1413 = tpu.vector_load %arg12[%get3A_1412] {strides = array<i32>} : memref<2048xf32, #tpu.memory_space<vmem>>, vector<16xf32>,
    %get3A_1414 = arith.constant 752 : index
    %get3A_1415 = tpu.vector_load %arg13[%get3A_1414] {strides = array<i32>} : memref<2048xi32, #tpu.memory_space<vmem>>, vector<16xi32>,
    %gt3A_1416 = arith.cmpf ogt, %get3A_1413, %select_n3A_1410 : vector<16xf32>
    %eq3A_1417 = arith.cmpf oeq, %get3A_1413, %select_n3A_1410 : vector<16xf32>
    %lt3A_1418 = arith.cmpi slt, %get3A_1415, %select_n3A_1411 : vector<16xi32>
    %and3A_1419 = arith.andi %eq3A_1417, %lt3A_1418 : vector<16xi1>
    %or3A_1420 = arith.ori %gt3A_1416, %and3A_1419 : vector<16xi1>
    %select_n3A_1421 = arith.select %or3A_1420, %get3A_1413, %select_n3A_1410 : vector<16xi1>, vector<16xf32>
    %select_n3A_1422 = arith.select %or3A_1420, %get3A_1415, %select_n3A_1411 : vector<16xi1>, vector<16xi32>
    %get3A_1423 = arith.constant 880 : index
    %get3A_1424 = tpu.vector_load %arg12[%get3A_1423] {strides = array<i32>} : memref<2048xf32, #tpu.memory_space<vmem>>, vector<16xf32>,
    %get3A_1425 = arith.constant 880 : index
    %get3A_1426 = tpu.vector_load %arg13[%get3A_1425] {strides = array<i32>} : memref<2048xi32, #tpu.memory_space<vmem>>, vector<16xi32>,
    %gt3A_1427 = arith.cmpf ogt, %get3A_1424, %select_n3A_1421 : vector<16xf32>
    %eq3A_1428 = arith.cmpf oeq, %get3A_1424, %select_n3A_1421 : vector<16xf32>
    %lt3A_1429 = arith.cmpi slt, %get3A_1426, %select_n3A_1422 : vector<16xi32>
    %and3A_1430 = arith.andi %eq3A_1428, %lt3A_1429 : vector<16xi1>
    %or3A_1431 = arith.ori %gt3A_1427, %and3A_1430 : vector<16xi1>
    %select_n3A_1432 = arith.select %or3A_1431, %get3A_1424, %select_n3A_1421 : vector<16xi1>, vector<16xf32>
    %select_n3A_1433 = arith.select %or3A_1431, %get3A_1426, %select_n3A_1422 : vector<16xi1>, vector<16xi32>
    %get3A_1434 = arith.constant 1008 : index
    %get3A_1435 = tpu.vector_load %arg12[%get3A_1434] {strides = array<i32>} : memref<2048xf32, #tpu.memory_space<vmem>>, vector<16xf32>,
    %get3A_1436 = arith.constant 1008 : index
    %get3A_1437 = tpu.vector_load %arg13[%get3A_1436] {strides = array<i32>} : memref<2048xi32, #tpu.memory_space<vmem>>, vector<16xi32>,
    %gt3A_1438 = arith.cmpf ogt, %get3A_1435, %select_n3A_1432 : vector<16xf32>
    %eq3A_1439 = arith.cmpf oeq, %get3A_1435, %select_n3A_1432 : vector<16xf32>
    %lt3A_1440 = arith.cmpi slt, %get3A_1437, %select_n3A_1433 : vector<16xi32>
    %and3A_1441 = arith.andi %eq3A_1439, %lt3A_1440 : vector<16xi1>
    %or3A_1442 = arith.ori %gt3A_1438, %and3A_1441 : vector<16xi1>
    %select_n3A_1443 = arith.select %or3A_1442, %get3A_1435, %select_n3A_1432 : vector<16xi1>, vector<16xf32>
    %select_n3A_1444 = arith.select %or3A_1442, %get3A_1437, %select_n3A_1433 : vector<16xi1>, vector<16xi32>
    %get3A_1445 = arith.constant 1136 : index
    %get3A_1446 = tpu.vector_load %arg12[%get3A_1445] {strides = array<i32>} : memref<2048xf32, #tpu.memory_space<vmem>>, vector<16xf32>,
    %get3A_1447 = arith.constant 1136 : index
    %get3A_1448 = tpu.vector_load %arg13[%get3A_1447] {strides = array<i32>} : memref<2048xi32, #tpu.memory_space<vmem>>, vector<16xi32>,
    %gt3A_1449 = arith.cmpf ogt, %get3A_1446, %select_n3A_1443 : vector<16xf32>
    %eq3A_1450 = arith.cmpf oeq, %get3A_1446, %select_n3A_1443 : vector<16xf32>
    %lt3A_1451 = arith.cmpi slt, %get3A_1448, %select_n3A_1444 : vector<16xi32>
    %and3A_1452 = arith.andi %eq3A_1450, %lt3A_1451 : vector<16xi1>
    %or3A_1453 = arith.ori %gt3A_1449, %and3A_1452 : vector<16xi1>
    %select_n3A_1454 = arith.select %or3A_1453, %get3A_1446, %select_n3A_1443 : vector<16xi1>, vector<16xf32>
    %select_n3A_1455 = arith.select %or3A_1453, %get3A_1448, %select_n3A_1444 : vector<16xi1>, vector<16xi32>
    %get3A_1456 = arith.constant 1264 : index
    %get3A_1457 = tpu.vector_load %arg12[%get3A_1456] {strides = array<i32>} : memref<2048xf32, #tpu.memory_space<vmem>>, vector<16xf32>,
    %get3A_1458 = arith.constant 1264 : index
    %get3A_1459 = tpu.vector_load %arg13[%get3A_1458] {strides = array<i32>} : memref<2048xi32, #tpu.memory_space<vmem>>, vector<16xi32>,
    %gt3A_1460 = arith.cmpf ogt, %get3A_1457, %select_n3A_1454 : vector<16xf32>
    %eq3A_1461 = arith.cmpf oeq, %get3A_1457, %select_n3A_1454 : vector<16xf32>
    %lt3A_1462 = arith.cmpi slt, %get3A_1459, %select_n3A_1455 : vector<16xi32>
    %and3A_1463 = arith.andi %eq3A_1461, %lt3A_1462 : vector<16xi1>
    %or3A_1464 = arith.ori %gt3A_1460, %and3A_1463 : vector<16xi1>
    %select_n3A_1465 = arith.select %or3A_1464, %get3A_1457, %select_n3A_1454 : vector<16xi1>, vector<16xf32>
    %select_n3A_1466 = arith.select %or3A_1464, %get3A_1459, %select_n3A_1455 : vector<16xi1>, vector<16xi32>
    %get3A_1467 = arith.constant 1392 : index
    %get3A_1468 = tpu.vector_load %arg12[%get3A_1467] {strides = array<i32>} : memref<2048xf32, #tpu.memory_space<vmem>>, vector<16xf32>,
    %get3A_1469 = arith.constant 1392 : index
    %get3A_1470 = tpu.vector_load %arg13[%get3A_1469] {strides = array<i32>} : memref<2048xi32, #tpu.memory_space<vmem>>, vector<16xi32>,
    %gt3A_1471 = arith.cmpf ogt, %get3A_1468, %select_n3A_1465 : vector<16xf32>
    %eq3A_1472 = arith.cmpf oeq, %get3A_1468, %select_n3A_1465 : vector<16xf32>
    %lt3A_1473 = arith.cmpi slt, %get3A_1470, %select_n3A_1466 : vector<16xi32>
    %and3A_1474 = arith.andi %eq3A_1472, %lt3A_1473 : vector<16xi1>
    %or3A_1475 = arith.ori %gt3A_1471, %and3A_1474 : vector<16xi1>
    %select_n3A_1476 = arith.select %or3A_1475, %get3A_1468, %select_n3A_1465 : vector<16xi1>, vector<16xf32>
    %select_n3A_1477 = arith.select %or3A_1475, %get3A_1470, %select_n3A_1466 : vector<16xi1>, vector<16xi32>
    %get3A_1478 = arith.constant 1520 : index
    %get3A_1479 = tpu.vector_load %arg12[%get3A_1478] {strides = array<i32>} : memref<2048xf32, #tpu.memory_space<vmem>>, vector<16xf32>,
    %get3A_1480 = arith.constant 1520 : index
    %get3A_1481 = tpu.vector_load %arg13[%get3A_1480] {strides = array<i32>} : memref<2048xi32, #tpu.memory_space<vmem>>, vector<16xi32>,
    %gt3A_1482 = arith.cmpf ogt, %get3A_1479, %select_n3A_1476 : vector<16xf32>
    %eq3A_1483 = arith.cmpf oeq, %get3A_1479, %select_n3A_1476 : vector<16xf32>
    %lt3A_1484 = arith.cmpi slt, %get3A_1481, %select_n3A_1477 : vector<16xi32>
    %and3A_1485 = arith.andi %eq3A_1483, %lt3A_1484 : vector<16xi1>
    %or3A_1486 = arith.ori %gt3A_1482, %and3A_1485 : vector<16xi1>
    %select_n3A_1487 = arith.select %or3A_1486, %get3A_1479, %select_n3A_1476 : vector<16xi1>, vector<16xf32>
    %select_n3A_1488 = arith.select %or3A_1486, %get3A_1481, %select_n3A_1477 : vector<16xi1>, vector<16xi32>
    %get3A_1489 = arith.constant 1648 : index
    %get3A_1490 = tpu.vector_load %arg12[%get3A_1489] {strides = array<i32>} : memref<2048xf32, #tpu.memory_space<vmem>>, vector<16xf32>,
    %get3A_1491 = arith.constant 1648 : index
    %get3A_1492 = tpu.vector_load %arg13[%get3A_1491] {strides = array<i32>} : memref<2048xi32, #tpu.memory_space<vmem>>, vector<16xi32>,
    %gt3A_1493 = arith.cmpf ogt, %get3A_1490, %select_n3A_1487 : vector<16xf32>
    %eq3A_1494 = arith.cmpf oeq, %get3A_1490, %select_n3A_1487 : vector<16xf32>
    %lt3A_1495 = arith.cmpi slt, %get3A_1492, %select_n3A_1488 : vector<16xi32>
    %and3A_1496 = arith.andi %eq3A_1494, %lt3A_1495 : vector<16xi1>
    %or3A_1497 = arith.ori %gt3A_1493, %and3A_1496 : vector<16xi1>
    %select_n3A_1498 = arith.select %or3A_1497, %get3A_1490, %select_n3A_1487 : vector<16xi1>, vector<16xf32>
    %select_n3A_1499 = arith.select %or3A_1497, %get3A_1492, %select_n3A_1488 : vector<16xi1>, vector<16xi32>
    %get3A_1500 = arith.constant 1776 : index
    %get3A_1501 = tpu.vector_load %arg12[%get3A_1500] {strides = array<i32>} : memref<2048xf32, #tpu.memory_space<vmem>>, vector<16xf32>,
    %get3A_1502 = arith.constant 1776 : index
    %get3A_1503 = tpu.vector_load %arg13[%get3A_1502] {strides = array<i32>} : memref<2048xi32, #tpu.memory_space<vmem>>, vector<16xi32>,
    %gt3A_1504 = arith.cmpf ogt, %get3A_1501, %select_n3A_1498 : vector<16xf32>
    %eq3A_1505 = arith.cmpf oeq, %get3A_1501, %select_n3A_1498 : vector<16xf32>
    %lt3A_1506 = arith.cmpi slt, %get3A_1503, %select_n3A_1499 : vector<16xi32>
    %and3A_1507 = arith.andi %eq3A_1505, %lt3A_1506 : vector<16xi1>
    %or3A_1508 = arith.ori %gt3A_1504, %and3A_1507 : vector<16xi1>
    %select_n3A_1509 = arith.select %or3A_1508, %get3A_1501, %select_n3A_1498 : vector<16xi1>, vector<16xf32>
    %select_n3A_1510 = arith.select %or3A_1508, %get3A_1503, %select_n3A_1499 : vector<16xi1>, vector<16xi32>
    %get3A_1511 = arith.constant 1904 : index
    %get3A_1512 = tpu.vector_load %arg12[%get3A_1511] {strides = array<i32>} : memref<2048xf32, #tpu.memory_space<vmem>>, vector<16xf32>,
    %get3A_1513 = arith.constant 1904 : index
    %get3A_1514 = tpu.vector_load %arg13[%get3A_1513] {strides = array<i32>} : memref<2048xi32, #tpu.memory_space<vmem>>, vector<16xi32>,
    %gt3A_1515 = arith.cmpf ogt, %get3A_1512, %select_n3A_1509 : vector<16xf32>
    %eq3A_1516 = arith.cmpf oeq, %get3A_1512, %select_n3A_1509 : vector<16xf32>
    %lt3A_1517 = arith.cmpi slt, %get3A_1514, %select_n3A_1510 : vector<16xi32>
    %and3A_1518 = arith.andi %eq3A_1516, %lt3A_1517 : vector<16xi1>
    %or3A_1519 = arith.ori %gt3A_1515, %and3A_1518 : vector<16xi1>
    %select_n3A_1520 = arith.select %or3A_1519, %get3A_1512, %select_n3A_1509 : vector<16xi1>, vector<16xf32>
    %select_n3A_1521 = arith.select %or3A_1519, %get3A_1514, %select_n3A_1510 : vector<16xi1>, vector<16xi32>
    %get3A_1522 = arith.constant 2032 : index
    %get3A_1523 = tpu.vector_load %arg12[%get3A_1522] {strides = array<i32>} : memref<2048xf32, #tpu.memory_space<vmem>>, vector<16xf32>,
    %get3A_1524 = arith.constant 2032 : index
    %get3A_1525 = tpu.vector_load %arg13[%get3A_1524] {strides = array<i32>} : memref<2048xi32, #tpu.memory_space<vmem>>, vector<16xi32>,
    %gt3A_1526 = arith.cmpf ogt, %get3A_1523, %select_n3A_1520 : vector<16xf32>
    %eq3A_1527 = arith.cmpf oeq, %get3A_1523, %select_n3A_1520 : vector<16xf32>
    %lt3A_1528 = arith.cmpi slt, %get3A_1525, %select_n3A_1521 : vector<16xi32>
    %and3A_1529 = arith.andi %eq3A_1527, %lt3A_1528 : vector<16xi1>
    %or3A_1530 = arith.ori %gt3A_1526, %and3A_1529 : vector<16xi1>
    %select_n3A_1531 = arith.select %or3A_1530, %get3A_1523, %select_n3A_1520 : vector<16xi1>, vector<16xf32>
    %select_n3A_1532 = arith.select %or3A_1530, %get3A_1525, %select_n3A_1521 : vector<16xi1>, vector<16xi32>
    %swap3A_1533 = arith.constant 112 : index
    %swap3A_1534 = tpu.vector_load %arg14[%swap3A_1533] {strides = array<i32>} : memref<128xf32, #tpu.memory_space<vmem>>, vector<16xf32>,
    tpu.vector_store %arg14[%swap3A_1533], %select_n3A_1531 {strides = array<i32>} : memref<128xf32, #tpu.memory_space<vmem>>, vector<16xf32>,
    %swap3A_1535 = arith.constant 112 : index
    %swap3A_1536 = tpu.vector_load %arg15[%swap3A_1535] {strides = array<i32>} : memref<128xi32, #tpu.memory_space<vmem>>, vector<16xi32>,
    tpu.vector_store %arg15[%swap3A_1535], %select_n3A_1532 {strides = array<i32>} : memref<128xi32, #tpu.memory_space<vmem>>, vector<16xi32>,
    "tpu.region"() ({
      %run_scoped3A = tpu.sem_alloc : memref<!tpu.dma_semaphore, #tpu.memory_space<semaphore_mem>>
      %dma_start3A_1626 = arith.constant 0 : i32
      %dma_start3A_1627 = tpu.memref_slice %arg18[%arg1, %dma_start3A_1626] : memref<16x128xf32, #tpu.memory_space<vmem_shared>> -> memref<1x128xf32, #tpu.memory_space<vmem_shared>>
      %dma_start3A_1628 = tpu.memref_squeeze %dma_start3A_1627 : memref<1x128xf32, #tpu.memory_space<vmem_shared>> -> memref<128xf32, #tpu.memory_space<vmem_shared>>
      %dma_start3A_1629 = arith.constant 0 : i32
      %dma_start3A_1630 = tpu.memref_slice %arg18[%arg1, %dma_start3A_1629] : memref<16x128xf32, #tpu.memory_space<vmem_shared>> -> memref<1x128xf32, #tpu.memory_space<vmem_shared>>
      %dma_start3A_1631 = tpu.memref_squeeze %dma_start3A_1630 : memref<1x128xf32, #tpu.memory_space<vmem_shared>> -> memref<128xf32, #tpu.memory_space<vmem_shared>>
      tpu.enqueue_dma source(%arg14 : memref<128xf32, #tpu.memory_space<vmem>>) target(%dma_start3A_1631 : memref<128xf32, #tpu.memory_space<vmem_shared>>) target_semaphore(%run_scoped3A : memref<!tpu.dma_semaphore, #tpu.memory_space<semaphore_mem>>)
      %dma_wait3A_1632 = arith.constant 0 : i32
      %dma_wait3A_1633 = tpu.memref_slice %arg18[%arg1, %dma_wait3A_1632] : memref<16x128xf32, #tpu.memory_space<vmem_shared>> -> memref<1x128xf32, #tpu.memory_space<vmem_shared>>
      %dma_wait3A_1634 = tpu.memref_squeeze %dma_wait3A_1633 : memref<1x128xf32, #tpu.memory_space<vmem_shared>> -> memref<128xf32, #tpu.memory_space<vmem_shared>>
      %dma_wait3A_1635 = arith.constant 0 : i32
      %dma_wait3A_1636 = tpu.memref_slice %arg18[%arg1, %dma_wait3A_1635] : memref<16x128xf32, #tpu.memory_space<vmem_shared>> -> memref<1x128xf32, #tpu.memory_space<vmem_shared>>
      %dma_wait3A_1637 = tpu.memref_squeeze %dma_wait3A_1636 : memref<1x128xf32, #tpu.memory_space<vmem_shared>> -> memref<128xf32, #tpu.memory_space<vmem_shared>>
      tpu.wait_dma2 semaphore(%run_scoped3A : memref<!tpu.dma_semaphore, #tpu.memory_space<semaphore_mem>>) src(%arg14 : memref<128xf32, #tpu.memory_space<vmem>>) dst(%dma_wait3A_1637 : memref<128xf32, #tpu.memory_space<vmem_shared>>)
      tpu.yield
    }) : () -> ()
    "tpu.region"() ({
      %run_scoped3A = tpu.sem_alloc : memref<!tpu.dma_semaphore, #tpu.memory_space<semaphore_mem>>
      %dma_start3A_1626 = arith.constant 0 : i32
      %dma_start3A_1627 = tpu.memref_slice %arg19[%arg1, %dma_start3A_1626] : memref<16x128xi32, #tpu.memory_space<vmem_shared>> -> memref<1x128xi32, #tpu.memory_space<vmem_shared>>
      %dma_start3A_1628 = tpu.memref_squeeze %dma_start3A_1627 : memref<1x128xi32, #tpu.memory_space<vmem_shared>> -> memref<128xi32, #tpu.memory_space<vmem_shared>>
      %dma_start3A_1629 = arith.constant 0 : i32
      %dma_start3A_1630 = tpu.memref_slice %arg19[%arg1, %dma_start3A_1629] : memref<16x128xi32, #tpu.memory_space<vmem_shared>> -> memref<1x128xi32, #tpu.memory_space<vmem_shared>>
      %dma_start3A_1631 = tpu.memref_squeeze %dma_start3A_1630 : memref<1x128xi32, #tpu.memory_space<vmem_shared>> -> memref<128xi32, #tpu.memory_space<vmem_shared>>
      tpu.enqueue_dma source(%arg15 : memref<128xi32, #tpu.memory_space<vmem>>) target(%dma_start3A_1631 : memref<128xi32, #tpu.memory_space<vmem_shared>>) target_semaphore(%run_scoped3A : memref<!tpu.dma_semaphore, #tpu.memory_space<semaphore_mem>>)
      %dma_wait3A_1632 = arith.constant 0 : i32
      %dma_wait3A_1633 = tpu.memref_slice %arg19[%arg1, %dma_wait3A_1632] : memref<16x128xi32, #tpu.memory_space<vmem_shared>> -> memref<1x128xi32, #tpu.memory_space<vmem_shared>>
      %dma_wait3A_1634 = tpu.memref_squeeze %dma_wait3A_1633 : memref<1x128xi32, #tpu.memory_space<vmem_shared>> -> memref<128xi32, #tpu.memory_space<vmem_shared>>
      %dma_wait3A_1635 = arith.constant 0 : i32
      %dma_wait3A_1636 = tpu.memref_slice %arg19[%arg1, %dma_wait3A_1635] : memref<16x128xi32, #tpu.memory_space<vmem_shared>> -> memref<1x128xi32, #tpu.memory_space<vmem_shared>>
      %dma_wait3A_1637 = tpu.memref_squeeze %dma_wait3A_1636 : memref<1x128xi32, #tpu.memory_space<vmem_shared>> -> memref<128xi32, #tpu.memory_space<vmem_shared>>
      tpu.wait_dma2 semaphore(%run_scoped3A : memref<!tpu.dma_semaphore, #tpu.memory_space<semaphore_mem>>) src(%arg15 : memref<128xi32, #tpu.memory_space<vmem>>) dst(%dma_wait3A_1637 : memref<128xi32, #tpu.memory_space<vmem_shared>>)
      tpu.yield
    }) : () -> ()
    %barrier3A = arith.constant 0 : index
    tpu.barrier barrier_id(%barrier3A)
    %convert_element_type3A = arith.extui %eq3A_32 : i1 to i32
    %cond3A = arith.constant 0 : i32
    %cond3A_1537 = arith.cmpi ne, %convert_element_type3A, %cond3A : i32
    scf.if %cond3A_1537 {
      %add3A_1626 = arith.constant 1 : i32
      %add3A_1627 = arith.addi %arg1, %add3A_1626 : i32
      %dma_start3A_1628 = arith.constant 0 : i32
      %dma_start3A_1629 = arith.constant 0 : i32
      %dma_start3A_1630 = tpu.memref_slice %arg16[%dma_start3A_1628, %dma_start3A_1629] : memref<3x128xf32, #tpu.memory_space<vmem>> -> memref<1x128xf32, #tpu.memory_space<vmem>>
      %dma_start3A_1631 = tpu.memref_squeeze %dma_start3A_1630 : memref<1x128xf32, #tpu.memory_space<vmem>> -> memref<128xf32, #tpu.memory_space<vmem>>
      %dma_start3A_1632 = arith.constant 0 : i32
      %dma_start3A_1633 = tpu.memref_slice %arg18[%add3A_1627, %dma_start3A_1632] : memref<16x128xf32, #tpu.memory_space<vmem_shared>> -> memref<1x128xf32, #tpu.memory_space<vmem_shared>>
      %dma_start3A_1634 = tpu.memref_squeeze %dma_start3A_1633 : memref<1x128xf32, #tpu.memory_space<vmem_shared>> -> memref<128xf32, #tpu.memory_space<vmem_shared>>
      %dma_start3A_1635 = arith.constant 0 : i32
      %dma_start3A_1636 = tpu.memref_slice %arg16[%dma_start3A_1628, %dma_start3A_1635] : memref<3x128xf32, #tpu.memory_space<vmem>> -> memref<1x128xf32, #tpu.memory_space<vmem>>
      %dma_start3A_1637 = tpu.memref_squeeze %dma_start3A_1636 : memref<1x128xf32, #tpu.memory_space<vmem>> -> memref<128xf32, #tpu.memory_space<vmem>>
      %dma_start3A_1638 = arith.constant 0 : i32
      %dma_start3A_1639 = tpu.memref_slice %arg18[%add3A_1627, %dma_start3A_1638] : memref<16x128xf32, #tpu.memory_space<vmem_shared>> -> memref<1x128xf32, #tpu.memory_space<vmem_shared>>
      %dma_start3A_1640 = tpu.memref_squeeze %dma_start3A_1639 : memref<1x128xf32, #tpu.memory_space<vmem_shared>> -> memref<128xf32, #tpu.memory_space<vmem_shared>>
      tpu.enqueue_dma source(%dma_start3A_1640 : memref<128xf32, #tpu.memory_space<vmem_shared>>) target(%dma_start3A_1637 : memref<128xf32, #tpu.memory_space<vmem>>) target_semaphore(%arg30 : memref<!tpu.dma_semaphore, #tpu.memory_space<semaphore_mem>>)
      %add3A_1641 = arith.constant 2 : i32
      %add3A_1642 = arith.addi %arg1, %add3A_1641 : i32
      %dma_start3A_1643 = arith.constant 1 : i32
      %dma_start3A_1644 = arith.constant 0 : i32
      %dma_start3A_1645 = tpu.memref_slice %arg16[%dma_start3A_1643, %dma_start3A_1644] : memref<3x128xf32, #tpu.memory_space<vmem>> -> memref<1x128xf32, #tpu.memory_space<vmem>>
      %dma_start3A_1646 = tpu.memref_squeeze %dma_start3A_1645 : memref<1x128xf32, #tpu.memory_space<vmem>> -> memref<128xf32, #tpu.memory_space<vmem>>
      %dma_start3A_1647 = arith.constant 0 : i32
      %dma_start3A_1648 = tpu.memref_slice %arg18[%add3A_1642, %dma_start3A_1647] : memref<16x128xf32, #tpu.memory_space<vmem_shared>> -> memref<1x128xf32, #tpu.memory_space<vmem_shared>>
      %dma_start3A_1649 = tpu.memref_squeeze %dma_start3A_1648 : memref<1x128xf32, #tpu.memory_space<vmem_shared>> -> memref<128xf32, #tpu.memory_space<vmem_shared>>
      %dma_start3A_1650 = arith.constant 0 : i32
      %dma_start3A_1651 = tpu.memref_slice %arg16[%dma_start3A_1643, %dma_start3A_1650] : memref<3x128xf32, #tpu.memory_space<vmem>> -> memref<1x128xf32, #tpu.memory_space<vmem>>
      %dma_start3A_1652 = tpu.memref_squeeze %dma_start3A_1651 : memref<1x128xf32, #tpu.memory_space<vmem>> -> memref<128xf32, #tpu.memory_space<vmem>>
      %dma_start3A_1653 = arith.constant 0 : i32
      %dma_start3A_1654 = tpu.memref_slice %arg18[%add3A_1642, %dma_start3A_1653] : memref<16x128xf32, #tpu.memory_space<vmem_shared>> -> memref<1x128xf32, #tpu.memory_space<vmem_shared>>
      %dma_start3A_1655 = tpu.memref_squeeze %dma_start3A_1654 : memref<1x128xf32, #tpu.memory_space<vmem_shared>> -> memref<128xf32, #tpu.memory_space<vmem_shared>>
      tpu.enqueue_dma source(%dma_start3A_1655 : memref<128xf32, #tpu.memory_space<vmem_shared>>) target(%dma_start3A_1652 : memref<128xf32, #tpu.memory_space<vmem>>) target_semaphore(%arg30 : memref<!tpu.dma_semaphore, #tpu.memory_space<semaphore_mem>>)
      %add3A_1656 = arith.constant 3 : i32
      %add3A_1657 = arith.addi %arg1, %add3A_1656 : i32
      %dma_start3A_1658 = arith.constant 2 : i32
      %dma_start3A_1659 = arith.constant 0 : i32
      %dma_start3A_1660 = tpu.memref_slice %arg16[%dma_start3A_1658, %dma_start3A_1659] : memref<3x128xf32, #tpu.memory_space<vmem>> -> memref<1x128xf32, #tpu.memory_space<vmem>>
      %dma_start3A_1661 = tpu.memref_squeeze %dma_start3A_1660 : memref<1x128xf32, #tpu.memory_space<vmem>> -> memref<128xf32, #tpu.memory_space<vmem>>
      %dma_start3A_1662 = arith.constant 0 : i32
      %dma_start3A_1663 = tpu.memref_slice %arg18[%add3A_1657, %dma_start3A_1662] : memref<16x128xf32, #tpu.memory_space<vmem_shared>> -> memref<1x128xf32, #tpu.memory_space<vmem_shared>>
      %dma_start3A_1664 = tpu.memref_squeeze %dma_start3A_1663 : memref<1x128xf32, #tpu.memory_space<vmem_shared>> -> memref<128xf32, #tpu.memory_space<vmem_shared>>
      %dma_start3A_1665 = arith.constant 0 : i32
      %dma_start3A_1666 = tpu.memref_slice %arg16[%dma_start3A_1658, %dma_start3A_1665] : memref<3x128xf32, #tpu.memory_space<vmem>> -> memref<1x128xf32, #tpu.memory_space<vmem>>
      %dma_start3A_1667 = tpu.memref_squeeze %dma_start3A_1666 : memref<1x128xf32, #tpu.memory_space<vmem>> -> memref<128xf32, #tpu.memory_space<vmem>>
      %dma_start3A_1668 = arith.constant 0 : i32
      %dma_start3A_1669 = tpu.memref_slice %arg18[%add3A_1657, %dma_start3A_1668] : memref<16x128xf32, #tpu.memory_space<vmem_shared>> -> memref<1x128xf32, #tpu.memory_space<vmem_shared>>
      %dma_start3A_1670 = tpu.memref_squeeze %dma_start3A_1669 : memref<1x128xf32, #tpu.memory_space<vmem_shared>> -> memref<128xf32, #tpu.memory_space<vmem_shared>>
      tpu.enqueue_dma source(%dma_start3A_1670 : memref<128xf32, #tpu.memory_space<vmem_shared>>) target(%dma_start3A_1667 : memref<128xf32, #tpu.memory_space<vmem>>) target_semaphore(%arg30 : memref<!tpu.dma_semaphore, #tpu.memory_space<semaphore_mem>>)
      %add3A_1671 = arith.constant 1 : i32
      %add3A_1672 = arith.addi %arg1, %add3A_1671 : i32
      %dma_start3A_1673 = arith.constant 0 : i32
      %dma_start3A_1674 = arith.constant 0 : i32
      %dma_start3A_1675 = tpu.memref_slice %arg17[%dma_start3A_1673, %dma_start3A_1674] : memref<3x128xi32, #tpu.memory_space<vmem>> -> memref<1x128xi32, #tpu.memory_space<vmem>>
      %dma_start3A_1676 = tpu.memref_squeeze %dma_start3A_1675 : memref<1x128xi32, #tpu.memory_space<vmem>> -> memref<128xi32, #tpu.memory_space<vmem>>
      %dma_start3A_1677 = arith.constant 0 : i32
      %dma_start3A_1678 = tpu.memref_slice %arg19[%add3A_1672, %dma_start3A_1677] : memref<16x128xi32, #tpu.memory_space<vmem_shared>> -> memref<1x128xi32, #tpu.memory_space<vmem_shared>>
      %dma_start3A_1679 = tpu.memref_squeeze %dma_start3A_1678 : memref<1x128xi32, #tpu.memory_space<vmem_shared>> -> memref<128xi32, #tpu.memory_space<vmem_shared>>
      %dma_start3A_1680 = arith.constant 0 : i32
      %dma_start3A_1681 = tpu.memref_slice %arg17[%dma_start3A_1673, %dma_start3A_1680] : memref<3x128xi32, #tpu.memory_space<vmem>> -> memref<1x128xi32, #tpu.memory_space<vmem>>
      %dma_start3A_1682 = tpu.memref_squeeze %dma_start3A_1681 : memref<1x128xi32, #tpu.memory_space<vmem>> -> memref<128xi32, #tpu.memory_space<vmem>>
      %dma_start3A_1683 = arith.constant 0 : i32
      %dma_start3A_1684 = tpu.memref_slice %arg19[%add3A_1672, %dma_start3A_1683] : memref<16x128xi32, #tpu.memory_space<vmem_shared>> -> memref<1x128xi32, #tpu.memory_space<vmem_shared>>
      %dma_start3A_1685 = tpu.memref_squeeze %dma_start3A_1684 : memref<1x128xi32, #tpu.memory_space<vmem_shared>> -> memref<128xi32, #tpu.memory_space<vmem_shared>>
      tpu.enqueue_dma source(%dma_start3A_1685 : memref<128xi32, #tpu.memory_space<vmem_shared>>) target(%dma_start3A_1682 : memref<128xi32, #tpu.memory_space<vmem>>) target_semaphore(%arg31 : memref<!tpu.dma_semaphore, #tpu.memory_space<semaphore_mem>>)
      %add3A_1686 = arith.constant 2 : i32
      %add3A_1687 = arith.addi %arg1, %add3A_1686 : i32
      %dma_start3A_1688 = arith.constant 1 : i32
      %dma_start3A_1689 = arith.constant 0 : i32
      %dma_start3A_1690 = tpu.memref_slice %arg17[%dma_start3A_1688, %dma_start3A_1689] : memref<3x128xi32, #tpu.memory_space<vmem>> -> memref<1x128xi32, #tpu.memory_space<vmem>>
      %dma_start3A_1691 = tpu.memref_squeeze %dma_start3A_1690 : memref<1x128xi32, #tpu.memory_space<vmem>> -> memref<128xi32, #tpu.memory_space<vmem>>
      %dma_start3A_1692 = arith.constant 0 : i32
      %dma_start3A_1693 = tpu.memref_slice %arg19[%add3A_1687, %dma_start3A_1692] : memref<16x128xi32, #tpu.memory_space<vmem_shared>> -> memref<1x128xi32, #tpu.memory_space<vmem_shared>>
      %dma_start3A_1694 = tpu.memref_squeeze %dma_start3A_1693 : memref<1x128xi32, #tpu.memory_space<vmem_shared>> -> memref<128xi32, #tpu.memory_space<vmem_shared>>
      %dma_start3A_1695 = arith.constant 0 : i32
      %dma_start3A_1696 = tpu.memref_slice %arg17[%dma_start3A_1688, %dma_start3A_1695] : memref<3x128xi32, #tpu.memory_space<vmem>> -> memref<1x128xi32, #tpu.memory_space<vmem>>
      %dma_start3A_1697 = tpu.memref_squeeze %dma_start3A_1696 : memref<1x128xi32, #tpu.memory_space<vmem>> -> memref<128xi32, #tpu.memory_space<vmem>>
      %dma_start3A_1698 = arith.constant 0 : i32
      %dma_start3A_1699 = tpu.memref_slice %arg19[%add3A_1687, %dma_start3A_1698] : memref<16x128xi32, #tpu.memory_space<vmem_shared>> -> memref<1x128xi32, #tpu.memory_space<vmem_shared>>
      %dma_start3A_1700 = tpu.memref_squeeze %dma_start3A_1699 : memref<1x128xi32, #tpu.memory_space<vmem_shared>> -> memref<128xi32, #tpu.memory_space<vmem_shared>>
      tpu.enqueue_dma source(%dma_start3A_1700 : memref<128xi32, #tpu.memory_space<vmem_shared>>) target(%dma_start3A_1697 : memref<128xi32, #tpu.memory_space<vmem>>) target_semaphore(%arg31 : memref<!tpu.dma_semaphore, #tpu.memory_space<semaphore_mem>>)
      %add3A_1701 = arith.constant 3 : i32
      %add3A_1702 = arith.addi %arg1, %add3A_1701 : i32
      %dma_start3A_1703 = arith.constant 2 : i32
      %dma_start3A_1704 = arith.constant 0 : i32
      %dma_start3A_1705 = tpu.memref_slice %arg17[%dma_start3A_1703, %dma_start3A_1704] : memref<3x128xi32, #tpu.memory_space<vmem>> -> memref<1x128xi32, #tpu.memory_space<vmem>>
      %dma_start3A_1706 = tpu.memref_squeeze %dma_start3A_1705 : memref<1x128xi32, #tpu.memory_space<vmem>> -> memref<128xi32, #tpu.memory_space<vmem>>
      %dma_start3A_1707 = arith.constant 0 : i32
      %dma_start3A_1708 = tpu.memref_slice %arg19[%add3A_1702, %dma_start3A_1707] : memref<16x128xi32, #tpu.memory_space<vmem_shared>> -> memref<1x128xi32, #tpu.memory_space<vmem_shared>>
      %dma_start3A_1709 = tpu.memref_squeeze %dma_start3A_1708 : memref<1x128xi32, #tpu.memory_space<vmem_shared>> -> memref<128xi32, #tpu.memory_space<vmem_shared>>
      %dma_start3A_1710 = arith.constant 0 : i32
      %dma_start3A_1711 = tpu.memref_slice %arg17[%dma_start3A_1703, %dma_start3A_1710] : memref<3x128xi32, #tpu.memory_space<vmem>> -> memref<1x128xi32, #tpu.memory_space<vmem>>
      %dma_start3A_1712 = tpu.memref_squeeze %dma_start3A_1711 : memref<1x128xi32, #tpu.memory_space<vmem>> -> memref<128xi32, #tpu.memory_space<vmem>>
      %dma_start3A_1713 = arith.constant 0 : i32
      %dma_start3A_1714 = tpu.memref_slice %arg19[%add3A_1702, %dma_start3A_1713] : memref<16x128xi32, #tpu.memory_space<vmem_shared>> -> memref<1x128xi32, #tpu.memory_space<vmem_shared>>
      %dma_start3A_1715 = tpu.memref_squeeze %dma_start3A_1714 : memref<1x128xi32, #tpu.memory_space<vmem_shared>> -> memref<128xi32, #tpu.memory_space<vmem_shared>>
      tpu.enqueue_dma source(%dma_start3A_1715 : memref<128xi32, #tpu.memory_space<vmem_shared>>) target(%dma_start3A_1712 : memref<128xi32, #tpu.memory_space<vmem>>) target_semaphore(%arg31 : memref<!tpu.dma_semaphore, #tpu.memory_space<semaphore_mem>>)
      %dma_wait3A_1716 = arith.constant 0 : i32
      %dma_wait3A_1717 = arith.constant 0 : i32
      %dma_wait3A_1718 = tpu.memref_slice %arg16[%dma_wait3A_1716, %dma_wait3A_1717] : memref<3x128xf32, #tpu.memory_space<vmem>> -> memref<1x128xf32, #tpu.memory_space<vmem>>
      %dma_wait3A_1719 = tpu.memref_squeeze %dma_wait3A_1718 : memref<1x128xf32, #tpu.memory_space<vmem>> -> memref<128xf32, #tpu.memory_space<vmem>>
      %dma_wait3A_1720 = arith.constant 0 : i32
      %dma_wait3A_1721 = tpu.memref_slice %arg18[%add3A_1627, %dma_wait3A_1720] : memref<16x128xf32, #tpu.memory_space<vmem_shared>> -> memref<1x128xf32, #tpu.memory_space<vmem_shared>>
      %dma_wait3A_1722 = tpu.memref_squeeze %dma_wait3A_1721 : memref<1x128xf32, #tpu.memory_space<vmem_shared>> -> memref<128xf32, #tpu.memory_space<vmem_shared>>
      %dma_wait3A_1723 = arith.constant 0 : i32
      %dma_wait3A_1724 = tpu.memref_slice %arg16[%dma_wait3A_1716, %dma_wait3A_1723] : memref<3x128xf32, #tpu.memory_space<vmem>> -> memref<1x128xf32, #tpu.memory_space<vmem>>
      %dma_wait3A_1725 = tpu.memref_squeeze %dma_wait3A_1724 : memref<1x128xf32, #tpu.memory_space<vmem>> -> memref<128xf32, #tpu.memory_space<vmem>>
      %dma_wait3A_1726 = arith.constant 0 : i32
      %dma_wait3A_1727 = tpu.memref_slice %arg18[%add3A_1627, %dma_wait3A_1726] : memref<16x128xf32, #tpu.memory_space<vmem_shared>> -> memref<1x128xf32, #tpu.memory_space<vmem_shared>>
      %dma_wait3A_1728 = tpu.memref_squeeze %dma_wait3A_1727 : memref<1x128xf32, #tpu.memory_space<vmem_shared>> -> memref<128xf32, #tpu.memory_space<vmem_shared>>
      tpu.wait_dma2 semaphore(%arg30 : memref<!tpu.dma_semaphore, #tpu.memory_space<semaphore_mem>>) src(%dma_wait3A_1728 : memref<128xf32, #tpu.memory_space<vmem_shared>>) dst(%dma_wait3A_1725 : memref<128xf32, #tpu.memory_space<vmem>>)
      %dma_wait3A_1729 = arith.constant 1 : i32
      %dma_wait3A_1730 = arith.constant 0 : i32
      %dma_wait3A_1731 = tpu.memref_slice %arg16[%dma_wait3A_1729, %dma_wait3A_1730] : memref<3x128xf32, #tpu.memory_space<vmem>> -> memref<1x128xf32, #tpu.memory_space<vmem>>
      %dma_wait3A_1732 = tpu.memref_squeeze %dma_wait3A_1731 : memref<1x128xf32, #tpu.memory_space<vmem>> -> memref<128xf32, #tpu.memory_space<vmem>>
      %dma_wait3A_1733 = arith.constant 0 : i32
      %dma_wait3A_1734 = tpu.memref_slice %arg18[%add3A_1642, %dma_wait3A_1733] : memref<16x128xf32, #tpu.memory_space<vmem_shared>> -> memref<1x128xf32, #tpu.memory_space<vmem_shared>>
      %dma_wait3A_1735 = tpu.memref_squeeze %dma_wait3A_1734 : memref<1x128xf32, #tpu.memory_space<vmem_shared>> -> memref<128xf32, #tpu.memory_space<vmem_shared>>
      %dma_wait3A_1736 = arith.constant 0 : i32
      %dma_wait3A_1737 = tpu.memref_slice %arg16[%dma_wait3A_1729, %dma_wait3A_1736] : memref<3x128xf32, #tpu.memory_space<vmem>> -> memref<1x128xf32, #tpu.memory_space<vmem>>
      %dma_wait3A_1738 = tpu.memref_squeeze %dma_wait3A_1737 : memref<1x128xf32, #tpu.memory_space<vmem>> -> memref<128xf32, #tpu.memory_space<vmem>>
      %dma_wait3A_1739 = arith.constant 0 : i32
      %dma_wait3A_1740 = tpu.memref_slice %arg18[%add3A_1642, %dma_wait3A_1739] : memref<16x128xf32, #tpu.memory_space<vmem_shared>> -> memref<1x128xf32, #tpu.memory_space<vmem_shared>>
      %dma_wait3A_1741 = tpu.memref_squeeze %dma_wait3A_1740 : memref<1x128xf32, #tpu.memory_space<vmem_shared>> -> memref<128xf32, #tpu.memory_space<vmem_shared>>
      tpu.wait_dma2 semaphore(%arg30 : memref<!tpu.dma_semaphore, #tpu.memory_space<semaphore_mem>>) src(%dma_wait3A_1741 : memref<128xf32, #tpu.memory_space<vmem_shared>>) dst(%dma_wait3A_1738 : memref<128xf32, #tpu.memory_space<vmem>>)
      %dma_wait3A_1742 = arith.constant 2 : i32
      %dma_wait3A_1743 = arith.constant 0 : i32
      %dma_wait3A_1744 = tpu.memref_slice %arg16[%dma_wait3A_1742, %dma_wait3A_1743] : memref<3x128xf32, #tpu.memory_space<vmem>> -> memref<1x128xf32, #tpu.memory_space<vmem>>
      %dma_wait3A_1745 = tpu.memref_squeeze %dma_wait3A_1744 : memref<1x128xf32, #tpu.memory_space<vmem>> -> memref<128xf32, #tpu.memory_space<vmem>>
      %dma_wait3A_1746 = arith.constant 0 : i32
      %dma_wait3A_1747 = tpu.memref_slice %arg18[%add3A_1657, %dma_wait3A_1746] : memref<16x128xf32, #tpu.memory_space<vmem_shared>> -> memref<1x128xf32, #tpu.memory_space<vmem_shared>>
      %dma_wait3A_1748 = tpu.memref_squeeze %dma_wait3A_1747 : memref<1x128xf32, #tpu.memory_space<vmem_shared>> -> memref<128xf32, #tpu.memory_space<vmem_shared>>
      %dma_wait3A_1749 = arith.constant 0 : i32
      %dma_wait3A_1750 = tpu.memref_slice %arg16[%dma_wait3A_1742, %dma_wait3A_1749] : memref<3x128xf32, #tpu.memory_space<vmem>> -> memref<1x128xf32, #tpu.memory_space<vmem>>
      %dma_wait3A_1751 = tpu.memref_squeeze %dma_wait3A_1750 : memref<1x128xf32, #tpu.memory_space<vmem>> -> memref<128xf32, #tpu.memory_space<vmem>>
      %dma_wait3A_1752 = arith.constant 0 : i32
      %dma_wait3A_1753 = tpu.memref_slice %arg18[%add3A_1657, %dma_wait3A_1752] : memref<16x128xf32, #tpu.memory_space<vmem_shared>> -> memref<1x128xf32, #tpu.memory_space<vmem_shared>>
      %dma_wait3A_1754 = tpu.memref_squeeze %dma_wait3A_1753 : memref<1x128xf32, #tpu.memory_space<vmem_shared>> -> memref<128xf32, #tpu.memory_space<vmem_shared>>
      tpu.wait_dma2 semaphore(%arg30 : memref<!tpu.dma_semaphore, #tpu.memory_space<semaphore_mem>>) src(%dma_wait3A_1754 : memref<128xf32, #tpu.memory_space<vmem_shared>>) dst(%dma_wait3A_1751 : memref<128xf32, #tpu.memory_space<vmem>>)
      %dma_wait3A_1755 = arith.constant 0 : i32
      %dma_wait3A_1756 = arith.constant 0 : i32
      %dma_wait3A_1757 = tpu.memref_slice %arg17[%dma_wait3A_1755, %dma_wait3A_1756] : memref<3x128xi32, #tpu.memory_space<vmem>> -> memref<1x128xi32, #tpu.memory_space<vmem>>
      %dma_wait3A_1758 = tpu.memref_squeeze %dma_wait3A_1757 : memref<1x128xi32, #tpu.memory_space<vmem>> -> memref<128xi32, #tpu.memory_space<vmem>>
      %dma_wait3A_1759 = arith.constant 0 : i32
      %dma_wait3A_1760 = tpu.memref_slice %arg19[%add3A_1672, %dma_wait3A_1759] : memref<16x128xi32, #tpu.memory_space<vmem_shared>> -> memref<1x128xi32, #tpu.memory_space<vmem_shared>>
      %dma_wait3A_1761 = tpu.memref_squeeze %dma_wait3A_1760 : memref<1x128xi32, #tpu.memory_space<vmem_shared>> -> memref<128xi32, #tpu.memory_space<vmem_shared>>
      %dma_wait3A_1762 = arith.constant 0 : i32
      %dma_wait3A_1763 = tpu.memref_slice %arg17[%dma_wait3A_1755, %dma_wait3A_1762] : memref<3x128xi32, #tpu.memory_space<vmem>> -> memref<1x128xi32, #tpu.memory_space<vmem>>
      %dma_wait3A_1764 = tpu.memref_squeeze %dma_wait3A_1763 : memref<1x128xi32, #tpu.memory_space<vmem>> -> memref<128xi32, #tpu.memory_space<vmem>>
      %dma_wait3A_1765 = arith.constant 0 : i32
      %dma_wait3A_1766 = tpu.memref_slice %arg19[%add3A_1672, %dma_wait3A_1765] : memref<16x128xi32, #tpu.memory_space<vmem_shared>> -> memref<1x128xi32, #tpu.memory_space<vmem_shared>>
      %dma_wait3A_1767 = tpu.memref_squeeze %dma_wait3A_1766 : memref<1x128xi32, #tpu.memory_space<vmem_shared>> -> memref<128xi32, #tpu.memory_space<vmem_shared>>
      tpu.wait_dma2 semaphore(%arg31 : memref<!tpu.dma_semaphore, #tpu.memory_space<semaphore_mem>>) src(%dma_wait3A_1767 : memref<128xi32, #tpu.memory_space<vmem_shared>>) dst(%dma_wait3A_1764 : memref<128xi32, #tpu.memory_space<vmem>>)
      %dma_wait3A_1768 = arith.constant 1 : i32
      %dma_wait3A_1769 = arith.constant 0 : i32
      %dma_wait3A_1770 = tpu.memref_slice %arg17[%dma_wait3A_1768, %dma_wait3A_1769] : memref<3x128xi32, #tpu.memory_space<vmem>> -> memref<1x128xi32, #tpu.memory_space<vmem>>
      %dma_wait3A_1771 = tpu.memref_squeeze %dma_wait3A_1770 : memref<1x128xi32, #tpu.memory_space<vmem>> -> memref<128xi32, #tpu.memory_space<vmem>>
      %dma_wait3A_1772 = arith.constant 0 : i32
      %dma_wait3A_1773 = tpu.memref_slice %arg19[%add3A_1687, %dma_wait3A_1772] : memref<16x128xi32, #tpu.memory_space<vmem_shared>> -> memref<1x128xi32, #tpu.memory_space<vmem_shared>>
      %dma_wait3A_1774 = tpu.memref_squeeze %dma_wait3A_1773 : memref<1x128xi32, #tpu.memory_space<vmem_shared>> -> memref<128xi32, #tpu.memory_space<vmem_shared>>
      %dma_wait3A_1775 = arith.constant 0 : i32
      %dma_wait3A_1776 = tpu.memref_slice %arg17[%dma_wait3A_1768, %dma_wait3A_1775] : memref<3x128xi32, #tpu.memory_space<vmem>> -> memref<1x128xi32, #tpu.memory_space<vmem>>
      %dma_wait3A_1777 = tpu.memref_squeeze %dma_wait3A_1776 : memref<1x128xi32, #tpu.memory_space<vmem>> -> memref<128xi32, #tpu.memory_space<vmem>>
      %dma_wait3A_1778 = arith.constant 0 : i32
      %dma_wait3A_1779 = tpu.memref_slice %arg19[%add3A_1687, %dma_wait3A_1778] : memref<16x128xi32, #tpu.memory_space<vmem_shared>> -> memref<1x128xi32, #tpu.memory_space<vmem_shared>>
      %dma_wait3A_1780 = tpu.memref_squeeze %dma_wait3A_1779 : memref<1x128xi32, #tpu.memory_space<vmem_shared>> -> memref<128xi32, #tpu.memory_space<vmem_shared>>
      tpu.wait_dma2 semaphore(%arg31 : memref<!tpu.dma_semaphore, #tpu.memory_space<semaphore_mem>>) src(%dma_wait3A_1780 : memref<128xi32, #tpu.memory_space<vmem_shared>>) dst(%dma_wait3A_1777 : memref<128xi32, #tpu.memory_space<vmem>>)
      %dma_wait3A_1781 = arith.constant 2 : i32
      %dma_wait3A_1782 = arith.constant 0 : i32
      %dma_wait3A_1783 = tpu.memref_slice %arg17[%dma_wait3A_1781, %dma_wait3A_1782] : memref<3x128xi32, #tpu.memory_space<vmem>> -> memref<1x128xi32, #tpu.memory_space<vmem>>
      %dma_wait3A_1784 = tpu.memref_squeeze %dma_wait3A_1783 : memref<1x128xi32, #tpu.memory_space<vmem>> -> memref<128xi32, #tpu.memory_space<vmem>>
      %dma_wait3A_1785 = arith.constant 0 : i32
      %dma_wait3A_1786 = tpu.memref_slice %arg19[%add3A_1702, %dma_wait3A_1785] : memref<16x128xi32, #tpu.memory_space<vmem_shared>> -> memref<1x128xi32, #tpu.memory_space<vmem_shared>>
      %dma_wait3A_1787 = tpu.memref_squeeze %dma_wait3A_1786 : memref<1x128xi32, #tpu.memory_space<vmem_shared>> -> memref<128xi32, #tpu.memory_space<vmem_shared>>
      %dma_wait3A_1788 = arith.constant 0 : i32
      %dma_wait3A_1789 = tpu.memref_slice %arg17[%dma_wait3A_1781, %dma_wait3A_1788] : memref<3x128xi32, #tpu.memory_space<vmem>> -> memref<1x128xi32, #tpu.memory_space<vmem>>
      %dma_wait3A_1790 = tpu.memref_squeeze %dma_wait3A_1789 : memref<1x128xi32, #tpu.memory_space<vmem>> -> memref<128xi32, #tpu.memory_space<vmem>>
      %dma_wait3A_1791 = arith.constant 0 : i32
      %dma_wait3A_1792 = tpu.memref_slice %arg19[%add3A_1702, %dma_wait3A_1791] : memref<16x128xi32, #tpu.memory_space<vmem_shared>> -> memref<1x128xi32, #tpu.memory_space<vmem_shared>>
      %dma_wait3A_1793 = tpu.memref_squeeze %dma_wait3A_1792 : memref<1x128xi32, #tpu.memory_space<vmem_shared>> -> memref<128xi32, #tpu.memory_space<vmem_shared>>
      tpu.wait_dma2 semaphore(%arg31 : memref<!tpu.dma_semaphore, #tpu.memory_space<semaphore_mem>>) src(%dma_wait3A_1793 : memref<128xi32, #tpu.memory_space<vmem_shared>>) dst(%dma_wait3A_1790 : memref<128xi32, #tpu.memory_space<vmem>>)
      %get3A_1794 = arith.constant 0 : index
      %get3A_1795 = tpu.vector_load %arg14[%get3A_1794] {strides = array<i32>} : memref<128xf32, #tpu.memory_space<vmem>>, vector<16xf32>,
      %get3A_1796 = arith.constant 0 : index
      %get3A_1797 = tpu.vector_load %arg15[%get3A_1796] {strides = array<i32>} : memref<128xi32, #tpu.memory_space<vmem>>, vector<16xi32>,
      %get3A_1798 = arith.constant 0 : i32
      %get3A_1799 = arith.index_cast %get3A_1798 : i32 to index
      %get3A_1800 = arith.constant 0 : index
      %get3A_1801 = tpu.vector_load %arg16[%get3A_1799, %get3A_1800] {strides = array<i32>} : memref<3x128xf32, #tpu.memory_space<vmem>>, vector<16xf32>,
      %get3A_1802 = arith.constant 0 : i32
      %get3A_1803 = arith.index_cast %get3A_1802 : i32 to index
      %get3A_1804 = arith.constant 0 : index
      %get3A_1805 = tpu.vector_load %arg17[%get3A_1803, %get3A_1804] {strides = array<i32>} : memref<3x128xi32, #tpu.memory_space<vmem>>, vector<16xi32>,
      %gt3A_1806 = arith.cmpf ogt, %get3A_1801, %get3A_1795 : vector<16xf32>
      %eq3A_1807 = arith.cmpf oeq, %get3A_1801, %get3A_1795 : vector<16xf32>
      %lt3A_1808 = arith.cmpi slt, %get3A_1805, %get3A_1797 : vector<16xi32>
      %and3A_1809 = arith.andi %eq3A_1807, %lt3A_1808 : vector<16xi1>
      %or3A_1810 = arith.ori %gt3A_1806, %and3A_1809 : vector<16xi1>
      %select_n3A_1811 = arith.select %or3A_1810, %get3A_1801, %get3A_1795 : vector<16xi1>, vector<16xf32>
      %swap3A_1812 = arith.constant 0 : index
      %swap3A_1813 = tpu.vector_load %arg14[%swap3A_1812] {strides = array<i32>} : memref<128xf32, #tpu.memory_space<vmem>>, vector<16xf32>,
      tpu.vector_store %arg14[%swap3A_1812], %select_n3A_1811 {strides = array<i32>} : memref<128xf32, #tpu.memory_space<vmem>>, vector<16xf32>,
      %select_n3A_1814 = arith.select %or3A_1810, %get3A_1805, %get3A_1797 : vector<16xi1>, vector<16xi32>
      %swap3A_1815 = arith.constant 0 : index
      %swap3A_1816 = tpu.vector_load %arg15[%swap3A_1815] {strides = array<i32>} : memref<128xi32, #tpu.memory_space<vmem>>, vector<16xi32>,
      tpu.vector_store %arg15[%swap3A_1815], %select_n3A_1814 {strides = array<i32>} : memref<128xi32, #tpu.memory_space<vmem>>, vector<16xi32>,
      %get3A_1817 = arith.constant 16 : index
      %get3A_1818 = tpu.vector_load %arg14[%get3A_1817] {strides = array<i32>} : memref<128xf32, #tpu.memory_space<vmem>>, vector<16xf32>,
      %get3A_1819 = arith.constant 16 : index
      %get3A_1820 = tpu.vector_load %arg15[%get3A_1819] {strides = array<i32>} : memref<128xi32, #tpu.memory_space<vmem>>, vector<16xi32>,
      %get3A_1821 = arith.constant 0 : i32
      %get3A_1822 = arith.index_cast %get3A_1821 : i32 to index
      %get3A_1823 = arith.constant 16 : index
      %get3A_1824 = tpu.vector_load %arg16[%get3A_1822, %get3A_1823] {strides = array<i32>} : memref<3x128xf32, #tpu.memory_space<vmem>>, vector<16xf32>,
      %get3A_1825 = arith.constant 0 : i32
      %get3A_1826 = arith.index_cast %get3A_1825 : i32 to index
      %get3A_1827 = arith.constant 16 : index
      %get3A_1828 = tpu.vector_load %arg17[%get3A_1826, %get3A_1827] {strides = array<i32>} : memref<3x128xi32, #tpu.memory_space<vmem>>, vector<16xi32>,
      %gt3A_1829 = arith.cmpf ogt, %get3A_1824, %get3A_1818 : vector<16xf32>
      %eq3A_1830 = arith.cmpf oeq, %get3A_1824, %get3A_1818 : vector<16xf32>
      %lt3A_1831 = arith.cmpi slt, %get3A_1828, %get3A_1820 : vector<16xi32>
      %and3A_1832 = arith.andi %eq3A_1830, %lt3A_1831 : vector<16xi1>
      %or3A_1833 = arith.ori %gt3A_1829, %and3A_1832 : vector<16xi1>
      %select_n3A_1834 = arith.select %or3A_1833, %get3A_1824, %get3A_1818 : vector<16xi1>, vector<16xf32>
      %swap3A_1835 = arith.constant 16 : index
      %swap3A_1836 = tpu.vector_load %arg14[%swap3A_1835] {strides = array<i32>} : memref<128xf32, #tpu.memory_space<vmem>>, vector<16xf32>,
      tpu.vector_store %arg14[%swap3A_1835], %select_n3A_1834 {strides = array<i32>} : memref<128xf32, #tpu.memory_space<vmem>>, vector<16xf32>,
      %select_n3A_1837 = arith.select %or3A_1833, %get3A_1828, %get3A_1820 : vector<16xi1>, vector<16xi32>
      %swap3A_1838 = arith.constant 16 : index
      %swap3A_1839 = tpu.vector_load %arg15[%swap3A_1838] {strides = array<i32>} : memref<128xi32, #tpu.memory_space<vmem>>, vector<16xi32>,
      tpu.vector_store %arg15[%swap3A_1838], %select_n3A_1837 {strides = array<i32>} : memref<128xi32, #tpu.memory_space<vmem>>, vector<16xi32>,
      %get3A_1840 = arith.constant 32 : index
      %get3A_1841 = tpu.vector_load %arg14[%get3A_1840] {strides = array<i32>} : memref<128xf32, #tpu.memory_space<vmem>>, vector<16xf32>,
      %get3A_1842 = arith.constant 32 : index
      %get3A_1843 = tpu.vector_load %arg15[%get3A_1842] {strides = array<i32>} : memref<128xi32, #tpu.memory_space<vmem>>, vector<16xi32>,
      %get3A_1844 = arith.constant 0 : i32
      %get3A_1845 = arith.index_cast %get3A_1844 : i32 to index
      %get3A_1846 = arith.constant 32 : index
      %get3A_1847 = tpu.vector_load %arg16[%get3A_1845, %get3A_1846] {strides = array<i32>} : memref<3x128xf32, #tpu.memory_space<vmem>>, vector<16xf32>,
      %get3A_1848 = arith.constant 0 : i32
      %get3A_1849 = arith.index_cast %get3A_1848 : i32 to index
      %get3A_1850 = arith.constant 32 : index
      %get3A_1851 = tpu.vector_load %arg17[%get3A_1849, %get3A_1850] {strides = array<i32>} : memref<3x128xi32, #tpu.memory_space<vmem>>, vector<16xi32>,
      %gt3A_1852 = arith.cmpf ogt, %get3A_1847, %get3A_1841 : vector<16xf32>
      %eq3A_1853 = arith.cmpf oeq, %get3A_1847, %get3A_1841 : vector<16xf32>
      %lt3A_1854 = arith.cmpi slt, %get3A_1851, %get3A_1843 : vector<16xi32>
      %and3A_1855 = arith.andi %eq3A_1853, %lt3A_1854 : vector<16xi1>
      %or3A_1856 = arith.ori %gt3A_1852, %and3A_1855 : vector<16xi1>
      %select_n3A_1857 = arith.select %or3A_1856, %get3A_1847, %get3A_1841 : vector<16xi1>, vector<16xf32>
      %swap3A_1858 = arith.constant 32 : index
      %swap3A_1859 = tpu.vector_load %arg14[%swap3A_1858] {strides = array<i32>} : memref<128xf32, #tpu.memory_space<vmem>>, vector<16xf32>,
      tpu.vector_store %arg14[%swap3A_1858], %select_n3A_1857 {strides = array<i32>} : memref<128xf32, #tpu.memory_space<vmem>>, vector<16xf32>,
      %select_n3A_1860 = arith.select %or3A_1856, %get3A_1851, %get3A_1843 : vector<16xi1>, vector<16xi32>
      %swap3A_1861 = arith.constant 32 : index
      %swap3A_1862 = tpu.vector_load %arg15[%swap3A_1861] {strides = array<i32>} : memref<128xi32, #tpu.memory_space<vmem>>, vector<16xi32>,
      tpu.vector_store %arg15[%swap3A_1861], %select_n3A_1860 {strides = array<i32>} : memref<128xi32, #tpu.memory_space<vmem>>, vector<16xi32>,
      %get3A_1863 = arith.constant 48 : index
      %get3A_1864 = tpu.vector_load %arg14[%get3A_1863] {strides = array<i32>} : memref<128xf32, #tpu.memory_space<vmem>>, vector<16xf32>,
      %get3A_1865 = arith.constant 48 : index
      %get3A_1866 = tpu.vector_load %arg15[%get3A_1865] {strides = array<i32>} : memref<128xi32, #tpu.memory_space<vmem>>, vector<16xi32>,
      %get3A_1867 = arith.constant 0 : i32
      %get3A_1868 = arith.index_cast %get3A_1867 : i32 to index
      %get3A_1869 = arith.constant 48 : index
      %get3A_1870 = tpu.vector_load %arg16[%get3A_1868, %get3A_1869] {strides = array<i32>} : memref<3x128xf32, #tpu.memory_space<vmem>>, vector<16xf32>,
      %get3A_1871 = arith.constant 0 : i32
      %get3A_1872 = arith.index_cast %get3A_1871 : i32 to index
      %get3A_1873 = arith.constant 48 : index
      %get3A_1874 = tpu.vector_load %arg17[%get3A_1872, %get3A_1873] {strides = array<i32>} : memref<3x128xi32, #tpu.memory_space<vmem>>, vector<16xi32>,
      %gt3A_1875 = arith.cmpf ogt, %get3A_1870, %get3A_1864 : vector<16xf32>
      %eq3A_1876 = arith.cmpf oeq, %get3A_1870, %get3A_1864 : vector<16xf32>
      %lt3A_1877 = arith.cmpi slt, %get3A_1874, %get3A_1866 : vector<16xi32>
      %and3A_1878 = arith.andi %eq3A_1876, %lt3A_1877 : vector<16xi1>
      %or3A_1879 = arith.ori %gt3A_1875, %and3A_1878 : vector<16xi1>
      %select_n3A_1880 = arith.select %or3A_1879, %get3A_1870, %get3A_1864 : vector<16xi1>, vector<16xf32>
      %swap3A_1881 = arith.constant 48 : index
      %swap3A_1882 = tpu.vector_load %arg14[%swap3A_1881] {strides = array<i32>} : memref<128xf32, #tpu.memory_space<vmem>>, vector<16xf32>,
      tpu.vector_store %arg14[%swap3A_1881], %select_n3A_1880 {strides = array<i32>} : memref<128xf32, #tpu.memory_space<vmem>>, vector<16xf32>,
      %select_n3A_1883 = arith.select %or3A_1879, %get3A_1874, %get3A_1866 : vector<16xi1>, vector<16xi32>
      %swap3A_1884 = arith.constant 48 : index
      %swap3A_1885 = tpu.vector_load %arg15[%swap3A_1884] {strides = array<i32>} : memref<128xi32, #tpu.memory_space<vmem>>, vector<16xi32>,
      tpu.vector_store %arg15[%swap3A_1884], %select_n3A_1883 {strides = array<i32>} : memref<128xi32, #tpu.memory_space<vmem>>, vector<16xi32>,
      %get3A_1886 = arith.constant 64 : index
      %get3A_1887 = tpu.vector_load %arg14[%get3A_1886] {strides = array<i32>} : memref<128xf32, #tpu.memory_space<vmem>>, vector<16xf32>,
      %get3A_1888 = arith.constant 64 : index
      %get3A_1889 = tpu.vector_load %arg15[%get3A_1888] {strides = array<i32>} : memref<128xi32, #tpu.memory_space<vmem>>, vector<16xi32>,
      %get3A_1890 = arith.constant 0 : i32
      %get3A_1891 = arith.index_cast %get3A_1890 : i32 to index
      %get3A_1892 = arith.constant 64 : index
      %get3A_1893 = tpu.vector_load %arg16[%get3A_1891, %get3A_1892] {strides = array<i32>} : memref<3x128xf32, #tpu.memory_space<vmem>>, vector<16xf32>,
      %get3A_1894 = arith.constant 0 : i32
      %get3A_1895 = arith.index_cast %get3A_1894 : i32 to index
      %get3A_1896 = arith.constant 64 : index
      %get3A_1897 = tpu.vector_load %arg17[%get3A_1895, %get3A_1896] {strides = array<i32>} : memref<3x128xi32, #tpu.memory_space<vmem>>, vector<16xi32>,
      %gt3A_1898 = arith.cmpf ogt, %get3A_1893, %get3A_1887 : vector<16xf32>
      %eq3A_1899 = arith.cmpf oeq, %get3A_1893, %get3A_1887 : vector<16xf32>
      %lt3A_1900 = arith.cmpi slt, %get3A_1897, %get3A_1889 : vector<16xi32>
      %and3A_1901 = arith.andi %eq3A_1899, %lt3A_1900 : vector<16xi1>
      %or3A_1902 = arith.ori %gt3A_1898, %and3A_1901 : vector<16xi1>
      %select_n3A_1903 = arith.select %or3A_1902, %get3A_1893, %get3A_1887 : vector<16xi1>, vector<16xf32>
      %swap3A_1904 = arith.constant 64 : index
      %swap3A_1905 = tpu.vector_load %arg14[%swap3A_1904] {strides = array<i32>} : memref<128xf32, #tpu.memory_space<vmem>>, vector<16xf32>,
      tpu.vector_store %arg14[%swap3A_1904], %select_n3A_1903 {strides = array<i32>} : memref<128xf32, #tpu.memory_space<vmem>>, vector<16xf32>,
      %select_n3A_1906 = arith.select %or3A_1902, %get3A_1897, %get3A_1889 : vector<16xi1>, vector<16xi32>
      %swap3A_1907 = arith.constant 64 : index
      %swap3A_1908 = tpu.vector_load %arg15[%swap3A_1907] {strides = array<i32>} : memref<128xi32, #tpu.memory_space<vmem>>, vector<16xi32>,
      tpu.vector_store %arg15[%swap3A_1907], %select_n3A_1906 {strides = array<i32>} : memref<128xi32, #tpu.memory_space<vmem>>, vector<16xi32>,
      %get3A_1909 = arith.constant 80 : index
      %get3A_1910 = tpu.vector_load %arg14[%get3A_1909] {strides = array<i32>} : memref<128xf32, #tpu.memory_space<vmem>>, vector<16xf32>,
      %get3A_1911 = arith.constant 80 : index
      %get3A_1912 = tpu.vector_load %arg15[%get3A_1911] {strides = array<i32>} : memref<128xi32, #tpu.memory_space<vmem>>, vector<16xi32>,
      %get3A_1913 = arith.constant 0 : i32
      %get3A_1914 = arith.index_cast %get3A_1913 : i32 to index
      %get3A_1915 = arith.constant 80 : index
      %get3A_1916 = tpu.vector_load %arg16[%get3A_1914, %get3A_1915] {strides = array<i32>} : memref<3x128xf32, #tpu.memory_space<vmem>>, vector<16xf32>,
      %get3A_1917 = arith.constant 0 : i32
      %get3A_1918 = arith.index_cast %get3A_1917 : i32 to index
      %get3A_1919 = arith.constant 80 : index
      %get3A_1920 = tpu.vector_load %arg17[%get3A_1918, %get3A_1919] {strides = array<i32>} : memref<3x128xi32, #tpu.memory_space<vmem>>, vector<16xi32>,
      %gt3A_1921 = arith.cmpf ogt, %get3A_1916, %get3A_1910 : vector<16xf32>
      %eq3A_1922 = arith.cmpf oeq, %get3A_1916, %get3A_1910 : vector<16xf32>
      %lt3A_1923 = arith.cmpi slt, %get3A_1920, %get3A_1912 : vector<16xi32>
      %and3A_1924 = arith.andi %eq3A_1922, %lt3A_1923 : vector<16xi1>
      %or3A_1925 = arith.ori %gt3A_1921, %and3A_1924 : vector<16xi1>
      %select_n3A_1926 = arith.select %or3A_1925, %get3A_1916, %get3A_1910 : vector<16xi1>, vector<16xf32>
      %swap3A_1927 = arith.constant 80 : index
      %swap3A_1928 = tpu.vector_load %arg14[%swap3A_1927] {strides = array<i32>} : memref<128xf32, #tpu.memory_space<vmem>>, vector<16xf32>,
      tpu.vector_store %arg14[%swap3A_1927], %select_n3A_1926 {strides = array<i32>} : memref<128xf32, #tpu.memory_space<vmem>>, vector<16xf32>,
      %select_n3A_1929 = arith.select %or3A_1925, %get3A_1920, %get3A_1912 : vector<16xi1>, vector<16xi32>
      %swap3A_1930 = arith.constant 80 : index
      %swap3A_1931 = tpu.vector_load %arg15[%swap3A_1930] {strides = array<i32>} : memref<128xi32, #tpu.memory_space<vmem>>, vector<16xi32>,
      tpu.vector_store %arg15[%swap3A_1930], %select_n3A_1929 {strides = array<i32>} : memref<128xi32, #tpu.memory_space<vmem>>, vector<16xi32>,
      %get3A_1932 = arith.constant 96 : index
      %get3A_1933 = tpu.vector_load %arg14[%get3A_1932] {strides = array<i32>} : memref<128xf32, #tpu.memory_space<vmem>>, vector<16xf32>,
      %get3A_1934 = arith.constant 96 : index
      %get3A_1935 = tpu.vector_load %arg15[%get3A_1934] {strides = array<i32>} : memref<128xi32, #tpu.memory_space<vmem>>, vector<16xi32>,
      %get3A_1936 = arith.constant 0 : i32
      %get3A_1937 = arith.index_cast %get3A_1936 : i32 to index
      %get3A_1938 = arith.constant 96 : index
      %get3A_1939 = tpu.vector_load %arg16[%get3A_1937, %get3A_1938] {strides = array<i32>} : memref<3x128xf32, #tpu.memory_space<vmem>>, vector<16xf32>,
      %get3A_1940 = arith.constant 0 : i32
      %get3A_1941 = arith.index_cast %get3A_1940 : i32 to index
      %get3A_1942 = arith.constant 96 : index
      %get3A_1943 = tpu.vector_load %arg17[%get3A_1941, %get3A_1942] {strides = array<i32>} : memref<3x128xi32, #tpu.memory_space<vmem>>, vector<16xi32>,
      %gt3A_1944 = arith.cmpf ogt, %get3A_1939, %get3A_1933 : vector<16xf32>
      %eq3A_1945 = arith.cmpf oeq, %get3A_1939, %get3A_1933 : vector<16xf32>
      %lt3A_1946 = arith.cmpi slt, %get3A_1943, %get3A_1935 : vector<16xi32>
      %and3A_1947 = arith.andi %eq3A_1945, %lt3A_1946 : vector<16xi1>
      %or3A_1948 = arith.ori %gt3A_1944, %and3A_1947 : vector<16xi1>
      %select_n3A_1949 = arith.select %or3A_1948, %get3A_1939, %get3A_1933 : vector<16xi1>, vector<16xf32>
      %swap3A_1950 = arith.constant 96 : index
      %swap3A_1951 = tpu.vector_load %arg14[%swap3A_1950] {strides = array<i32>} : memref<128xf32, #tpu.memory_space<vmem>>, vector<16xf32>,
      tpu.vector_store %arg14[%swap3A_1950], %select_n3A_1949 {strides = array<i32>} : memref<128xf32, #tpu.memory_space<vmem>>, vector<16xf32>,
      %select_n3A_1952 = arith.select %or3A_1948, %get3A_1943, %get3A_1935 : vector<16xi1>, vector<16xi32>
      %swap3A_1953 = arith.constant 96 : index
      %swap3A_1954 = tpu.vector_load %arg15[%swap3A_1953] {strides = array<i32>} : memref<128xi32, #tpu.memory_space<vmem>>, vector<16xi32>,
      tpu.vector_store %arg15[%swap3A_1953], %select_n3A_1952 {strides = array<i32>} : memref<128xi32, #tpu.memory_space<vmem>>, vector<16xi32>,
      %get3A_1955 = arith.constant 112 : index
      %get3A_1956 = tpu.vector_load %arg14[%get3A_1955] {strides = array<i32>} : memref<128xf32, #tpu.memory_space<vmem>>, vector<16xf32>,
      %get3A_1957 = arith.constant 112 : index
      %get3A_1958 = tpu.vector_load %arg15[%get3A_1957] {strides = array<i32>} : memref<128xi32, #tpu.memory_space<vmem>>, vector<16xi32>,
      %get3A_1959 = arith.constant 0 : i32
      %get3A_1960 = arith.index_cast %get3A_1959 : i32 to index
      %get3A_1961 = arith.constant 112 : index
      %get3A_1962 = tpu.vector_load %arg16[%get3A_1960, %get3A_1961] {strides = array<i32>} : memref<3x128xf32, #tpu.memory_space<vmem>>, vector<16xf32>,
      %get3A_1963 = arith.constant 0 : i32
      %get3A_1964 = arith.index_cast %get3A_1963 : i32 to index
      %get3A_1965 = arith.constant 112 : index
      %get3A_1966 = tpu.vector_load %arg17[%get3A_1964, %get3A_1965] {strides = array<i32>} : memref<3x128xi32, #tpu.memory_space<vmem>>, vector<16xi32>,
      %gt3A_1967 = arith.cmpf ogt, %get3A_1962, %get3A_1956 : vector<16xf32>
      %eq3A_1968 = arith.cmpf oeq, %get3A_1962, %get3A_1956 : vector<16xf32>
      %lt3A_1969 = arith.cmpi slt, %get3A_1966, %get3A_1958 : vector<16xi32>
      %and3A_1970 = arith.andi %eq3A_1968, %lt3A_1969 : vector<16xi1>
      %or3A_1971 = arith.ori %gt3A_1967, %and3A_1970 : vector<16xi1>
      %select_n3A_1972 = arith.select %or3A_1971, %get3A_1962, %get3A_1956 : vector<16xi1>, vector<16xf32>
      %swap3A_1973 = arith.constant 112 : index
      %swap3A_1974 = tpu.vector_load %arg14[%swap3A_1973] {strides = array<i32>} : memref<128xf32, #tpu.memory_space<vmem>>, vector<16xf32>,
      tpu.vector_store %arg14[%swap3A_1973], %select_n3A_1972 {strides = array<i32>} : memref<128xf32, #tpu.memory_space<vmem>>, vector<16xf32>,
      %select_n3A_1975 = arith.select %or3A_1971, %get3A_1966, %get3A_1958 : vector<16xi1>, vector<16xi32>
      %swap3A_1976 = arith.constant 112 : index
      %swap3A_1977 = tpu.vector_load %arg15[%swap3A_1976] {strides = array<i32>} : memref<128xi32, #tpu.memory_space<vmem>>, vector<16xi32>,
      tpu.vector_store %arg15[%swap3A_1976], %select_n3A_1975 {strides = array<i32>} : memref<128xi32, #tpu.memory_space<vmem>>, vector<16xi32>,
      %get3A_1978 = arith.constant 0 : index
      %get3A_1979 = tpu.vector_load %arg14[%get3A_1978] {strides = array<i32>} : memref<128xf32, #tpu.memory_space<vmem>>, vector<16xf32>,
      %get3A_1980 = arith.constant 0 : index
      %get3A_1981 = tpu.vector_load %arg15[%get3A_1980] {strides = array<i32>} : memref<128xi32, #tpu.memory_space<vmem>>, vector<16xi32>,
      %get3A_1982 = arith.constant 1 : i32
      %get3A_1983 = arith.index_cast %get3A_1982 : i32 to index
      %get3A_1984 = arith.constant 0 : index
      %get3A_1985 = tpu.vector_load %arg16[%get3A_1983, %get3A_1984] {strides = array<i32>} : memref<3x128xf32, #tpu.memory_space<vmem>>, vector<16xf32>,
      %get3A_1986 = arith.constant 1 : i32
      %get3A_1987 = arith.index_cast %get3A_1986 : i32 to index
      %get3A_1988 = arith.constant 0 : index
      %get3A_1989 = tpu.vector_load %arg17[%get3A_1987, %get3A_1988] {strides = array<i32>} : memref<3x128xi32, #tpu.memory_space<vmem>>, vector<16xi32>,
      %gt3A_1990 = arith.cmpf ogt, %get3A_1985, %get3A_1979 : vector<16xf32>
      %eq3A_1991 = arith.cmpf oeq, %get3A_1985, %get3A_1979 : vector<16xf32>
      %lt3A_1992 = arith.cmpi slt, %get3A_1989, %get3A_1981 : vector<16xi32>
      %and3A_1993 = arith.andi %eq3A_1991, %lt3A_1992 : vector<16xi1>
      %or3A_1994 = arith.ori %gt3A_1990, %and3A_1993 : vector<16xi1>
      %select_n3A_1995 = arith.select %or3A_1994, %get3A_1985, %get3A_1979 : vector<16xi1>, vector<16xf32>
      %swap3A_1996 = arith.constant 0 : index
      %swap3A_1997 = tpu.vector_load %arg14[%swap3A_1996] {strides = array<i32>} : memref<128xf32, #tpu.memory_space<vmem>>, vector<16xf32>,
      tpu.vector_store %arg14[%swap3A_1996], %select_n3A_1995 {strides = array<i32>} : memref<128xf32, #tpu.memory_space<vmem>>, vector<16xf32>,
      %select_n3A_1998 = arith.select %or3A_1994, %get3A_1989, %get3A_1981 : vector<16xi1>, vector<16xi32>
      %swap3A_1999 = arith.constant 0 : index
      %swap3A_2000 = tpu.vector_load %arg15[%swap3A_1999] {strides = array<i32>} : memref<128xi32, #tpu.memory_space<vmem>>, vector<16xi32>,
      tpu.vector_store %arg15[%swap3A_1999], %select_n3A_1998 {strides = array<i32>} : memref<128xi32, #tpu.memory_space<vmem>>, vector<16xi32>,
      %get3A_2001 = arith.constant 16 : index
      %get3A_2002 = tpu.vector_load %arg14[%get3A_2001] {strides = array<i32>} : memref<128xf32, #tpu.memory_space<vmem>>, vector<16xf32>,
      %get3A_2003 = arith.constant 16 : index
      %get3A_2004 = tpu.vector_load %arg15[%get3A_2003] {strides = array<i32>} : memref<128xi32, #tpu.memory_space<vmem>>, vector<16xi32>,
      %get3A_2005 = arith.constant 1 : i32
      %get3A_2006 = arith.index_cast %get3A_2005 : i32 to index
      %get3A_2007 = arith.constant 16 : index
      %get3A_2008 = tpu.vector_load %arg16[%get3A_2006, %get3A_2007] {strides = array<i32>} : memref<3x128xf32, #tpu.memory_space<vmem>>, vector<16xf32>,
      %get3A_2009 = arith.constant 1 : i32
      %get3A_2010 = arith.index_cast %get3A_2009 : i32 to index
      %get3A_2011 = arith.constant 16 : index
      %get3A_2012 = tpu.vector_load %arg17[%get3A_2010, %get3A_2011] {strides = array<i32>} : memref<3x128xi32, #tpu.memory_space<vmem>>, vector<16xi32>,
      %gt3A_2013 = arith.cmpf ogt, %get3A_2008, %get3A_2002 : vector<16xf32>
      %eq3A_2014 = arith.cmpf oeq, %get3A_2008, %get3A_2002 : vector<16xf32>
      %lt3A_2015 = arith.cmpi slt, %get3A_2012, %get3A_2004 : vector<16xi32>
      %and3A_2016 = arith.andi %eq3A_2014, %lt3A_2015 : vector<16xi1>
      %or3A_2017 = arith.ori %gt3A_2013, %and3A_2016 : vector<16xi1>
      %select_n3A_2018 = arith.select %or3A_2017, %get3A_2008, %get3A_2002 : vector<16xi1>, vector<16xf32>
      %swap3A_2019 = arith.constant 16 : index
      %swap3A_2020 = tpu.vector_load %arg14[%swap3A_2019] {strides = array<i32>} : memref<128xf32, #tpu.memory_space<vmem>>, vector<16xf32>,
      tpu.vector_store %arg14[%swap3A_2019], %select_n3A_2018 {strides = array<i32>} : memref<128xf32, #tpu.memory_space<vmem>>, vector<16xf32>,
      %select_n3A_2021 = arith.select %or3A_2017, %get3A_2012, %get3A_2004 : vector<16xi1>, vector<16xi32>
      %swap3A_2022 = arith.constant 16 : index
      %swap3A_2023 = tpu.vector_load %arg15[%swap3A_2022] {strides = array<i32>} : memref<128xi32, #tpu.memory_space<vmem>>, vector<16xi32>,
      tpu.vector_store %arg15[%swap3A_2022], %select_n3A_2021 {strides = array<i32>} : memref<128xi32, #tpu.memory_space<vmem>>, vector<16xi32>,
      %get3A_2024 = arith.constant 32 : index
      %get3A_2025 = tpu.vector_load %arg14[%get3A_2024] {strides = array<i32>} : memref<128xf32, #tpu.memory_space<vmem>>, vector<16xf32>,
      %get3A_2026 = arith.constant 32 : index
      %get3A_2027 = tpu.vector_load %arg15[%get3A_2026] {strides = array<i32>} : memref<128xi32, #tpu.memory_space<vmem>>, vector<16xi32>,
      %get3A_2028 = arith.constant 1 : i32
      %get3A_2029 = arith.index_cast %get3A_2028 : i32 to index
      %get3A_2030 = arith.constant 32 : index
      %get3A_2031 = tpu.vector_load %arg16[%get3A_2029, %get3A_2030] {strides = array<i32>} : memref<3x128xf32, #tpu.memory_space<vmem>>, vector<16xf32>,
      %get3A_2032 = arith.constant 1 : i32
      %get3A_2033 = arith.index_cast %get3A_2032 : i32 to index
      %get3A_2034 = arith.constant 32 : index
      %get3A_2035 = tpu.vector_load %arg17[%get3A_2033, %get3A_2034] {strides = array<i32>} : memref<3x128xi32, #tpu.memory_space<vmem>>, vector<16xi32>,
      %gt3A_2036 = arith.cmpf ogt, %get3A_2031, %get3A_2025 : vector<16xf32>
      %eq3A_2037 = arith.cmpf oeq, %get3A_2031, %get3A_2025 : vector<16xf32>
      %lt3A_2038 = arith.cmpi slt, %get3A_2035, %get3A_2027 : vector<16xi32>
      %and3A_2039 = arith.andi %eq3A_2037, %lt3A_2038 : vector<16xi1>
      %or3A_2040 = arith.ori %gt3A_2036, %and3A_2039 : vector<16xi1>
      %select_n3A_2041 = arith.select %or3A_2040, %get3A_2031, %get3A_2025 : vector<16xi1>, vector<16xf32>
      %swap3A_2042 = arith.constant 32 : index
      %swap3A_2043 = tpu.vector_load %arg14[%swap3A_2042] {strides = array<i32>} : memref<128xf32, #tpu.memory_space<vmem>>, vector<16xf32>,
      tpu.vector_store %arg14[%swap3A_2042], %select_n3A_2041 {strides = array<i32>} : memref<128xf32, #tpu.memory_space<vmem>>, vector<16xf32>,
      %select_n3A_2044 = arith.select %or3A_2040, %get3A_2035, %get3A_2027 : vector<16xi1>, vector<16xi32>
      %swap3A_2045 = arith.constant 32 : index
      %swap3A_2046 = tpu.vector_load %arg15[%swap3A_2045] {strides = array<i32>} : memref<128xi32, #tpu.memory_space<vmem>>, vector<16xi32>,
      tpu.vector_store %arg15[%swap3A_2045], %select_n3A_2044 {strides = array<i32>} : memref<128xi32, #tpu.memory_space<vmem>>, vector<16xi32>,
      %get3A_2047 = arith.constant 48 : index
      %get3A_2048 = tpu.vector_load %arg14[%get3A_2047] {strides = array<i32>} : memref<128xf32, #tpu.memory_space<vmem>>, vector<16xf32>,
      %get3A_2049 = arith.constant 48 : index
      %get3A_2050 = tpu.vector_load %arg15[%get3A_2049] {strides = array<i32>} : memref<128xi32, #tpu.memory_space<vmem>>, vector<16xi32>,
      %get3A_2051 = arith.constant 1 : i32
      %get3A_2052 = arith.index_cast %get3A_2051 : i32 to index
      %get3A_2053 = arith.constant 48 : index
      %get3A_2054 = tpu.vector_load %arg16[%get3A_2052, %get3A_2053] {strides = array<i32>} : memref<3x128xf32, #tpu.memory_space<vmem>>, vector<16xf32>,
      %get3A_2055 = arith.constant 1 : i32
      %get3A_2056 = arith.index_cast %get3A_2055 : i32 to index
      %get3A_2057 = arith.constant 48 : index
      %get3A_2058 = tpu.vector_load %arg17[%get3A_2056, %get3A_2057] {strides = array<i32>} : memref<3x128xi32, #tpu.memory_space<vmem>>, vector<16xi32>,
      %gt3A_2059 = arith.cmpf ogt, %get3A_2054, %get3A_2048 : vector<16xf32>
      %eq3A_2060 = arith.cmpf oeq, %get3A_2054, %get3A_2048 : vector<16xf32>
      %lt3A_2061 = arith.cmpi slt, %get3A_2058, %get3A_2050 : vector<16xi32>
      %and3A_2062 = arith.andi %eq3A_2060, %lt3A_2061 : vector<16xi1>
      %or3A_2063 = arith.ori %gt3A_2059, %and3A_2062 : vector<16xi1>
      %select_n3A_2064 = arith.select %or3A_2063, %get3A_2054, %get3A_2048 : vector<16xi1>, vector<16xf32>
      %swap3A_2065 = arith.constant 48 : index
      %swap3A_2066 = tpu.vector_load %arg14[%swap3A_2065] {strides = array<i32>} : memref<128xf32, #tpu.memory_space<vmem>>, vector<16xf32>,
      tpu.vector_store %arg14[%swap3A_2065], %select_n3A_2064 {strides = array<i32>} : memref<128xf32, #tpu.memory_space<vmem>>, vector<16xf32>,
      %select_n3A_2067 = arith.select %or3A_2063, %get3A_2058, %get3A_2050 : vector<16xi1>, vector<16xi32>
      %swap3A_2068 = arith.constant 48 : index
      %swap3A_2069 = tpu.vector_load %arg15[%swap3A_2068] {strides = array<i32>} : memref<128xi32, #tpu.memory_space<vmem>>, vector<16xi32>,
      tpu.vector_store %arg15[%swap3A_2068], %select_n3A_2067 {strides = array<i32>} : memref<128xi32, #tpu.memory_space<vmem>>, vector<16xi32>,
      %get3A_2070 = arith.constant 64 : index
      %get3A_2071 = tpu.vector_load %arg14[%get3A_2070] {strides = array<i32>} : memref<128xf32, #tpu.memory_space<vmem>>, vector<16xf32>,
      %get3A_2072 = arith.constant 64 : index
      %get3A_2073 = tpu.vector_load %arg15[%get3A_2072] {strides = array<i32>} : memref<128xi32, #tpu.memory_space<vmem>>, vector<16xi32>,
      %get3A_2074 = arith.constant 1 : i32
      %get3A_2075 = arith.index_cast %get3A_2074 : i32 to index
      %get3A_2076 = arith.constant 64 : index
      %get3A_2077 = tpu.vector_load %arg16[%get3A_2075, %get3A_2076] {strides = array<i32>} : memref<3x128xf32, #tpu.memory_space<vmem>>, vector<16xf32>,
      %get3A_2078 = arith.constant 1 : i32
      %get3A_2079 = arith.index_cast %get3A_2078 : i32 to index
      %get3A_2080 = arith.constant 64 : index
      %get3A_2081 = tpu.vector_load %arg17[%get3A_2079, %get3A_2080] {strides = array<i32>} : memref<3x128xi32, #tpu.memory_space<vmem>>, vector<16xi32>,
      %gt3A_2082 = arith.cmpf ogt, %get3A_2077, %get3A_2071 : vector<16xf32>
      %eq3A_2083 = arith.cmpf oeq, %get3A_2077, %get3A_2071 : vector<16xf32>
      %lt3A_2084 = arith.cmpi slt, %get3A_2081, %get3A_2073 : vector<16xi32>
      %and3A_2085 = arith.andi %eq3A_2083, %lt3A_2084 : vector<16xi1>
      %or3A_2086 = arith.ori %gt3A_2082, %and3A_2085 : vector<16xi1>
      %select_n3A_2087 = arith.select %or3A_2086, %get3A_2077, %get3A_2071 : vector<16xi1>, vector<16xf32>
      %swap3A_2088 = arith.constant 64 : index
      %swap3A_2089 = tpu.vector_load %arg14[%swap3A_2088] {strides = array<i32>} : memref<128xf32, #tpu.memory_space<vmem>>, vector<16xf32>,
      tpu.vector_store %arg14[%swap3A_2088], %select_n3A_2087 {strides = array<i32>} : memref<128xf32, #tpu.memory_space<vmem>>, vector<16xf32>,
      %select_n3A_2090 = arith.select %or3A_2086, %get3A_2081, %get3A_2073 : vector<16xi1>, vector<16xi32>
      %swap3A_2091 = arith.constant 64 : index
      %swap3A_2092 = tpu.vector_load %arg15[%swap3A_2091] {strides = array<i32>} : memref<128xi32, #tpu.memory_space<vmem>>, vector<16xi32>,
      tpu.vector_store %arg15[%swap3A_2091], %select_n3A_2090 {strides = array<i32>} : memref<128xi32, #tpu.memory_space<vmem>>, vector<16xi32>,
      %get3A_2093 = arith.constant 80 : index
      %get3A_2094 = tpu.vector_load %arg14[%get3A_2093] {strides = array<i32>} : memref<128xf32, #tpu.memory_space<vmem>>, vector<16xf32>,
      %get3A_2095 = arith.constant 80 : index
      %get3A_2096 = tpu.vector_load %arg15[%get3A_2095] {strides = array<i32>} : memref<128xi32, #tpu.memory_space<vmem>>, vector<16xi32>,
      %get3A_2097 = arith.constant 1 : i32
      %get3A_2098 = arith.index_cast %get3A_2097 : i32 to index
      %get3A_2099 = arith.constant 80 : index
      %get3A_2100 = tpu.vector_load %arg16[%get3A_2098, %get3A_2099] {strides = array<i32>} : memref<3x128xf32, #tpu.memory_space<vmem>>, vector<16xf32>,
      %get3A_2101 = arith.constant 1 : i32
      %get3A_2102 = arith.index_cast %get3A_2101 : i32 to index
      %get3A_2103 = arith.constant 80 : index
      %get3A_2104 = tpu.vector_load %arg17[%get3A_2102, %get3A_2103] {strides = array<i32>} : memref<3x128xi32, #tpu.memory_space<vmem>>, vector<16xi32>,
      %gt3A_2105 = arith.cmpf ogt, %get3A_2100, %get3A_2094 : vector<16xf32>
      %eq3A_2106 = arith.cmpf oeq, %get3A_2100, %get3A_2094 : vector<16xf32>
      %lt3A_2107 = arith.cmpi slt, %get3A_2104, %get3A_2096 : vector<16xi32>
      %and3A_2108 = arith.andi %eq3A_2106, %lt3A_2107 : vector<16xi1>
      %or3A_2109 = arith.ori %gt3A_2105, %and3A_2108 : vector<16xi1>
      %select_n3A_2110 = arith.select %or3A_2109, %get3A_2100, %get3A_2094 : vector<16xi1>, vector<16xf32>
      %swap3A_2111 = arith.constant 80 : index
      %swap3A_2112 = tpu.vector_load %arg14[%swap3A_2111] {strides = array<i32>} : memref<128xf32, #tpu.memory_space<vmem>>, vector<16xf32>,
      tpu.vector_store %arg14[%swap3A_2111], %select_n3A_2110 {strides = array<i32>} : memref<128xf32, #tpu.memory_space<vmem>>, vector<16xf32>,
      %select_n3A_2113 = arith.select %or3A_2109, %get3A_2104, %get3A_2096 : vector<16xi1>, vector<16xi32>
      %swap3A_2114 = arith.constant 80 : index
      %swap3A_2115 = tpu.vector_load %arg15[%swap3A_2114] {strides = array<i32>} : memref<128xi32, #tpu.memory_space<vmem>>, vector<16xi32>,
      tpu.vector_store %arg15[%swap3A_2114], %select_n3A_2113 {strides = array<i32>} : memref<128xi32, #tpu.memory_space<vmem>>, vector<16xi32>,
      %get3A_2116 = arith.constant 96 : index
      %get3A_2117 = tpu.vector_load %arg14[%get3A_2116] {strides = array<i32>} : memref<128xf32, #tpu.memory_space<vmem>>, vector<16xf32>,
      %get3A_2118 = arith.constant 96 : index
      %get3A_2119 = tpu.vector_load %arg15[%get3A_2118] {strides = array<i32>} : memref<128xi32, #tpu.memory_space<vmem>>, vector<16xi32>,
      %get3A_2120 = arith.constant 1 : i32
      %get3A_2121 = arith.index_cast %get3A_2120 : i32 to index
      %get3A_2122 = arith.constant 96 : index
      %get3A_2123 = tpu.vector_load %arg16[%get3A_2121, %get3A_2122] {strides = array<i32>} : memref<3x128xf32, #tpu.memory_space<vmem>>, vector<16xf32>,
      %get3A_2124 = arith.constant 1 : i32
      %get3A_2125 = arith.index_cast %get3A_2124 : i32 to index
      %get3A_2126 = arith.constant 96 : index
      %get3A_2127 = tpu.vector_load %arg17[%get3A_2125, %get3A_2126] {strides = array<i32>} : memref<3x128xi32, #tpu.memory_space<vmem>>, vector<16xi32>,
      %gt3A_2128 = arith.cmpf ogt, %get3A_2123, %get3A_2117 : vector<16xf32>
      %eq3A_2129 = arith.cmpf oeq, %get3A_2123, %get3A_2117 : vector<16xf32>
      %lt3A_2130 = arith.cmpi slt, %get3A_2127, %get3A_2119 : vector<16xi32>
      %and3A_2131 = arith.andi %eq3A_2129, %lt3A_2130 : vector<16xi1>
      %or3A_2132 = arith.ori %gt3A_2128, %and3A_2131 : vector<16xi1>
      %select_n3A_2133 = arith.select %or3A_2132, %get3A_2123, %get3A_2117 : vector<16xi1>, vector<16xf32>
      %swap3A_2134 = arith.constant 96 : index
      %swap3A_2135 = tpu.vector_load %arg14[%swap3A_2134] {strides = array<i32>} : memref<128xf32, #tpu.memory_space<vmem>>, vector<16xf32>,
      tpu.vector_store %arg14[%swap3A_2134], %select_n3A_2133 {strides = array<i32>} : memref<128xf32, #tpu.memory_space<vmem>>, vector<16xf32>,
      %select_n3A_2136 = arith.select %or3A_2132, %get3A_2127, %get3A_2119 : vector<16xi1>, vector<16xi32>
      %swap3A_2137 = arith.constant 96 : index
      %swap3A_2138 = tpu.vector_load %arg15[%swap3A_2137] {strides = array<i32>} : memref<128xi32, #tpu.memory_space<vmem>>, vector<16xi32>,
      tpu.vector_store %arg15[%swap3A_2137], %select_n3A_2136 {strides = array<i32>} : memref<128xi32, #tpu.memory_space<vmem>>, vector<16xi32>,
      %get3A_2139 = arith.constant 112 : index
      %get3A_2140 = tpu.vector_load %arg14[%get3A_2139] {strides = array<i32>} : memref<128xf32, #tpu.memory_space<vmem>>, vector<16xf32>,
      %get3A_2141 = arith.constant 112 : index
      %get3A_2142 = tpu.vector_load %arg15[%get3A_2141] {strides = array<i32>} : memref<128xi32, #tpu.memory_space<vmem>>, vector<16xi32>,
      %get3A_2143 = arith.constant 1 : i32
      %get3A_2144 = arith.index_cast %get3A_2143 : i32 to index
      %get3A_2145 = arith.constant 112 : index
      %get3A_2146 = tpu.vector_load %arg16[%get3A_2144, %get3A_2145] {strides = array<i32>} : memref<3x128xf32, #tpu.memory_space<vmem>>, vector<16xf32>,
      %get3A_2147 = arith.constant 1 : i32
      %get3A_2148 = arith.index_cast %get3A_2147 : i32 to index
      %get3A_2149 = arith.constant 112 : index
      %get3A_2150 = tpu.vector_load %arg17[%get3A_2148, %get3A_2149] {strides = array<i32>} : memref<3x128xi32, #tpu.memory_space<vmem>>, vector<16xi32>,
      %gt3A_2151 = arith.cmpf ogt, %get3A_2146, %get3A_2140 : vector<16xf32>
      %eq3A_2152 = arith.cmpf oeq, %get3A_2146, %get3A_2140 : vector<16xf32>
      %lt3A_2153 = arith.cmpi slt, %get3A_2150, %get3A_2142 : vector<16xi32>
      %and3A_2154 = arith.andi %eq3A_2152, %lt3A_2153 : vector<16xi1>
      %or3A_2155 = arith.ori %gt3A_2151, %and3A_2154 : vector<16xi1>
      %select_n3A_2156 = arith.select %or3A_2155, %get3A_2146, %get3A_2140 : vector<16xi1>, vector<16xf32>
      %swap3A_2157 = arith.constant 112 : index
      %swap3A_2158 = tpu.vector_load %arg14[%swap3A_2157] {strides = array<i32>} : memref<128xf32, #tpu.memory_space<vmem>>, vector<16xf32>,
      tpu.vector_store %arg14[%swap3A_2157], %select_n3A_2156 {strides = array<i32>} : memref<128xf32, #tpu.memory_space<vmem>>, vector<16xf32>,
      %select_n3A_2159 = arith.select %or3A_2155, %get3A_2150, %get3A_2142 : vector<16xi1>, vector<16xi32>
      %swap3A_2160 = arith.constant 112 : index
      %swap3A_2161 = tpu.vector_load %arg15[%swap3A_2160] {strides = array<i32>} : memref<128xi32, #tpu.memory_space<vmem>>, vector<16xi32>,
      tpu.vector_store %arg15[%swap3A_2160], %select_n3A_2159 {strides = array<i32>} : memref<128xi32, #tpu.memory_space<vmem>>, vector<16xi32>,
      %get3A_2162 = arith.constant 0 : index
      %get3A_2163 = tpu.vector_load %arg14[%get3A_2162] {strides = array<i32>} : memref<128xf32, #tpu.memory_space<vmem>>, vector<16xf32>,
      %get3A_2164 = arith.constant 0 : index
      %get3A_2165 = tpu.vector_load %arg15[%get3A_2164] {strides = array<i32>} : memref<128xi32, #tpu.memory_space<vmem>>, vector<16xi32>,
      %get3A_2166 = arith.constant 2 : i32
      %get3A_2167 = arith.index_cast %get3A_2166 : i32 to index
      %get3A_2168 = arith.constant 0 : index
      %get3A_2169 = tpu.vector_load %arg16[%get3A_2167, %get3A_2168] {strides = array<i32>} : memref<3x128xf32, #tpu.memory_space<vmem>>, vector<16xf32>,
      %get3A_2170 = arith.constant 2 : i32
      %get3A_2171 = arith.index_cast %get3A_2170 : i32 to index
      %get3A_2172 = arith.constant 0 : index
      %get3A_2173 = tpu.vector_load %arg17[%get3A_2171, %get3A_2172] {strides = array<i32>} : memref<3x128xi32, #tpu.memory_space<vmem>>, vector<16xi32>,
      %gt3A_2174 = arith.cmpf ogt, %get3A_2169, %get3A_2163 : vector<16xf32>
      %eq3A_2175 = arith.cmpf oeq, %get3A_2169, %get3A_2163 : vector<16xf32>
      %lt3A_2176 = arith.cmpi slt, %get3A_2173, %get3A_2165 : vector<16xi32>
      %and3A_2177 = arith.andi %eq3A_2175, %lt3A_2176 : vector<16xi1>
      %or3A_2178 = arith.ori %gt3A_2174, %and3A_2177 : vector<16xi1>
      %select_n3A_2179 = arith.select %or3A_2178, %get3A_2169, %get3A_2163 : vector<16xi1>, vector<16xf32>
      %swap3A_2180 = arith.constant 0 : index
      %swap3A_2181 = tpu.vector_load %arg14[%swap3A_2180] {strides = array<i32>} : memref<128xf32, #tpu.memory_space<vmem>>, vector<16xf32>,
      tpu.vector_store %arg14[%swap3A_2180], %select_n3A_2179 {strides = array<i32>} : memref<128xf32, #tpu.memory_space<vmem>>, vector<16xf32>,
      %select_n3A_2182 = arith.select %or3A_2178, %get3A_2173, %get3A_2165 : vector<16xi1>, vector<16xi32>
      %swap3A_2183 = arith.constant 0 : index
      %swap3A_2184 = tpu.vector_load %arg15[%swap3A_2183] {strides = array<i32>} : memref<128xi32, #tpu.memory_space<vmem>>, vector<16xi32>,
      tpu.vector_store %arg15[%swap3A_2183], %select_n3A_2182 {strides = array<i32>} : memref<128xi32, #tpu.memory_space<vmem>>, vector<16xi32>,
      %get3A_2185 = arith.constant 16 : index
      %get3A_2186 = tpu.vector_load %arg14[%get3A_2185] {strides = array<i32>} : memref<128xf32, #tpu.memory_space<vmem>>, vector<16xf32>,
      %get3A_2187 = arith.constant 16 : index
      %get3A_2188 = tpu.vector_load %arg15[%get3A_2187] {strides = array<i32>} : memref<128xi32, #tpu.memory_space<vmem>>, vector<16xi32>,
      %get3A_2189 = arith.constant 2 : i32
      %get3A_2190 = arith.index_cast %get3A_2189 : i32 to index
      %get3A_2191 = arith.constant 16 : index
      %get3A_2192 = tpu.vector_load %arg16[%get3A_2190, %get3A_2191] {strides = array<i32>} : memref<3x128xf32, #tpu.memory_space<vmem>>, vector<16xf32>,
      %get3A_2193 = arith.constant 2 : i32
      %get3A_2194 = arith.index_cast %get3A_2193 : i32 to index
      %get3A_2195 = arith.constant 16 : index
      %get3A_2196 = tpu.vector_load %arg17[%get3A_2194, %get3A_2195] {strides = array<i32>} : memref<3x128xi32, #tpu.memory_space<vmem>>, vector<16xi32>,
      %gt3A_2197 = arith.cmpf ogt, %get3A_2192, %get3A_2186 : vector<16xf32>
      %eq3A_2198 = arith.cmpf oeq, %get3A_2192, %get3A_2186 : vector<16xf32>
      %lt3A_2199 = arith.cmpi slt, %get3A_2196, %get3A_2188 : vector<16xi32>
      %and3A_2200 = arith.andi %eq3A_2198, %lt3A_2199 : vector<16xi1>
      %or3A_2201 = arith.ori %gt3A_2197, %and3A_2200 : vector<16xi1>
      %select_n3A_2202 = arith.select %or3A_2201, %get3A_2192, %get3A_2186 : vector<16xi1>, vector<16xf32>
      %swap3A_2203 = arith.constant 16 : index
      %swap3A_2204 = tpu.vector_load %arg14[%swap3A_2203] {strides = array<i32>} : memref<128xf32, #tpu.memory_space<vmem>>, vector<16xf32>,
      tpu.vector_store %arg14[%swap3A_2203], %select_n3A_2202 {strides = array<i32>} : memref<128xf32, #tpu.memory_space<vmem>>, vector<16xf32>,
      %select_n3A_2205 = arith.select %or3A_2201, %get3A_2196, %get3A_2188 : vector<16xi1>, vector<16xi32>
      %swap3A_2206 = arith.constant 16 : index
      %swap3A_2207 = tpu.vector_load %arg15[%swap3A_2206] {strides = array<i32>} : memref<128xi32, #tpu.memory_space<vmem>>, vector<16xi32>,
      tpu.vector_store %arg15[%swap3A_2206], %select_n3A_2205 {strides = array<i32>} : memref<128xi32, #tpu.memory_space<vmem>>, vector<16xi32>,
      %get3A_2208 = arith.constant 32 : index
      %get3A_2209 = tpu.vector_load %arg14[%get3A_2208] {strides = array<i32>} : memref<128xf32, #tpu.memory_space<vmem>>, vector<16xf32>,
      %get3A_2210 = arith.constant 32 : index
      %get3A_2211 = tpu.vector_load %arg15[%get3A_2210] {strides = array<i32>} : memref<128xi32, #tpu.memory_space<vmem>>, vector<16xi32>,
      %get3A_2212 = arith.constant 2 : i32
      %get3A_2213 = arith.index_cast %get3A_2212 : i32 to index
      %get3A_2214 = arith.constant 32 : index
      %get3A_2215 = tpu.vector_load %arg16[%get3A_2213, %get3A_2214] {strides = array<i32>} : memref<3x128xf32, #tpu.memory_space<vmem>>, vector<16xf32>,
      %get3A_2216 = arith.constant 2 : i32
      %get3A_2217 = arith.index_cast %get3A_2216 : i32 to index
      %get3A_2218 = arith.constant 32 : index
      %get3A_2219 = tpu.vector_load %arg17[%get3A_2217, %get3A_2218] {strides = array<i32>} : memref<3x128xi32, #tpu.memory_space<vmem>>, vector<16xi32>,
      %gt3A_2220 = arith.cmpf ogt, %get3A_2215, %get3A_2209 : vector<16xf32>
      %eq3A_2221 = arith.cmpf oeq, %get3A_2215, %get3A_2209 : vector<16xf32>
      %lt3A_2222 = arith.cmpi slt, %get3A_2219, %get3A_2211 : vector<16xi32>
      %and3A_2223 = arith.andi %eq3A_2221, %lt3A_2222 : vector<16xi1>
      %or3A_2224 = arith.ori %gt3A_2220, %and3A_2223 : vector<16xi1>
      %select_n3A_2225 = arith.select %or3A_2224, %get3A_2215, %get3A_2209 : vector<16xi1>, vector<16xf32>
      %swap3A_2226 = arith.constant 32 : index
      %swap3A_2227 = tpu.vector_load %arg14[%swap3A_2226] {strides = array<i32>} : memref<128xf32, #tpu.memory_space<vmem>>, vector<16xf32>,
      tpu.vector_store %arg14[%swap3A_2226], %select_n3A_2225 {strides = array<i32>} : memref<128xf32, #tpu.memory_space<vmem>>, vector<16xf32>,
      %select_n3A_2228 = arith.select %or3A_2224, %get3A_2219, %get3A_2211 : vector<16xi1>, vector<16xi32>
      %swap3A_2229 = arith.constant 32 : index
      %swap3A_2230 = tpu.vector_load %arg15[%swap3A_2229] {strides = array<i32>} : memref<128xi32, #tpu.memory_space<vmem>>, vector<16xi32>,
      tpu.vector_store %arg15[%swap3A_2229], %select_n3A_2228 {strides = array<i32>} : memref<128xi32, #tpu.memory_space<vmem>>, vector<16xi32>,
      %get3A_2231 = arith.constant 48 : index
      %get3A_2232 = tpu.vector_load %arg14[%get3A_2231] {strides = array<i32>} : memref<128xf32, #tpu.memory_space<vmem>>, vector<16xf32>,
      %get3A_2233 = arith.constant 48 : index
      %get3A_2234 = tpu.vector_load %arg15[%get3A_2233] {strides = array<i32>} : memref<128xi32, #tpu.memory_space<vmem>>, vector<16xi32>,
      %get3A_2235 = arith.constant 2 : i32
      %get3A_2236 = arith.index_cast %get3A_2235 : i32 to index
      %get3A_2237 = arith.constant 48 : index
      %get3A_2238 = tpu.vector_load %arg16[%get3A_2236, %get3A_2237] {strides = array<i32>} : memref<3x128xf32, #tpu.memory_space<vmem>>, vector<16xf32>,
      %get3A_2239 = arith.constant 2 : i32
      %get3A_2240 = arith.index_cast %get3A_2239 : i32 to index
      %get3A_2241 = arith.constant 48 : index
      %get3A_2242 = tpu.vector_load %arg17[%get3A_2240, %get3A_2241] {strides = array<i32>} : memref<3x128xi32, #tpu.memory_space<vmem>>, vector<16xi32>,
      %gt3A_2243 = arith.cmpf ogt, %get3A_2238, %get3A_2232 : vector<16xf32>
      %eq3A_2244 = arith.cmpf oeq, %get3A_2238, %get3A_2232 : vector<16xf32>
      %lt3A_2245 = arith.cmpi slt, %get3A_2242, %get3A_2234 : vector<16xi32>
      %and3A_2246 = arith.andi %eq3A_2244, %lt3A_2245 : vector<16xi1>
      %or3A_2247 = arith.ori %gt3A_2243, %and3A_2246 : vector<16xi1>
      %select_n3A_2248 = arith.select %or3A_2247, %get3A_2238, %get3A_2232 : vector<16xi1>, vector<16xf32>
      %swap3A_2249 = arith.constant 48 : index
      %swap3A_2250 = tpu.vector_load %arg14[%swap3A_2249] {strides = array<i32>} : memref<128xf32, #tpu.memory_space<vmem>>, vector<16xf32>,
      tpu.vector_store %arg14[%swap3A_2249], %select_n3A_2248 {strides = array<i32>} : memref<128xf32, #tpu.memory_space<vmem>>, vector<16xf32>,
      %select_n3A_2251 = arith.select %or3A_2247, %get3A_2242, %get3A_2234 : vector<16xi1>, vector<16xi32>
      %swap3A_2252 = arith.constant 48 : index
      %swap3A_2253 = tpu.vector_load %arg15[%swap3A_2252] {strides = array<i32>} : memref<128xi32, #tpu.memory_space<vmem>>, vector<16xi32>,
      tpu.vector_store %arg15[%swap3A_2252], %select_n3A_2251 {strides = array<i32>} : memref<128xi32, #tpu.memory_space<vmem>>, vector<16xi32>,
      %get3A_2254 = arith.constant 64 : index
      %get3A_2255 = tpu.vector_load %arg14[%get3A_2254] {strides = array<i32>} : memref<128xf32, #tpu.memory_space<vmem>>, vector<16xf32>,
      %get3A_2256 = arith.constant 64 : index
      %get3A_2257 = tpu.vector_load %arg15[%get3A_2256] {strides = array<i32>} : memref<128xi32, #tpu.memory_space<vmem>>, vector<16xi32>,
      %get3A_2258 = arith.constant 2 : i32
      %get3A_2259 = arith.index_cast %get3A_2258 : i32 to index
      %get3A_2260 = arith.constant 64 : index
      %get3A_2261 = tpu.vector_load %arg16[%get3A_2259, %get3A_2260] {strides = array<i32>} : memref<3x128xf32, #tpu.memory_space<vmem>>, vector<16xf32>,
      %get3A_2262 = arith.constant 2 : i32
      %get3A_2263 = arith.index_cast %get3A_2262 : i32 to index
      %get3A_2264 = arith.constant 64 : index
      %get3A_2265 = tpu.vector_load %arg17[%get3A_2263, %get3A_2264] {strides = array<i32>} : memref<3x128xi32, #tpu.memory_space<vmem>>, vector<16xi32>,
      %gt3A_2266 = arith.cmpf ogt, %get3A_2261, %get3A_2255 : vector<16xf32>
      %eq3A_2267 = arith.cmpf oeq, %get3A_2261, %get3A_2255 : vector<16xf32>
      %lt3A_2268 = arith.cmpi slt, %get3A_2265, %get3A_2257 : vector<16xi32>
      %and3A_2269 = arith.andi %eq3A_2267, %lt3A_2268 : vector<16xi1>
      %or3A_2270 = arith.ori %gt3A_2266, %and3A_2269 : vector<16xi1>
      %select_n3A_2271 = arith.select %or3A_2270, %get3A_2261, %get3A_2255 : vector<16xi1>, vector<16xf32>
      %swap3A_2272 = arith.constant 64 : index
      %swap3A_2273 = tpu.vector_load %arg14[%swap3A_2272] {strides = array<i32>} : memref<128xf32, #tpu.memory_space<vmem>>, vector<16xf32>,
      tpu.vector_store %arg14[%swap3A_2272], %select_n3A_2271 {strides = array<i32>} : memref<128xf32, #tpu.memory_space<vmem>>, vector<16xf32>,
      %select_n3A_2274 = arith.select %or3A_2270, %get3A_2265, %get3A_2257 : vector<16xi1>, vector<16xi32>
      %swap3A_2275 = arith.constant 64 : index
      %swap3A_2276 = tpu.vector_load %arg15[%swap3A_2275] {strides = array<i32>} : memref<128xi32, #tpu.memory_space<vmem>>, vector<16xi32>,
      tpu.vector_store %arg15[%swap3A_2275], %select_n3A_2274 {strides = array<i32>} : memref<128xi32, #tpu.memory_space<vmem>>, vector<16xi32>,
      %get3A_2277 = arith.constant 80 : index
      %get3A_2278 = tpu.vector_load %arg14[%get3A_2277] {strides = array<i32>} : memref<128xf32, #tpu.memory_space<vmem>>, vector<16xf32>,
      %get3A_2279 = arith.constant 80 : index
      %get3A_2280 = tpu.vector_load %arg15[%get3A_2279] {strides = array<i32>} : memref<128xi32, #tpu.memory_space<vmem>>, vector<16xi32>,
      %get3A_2281 = arith.constant 2 : i32
      %get3A_2282 = arith.index_cast %get3A_2281 : i32 to index
      %get3A_2283 = arith.constant 80 : index
      %get3A_2284 = tpu.vector_load %arg16[%get3A_2282, %get3A_2283] {strides = array<i32>} : memref<3x128xf32, #tpu.memory_space<vmem>>, vector<16xf32>,
      %get3A_2285 = arith.constant 2 : i32
      %get3A_2286 = arith.index_cast %get3A_2285 : i32 to index
      %get3A_2287 = arith.constant 80 : index
      %get3A_2288 = tpu.vector_load %arg17[%get3A_2286, %get3A_2287] {strides = array<i32>} : memref<3x128xi32, #tpu.memory_space<vmem>>, vector<16xi32>,
      %gt3A_2289 = arith.cmpf ogt, %get3A_2284, %get3A_2278 : vector<16xf32>
      %eq3A_2290 = arith.cmpf oeq, %get3A_2284, %get3A_2278 : vector<16xf32>
      %lt3A_2291 = arith.cmpi slt, %get3A_2288, %get3A_2280 : vector<16xi32>
      %and3A_2292 = arith.andi %eq3A_2290, %lt3A_2291 : vector<16xi1>
      %or3A_2293 = arith.ori %gt3A_2289, %and3A_2292 : vector<16xi1>
      %select_n3A_2294 = arith.select %or3A_2293, %get3A_2284, %get3A_2278 : vector<16xi1>, vector<16xf32>
      %swap3A_2295 = arith.constant 80 : index
      %swap3A_2296 = tpu.vector_load %arg14[%swap3A_2295] {strides = array<i32>} : memref<128xf32, #tpu.memory_space<vmem>>, vector<16xf32>,
      tpu.vector_store %arg14[%swap3A_2295], %select_n3A_2294 {strides = array<i32>} : memref<128xf32, #tpu.memory_space<vmem>>, vector<16xf32>,
      %select_n3A_2297 = arith.select %or3A_2293, %get3A_2288, %get3A_2280 : vector<16xi1>, vector<16xi32>
      %swap3A_2298 = arith.constant 80 : index
      %swap3A_2299 = tpu.vector_load %arg15[%swap3A_2298] {strides = array<i32>} : memref<128xi32, #tpu.memory_space<vmem>>, vector<16xi32>,
      tpu.vector_store %arg15[%swap3A_2298], %select_n3A_2297 {strides = array<i32>} : memref<128xi32, #tpu.memory_space<vmem>>, vector<16xi32>,
      %get3A_2300 = arith.constant 96 : index
      %get3A_2301 = tpu.vector_load %arg14[%get3A_2300] {strides = array<i32>} : memref<128xf32, #tpu.memory_space<vmem>>, vector<16xf32>,
      %get3A_2302 = arith.constant 96 : index
      %get3A_2303 = tpu.vector_load %arg15[%get3A_2302] {strides = array<i32>} : memref<128xi32, #tpu.memory_space<vmem>>, vector<16xi32>,
      %get3A_2304 = arith.constant 2 : i32
      %get3A_2305 = arith.index_cast %get3A_2304 : i32 to index
      %get3A_2306 = arith.constant 96 : index
      %get3A_2307 = tpu.vector_load %arg16[%get3A_2305, %get3A_2306] {strides = array<i32>} : memref<3x128xf32, #tpu.memory_space<vmem>>, vector<16xf32>,
      %get3A_2308 = arith.constant 2 : i32
      %get3A_2309 = arith.index_cast %get3A_2308 : i32 to index
      %get3A_2310 = arith.constant 96 : index
      %get3A_2311 = tpu.vector_load %arg17[%get3A_2309, %get3A_2310] {strides = array<i32>} : memref<3x128xi32, #tpu.memory_space<vmem>>, vector<16xi32>,
      %gt3A_2312 = arith.cmpf ogt, %get3A_2307, %get3A_2301 : vector<16xf32>
      %eq3A_2313 = arith.cmpf oeq, %get3A_2307, %get3A_2301 : vector<16xf32>
      %lt3A_2314 = arith.cmpi slt, %get3A_2311, %get3A_2303 : vector<16xi32>
      %and3A_2315 = arith.andi %eq3A_2313, %lt3A_2314 : vector<16xi1>
      %or3A_2316 = arith.ori %gt3A_2312, %and3A_2315 : vector<16xi1>
      %select_n3A_2317 = arith.select %or3A_2316, %get3A_2307, %get3A_2301 : vector<16xi1>, vector<16xf32>
      %swap3A_2318 = arith.constant 96 : index
      %swap3A_2319 = tpu.vector_load %arg14[%swap3A_2318] {strides = array<i32>} : memref<128xf32, #tpu.memory_space<vmem>>, vector<16xf32>,
      tpu.vector_store %arg14[%swap3A_2318], %select_n3A_2317 {strides = array<i32>} : memref<128xf32, #tpu.memory_space<vmem>>, vector<16xf32>,
      %select_n3A_2320 = arith.select %or3A_2316, %get3A_2311, %get3A_2303 : vector<16xi1>, vector<16xi32>
      %swap3A_2321 = arith.constant 96 : index
      %swap3A_2322 = tpu.vector_load %arg15[%swap3A_2321] {strides = array<i32>} : memref<128xi32, #tpu.memory_space<vmem>>, vector<16xi32>,
      tpu.vector_store %arg15[%swap3A_2321], %select_n3A_2320 {strides = array<i32>} : memref<128xi32, #tpu.memory_space<vmem>>, vector<16xi32>,
      %get3A_2323 = arith.constant 112 : index
      %get3A_2324 = tpu.vector_load %arg14[%get3A_2323] {strides = array<i32>} : memref<128xf32, #tpu.memory_space<vmem>>, vector<16xf32>,
      %get3A_2325 = arith.constant 112 : index
      %get3A_2326 = tpu.vector_load %arg15[%get3A_2325] {strides = array<i32>} : memref<128xi32, #tpu.memory_space<vmem>>, vector<16xi32>,
      %get3A_2327 = arith.constant 2 : i32
      %get3A_2328 = arith.index_cast %get3A_2327 : i32 to index
      %get3A_2329 = arith.constant 112 : index
      %get3A_2330 = tpu.vector_load %arg16[%get3A_2328, %get3A_2329] {strides = array<i32>} : memref<3x128xf32, #tpu.memory_space<vmem>>, vector<16xf32>,
      %get3A_2331 = arith.constant 2 : i32
      %get3A_2332 = arith.index_cast %get3A_2331 : i32 to index
      %get3A_2333 = arith.constant 112 : index
      %get3A_2334 = tpu.vector_load %arg17[%get3A_2332, %get3A_2333] {strides = array<i32>} : memref<3x128xi32, #tpu.memory_space<vmem>>, vector<16xi32>,
      %gt3A_2335 = arith.cmpf ogt, %get3A_2330, %get3A_2324 : vector<16xf32>
      %eq3A_2336 = arith.cmpf oeq, %get3A_2330, %get3A_2324 : vector<16xf32>
      %lt3A_2337 = arith.cmpi slt, %get3A_2334, %get3A_2326 : vector<16xi32>
      %and3A_2338 = arith.andi %eq3A_2336, %lt3A_2337 : vector<16xi1>
      %or3A_2339 = arith.ori %gt3A_2335, %and3A_2338 : vector<16xi1>
      %select_n3A_2340 = arith.select %or3A_2339, %get3A_2330, %get3A_2324 : vector<16xi1>, vector<16xf32>
      %swap3A_2341 = arith.constant 112 : index
      %swap3A_2342 = tpu.vector_load %arg14[%swap3A_2341] {strides = array<i32>} : memref<128xf32, #tpu.memory_space<vmem>>, vector<16xf32>,
      tpu.vector_store %arg14[%swap3A_2341], %select_n3A_2340 {strides = array<i32>} : memref<128xf32, #tpu.memory_space<vmem>>, vector<16xf32>,
      %select_n3A_2343 = arith.select %or3A_2339, %get3A_2334, %get3A_2326 : vector<16xi1>, vector<16xi32>
      %swap3A_2344 = arith.constant 112 : index
      %swap3A_2345 = tpu.vector_load %arg15[%swap3A_2344] {strides = array<i32>} : memref<128xi32, #tpu.memory_space<vmem>>, vector<16xi32>,
      tpu.vector_store %arg15[%swap3A_2344], %select_n3A_2343 {strides = array<i32>} : memref<128xi32, #tpu.memory_space<vmem>>, vector<16xi32>,
      %get3A_2346 = arith.constant 0 : index
      %get3A_2347 = tpu.vector_load %arg14[%get3A_2346] {strides = array<i32>} : memref<128xf32, #tpu.memory_space<vmem>>, vector<16xf32>,
      %gt3A_2348 = arith.constant 0xFF800000 : f32
      %gt3A_2349 = vector.broadcast %gt3A_2348 : f32 to vector<16xf32>
      %gt3A_2350 = arith.cmpf ogt, %get3A_2347, %gt3A_2349 : vector<16xf32>
      %convert_element_type3A_2351 = arith.extui %gt3A_2350 : vector<16xi1> to vector<16xi32>
      %cumsum3A = arith.constant true
      %cumsum3A_2352 = vector.broadcast %cumsum3A : i1 to vector<16xi1>
      %cumsum3A_2353 = tpu.scan <sum>, %convert_element_type3A_2351 masked %cumsum3A_2352 : vector<16xi32>, vector<16xi1> -> vector<16xi32>
      %add3A_2354 = arith.constant 0 : i32
      %add3A_2355 = vector.broadcast %add3A_2354 : i32 to vector<16xi32>
      %add3A_2356 = arith.addi %add3A_2355, %cumsum3A_2353 : vector<16xi32>
      %sub3A_2357 = arith.subi %add3A_2356, %convert_element_type3A_2351 : vector<16xi32>
      %get3A_2358 = arith.constant 0 : index
      %get3A_2359 = tpu.vector_load %arg15[%get3A_2358] {strides = array<i32>} : memref<128xi32, #tpu.memory_space<vmem>>, vector<16xi32>,
      tpu.vector_store_idx %arg21[%sub3A_2357], %get3A_2359 masked %gt3A_2350 : memref<128xi32, #tpu.memory_space<vmem>>[vector<16xi32>], vector<16xi32>, vector<16xi1>
      %reduce_sum3A = arith.constant true
      %reduce_sum3A_2360 = vector.broadcast %reduce_sum3A : i1 to vector<16xi1>
      %reduce_sum3A_2361 = tpu.scan <sum>, %convert_element_type3A_2351 masked %reduce_sum3A_2360 : vector<16xi32>, vector<16xi1> -> vector<16xi32>
      %reduce_sum3A_2362 = vector.extract %reduce_sum3A_2361[15] : i32 from vector<16xi32>
      %add3A_2363 = arith.constant 0 : i32
      %add3A_2364 = arith.addi %add3A_2363, %reduce_sum3A_2362 : i32
      %get3A_2365 = arith.constant 16 : index
      %get3A_2366 = tpu.vector_load %arg14[%get3A_2365] {strides = array<i32>} : memref<128xf32, #tpu.memory_space<vmem>>, vector<16xf32>,
      %gt3A_2367 = arith.constant 0xFF800000 : f32
      %gt3A_2368 = vector.broadcast %gt3A_2367 : f32 to vector<16xf32>
      %gt3A_2369 = arith.cmpf ogt, %get3A_2366, %gt3A_2368 : vector<16xf32>
      %convert_element_type3A_2370 = arith.extui %gt3A_2369 : vector<16xi1> to vector<16xi32>
      %cumsum3A_2371 = arith.constant true
      %cumsum3A_2372 = vector.broadcast %cumsum3A_2371 : i1 to vector<16xi1>
      %cumsum3A_2373 = tpu.scan <sum>, %convert_element_type3A_2370 masked %cumsum3A_2372 : vector<16xi32>, vector<16xi1> -> vector<16xi32>
      %add3A_2374 = vector.broadcast %add3A_2364 : i32 to vector<16xi32>
      %add3A_2375 = arith.addi %add3A_2374, %cumsum3A_2373 : vector<16xi32>
      %sub3A_2376 = arith.subi %add3A_2375, %convert_element_type3A_2370 : vector<16xi32>
      %get3A_2377 = arith.constant 16 : index
      %get3A_2378 = tpu.vector_load %arg15[%get3A_2377] {strides = array<i32>} : memref<128xi32, #tpu.memory_space<vmem>>, vector<16xi32>,
      tpu.vector_store_idx %arg21[%sub3A_2376], %get3A_2378 masked %gt3A_2369 : memref<128xi32, #tpu.memory_space<vmem>>[vector<16xi32>], vector<16xi32>, vector<16xi1>
      %reduce_sum3A_2379 = arith.constant true
      %reduce_sum3A_2380 = vector.broadcast %reduce_sum3A_2379 : i1 to vector<16xi1>
      %reduce_sum3A_2381 = tpu.scan <sum>, %convert_element_type3A_2370 masked %reduce_sum3A_2380 : vector<16xi32>, vector<16xi1> -> vector<16xi32>
      %reduce_sum3A_2382 = vector.extract %reduce_sum3A_2381[15] : i32 from vector<16xi32>
      %add3A_2383 = arith.addi %add3A_2364, %reduce_sum3A_2382 : i32
      %get3A_2384 = arith.constant 32 : index
      %get3A_2385 = tpu.vector_load %arg14[%get3A_2384] {strides = array<i32>} : memref<128xf32, #tpu.memory_space<vmem>>, vector<16xf32>,
      %gt3A_2386 = arith.constant 0xFF800000 : f32
      %gt3A_2387 = vector.broadcast %gt3A_2386 : f32 to vector<16xf32>
      %gt3A_2388 = arith.cmpf ogt, %get3A_2385, %gt3A_2387 : vector<16xf32>
      %convert_element_type3A_2389 = arith.extui %gt3A_2388 : vector<16xi1> to vector<16xi32>
      %cumsum3A_2390 = arith.constant true
      %cumsum3A_2391 = vector.broadcast %cumsum3A_2390 : i1 to vector<16xi1>
      %cumsum3A_2392 = tpu.scan <sum>, %convert_element_type3A_2389 masked %cumsum3A_2391 : vector<16xi32>, vector<16xi1> -> vector<16xi32>
      %add3A_2393 = vector.broadcast %add3A_2383 : i32 to vector<16xi32>
      %add3A_2394 = arith.addi %add3A_2393, %cumsum3A_2392 : vector<16xi32>
      %sub3A_2395 = arith.subi %add3A_2394, %convert_element_type3A_2389 : vector<16xi32>
      %get3A_2396 = arith.constant 32 : index
      %get3A_2397 = tpu.vector_load %arg15[%get3A_2396] {strides = array<i32>} : memref<128xi32, #tpu.memory_space<vmem>>, vector<16xi32>,
      tpu.vector_store_idx %arg21[%sub3A_2395], %get3A_2397 masked %gt3A_2388 : memref<128xi32, #tpu.memory_space<vmem>>[vector<16xi32>], vector<16xi32>, vector<16xi1>
      %reduce_sum3A_2398 = arith.constant true
      %reduce_sum3A_2399 = vector.broadcast %reduce_sum3A_2398 : i1 to vector<16xi1>
      %reduce_sum3A_2400 = tpu.scan <sum>, %convert_element_type3A_2389 masked %reduce_sum3A_2399 : vector<16xi32>, vector<16xi1> -> vector<16xi32>
      %reduce_sum3A_2401 = vector.extract %reduce_sum3A_2400[15] : i32 from vector<16xi32>
      %add3A_2402 = arith.addi %add3A_2383, %reduce_sum3A_2401 : i32
      %get3A_2403 = arith.constant 48 : index
      %get3A_2404 = tpu.vector_load %arg14[%get3A_2403] {strides = array<i32>} : memref<128xf32, #tpu.memory_space<vmem>>, vector<16xf32>,
      %gt3A_2405 = arith.constant 0xFF800000 : f32
      %gt3A_2406 = vector.broadcast %gt3A_2405 : f32 to vector<16xf32>
      %gt3A_2407 = arith.cmpf ogt, %get3A_2404, %gt3A_2406 : vector<16xf32>
      %convert_element_type3A_2408 = arith.extui %gt3A_2407 : vector<16xi1> to vector<16xi32>
      %cumsum3A_2409 = arith.constant true
      %cumsum3A_2410 = vector.broadcast %cumsum3A_2409 : i1 to vector<16xi1>
      %cumsum3A_2411 = tpu.scan <sum>, %convert_element_type3A_2408 masked %cumsum3A_2410 : vector<16xi32>, vector<16xi1> -> vector<16xi32>
      %add3A_2412 = vector.broadcast %add3A_2402 : i32 to vector<16xi32>
      %add3A_2413 = arith.addi %add3A_2412, %cumsum3A_2411 : vector<16xi32>
      %sub3A_2414 = arith.subi %add3A_2413, %convert_element_type3A_2408 : vector<16xi32>
      %get3A_2415 = arith.constant 48 : index
      %get3A_2416 = tpu.vector_load %arg15[%get3A_2415] {strides = array<i32>} : memref<128xi32, #tpu.memory_space<vmem>>, vector<16xi32>,
      tpu.vector_store_idx %arg21[%sub3A_2414], %get3A_2416 masked %gt3A_2407 : memref<128xi32, #tpu.memory_space<vmem>>[vector<16xi32>], vector<16xi32>, vector<16xi1>
      %reduce_sum3A_2417 = arith.constant true
      %reduce_sum3A_2418 = vector.broadcast %reduce_sum3A_2417 : i1 to vector<16xi1>
      %reduce_sum3A_2419 = tpu.scan <sum>, %convert_element_type3A_2408 masked %reduce_sum3A_2418 : vector<16xi32>, vector<16xi1> -> vector<16xi32>
      %reduce_sum3A_2420 = vector.extract %reduce_sum3A_2419[15] : i32 from vector<16xi32>
      %add3A_2421 = arith.addi %add3A_2402, %reduce_sum3A_2420 : i32
      %get3A_2422 = arith.constant 64 : index
      %get3A_2423 = tpu.vector_load %arg14[%get3A_2422] {strides = array<i32>} : memref<128xf32, #tpu.memory_space<vmem>>, vector<16xf32>,
      %gt3A_2424 = arith.constant 0xFF800000 : f32
      %gt3A_2425 = vector.broadcast %gt3A_2424 : f32 to vector<16xf32>
      %gt3A_2426 = arith.cmpf ogt, %get3A_2423, %gt3A_2425 : vector<16xf32>
      %convert_element_type3A_2427 = arith.extui %gt3A_2426 : vector<16xi1> to vector<16xi32>
      %cumsum3A_2428 = arith.constant true
      %cumsum3A_2429 = vector.broadcast %cumsum3A_2428 : i1 to vector<16xi1>
      %cumsum3A_2430 = tpu.scan <sum>, %convert_element_type3A_2427 masked %cumsum3A_2429 : vector<16xi32>, vector<16xi1> -> vector<16xi32>
      %add3A_2431 = vector.broadcast %add3A_2421 : i32 to vector<16xi32>
      %add3A_2432 = arith.addi %add3A_2431, %cumsum3A_2430 : vector<16xi32>
      %sub3A_2433 = arith.subi %add3A_2432, %convert_element_type3A_2427 : vector<16xi32>
      %get3A_2434 = arith.constant 64 : index
      %get3A_2435 = tpu.vector_load %arg15[%get3A_2434] {strides = array<i32>} : memref<128xi32, #tpu.memory_space<vmem>>, vector<16xi32>,
      tpu.vector_store_idx %arg21[%sub3A_2433], %get3A_2435 masked %gt3A_2426 : memref<128xi32, #tpu.memory_space<vmem>>[vector<16xi32>], vector<16xi32>, vector<16xi1>
      %reduce_sum3A_2436 = arith.constant true
      %reduce_sum3A_2437 = vector.broadcast %reduce_sum3A_2436 : i1 to vector<16xi1>
      %reduce_sum3A_2438 = tpu.scan <sum>, %convert_element_type3A_2427 masked %reduce_sum3A_2437 : vector<16xi32>, vector<16xi1> -> vector<16xi32>
      %reduce_sum3A_2439 = vector.extract %reduce_sum3A_2438[15] : i32 from vector<16xi32>
      %add3A_2440 = arith.addi %add3A_2421, %reduce_sum3A_2439 : i32
      %get3A_2441 = arith.constant 80 : index
      %get3A_2442 = tpu.vector_load %arg14[%get3A_2441] {strides = array<i32>} : memref<128xf32, #tpu.memory_space<vmem>>, vector<16xf32>,
      %gt3A_2443 = arith.constant 0xFF800000 : f32
      %gt3A_2444 = vector.broadcast %gt3A_2443 : f32 to vector<16xf32>
      %gt3A_2445 = arith.cmpf ogt, %get3A_2442, %gt3A_2444 : vector<16xf32>
      %convert_element_type3A_2446 = arith.extui %gt3A_2445 : vector<16xi1> to vector<16xi32>
      %cumsum3A_2447 = arith.constant true
      %cumsum3A_2448 = vector.broadcast %cumsum3A_2447 : i1 to vector<16xi1>
      %cumsum3A_2449 = tpu.scan <sum>, %convert_element_type3A_2446 masked %cumsum3A_2448 : vector<16xi32>, vector<16xi1> -> vector<16xi32>
      %add3A_2450 = vector.broadcast %add3A_2440 : i32 to vector<16xi32>
      %add3A_2451 = arith.addi %add3A_2450, %cumsum3A_2449 : vector<16xi32>
      %sub3A_2452 = arith.subi %add3A_2451, %convert_element_type3A_2446 : vector<16xi32>
      %get3A_2453 = arith.constant 80 : index
      %get3A_2454 = tpu.vector_load %arg15[%get3A_2453] {strides = array<i32>} : memref<128xi32, #tpu.memory_space<vmem>>, vector<16xi32>,
      tpu.vector_store_idx %arg21[%sub3A_2452], %get3A_2454 masked %gt3A_2445 : memref<128xi32, #tpu.memory_space<vmem>>[vector<16xi32>], vector<16xi32>, vector<16xi1>
      %reduce_sum3A_2455 = arith.constant true
      %reduce_sum3A_2456 = vector.broadcast %reduce_sum3A_2455 : i1 to vector<16xi1>
      %reduce_sum3A_2457 = tpu.scan <sum>, %convert_element_type3A_2446 masked %reduce_sum3A_2456 : vector<16xi32>, vector<16xi1> -> vector<16xi32>
      %reduce_sum3A_2458 = vector.extract %reduce_sum3A_2457[15] : i32 from vector<16xi32>
      %add3A_2459 = arith.addi %add3A_2440, %reduce_sum3A_2458 : i32
      %get3A_2460 = arith.constant 96 : index
      %get3A_2461 = tpu.vector_load %arg14[%get3A_2460] {strides = array<i32>} : memref<128xf32, #tpu.memory_space<vmem>>, vector<16xf32>,
      %gt3A_2462 = arith.constant 0xFF800000 : f32
      %gt3A_2463 = vector.broadcast %gt3A_2462 : f32 to vector<16xf32>
      %gt3A_2464 = arith.cmpf ogt, %get3A_2461, %gt3A_2463 : vector<16xf32>
      %convert_element_type3A_2465 = arith.extui %gt3A_2464 : vector<16xi1> to vector<16xi32>
      %cumsum3A_2466 = arith.constant true
      %cumsum3A_2467 = vector.broadcast %cumsum3A_2466 : i1 to vector<16xi1>
      %cumsum3A_2468 = tpu.scan <sum>, %convert_element_type3A_2465 masked %cumsum3A_2467 : vector<16xi32>, vector<16xi1> -> vector<16xi32>
      %add3A_2469 = vector.broadcast %add3A_2459 : i32 to vector<16xi32>
      %add3A_2470 = arith.addi %add3A_2469, %cumsum3A_2468 : vector<16xi32>
      %sub3A_2471 = arith.subi %add3A_2470, %convert_element_type3A_2465 : vector<16xi32>
      %get3A_2472 = arith.constant 96 : index
      %get3A_2473 = tpu.vector_load %arg15[%get3A_2472] {strides = array<i32>} : memref<128xi32, #tpu.memory_space<vmem>>, vector<16xi32>,
      tpu.vector_store_idx %arg21[%sub3A_2471], %get3A_2473 masked %gt3A_2464 : memref<128xi32, #tpu.memory_space<vmem>>[vector<16xi32>], vector<16xi32>, vector<16xi1>
      %reduce_sum3A_2474 = arith.constant true
      %reduce_sum3A_2475 = vector.broadcast %reduce_sum3A_2474 : i1 to vector<16xi1>
      %reduce_sum3A_2476 = tpu.scan <sum>, %convert_element_type3A_2465 masked %reduce_sum3A_2475 : vector<16xi32>, vector<16xi1> -> vector<16xi32>
      %reduce_sum3A_2477 = vector.extract %reduce_sum3A_2476[15] : i32 from vector<16xi32>
      %add3A_2478 = arith.addi %add3A_2459, %reduce_sum3A_2477 : i32
      %get3A_2479 = arith.constant 112 : index
      %get3A_2480 = tpu.vector_load %arg14[%get3A_2479] {strides = array<i32>} : memref<128xf32, #tpu.memory_space<vmem>>, vector<16xf32>,
      %gt3A_2481 = arith.constant 0xFF800000 : f32
      %gt3A_2482 = vector.broadcast %gt3A_2481 : f32 to vector<16xf32>
      %gt3A_2483 = arith.cmpf ogt, %get3A_2480, %gt3A_2482 : vector<16xf32>
      %convert_element_type3A_2484 = arith.extui %gt3A_2483 : vector<16xi1> to vector<16xi32>
      %cumsum3A_2485 = arith.constant true
      %cumsum3A_2486 = vector.broadcast %cumsum3A_2485 : i1 to vector<16xi1>
      %cumsum3A_2487 = tpu.scan <sum>, %convert_element_type3A_2484 masked %cumsum3A_2486 : vector<16xi32>, vector<16xi1> -> vector<16xi32>
      %add3A_2488 = vector.broadcast %add3A_2478 : i32 to vector<16xi32>
      %add3A_2489 = arith.addi %add3A_2488, %cumsum3A_2487 : vector<16xi32>
      %sub3A_2490 = arith.subi %add3A_2489, %convert_element_type3A_2484 : vector<16xi32>
      %get3A_2491 = arith.constant 112 : index
      %get3A_2492 = tpu.vector_load %arg15[%get3A_2491] {strides = array<i32>} : memref<128xi32, #tpu.memory_space<vmem>>, vector<16xi32>,
      tpu.vector_store_idx %arg21[%sub3A_2490], %get3A_2492 masked %gt3A_2483 : memref<128xi32, #tpu.memory_space<vmem>>[vector<16xi32>], vector<16xi32>, vector<16xi1>
      %reduce_sum3A_2493 = arith.constant true
      %reduce_sum3A_2494 = vector.broadcast %reduce_sum3A_2493 : i1 to vector<16xi1>
      %reduce_sum3A_2495 = tpu.scan <sum>, %convert_element_type3A_2484 masked %reduce_sum3A_2494 : vector<16xi32>, vector<16xi1> -> vector<16xi32>
      %reduce_sum3A_2496 = vector.extract %reduce_sum3A_2495[15] : i32 from vector<16xi32>
      %add3A_2497 = arith.addi %add3A_2478, %reduce_sum3A_2496 : i32
      %lt3A_2498 = arith.constant 128 : i32
      %lt3A_2499 = arith.cmpi slt, %add3A_2497, %lt3A_2498 : i32
      %convert_element_type3A_2500 = arith.extui %lt3A_2499 : i1 to i32
      %cond3A_2501 = arith.constant 0 : i32
      %cond3A_2502 = arith.cmpi ne, %convert_element_type3A_2500, %cond3A_2501 : i32
      scf.if %cond3A_2502 {
        %mul3A_2505 = arith.constant 5000 : i32
        %mul3A_2506 = arith.muli %add3A, %mul3A_2505 : i32
        "tpu.region"() ({
          %run_scoped3A = tpu.sem_alloc : memref<!tpu.dma_semaphore, #tpu.memory_space<semaphore_mem>>
          %dma_start3A_2646 = arith.constant 0 : i32
          %dma_start3A_2647 = tpu.memref_slice %arg22[%dma_start3A_2646] : memref<5008xf32, #tpu.memory_space<vmem>> -> memref<5000xf32, #tpu.memory_space<vmem>>
          %dma_start3A_2648 = tpu.memref_slice %arg2[%mul3A_2506] : memref<40000xf32, #tpu.memory_space<hbm>> -> memref<5000xf32, #tpu.memory_space<hbm>>
          %dma_start3A_2649 = arith.constant 0 : i32
          %dma_start3A_2650 = tpu.memref_slice %arg22[%dma_start3A_2649] : memref<5008xf32, #tpu.memory_space<vmem>> -> memref<5000xf32, #tpu.memory_space<vmem>>
          %dma_start3A_2651 = tpu.memref_slice %arg2[%mul3A_2506] : memref<40000xf32, #tpu.memory_space<hbm>> -> memref<5000xf32, #tpu.memory_space<hbm>>
          tpu.enqueue_dma source(%dma_start3A_2651 : memref<5000xf32, #tpu.memory_space<hbm>>) target(%dma_start3A_2650 : memref<5000xf32, #tpu.memory_space<vmem>>) target_semaphore(%run_scoped3A : memref<!tpu.dma_semaphore, #tpu.memory_space<semaphore_mem>>)
          %dma_wait3A_2652 = arith.constant 0 : i32
          %dma_wait3A_2653 = tpu.memref_slice %arg22[%dma_wait3A_2652] : memref<5008xf32, #tpu.memory_space<vmem>> -> memref<5000xf32, #tpu.memory_space<vmem>>
          %dma_wait3A_2654 = tpu.memref_slice %arg2[%mul3A_2506] : memref<40000xf32, #tpu.memory_space<hbm>> -> memref<5000xf32, #tpu.memory_space<hbm>>
          %dma_wait3A_2655 = arith.constant 0 : i32
          %dma_wait3A_2656 = tpu.memref_slice %arg22[%dma_wait3A_2655] : memref<5008xf32, #tpu.memory_space<vmem>> -> memref<5000xf32, #tpu.memory_space<vmem>>
          %dma_wait3A_2657 = tpu.memref_slice %arg2[%mul3A_2506] : memref<40000xf32, #tpu.memory_space<hbm>> -> memref<5000xf32, #tpu.memory_space<hbm>>
          tpu.wait_dma2 semaphore(%run_scoped3A : memref<!tpu.dma_semaphore, #tpu.memory_space<semaphore_mem>>) src(%dma_wait3A_2657 : memref<5000xf32, #tpu.memory_space<hbm>>) dst(%dma_wait3A_2656 : memref<5000xf32, #tpu.memory_space<vmem>>)
          tpu.yield
        }) : () -> ()
        %get3A_2507 = arith.constant 4992 : index
        %get3A_2508 = tpu.vector_load %arg22[%get3A_2507] {strides = array<i32>} : memref<5008xf32, #tpu.memory_space<vmem>>, vector<16xf32>,
        %add3A_2509 = arith.constant 4992 : i32
        %add3A_2510 = vector.broadcast %add3A_2509 : i32 to vector<16xi32>
        %add3A_2511 = arith.addi %add3A_2510, %iota3A : vector<16xi32>
        %ge3A = arith.constant 5000 : i32
        %ge3A_2512 = vector.broadcast %ge3A : i32 to vector<16xi32>
        %ge3A_2513 = arith.cmpi sge, %add3A_2511, %ge3A_2512 : vector<16xi32>
        %jit3A_2514 = arith.constant 0xFF800000 : f32
        %broadcast_in_dim3A_2515 = vector.broadcast %jit3A_2514 : f32 to vector<16xf32>
        %select_n3A_2516 = arith.select %ge3A_2513, %broadcast_in_dim3A_2515, %get3A_2508 : vector<16xi1>, vector<16xf32>
        %swap3A_2517 = arith.constant 4992 : index
        %swap3A_2518 = tpu.vector_load %arg22[%swap3A_2517] {strides = array<i32>} : memref<5008xf32, #tpu.memory_space<vmem>>, vector<16xf32>,
        tpu.vector_store %arg22[%swap3A_2517], %select_n3A_2516 {strides = array<i32>} : memref<5008xf32, #tpu.memory_space<vmem>>, vector<16xf32>,
        %get3A_2519 = arith.constant 0 : index
        %get3A_2520 = tpu.vector_load %arg14[%get3A_2519] {strides = array<i32>} : memref<128xf32, #tpu.memory_space<vmem>>, vector<16xf32>,
        %gt3A_2521 = arith.constant 0xFF800000 : f32
        %gt3A_2522 = vector.broadcast %gt3A_2521 : f32 to vector<16xf32>
        %gt3A_2523 = arith.cmpf ogt, %get3A_2520, %gt3A_2522 : vector<16xf32>
        %get3A_2524 = arith.constant 0 : index
        %get3A_2525 = tpu.vector_load %arg15[%get3A_2524] {strides = array<i32>} : memref<128xi32, #tpu.memory_space<vmem>>, vector<16xi32>,
        %jit3A_2526 = arith.constant 0 : i32
        %jit3A_2527 = arith.constant 4999 : i32
        %max3A = vector.broadcast %jit3A_2526 : i32 to vector<16xi32>
        %max3A_2528 = arith.maxsi %max3A, %get3A_2525 : vector<16xi32>
        %min3A = vector.broadcast %jit3A_2527 : i32 to vector<16xi32>
        %min3A_2529 = arith.minsi %min3A, %max3A_2528 : vector<16xi32>
        %broadcast_in_dim3A_2530 = arith.constant 0xFF800000 : f32
        %broadcast_in_dim3A_2531 = vector.broadcast %broadcast_in_dim3A_2530 : f32 to vector<16xf32>
        tpu.vector_store_idx %arg22[%min3A_2529], %broadcast_in_dim3A_2531 masked %gt3A_2523 : memref<5008xf32, #tpu.memory_space<vmem>>[vector<16xi32>], vector<16xf32>, vector<16xi1>
        %get3A_2532 = arith.constant 16 : index
        %get3A_2533 = tpu.vector_load %arg14[%get3A_2532] {strides = array<i32>} : memref<128xf32, #tpu.memory_space<vmem>>, vector<16xf32>,
        %gt3A_2534 = arith.constant 0xFF800000 : f32
        %gt3A_2535 = vector.broadcast %gt3A_2534 : f32 to vector<16xf32>
        %gt3A_2536 = arith.cmpf ogt, %get3A_2533, %gt3A_2535 : vector<16xf32>
        %get3A_2537 = arith.constant 16 : index
        %get3A_2538 = tpu.vector_load %arg15[%get3A_2537] {strides = array<i32>} : memref<128xi32, #tpu.memory_space<vmem>>, vector<16xi32>,
        %jit3A_2539 = arith.constant 0 : i32
        %jit3A_2540 = arith.constant 4999 : i32
        %max3A_2541 = vector.broadcast %jit3A_2539 : i32 to vector<16xi32>
        %max3A_2542 = arith.maxsi %max3A_2541, %get3A_2538 : vector<16xi32>
        %min3A_2543 = vector.broadcast %jit3A_2540 : i32 to vector<16xi32>
        %min3A_2544 = arith.minsi %min3A_2543, %max3A_2542 : vector<16xi32>
        %broadcast_in_dim3A_2545 = arith.constant 0xFF800000 : f32
        %broadcast_in_dim3A_2546 = vector.broadcast %broadcast_in_dim3A_2545 : f32 to vector<16xf32>
        tpu.vector_store_idx %arg22[%min3A_2544], %broadcast_in_dim3A_2546 masked %gt3A_2536 : memref<5008xf32, #tpu.memory_space<vmem>>[vector<16xi32>], vector<16xf32>, vector<16xi1>
        %get3A_2547 = arith.constant 32 : index
        %get3A_2548 = tpu.vector_load %arg14[%get3A_2547] {strides = array<i32>} : memref<128xf32, #tpu.memory_space<vmem>>, vector<16xf32>,
        %gt3A_2549 = arith.constant 0xFF800000 : f32
        %gt3A_2550 = vector.broadcast %gt3A_2549 : f32 to vector<16xf32>
        %gt3A_2551 = arith.cmpf ogt, %get3A_2548, %gt3A_2550 : vector<16xf32>
        %get3A_2552 = arith.constant 32 : index
        %get3A_2553 = tpu.vector_load %arg15[%get3A_2552] {strides = array<i32>} : memref<128xi32, #tpu.memory_space<vmem>>, vector<16xi32>,
        %jit3A_2554 = arith.constant 0 : i32
        %jit3A_2555 = arith.constant 4999 : i32
        %max3A_2556 = vector.broadcast %jit3A_2554 : i32 to vector<16xi32>
        %max3A_2557 = arith.maxsi %max3A_2556, %get3A_2553 : vector<16xi32>
        %min3A_2558 = vector.broadcast %jit3A_2555 : i32 to vector<16xi32>
        %min3A_2559 = arith.minsi %min3A_2558, %max3A_2557 : vector<16xi32>
        %broadcast_in_dim3A_2560 = arith.constant 0xFF800000 : f32
        %broadcast_in_dim3A_2561 = vector.broadcast %broadcast_in_dim3A_2560 : f32 to vector<16xf32>
        tpu.vector_store_idx %arg22[%min3A_2559], %broadcast_in_dim3A_2561 masked %gt3A_2551 : memref<5008xf32, #tpu.memory_space<vmem>>[vector<16xi32>], vector<16xf32>, vector<16xi1>
        %get3A_2562 = arith.constant 48 : index
        %get3A_2563 = tpu.vector_load %arg14[%get3A_2562] {strides = array<i32>} : memref<128xf32, #tpu.memory_space<vmem>>, vector<16xf32>,
        %gt3A_2564 = arith.constant 0xFF800000 : f32
        %gt3A_2565 = vector.broadcast %gt3A_2564 : f32 to vector<16xf32>
        %gt3A_2566 = arith.cmpf ogt, %get3A_2563, %gt3A_2565 : vector<16xf32>
        %get3A_2567 = arith.constant 48 : index
        %get3A_2568 = tpu.vector_load %arg15[%get3A_2567] {strides = array<i32>} : memref<128xi32, #tpu.memory_space<vmem>>, vector<16xi32>,
        %jit3A_2569 = arith.constant 0 : i32
        %jit3A_2570 = arith.constant 4999 : i32
        %max3A_2571 = vector.broadcast %jit3A_2569 : i32 to vector<16xi32>
        %max3A_2572 = arith.maxsi %max3A_2571, %get3A_2568 : vector<16xi32>
        %min3A_2573 = vector.broadcast %jit3A_2570 : i32 to vector<16xi32>
        %min3A_2574 = arith.minsi %min3A_2573, %max3A_2572 : vector<16xi32>
        %broadcast_in_dim3A_2575 = arith.constant 0xFF800000 : f32
        %broadcast_in_dim3A_2576 = vector.broadcast %broadcast_in_dim3A_2575 : f32 to vector<16xf32>
        tpu.vector_store_idx %arg22[%min3A_2574], %broadcast_in_dim3A_2576 masked %gt3A_2566 : memref<5008xf32, #tpu.memory_space<vmem>>[vector<16xi32>], vector<16xf32>, vector<16xi1>
        %get3A_2577 = arith.constant 64 : index
        %get3A_2578 = tpu.vector_load %arg14[%get3A_2577] {strides = array<i32>} : memref<128xf32, #tpu.memory_space<vmem>>, vector<16xf32>,
        %gt3A_2579 = arith.constant 0xFF800000 : f32
        %gt3A_2580 = vector.broadcast %gt3A_2579 : f32 to vector<16xf32>
        %gt3A_2581 = arith.cmpf ogt, %get3A_2578, %gt3A_2580 : vector<16xf32>
        %get3A_2582 = arith.constant 64 : index
        %get3A_2583 = tpu.vector_load %arg15[%get3A_2582] {strides = array<i32>} : memref<128xi32, #tpu.memory_space<vmem>>, vector<16xi32>,
        %jit3A_2584 = arith.constant 0 : i32
        %jit3A_2585 = arith.constant 4999 : i32
        %max3A_2586 = vector.broadcast %jit3A_2584 : i32 to vector<16xi32>
        %max3A_2587 = arith.maxsi %max3A_2586, %get3A_2583 : vector<16xi32>
        %min3A_2588 = vector.broadcast %jit3A_2585 : i32 to vector<16xi32>
        %min3A_2589 = arith.minsi %min3A_2588, %max3A_2587 : vector<16xi32>
        %broadcast_in_dim3A_2590 = arith.constant 0xFF800000 : f32
        %broadcast_in_dim3A_2591 = vector.broadcast %broadcast_in_dim3A_2590 : f32 to vector<16xf32>
        tpu.vector_store_idx %arg22[%min3A_2589], %broadcast_in_dim3A_2591 masked %gt3A_2581 : memref<5008xf32, #tpu.memory_space<vmem>>[vector<16xi32>], vector<16xf32>, vector<16xi1>
        %get3A_2592 = arith.constant 80 : index
        %get3A_2593 = tpu.vector_load %arg14[%get3A_2592] {strides = array<i32>} : memref<128xf32, #tpu.memory_space<vmem>>, vector<16xf32>,
        %gt3A_2594 = arith.constant 0xFF800000 : f32
        %gt3A_2595 = vector.broadcast %gt3A_2594 : f32 to vector<16xf32>
        %gt3A_2596 = arith.cmpf ogt, %get3A_2593, %gt3A_2595 : vector<16xf32>
        %get3A_2597 = arith.constant 80 : index
        %get3A_2598 = tpu.vector_load %arg15[%get3A_2597] {strides = array<i32>} : memref<128xi32, #tpu.memory_space<vmem>>, vector<16xi32>,
        %jit3A_2599 = arith.constant 0 : i32
        %jit3A_2600 = arith.constant 4999 : i32
        %max3A_2601 = vector.broadcast %jit3A_2599 : i32 to vector<16xi32>
        %max3A_2602 = arith.maxsi %max3A_2601, %get3A_2598 : vector<16xi32>
        %min3A_2603 = vector.broadcast %jit3A_2600 : i32 to vector<16xi32>
        %min3A_2604 = arith.minsi %min3A_2603, %max3A_2602 : vector<16xi32>
        %broadcast_in_dim3A_2605 = arith.constant 0xFF800000 : f32
        %broadcast_in_dim3A_2606 = vector.broadcast %broadcast_in_dim3A_2605 : f32 to vector<16xf32>
        tpu.vector_store_idx %arg22[%min3A_2604], %broadcast_in_dim3A_2606 masked %gt3A_2596 : memref<5008xf32, #tpu.memory_space<vmem>>[vector<16xi32>], vector<16xf32>, vector<16xi1>
        %get3A_2607 = arith.constant 96 : index
        %get3A_2608 = tpu.vector_load %arg14[%get3A_2607] {strides = array<i32>} : memref<128xf32, #tpu.memory_space<vmem>>, vector<16xf32>,
        %gt3A_2609 = arith.constant 0xFF800000 : f32
        %gt3A_2610 = vector.broadcast %gt3A_2609 : f32 to vector<16xf32>
        %gt3A_2611 = arith.cmpf ogt, %get3A_2608, %gt3A_2610 : vector<16xf32>
        %get3A_2612 = arith.constant 96 : index
        %get3A_2613 = tpu.vector_load %arg15[%get3A_2612] {strides = array<i32>} : memref<128xi32, #tpu.memory_space<vmem>>, vector<16xi32>,
        %jit3A_2614 = arith.constant 0 : i32
        %jit3A_2615 = arith.constant 4999 : i32
        %max3A_2616 = vector.broadcast %jit3A_2614 : i32 to vector<16xi32>
        %max3A_2617 = arith.maxsi %max3A_2616, %get3A_2613 : vector<16xi32>
        %min3A_2618 = vector.broadcast %jit3A_2615 : i32 to vector<16xi32>
        %min3A_2619 = arith.minsi %min3A_2618, %max3A_2617 : vector<16xi32>
        %broadcast_in_dim3A_2620 = arith.constant 0xFF800000 : f32
        %broadcast_in_dim3A_2621 = vector.broadcast %broadcast_in_dim3A_2620 : f32 to vector<16xf32>
        tpu.vector_store_idx %arg22[%min3A_2619], %broadcast_in_dim3A_2621 masked %gt3A_2611 : memref<5008xf32, #tpu.memory_space<vmem>>[vector<16xi32>], vector<16xf32>, vector<16xi1>
        %get3A_2622 = arith.constant 112 : index
        %get3A_2623 = tpu.vector_load %arg14[%get3A_2622] {strides = array<i32>} : memref<128xf32, #tpu.memory_space<vmem>>, vector<16xf32>,
        %gt3A_2624 = arith.constant 0xFF800000 : f32
        %gt3A_2625 = vector.broadcast %gt3A_2624 : f32 to vector<16xf32>
        %gt3A_2626 = arith.cmpf ogt, %get3A_2623, %gt3A_2625 : vector<16xf32>
        %get3A_2627 = arith.constant 112 : index
        %get3A_2628 = tpu.vector_load %arg15[%get3A_2627] {strides = array<i32>} : memref<128xi32, #tpu.memory_space<vmem>>, vector<16xi32>,
        %jit3A_2629 = arith.constant 0 : i32
        %jit3A_2630 = arith.constant 4999 : i32
        %max3A_2631 = vector.broadcast %jit3A_2629 : i32 to vector<16xi32>
        %max3A_2632 = arith.maxsi %max3A_2631, %get3A_2628 : vector<16xi32>
        %min3A_2633 = vector.broadcast %jit3A_2630 : i32 to vector<16xi32>
        %min3A_2634 = arith.minsi %min3A_2633, %max3A_2632 : vector<16xi32>
        %broadcast_in_dim3A_2635 = arith.constant 0xFF800000 : f32
        %broadcast_in_dim3A_2636 = vector.broadcast %broadcast_in_dim3A_2635 : f32 to vector<16xf32>
        tpu.vector_store_idx %arg22[%min3A_2634], %broadcast_in_dim3A_2636 masked %gt3A_2626 : memref<5008xf32, #tpu.memory_space<vmem>>[vector<16xi32>], vector<16xf32>, vector<16xi1>
        %eq3A_2637 = arith.constant 0 : i32
        %eq3A_2638 = vector.broadcast %eq3A_2637 : i32 to vector<16xi32>
        %eq3A_2639 = arith.cmpi eq, %iota3A, %eq3A_2638 : vector<16xi32>
        %scan3A_2640 = arith.constant 0 : i32
        %scan3A_2641 = arith.constant 0 : i32
        %scan3A_2642 = arith.constant 128 : i32
        %scan3A_2643 = arith.addi %scan3A_2641, %scan3A_2642 : i32
        %scan3A_2644 = arith.constant 1 : i32
        scf.for %scan3A_2646 = %scan3A_2641 to %scan3A_2643 step %scan3A_2644  : i32 {
          %ge3A_2647 = arith.cmpi sge, %scan3A_2646, %add3A_2497 : i32
          %convert_element_type3A_2648 = arith.extui %ge3A_2647 : i1 to i32
          %cond3A_2649 = arith.constant 0 : i32
          %cond3A_2650 = arith.cmpi ne, %convert_element_type3A_2648, %cond3A_2649 : i32
          scf.if %cond3A_2650 {
            %broadcast_in_dim3A_2651 = arith.constant 0xFF800000 : f32
            %broadcast_in_dim3A_2652 = vector.broadcast %broadcast_in_dim3A_2651 : f32 to vector<16xf32>
            %broadcast_in_dim3A_2653 = arith.constant 1073741824 : i32
            %broadcast_in_dim3A_2654 = vector.broadcast %broadcast_in_dim3A_2653 : i32 to vector<16xi32>
            %scan3A_2655 = arith.constant 0 : i32
            %scan3A_2656 = arith.constant 313 : i32
            %scan3A_2657 = arith.addi %scan3A_2655, %scan3A_2656 : i32
            %scan3A_2658 = arith.constant 1 : i32
            %scan3A_2659:2 = scf.for %scan3A_2690 = %scan3A_2655 to %scan3A_2657 step %scan3A_2658 iter_args(%scan3A_2691 = %broadcast_in_dim3A_2652, %scan3A_2692 = %broadcast_in_dim3A_2654) -> (vector<16xf32>, vector<16xi32>)  : i32 {
              %mul3A_2693 = arith.constant 16 : i32
              %mul3A_2694 = arith.muli %scan3A_2690, %mul3A_2693 : i32
              %get3A_2695 = arith.index_cast %mul3A_2694 : i32 to index
              %get3A_2696 = tpu.vector_load %arg22[%get3A_2695] {strides = array<i32>} : memref<5008xf32, #tpu.memory_space<vmem>>, vector<16xf32>,
              %gt3A_2697 = arith.cmpf ogt, %get3A_2696, %scan3A_2691 : vector<16xf32>
              %select_n3A_2698 = arith.select %gt3A_2697, %get3A_2696, %scan3A_2691 : vector<16xi1>, vector<16xf32>
              %mul3A_2699 = arith.constant 16 : i32
              %mul3A_2700 = arith.muli %scan3A_2690, %mul3A_2699 : i32
              %add3A_2701 = vector.broadcast %mul3A_2700 : i32 to vector<16xi32>
              %add3A_2702 = arith.addi %add3A_2701, %iota3A : vector<16xi32>
              %select_n3A_2703 = arith.select %gt3A_2697, %add3A_2702, %scan3A_2692 : vector<16xi1>, vector<16xi32>
              scf.yield %select_n3A_2698, %select_n3A_2703 : vector<16xf32>, vector<16xi32>
            }
            %scan3A_2660 = arith.constant 313 : i32
            %reduce_max3A = arith.constant true
            %reduce_max3A_2661 = vector.broadcast %reduce_max3A : i1 to vector<16xi1>
            %reduce_max3A_2662 = tpu.scan <max>, %scan3A_2659#0 masked %reduce_max3A_2661 : vector<16xf32>, vector<16xi1> -> vector<16xf32>
            %reduce_max3A_2663 = vector.extract %reduce_max3A_2662[15] : f32 from vector<16xf32>
            %eq3A_2664 = vector.broadcast %reduce_max3A_2663 : f32 to vector<16xf32>
            %eq3A_2665 = arith.cmpf oeq, %scan3A_2659#0, %eq3A_2664 : vector<16xf32>
            %jit3A_2666 = arith.constant 1073741824 : i32
            %broadcast_in_dim3A_2667 = vector.broadcast %jit3A_2666 : i32 to vector<16xi32>
            %select_n3A_2668 = arith.select %eq3A_2665, %scan3A_2659#1, %broadcast_in_dim3A_2667 : vector<16xi1>, vector<16xi32>
            %reduce_min3A = arith.constant true
            %reduce_min3A_2669 = vector.broadcast %reduce_min3A : i1 to vector<16xi1>
            %reduce_min3A_2670 = arith.constant -2147483648 : i32
            %reduce_min3A_2671 = vector.broadcast %reduce_min3A_2670 : i32 to vector<16xi32>
            %reduce_min3A_2672 = arith.xori %select_n3A_2668, %reduce_min3A_2671 : vector<16xi32>
            %reduce_min3A_2673 = tpu.scan <min>, %reduce_min3A_2672 masked %reduce_min3A_2669 : vector<16xi32>, vector<16xi1> -> vector<16xi32>
            %reduce_min3A_2674 = arith.xori %reduce_min3A_2673, %reduce_min3A_2671 : vector<16xi32>
            %reduce_min3A_2675 = vector.extract %reduce_min3A_2674[15] : i32 from vector<16xi32>
            %broadcast_in_dim3A_2676 = arith.constant 0 : i32
            %broadcast_in_dim3A_2677 = vector.broadcast %broadcast_in_dim3A_2676 : i32 to vector<16xi32>
            %add3A_2678 = vector.broadcast %scan3A_2646 : i32 to vector<16xi32>
            %add3A_2679 = arith.addi %broadcast_in_dim3A_2677, %add3A_2678 : vector<16xi32>
            %broadcast_in_dim3A_2680 = arith.constant 0 : i32
            %broadcast_in_dim3A_2681 = vector.broadcast %broadcast_in_dim3A_2680 : i32 to vector<16xi32>
            %add3A_2682 = vector.broadcast %reduce_min3A_2675 : i32 to vector<16xi32>
            %add3A_2683 = arith.addi %broadcast_in_dim3A_2681, %add3A_2682 : vector<16xi32>
            tpu.vector_store_idx %arg21[%add3A_2679], %add3A_2683 masked %eq3A_2639 : memref<128xi32, #tpu.memory_space<vmem>>[vector<16xi32>], vector<16xi32>, vector<16xi1>
            %broadcast_in_dim3A_2684 = arith.constant 0 : i32
            %broadcast_in_dim3A_2685 = vector.broadcast %broadcast_in_dim3A_2684 : i32 to vector<16xi32>
            %add3A_2686 = vector.broadcast %reduce_min3A_2675 : i32 to vector<16xi32>
            %add3A_2687 = arith.addi %broadcast_in_dim3A_2685, %add3A_2686 : vector<16xi32>
            %broadcast_in_dim3A_2688 = arith.constant 0xFF800000 : f32
            %broadcast_in_dim3A_2689 = vector.broadcast %broadcast_in_dim3A_2688 : f32 to vector<16xf32>
            tpu.vector_store_idx %arg22[%add3A_2687], %broadcast_in_dim3A_2689 masked %eq3A_2639 : memref<5008xf32, #tpu.memory_space<vmem>>[vector<16xi32>], vector<16xf32>, vector<16xi1>
          } else {
          }
        }
        %scan3A_2645 = arith.constant 128 : i32
      } else {
      }
      "tpu.region"() ({
        %run_scoped3A = tpu.sem_alloc : memref<!tpu.dma_semaphore, #tpu.memory_space<semaphore_mem>>
        %dma_start3A_2505 = arith.constant 0 : i32
        %dma_start3A_2506 = tpu.memref_slice %arg20[%arg1, %dma_start3A_2505] : memref<16x128xi32, #tpu.memory_space<vmem_shared>> -> memref<1x128xi32, #tpu.memory_space<vmem_shared>>
        %dma_start3A_2507 = tpu.memref_squeeze %dma_start3A_2506 : memref<1x128xi32, #tpu.memory_space<vmem_shared>> -> memref<128xi32, #tpu.memory_space<vmem_shared>>
        %dma_start3A_2508 = arith.constant 0 : i32
        %dma_start3A_2509 = tpu.memref_slice %arg20[%arg1, %dma_start3A_2508] : memref<16x128xi32, #tpu.memory_space<vmem_shared>> -> memref<1x128xi32, #tpu.memory_space<vmem_shared>>
        %dma_start3A_2510 = tpu.memref_squeeze %dma_start3A_2509 : memref<1x128xi32, #tpu.memory_space<vmem_shared>> -> memref<128xi32, #tpu.memory_space<vmem_shared>>
        tpu.enqueue_dma source(%arg21 : memref<128xi32, #tpu.memory_space<vmem>>) target(%dma_start3A_2510 : memref<128xi32, #tpu.memory_space<vmem_shared>>) target_semaphore(%run_scoped3A : memref<!tpu.dma_semaphore, #tpu.memory_space<semaphore_mem>>)
        %dma_wait3A_2511 = arith.constant 0 : i32
        %dma_wait3A_2512 = tpu.memref_slice %arg20[%arg1, %dma_wait3A_2511] : memref<16x128xi32, #tpu.memory_space<vmem_shared>> -> memref<1x128xi32, #tpu.memory_space<vmem_shared>>
        %dma_wait3A_2513 = tpu.memref_squeeze %dma_wait3A_2512 : memref<1x128xi32, #tpu.memory_space<vmem_shared>> -> memref<128xi32, #tpu.memory_space<vmem_shared>>
        %dma_wait3A_2514 = arith.constant 0 : i32
        %dma_wait3A_2515 = tpu.memref_slice %arg20[%arg1, %dma_wait3A_2514] : memref<16x128xi32, #tpu.memory_space<vmem_shared>> -> memref<1x128xi32, #tpu.memory_space<vmem_shared>>
        %dma_wait3A_2516 = tpu.memref_squeeze %dma_wait3A_2515 : memref<1x128xi32, #tpu.memory_space<vmem_shared>> -> memref<128xi32, #tpu.memory_space<vmem_shared>>
        tpu.wait_dma2 semaphore(%run_scoped3A : memref<!tpu.dma_semaphore, #tpu.memory_space<semaphore_mem>>) src(%arg21 : memref<128xi32, #tpu.memory_space<vmem>>) dst(%dma_wait3A_2516 : memref<128xi32, #tpu.memory_space<vmem_shared>>)
        tpu.yield
      }) : () -> ()
      %mul3A_2503 = arith.constant 128 : i32
      %mul3A_2504 = arith.muli %add3A, %mul3A_2503 : i32
      "tpu.region"() ({
        %run_scoped3A = tpu.sem_alloc : memref<!tpu.dma_semaphore, #tpu.memory_space<semaphore_mem>>
        %dma_start3A_2505 = tpu.memref_slice %arg7[%mul3A_2504] : memref<1024xi32, #tpu.memory_space<hbm>> -> memref<128xi32, #tpu.memory_space<hbm>>
        %dma_start3A_2506 = tpu.memref_slice %arg7[%mul3A_2504] : memref<1024xi32, #tpu.memory_space<hbm>> -> memref<128xi32, #tpu.memory_space<hbm>>
        tpu.enqueue_dma source(%arg21 : memref<128xi32, #tpu.memory_space<vmem>>) target(%dma_start3A_2506 : memref<128xi32, #tpu.memory_space<hbm>>) target_semaphore(%run_scoped3A : memref<!tpu.dma_semaphore, #tpu.memory_space<semaphore_mem>>)
        %dma_wait3A_2507 = tpu.memref_slice %arg7[%mul3A_2504] : memref<1024xi32, #tpu.memory_space<hbm>> -> memref<128xi32, #tpu.memory_space<hbm>>
        %dma_wait3A_2508 = tpu.memref_slice %arg7[%mul3A_2504] : memref<1024xi32, #tpu.memory_space<hbm>> -> memref<128xi32, #tpu.memory_space<hbm>>
        tpu.wait_dma2 semaphore(%run_scoped3A : memref<!tpu.dma_semaphore, #tpu.memory_space<semaphore_mem>>) src(%arg21 : memref<128xi32, #tpu.memory_space<vmem>>) dst(%dma_wait3A_2508 : memref<128xi32, #tpu.memory_space<hbm>>)
        tpu.yield
      }) : () -> ()
    } else {
    }
    %barrier3A_1538 = arith.constant 0 : index
    tpu.barrier barrier_id(%barrier3A_1538)
    %jit3A_1539 = arith.constant 4 : i32
    %div3A_1540 = arith.divsi %arg1, %jit3A_1539 : i32
    %sign3A_1541 = arith.constant 0 : i32
    %sign3A_1542 = arith.cmpi sgt, %arg1, %sign3A_1541 : i32
    %sign3A_1543 = arith.extui %sign3A_1542 : i1 to i32
    %sign3A_1544 = arith.constant 0 : i32
    %sign3A_1545 = arith.cmpi slt, %arg1, %sign3A_1544 : i32
    %sign3A_1546 = arith.extui %sign3A_1545 : i1 to i32
    %sign3A_1547 = arith.subi %sign3A_1543, %sign3A_1546 : i32
    %sign3A_1548 = arith.constant 0 : i32
    %sign3A_1549 = arith.cmpi sgt, %jit3A_1539, %sign3A_1548 : i32
    %sign3A_1550 = arith.extui %sign3A_1549 : i1 to i32
    %sign3A_1551 = arith.constant 0 : i32
    %sign3A_1552 = arith.cmpi slt, %jit3A_1539, %sign3A_1551 : i32
    %sign3A_1553 = arith.extui %sign3A_1552 : i1 to i32
    %sign3A_1554 = arith.subi %sign3A_1550, %sign3A_1553 : i32
    %ne3A_1555 = arith.cmpi ne, %sign3A_1547, %sign3A_1554 : i32
    %rem3A_1556 = arith.remsi %arg1, %jit3A_1539 : i32
    %ne3A_1557 = arith.constant 0 : i32
    %ne3A_1558 = arith.cmpi ne, %rem3A_1556, %ne3A_1557 : i32
    %and3A_1559 = arith.andi %ne3A_1555, %ne3A_1558 : i1
    %sub3A_1560 = arith.constant 1 : i32
    %sub3A_1561 = arith.subi %div3A_1540, %sub3A_1560 : i32
    %select_n3A_1562 = arith.select %and3A_1559, %sub3A_1561, %div3A_1540 : i32
    %mul3A_1563 = arith.constant 4 : i32
    %mul3A_1564 = arith.muli %select_n3A_1562, %mul3A_1563 : i32
    "tpu.region"() ({
      %run_scoped3A = tpu.sem_alloc : memref<!tpu.dma_semaphore, #tpu.memory_space<semaphore_mem>>
      %dma_start3A_1626 = arith.constant 0 : i32
      %dma_start3A_1627 = tpu.memref_slice %arg20[%mul3A_1564, %dma_start3A_1626] : memref<16x128xi32, #tpu.memory_space<vmem_shared>> -> memref<1x128xi32, #tpu.memory_space<vmem_shared>>
      %dma_start3A_1628 = tpu.memref_squeeze %dma_start3A_1627 : memref<1x128xi32, #tpu.memory_space<vmem_shared>> -> memref<128xi32, #tpu.memory_space<vmem_shared>>
      %dma_start3A_1629 = arith.constant 0 : i32
      %dma_start3A_1630 = tpu.memref_slice %arg20[%mul3A_1564, %dma_start3A_1629] : memref<16x128xi32, #tpu.memory_space<vmem_shared>> -> memref<1x128xi32, #tpu.memory_space<vmem_shared>>
      %dma_start3A_1631 = tpu.memref_squeeze %dma_start3A_1630 : memref<1x128xi32, #tpu.memory_space<vmem_shared>> -> memref<128xi32, #tpu.memory_space<vmem_shared>>
      tpu.enqueue_dma source(%dma_start3A_1631 : memref<128xi32, #tpu.memory_space<vmem_shared>>) target(%arg23 : memref<128xi32, #tpu.memory_space<vmem>>) target_semaphore(%run_scoped3A : memref<!tpu.dma_semaphore, #tpu.memory_space<semaphore_mem>>)
      %dma_wait3A_1632 = arith.constant 0 : i32
      %dma_wait3A_1633 = tpu.memref_slice %arg20[%mul3A_1564, %dma_wait3A_1632] : memref<16x128xi32, #tpu.memory_space<vmem_shared>> -> memref<1x128xi32, #tpu.memory_space<vmem_shared>>
      %dma_wait3A_1634 = tpu.memref_squeeze %dma_wait3A_1633 : memref<1x128xi32, #tpu.memory_space<vmem_shared>> -> memref<128xi32, #tpu.memory_space<vmem_shared>>
      %dma_wait3A_1635 = arith.constant 0 : i32
      %dma_wait3A_1636 = tpu.memref_slice %arg20[%mul3A_1564, %dma_wait3A_1635] : memref<16x128xi32, #tpu.memory_space<vmem_shared>> -> memref<1x128xi32, #tpu.memory_space<vmem_shared>>
      %dma_wait3A_1637 = tpu.memref_squeeze %dma_wait3A_1636 : memref<1x128xi32, #tpu.memory_space<vmem_shared>> -> memref<128xi32, #tpu.memory_space<vmem_shared>>
      tpu.wait_dma2 semaphore(%run_scoped3A : memref<!tpu.dma_semaphore, #tpu.memory_space<semaphore_mem>>) src(%dma_wait3A_1637 : memref<128xi32, #tpu.memory_space<vmem_shared>>) dst(%arg23 : memref<128xi32, #tpu.memory_space<vmem>>)
      tpu.yield
    }) : () -> ()
    %dma_wait3A_1565 = tpu.memref_slice %arg5[%mul3A_46] : memref<40000xf32, #tpu.memory_space<hbm>> -> memref<5000xf32, #tpu.memory_space<hbm>>
    %dma_wait3A_1566 = tpu.memref_slice %arg5[%mul3A_46] : memref<40000xf32, #tpu.memory_space<hbm>> -> memref<5000xf32, #tpu.memory_space<hbm>>
    tpu.wait_dma2 semaphore(%arg32 : memref<!tpu.dma_semaphore, #tpu.memory_space<semaphore_mem>>) src(%dma_wait3A_1566 : memref<5000xf32, #tpu.memory_space<hbm>>) dst(%arg26 : memref<5000xf32, #tpu.memory_space<vmem>>)
    %dma_wait3A_1567 = tpu.memref_slice %arg6[%mul3A_50] : memref<40000xf32, #tpu.memory_space<hbm>> -> memref<5000xf32, #tpu.memory_space<hbm>>
    %dma_wait3A_1568 = tpu.memref_slice %arg6[%mul3A_50] : memref<40000xf32, #tpu.memory_space<hbm>> -> memref<5000xf32, #tpu.memory_space<hbm>>
    tpu.wait_dma2 semaphore(%arg33 : memref<!tpu.dma_semaphore, #tpu.memory_space<semaphore_mem>>) src(%dma_wait3A_1568 : memref<5000xf32, #tpu.memory_space<hbm>>) dst(%arg27 : memref<5000xf32, #tpu.memory_space<vmem>>)
    %broadcast_in_dim3A_1569 = arith.constant 0 : i32
    %broadcast_in_dim3A_1570 = vector.broadcast %broadcast_in_dim3A_1569 : i32 to vector<16xi32>
    %mul3A_1571 = arith.constant 32 : i32
    %mul3A_1572 = arith.muli %select_n3A_30, %mul3A_1571 : i32
    %add3A_1573 = arith.constant 0 : i32
    %add3A_1574 = arith.addi %mul3A_1572, %add3A_1573 : i32
    %get3A_1575 = arith.index_cast %add3A_1574 : i32 to index
    %get3A_1576 = tpu.vector_load %arg23[%get3A_1575] {strides = array<i32>} : memref<128xi32, #tpu.memory_space<vmem>>, vector<16xi32>,
    %mul3A_1577 = arith.constant 5000 : i32
    %mul3A_1578 = arith.muli %add3A, %mul3A_1577 : i32
    %add3A_1579 = vector.broadcast %mul3A_1578 : i32 to vector<16xi32>
    %add3A_1580 = arith.addi %get3A_1576, %add3A_1579 : vector<16xi32>
    %swap3A_1581 = arith.constant 0 : index
    %swap3A_1582 = tpu.vector_load %arg24[%swap3A_1581] {strides = array<i32>} : memref<32xi32, #tpu.memory_space<vmem>>, vector<16xi32>,
    tpu.vector_store %arg24[%swap3A_1581], %add3A_1580 {strides = array<i32>} : memref<32xi32, #tpu.memory_space<vmem>>, vector<16xi32>,
    %add3A_1583 = arith.constant 0 : i32
    %add3A_1584 = vector.broadcast %add3A_1583 : i32 to vector<16xi32>
    %add3A_1585 = arith.addi %add3A_1584, %iota3A : vector<16xi32>
    %gather3A = tpu.vector_load_idx %arg26[%get3A_1576] : memref<5000xf32, #tpu.memory_space<vmem>>[vector<16xi32>], vector<16xf32>,
    tpu.vector_store_idx %arg28[%add3A_1585, %broadcast_in_dim3A_1570], %gather3A : memref<32x2xf32, #tpu.memory_space<vmem>>[vector<16xi32>, vector<16xi32>], vector<16xf32>,
    %add3A_1586 = arith.constant 1 : i32
    %add3A_1587 = vector.broadcast %add3A_1586 : i32 to vector<16xi32>
    %add3A_1588 = arith.addi %broadcast_in_dim3A_1570, %add3A_1587 : vector<16xi32>
    %gather3A_1589 = tpu.vector_load_idx %arg27[%get3A_1576] : memref<5000xf32, #tpu.memory_space<vmem>>[vector<16xi32>], vector<16xf32>,
    tpu.vector_store_idx %arg28[%add3A_1585, %add3A_1588], %gather3A_1589 : memref<32x2xf32, #tpu.memory_space<vmem>>[vector<16xi32>, vector<16xi32>], vector<16xf32>,
    %mul3A_1590 = arith.constant 32 : i32
    %mul3A_1591 = arith.muli %select_n3A_30, %mul3A_1590 : i32
    %add3A_1592 = arith.constant 16 : i32
    %add3A_1593 = arith.addi %mul3A_1591, %add3A_1592 : i32
    %get3A_1594 = arith.index_cast %add3A_1593 : i32 to index
    %get3A_1595 = tpu.vector_load %arg23[%get3A_1594] {strides = array<i32>} : memref<128xi32, #tpu.memory_space<vmem>>, vector<16xi32>,
    %mul3A_1596 = arith.constant 5000 : i32
    %mul3A_1597 = arith.muli %add3A, %mul3A_1596 : i32
    %add3A_1598 = vector.broadcast %mul3A_1597 : i32 to vector<16xi32>
    %add3A_1599 = arith.addi %get3A_1595, %add3A_1598 : vector<16xi32>
    %swap3A_1600 = arith.constant 16 : index
    %swap3A_1601 = tpu.vector_load %arg24[%swap3A_1600] {strides = array<i32>} : memref<32xi32, #tpu.memory_space<vmem>>, vector<16xi32>,
    tpu.vector_store %arg24[%swap3A_1600], %add3A_1599 {strides = array<i32>} : memref<32xi32, #tpu.memory_space<vmem>>, vector<16xi32>,
    %add3A_1602 = arith.constant 16 : i32
    %add3A_1603 = vector.broadcast %add3A_1602 : i32 to vector<16xi32>
    %add3A_1604 = arith.addi %add3A_1603, %iota3A : vector<16xi32>
    %gather3A_1605 = tpu.vector_load_idx %arg26[%get3A_1595] : memref<5000xf32, #tpu.memory_space<vmem>>[vector<16xi32>], vector<16xf32>,
    tpu.vector_store_idx %arg28[%add3A_1604, %broadcast_in_dim3A_1570], %gather3A_1605 : memref<32x2xf32, #tpu.memory_space<vmem>>[vector<16xi32>, vector<16xi32>], vector<16xf32>,
    %add3A_1606 = arith.constant 1 : i32
    %add3A_1607 = vector.broadcast %add3A_1606 : i32 to vector<16xi32>
    %add3A_1608 = arith.addi %broadcast_in_dim3A_1570, %add3A_1607 : vector<16xi32>
    %gather3A_1609 = tpu.vector_load_idx %arg27[%get3A_1595] : memref<5000xf32, #tpu.memory_space<vmem>>[vector<16xi32>], vector<16xf32>,
    tpu.vector_store_idx %arg28[%add3A_1604, %add3A_1608], %gather3A_1609 : memref<32x2xf32, #tpu.memory_space<vmem>>[vector<16xi32>, vector<16xi32>], vector<16xf32>,
    %dma_start3A_1610 = arith.constant 0 : i32
    %dma_start3A_1611 = arith.constant 0 : i32
    %dma_start3A_1612 = tpu.memref_slice %arg4[%dma_start3A_1610, %dma_start3A_1611] : memref<40000x256xf32, #tpu.memory_space<hbm>> -> memref<40000x256xf32, #tpu.memory_space<hbm>>
    tpu.enqueue_indirect_dma source(%dma_start3A_1612 : memref<40000x256xf32, #tpu.memory_space<hbm>>) target(%arg25 : memref<32x256xf32, #tpu.memory_space<vmem>>) offsets(%arg24 : memref<32xi32, #tpu.memory_space<vmem>>) semaphore(%arg29 : memref<!tpu.dma_semaphore, #tpu.memory_space<semaphore_mem>>)
    %dma_wait3A_1613 = arith.constant 0 : i32
    %dma_wait3A_1614 = arith.constant 0 : i32
    %dma_wait3A_1615 = tpu.memref_slice %arg4[%dma_wait3A_1613, %dma_wait3A_1614] : memref<40000x256xf32, #tpu.memory_space<hbm>> -> memref<40000x256xf32, #tpu.memory_space<hbm>>
    tpu.wait_indirect_dma semaphore(%arg29 : memref<!tpu.dma_semaphore, #tpu.memory_space<semaphore_mem>>) src(%dma_wait3A_1615 : memref<40000x256xf32, #tpu.memory_space<hbm>>) dst(%arg25 : memref<32x256xf32, #tpu.memory_space<vmem>>)
    %mul3A_1616 = arith.constant 128 : i32
    %mul3A_1617 = arith.muli %add3A, %mul3A_1616 : i32
    %mul3A_1618 = arith.constant 32 : i32
    %mul3A_1619 = arith.muli %select_n3A_30, %mul3A_1618 : i32
    %add3A_1620 = arith.addi %mul3A_1617, %mul3A_1619 : i32
    "tpu.region"() ({
      %run_scoped3A = tpu.sem_alloc : memref<!tpu.dma_semaphore, #tpu.memory_space<semaphore_mem>>
      %dma_start3A_1626 = arith.constant 0 : i32
      %dma_start3A_1627 = tpu.memref_slice %arg8[%add3A_1620, %dma_start3A_1626] : memref<1024x256xf32, #tpu.memory_space<hbm>> -> memref<32x256xf32, #tpu.memory_space<hbm>>
      %dma_start3A_1628 = arith.constant 0 : i32
      %dma_start3A_1629 = tpu.memref_slice %arg8[%add3A_1620, %dma_start3A_1628] : memref<1024x256xf32, #tpu.memory_space<hbm>> -> memref<32x256xf32, #tpu.memory_space<hbm>>
      tpu.enqueue_dma source(%arg25 : memref<32x256xf32, #tpu.memory_space<vmem>>) target(%dma_start3A_1629 : memref<32x256xf32, #tpu.memory_space<hbm>>) target_semaphore(%run_scoped3A : memref<!tpu.dma_semaphore, #tpu.memory_space<semaphore_mem>>)
      %dma_wait3A_1630 = arith.constant 0 : i32
      %dma_wait3A_1631 = tpu.memref_slice %arg8[%add3A_1620, %dma_wait3A_1630] : memref<1024x256xf32, #tpu.memory_space<hbm>> -> memref<32x256xf32, #tpu.memory_space<hbm>>
      %dma_wait3A_1632 = arith.constant 0 : i32
      %dma_wait3A_1633 = tpu.memref_slice %arg8[%add3A_1620, %dma_wait3A_1632] : memref<1024x256xf32, #tpu.memory_space<hbm>> -> memref<32x256xf32, #tpu.memory_space<hbm>>
      tpu.wait_dma2 semaphore(%run_scoped3A : memref<!tpu.dma_semaphore, #tpu.memory_space<semaphore_mem>>) src(%arg25 : memref<32x256xf32, #tpu.memory_space<vmem>>) dst(%dma_wait3A_1633 : memref<32x256xf32, #tpu.memory_space<hbm>>)
      tpu.yield
    }) : () -> ()
    %mul3A_1621 = arith.constant 128 : i32
    %mul3A_1622 = arith.muli %add3A, %mul3A_1621 : i32
    %mul3A_1623 = arith.constant 32 : i32
    %mul3A_1624 = arith.muli %select_n3A_30, %mul3A_1623 : i32
    %add3A_1625 = arith.addi %mul3A_1622, %mul3A_1624 : i32
    "tpu.region"() ({
      %run_scoped3A = tpu.sem_alloc : memref<!tpu.dma_semaphore, #tpu.memory_space<semaphore_mem>>
      %dma_start3A_1626 = arith.constant 0 : i32
      %dma_start3A_1627 = tpu.memref_slice %arg9[%add3A_1625, %dma_start3A_1626] : memref<1024x2xf32, #tpu.memory_space<hbm>> -> memref<32x2xf32, #tpu.memory_space<hbm>>
      %dma_start3A_1628 = arith.constant 0 : i32
      %dma_start3A_1629 = tpu.memref_slice %arg9[%add3A_1625, %dma_start3A_1628] : memref<1024x2xf32, #tpu.memory_space<hbm>> -> memref<32x2xf32, #tpu.memory_space<hbm>>
      tpu.enqueue_dma source(%arg28 : memref<32x2xf32, #tpu.memory_space<vmem>>) target(%dma_start3A_1629 : memref<32x2xf32, #tpu.memory_space<hbm>>) target_semaphore(%run_scoped3A : memref<!tpu.dma_semaphore, #tpu.memory_space<semaphore_mem>>)
      %dma_wait3A_1630 = arith.constant 0 : i32
      %dma_wait3A_1631 = tpu.memref_slice %arg9[%add3A_1625, %dma_wait3A_1630] : memref<1024x2xf32, #tpu.memory_space<hbm>> -> memref<32x2xf32, #tpu.memory_space<hbm>>
      %dma_wait3A_1632 = arith.constant 0 : i32
      %dma_wait3A_1633 = tpu.memref_slice %arg9[%add3A_1625, %dma_wait3A_1632] : memref<1024x2xf32, #tpu.memory_space<hbm>> -> memref<32x2xf32, #tpu.memory_space<hbm>>
      tpu.wait_dma2 semaphore(%run_scoped3A : memref<!tpu.dma_semaphore, #tpu.memory_space<semaphore_mem>>) src(%arg28 : memref<32x2xf32, #tpu.memory_space<vmem>>) dst(%dma_wait3A_1633 : memref<32x2xf32, #tpu.memory_space<hbm>>)
      tpu.yield
    }) : () -> ()
    return
  }
}

module attributes {stable_mosaic.version = 14 : i64} {
  func.func @_score_body(%arg0: i32, %arg1: memref<2xi32, #tpu.memory_space<smem>>, %arg2: memref<8192xf32, #tpu.memory_space<vmem>>, %arg3: memref<8192xf32, #tpu.memory_space<vmem>>, %arg4: memref<8192x256xf32, #tpu.memory_space<vmem>>, %arg5: memref<256x256xf32, #tpu.memory_space<vmem>>, %arg6: memref<256xf32, #tpu.memory_space<vmem>>, %arg7: memref<256xf32, #tpu.memory_space<vmem>>, %arg8: memref<256xf32, #tpu.memory_space<vmem>>, %arg9: memref<256x128xf32, #tpu.memory_space<vmem>>, %arg10: memref<128x1xf32, #tpu.memory_space<vmem>>, %arg11: memref<128xf32, #tpu.memory_space<vmem>>, %arg12: memref<1xf32, #tpu.memory_space<vmem>>, %arg13: memref<8192xf32, #tpu.memory_space<vmem>>, %arg14: memref<8192xi32, #tpu.memory_space<vmem>>) attributes {dimension_semantics = [#tpu.dimension_semantics<arbitrary>], iteration_bounds = array<i64: 5>, scalar_prefetch = 0 : i64, scratch_operands = 0 : i64, tpu.core_type = #tpu.core_type<tc>, window_params = [{transform_indices = @transform_0, window_bounds = array<i64: 2>}, {transform_indices = @transform_1, window_bounds = array<i64: 8192>}, {transform_indices = @transform_2, window_bounds = array<i64: 8192>}, {transform_indices = @transform_3, window_bounds = array<i64: 8192, 256>}, {pipeline_mode = #tpu.pipeline_mode<synchronous>, transform_indices = @transform_4, window_bounds = array<i64: 256, 256>}, {pipeline_mode = #tpu.pipeline_mode<synchronous>, transform_indices = @transform_5, window_bounds = array<i64: 256>}, {pipeline_mode = #tpu.pipeline_mode<synchronous>, transform_indices = @transform_6, window_bounds = array<i64: 256>}, {pipeline_mode = #tpu.pipeline_mode<synchronous>, transform_indices = @transform_7, window_bounds = array<i64: 256>}, {pipeline_mode = #tpu.pipeline_mode<synchronous>, transform_indices = @transform_8, window_bounds = array<i64: 256, 128>}, {pipeline_mode = #tpu.pipeline_mode<synchronous>, transform_indices = @transform_9, window_bounds = array<i64: 128, 1>}, {pipeline_mode = #tpu.pipeline_mode<synchronous>, transform_indices = @transform_10, window_bounds = array<i64: 128>}, {pipeline_mode = #tpu.pipeline_mode<synchronous>, transform_indices = @transform_11, window_bounds = array<i64: 1>}, {transform_indices = @transform_12, window_bounds = array<i64: 8192>}, {transform_indices = @transform_13, window_bounds = array<i64: 8192>}]} {
    %get3A = arith.constant 0 : index
    %get3A_0 = arith.constant 0 : index
    %get3A_1 = vector.load %arg4[%get3A, %get3A_0] : memref<8192x256xf32, #tpu.memory_space<vmem>>, vector<8192x256xf32>
    %convert_element_type3A = arith.truncf %get3A_1 : vector<8192x256xf32> to vector<8192x256xbf16>
    %get3A_2 = arith.constant 0 : index
    %get3A_3 = arith.constant 0 : index
    %get3A_4 = vector.load %arg5[%get3A_2, %get3A_3] : memref<256x256xf32, #tpu.memory_space<vmem>>, vector<256x256xf32>
    %convert_element_type3A_5 = arith.truncf %get3A_4 : vector<256x256xf32> to vector<256x256xbf16>
    %dot_general3A = arith.constant dense<0.000000e+00> : vector<8192x256xf32>
    %dot_general3A_6 = tpu.matmul %convert_element_type3A, %convert_element_type3A_5, %dot_general3A {dimension_numbers = #tpu.dot_dimension_numbers<[1], [0], [0], [1], [0, 0, 1, 1], [], []>, transpose_lhs_hint = false} : vector<8192x256xbf16>, vector<256x256xbf16>, vector<8192x256xf32> -> vector<8192x256xf32>
    %get3A_7 = arith.constant 0 : index
    %get3A_8 = vector.load %arg6[%get3A_7] : memref<256xf32, #tpu.memory_space<vmem>>, vector<256xf32>
    %broadcast_in_dim3A = vector.shape_cast %get3A_8 : vector<256xf32> to vector<1x256xf32>
    %add3A = vector.broadcast %broadcast_in_dim3A : vector<1x256xf32> to vector<8192x256xf32>
    %add3A_9 = arith.addf %dot_general3A_6, %add3A : vector<8192x256xf32>
    %reduce_sum3A = arith.constant dense<0.000000e+00> : vector<8192xf32>
    %reduce_sum3A_10 = vector.multi_reduction <add>, %add3A_9, %reduce_sum3A [1] : vector<8192x256xf32> to vector<8192xf32>
    %broadcast_in_dim3A_11 = vector.shape_cast %reduce_sum3A_10 : vector<8192xf32> to vector<8192x1xf32>
    %div3A = arith.constant 2.560000e+02 : f32
    %div3A_12 = vector.broadcast %div3A : f32 to vector<8192x1xf32>
    %div3A_13 = arith.divf %broadcast_in_dim3A_11, %div3A_12 : vector<8192x1xf32>
    %sub3A = vector.broadcast %div3A_13 : vector<8192x1xf32> to vector<8192x256xf32>
    %sub3A_14 = arith.subf %add3A_9, %sub3A : vector<8192x256xf32>
    %integer_pow3A = arith.mulf %sub3A_14, %sub3A_14 : vector<8192x256xf32>
    %reduce_sum3A_15 = arith.constant dense<0.000000e+00> : vector<8192xf32>
    %reduce_sum3A_16 = vector.multi_reduction <add>, %integer_pow3A, %reduce_sum3A_15 [1] : vector<8192x256xf32> to vector<8192xf32>
    %broadcast_in_dim3A_17 = vector.shape_cast %reduce_sum3A_16 : vector<8192xf32> to vector<8192x1xf32>
    %div3A_18 = arith.constant 2.560000e+02 : f32
    %div3A_19 = vector.broadcast %div3A_18 : f32 to vector<8192x1xf32>
    %div3A_20 = arith.divf %broadcast_in_dim3A_17, %div3A_19 : vector<8192x1xf32>
    %sub3A_21 = vector.broadcast %div3A_13 : vector<8192x1xf32> to vector<8192x256xf32>
    %sub3A_22 = arith.subf %add3A_9, %sub3A_21 : vector<8192x256xf32>
    %add3A_23 = arith.constant 9.99999974E-6 : f32
    %add3A_24 = vector.broadcast %add3A_23 : f32 to vector<8192x1xf32>
    %add3A_25 = arith.addf %div3A_20, %add3A_24 : vector<8192x1xf32>
    %sqrt3A = math.sqrt %add3A_25 : vector<8192x1xf32>
    %div3A_26 = vector.broadcast %sqrt3A : vector<8192x1xf32> to vector<8192x256xf32>
    %div3A_27 = arith.divf %sub3A_22, %div3A_26 : vector<8192x256xf32>
    %get3A_28 = arith.constant 0 : index
    %get3A_29 = vector.load %arg7[%get3A_28] : memref<256xf32, #tpu.memory_space<vmem>>, vector<256xf32>
    %broadcast_in_dim3A_30 = vector.shape_cast %get3A_29 : vector<256xf32> to vector<1x256xf32>
    %mul3A = vector.broadcast %broadcast_in_dim3A_30 : vector<1x256xf32> to vector<8192x256xf32>
    %mul3A_31 = arith.mulf %div3A_27, %mul3A : vector<8192x256xf32>
    %get3A_32 = arith.constant 0 : index
    %get3A_33 = vector.load %arg8[%get3A_32] : memref<256xf32, #tpu.memory_space<vmem>>, vector<256xf32>
    %broadcast_in_dim3A_34 = vector.shape_cast %get3A_33 : vector<256xf32> to vector<1x256xf32>
    %add3A_35 = vector.broadcast %broadcast_in_dim3A_34 : vector<1x256xf32> to vector<8192x256xf32>
    %add3A_36 = arith.addf %mul3A_31, %add3A_35 : vector<8192x256xf32>
    %logistic3A = arith.negf %add3A_36 : vector<8192x256xf32>
    %logistic3A_37 = math.exp %logistic3A : vector<8192x256xf32>
    %logistic3A_38 = arith.constant 1.000000e+00 : f32
    %logistic3A_39 = vector.broadcast %logistic3A_38 : f32 to vector<8192x256xf32>
    %logistic3A_40 = arith.addf %logistic3A_39, %logistic3A_37 : vector<8192x256xf32>
    %logistic3A_41 = arith.divf %logistic3A_39, %logistic3A_40 : vector<8192x256xf32>
    %mul3A_42 = arith.mulf %add3A_36, %logistic3A_41 : vector<8192x256xf32>
    %convert_element_type3A_43 = arith.truncf %mul3A_42 : vector<8192x256xf32> to vector<8192x256xbf16>
    %get3A_44 = arith.constant 0 : index
    %get3A_45 = arith.constant 0 : index
    %get3A_46 = vector.load %arg9[%get3A_44, %get3A_45] : memref<256x128xf32, #tpu.memory_space<vmem>>, vector<256x128xf32>
    %convert_element_type3A_47 = arith.truncf %get3A_46 : vector<256x128xf32> to vector<256x128xbf16>
    %dot_general3A_48 = arith.constant dense<0.000000e+00> : vector<8192x128xf32>
    %dot_general3A_49 = tpu.matmul %convert_element_type3A_43, %convert_element_type3A_47, %dot_general3A_48 {dimension_numbers = #tpu.dot_dimension_numbers<[1], [0], [0], [1], [0, 0, 1, 1], [], []>, transpose_lhs_hint = false} : vector<8192x256xbf16>, vector<256x128xbf16>, vector<8192x128xf32> -> vector<8192x128xf32>
    %get3A_50 = arith.constant 0 : index
    %get3A_51 = vector.load %arg11[%get3A_50] : memref<128xf32, #tpu.memory_space<vmem>>, vector<128xf32>
    %broadcast_in_dim3A_52 = vector.shape_cast %get3A_51 : vector<128xf32> to vector<1x128xf32>
    %add3A_53 = vector.broadcast %broadcast_in_dim3A_52 : vector<1x128xf32> to vector<8192x128xf32>
    %add3A_54 = arith.addf %dot_general3A_49, %add3A_53 : vector<8192x128xf32>
    %convert_element_type3A_55 = arith.truncf %add3A_54 : vector<8192x128xf32> to vector<8192x128xbf16>
    %transpose3A = tpu.transpose %convert_element_type3A_55, [1, 0] : vector<8192x128xbf16> -> vector<128x8192xbf16>
    %get3A_56 = arith.constant 0 : index
    %get3A_57 = arith.constant 0 : index
    %get3A_58 = vector.load %arg10[%get3A_56, %get3A_57] : memref<128x1xf32, #tpu.memory_space<vmem>>, vector<128x1xf32>
    %convert_element_type3A_59 = arith.truncf %get3A_58 : vector<128x1xf32> to vector<128x1xbf16>
    %transpose3A_60 = tpu.transpose %convert_element_type3A_59, [1, 0] : vector<128x1xbf16> -> vector<1x128xbf16>
    %dot_general3A_61 = arith.constant dense<0.000000e+00> : vector<1x8192xf32>
    %dot_general3A_62 = tpu.matmul %transpose3A_60, %transpose3A, %dot_general3A_61 {dimension_numbers = #tpu.dot_dimension_numbers<[1], [0], [0], [1], [0, 0, 1, 1], [], []>, transpose_lhs_hint = false} : vector<1x128xbf16>, vector<128x8192xbf16>, vector<1x8192xf32> -> vector<1x8192xf32>
    %squeeze3A = vector.shape_cast %dot_general3A_62 : vector<1x8192xf32> to vector<8192xf32>
    %get3A_63 = arith.constant 0 : index
    %get3A_64 = vector.load %arg12[%get3A_63] : memref<1xf32, #tpu.memory_space<vmem>>, vector<1xf32>
    %get3A_65 = vector.extract %get3A_64[0] : f32 from vector<1xf32>
    %add3A_66 = vector.broadcast %get3A_65 : f32 to vector<8192xf32>
    %add3A_67 = arith.addf %squeeze3A, %add3A_66 : vector<8192xf32>
    %swap3A = arith.constant 0 : index
    %swap3A_68 = vector.load %arg13[%swap3A] : memref<8192xf32, #tpu.memory_space<vmem>>, vector<8192xf32>
    tpu.vector_store %arg13[%swap3A], %add3A_67 {strides = array<i32>} : memref<8192xf32, #tpu.memory_space<vmem>>, vector<8192xf32>,
    %get3A_69 = arith.constant 0 : index
    %get3A_70 = vector.load %arg2[%get3A_69] : memref<8192xf32, #tpu.memory_space<vmem>>, vector<8192xf32>
    %get3A_71 = arith.constant 0 : index
    %get3A_72 = vector.load %arg3[%get3A_71] : memref<8192xf32, #tpu.memory_space<vmem>>, vector<8192xf32>
    %get3A_73 = arith.constant 0 : index
    %get3A_74 = memref.load %arg1[%get3A_73] : memref<2xi32, #tpu.memory_space<smem>>
    %convert_element_type3A_75 = arith.sitofp %get3A_74 : i32 to f32
    %get3A_76 = arith.constant 1 : index
    %get3A_77 = memref.load %arg1[%get3A_76] : memref<2xi32, #tpu.memory_space<smem>>
    %convert_element_type3A_78 = arith.sitofp %get3A_77 : i32 to f32
    %mul3A_79 = arith.constant 2.000000e-01 : f32
    %mul3A_80 = arith.mulf %mul3A_79, %convert_element_type3A_75 : f32
    %gt3A = vector.broadcast %mul3A_80 : f32 to vector<8192xf32>
    %gt3A_81 = arith.cmpf ogt, %get3A_72, %gt3A : vector<8192xf32>
    %mul3A_82 = arith.constant 5.000000e-01 : f32
    %mul3A_83 = arith.mulf %mul3A_82, %convert_element_type3A_75 : f32
    %le3A = vector.broadcast %mul3A_83 : f32 to vector<8192xf32>
    %le3A_84 = arith.cmpf ole, %get3A_72, %le3A : vector<8192xf32>
    %and3A = arith.andi %gt3A_81, %le3A_84 : vector<8192xi1>
    %mul3A_85 = arith.constant 5.000000e-01 : f32
    %mul3A_86 = arith.mulf %mul3A_85, %convert_element_type3A_75 : f32
    %gt3A_87 = vector.broadcast %mul3A_86 : f32 to vector<8192xf32>
    %gt3A_88 = arith.cmpf ogt, %get3A_72, %gt3A_87 : vector<8192xf32>
    %div3A_89 = vector.broadcast %convert_element_type3A_78 : f32 to vector<8192xf32>
    %div3A_90 = arith.divf %get3A_70, %div3A_89 : vector<8192xf32>
    %mul3A_91 = arith.constant 8.000000e+00 : f32
    %mul3A_92 = vector.broadcast %mul3A_91 : f32 to vector<8192xf32>
    %mul3A_93 = arith.mulf %div3A_90, %mul3A_92 : vector<8192xf32>
    %convert_element_type3A_94 = arith.fptosi %mul3A_93 : vector<8192xf32> to vector<8192xi32>
    %jit3A = arith.constant 0 : i32
    %jit3A_95 = arith.constant 7 : i32
    %max3A = vector.broadcast %jit3A : i32 to vector<8192xi32>
    %max3A_96 = arith.maxsi %max3A, %convert_element_type3A_94 : vector<8192xi32>
    %min3A = vector.broadcast %jit3A_95 : i32 to vector<8192xi32>
    %min3A_97 = arith.minsi %min3A, %max3A_96 : vector<8192xi32>
    %mul3A_98 = arith.constant 2.000000e-01 : f32
    %mul3A_99 = arith.mulf %mul3A_98, %convert_element_type3A_75 : f32
    %sub3A_100 = vector.broadcast %mul3A_99 : f32 to vector<8192xf32>
    %sub3A_101 = arith.subf %get3A_72, %sub3A_100 : vector<8192xf32>
    %mul3A_102 = arith.constant 3.000000e-01 : f32
    %mul3A_103 = arith.mulf %mul3A_102, %convert_element_type3A_75 : f32
    %div3A_104 = vector.broadcast %mul3A_103 : f32 to vector<8192xf32>
    %div3A_105 = arith.divf %sub3A_101, %div3A_104 : vector<8192xf32>
    %mul3A_106 = arith.constant 4.000000e+00 : f32
    %mul3A_107 = vector.broadcast %mul3A_106 : f32 to vector<8192xf32>
    %mul3A_108 = arith.mulf %div3A_105, %mul3A_107 : vector<8192xf32>
    %convert_element_type3A_109 = arith.fptosi %mul3A_108 : vector<8192xf32> to vector<8192xi32>
    %jit3A_110 = arith.constant 0 : i32
    %jit3A_111 = arith.constant 3 : i32
    %max3A_112 = vector.broadcast %jit3A_110 : i32 to vector<8192xi32>
    %max3A_113 = arith.maxsi %max3A_112, %convert_element_type3A_109 : vector<8192xi32>
    %min3A_114 = vector.broadcast %jit3A_111 : i32 to vector<8192xi32>
    %min3A_115 = arith.minsi %min3A_114, %max3A_113 : vector<8192xi32>
    %mul3A_116 = arith.constant 8 : i32
    %mul3A_117 = vector.broadcast %mul3A_116 : i32 to vector<8192xi32>
    %mul3A_118 = arith.muli %min3A_115, %mul3A_117 : vector<8192xi32>
    %add3A_119 = arith.addi %mul3A_118, %min3A_97 : vector<8192xi32>
    %div3A_120 = vector.broadcast %convert_element_type3A_78 : f32 to vector<8192xf32>
    %div3A_121 = arith.divf %get3A_70, %div3A_120 : vector<8192xf32>
    %mul3A_122 = arith.constant 1.600000e+01 : f32
    %mul3A_123 = vector.broadcast %mul3A_122 : f32 to vector<8192xf32>
    %mul3A_124 = arith.mulf %div3A_121, %mul3A_123 : vector<8192xf32>
    %convert_element_type3A_125 = arith.fptosi %mul3A_124 : vector<8192xf32> to vector<8192xi32>
    %jit3A_126 = arith.constant 0 : i32
    %jit3A_127 = arith.constant 15 : i32
    %max3A_128 = vector.broadcast %jit3A_126 : i32 to vector<8192xi32>
    %max3A_129 = arith.maxsi %max3A_128, %convert_element_type3A_125 : vector<8192xi32>
    %min3A_130 = vector.broadcast %jit3A_127 : i32 to vector<8192xi32>
    %min3A_131 = arith.minsi %min3A_130, %max3A_129 : vector<8192xi32>
    %mul3A_132 = arith.constant 5.000000e-01 : f32
    %mul3A_133 = arith.mulf %mul3A_132, %convert_element_type3A_75 : f32
    %sub3A_134 = vector.broadcast %mul3A_133 : f32 to vector<8192xf32>
    %sub3A_135 = arith.subf %get3A_72, %sub3A_134 : vector<8192xf32>
    %mul3A_136 = arith.constant 5.000000e-01 : f32
    %mul3A_137 = arith.mulf %mul3A_136, %convert_element_type3A_75 : f32
    %div3A_138 = vector.broadcast %mul3A_137 : f32 to vector<8192xf32>
    %div3A_139 = arith.divf %sub3A_135, %div3A_138 : vector<8192xf32>
    %mul3A_140 = arith.constant 6.000000e+00 : f32
    %mul3A_141 = vector.broadcast %mul3A_140 : f32 to vector<8192xf32>
    %mul3A_142 = arith.mulf %div3A_139, %mul3A_141 : vector<8192xf32>
    %convert_element_type3A_143 = arith.fptosi %mul3A_142 : vector<8192xf32> to vector<8192xi32>
    %jit3A_144 = arith.constant 0 : i32
    %jit3A_145 = arith.constant 5 : i32
    %max3A_146 = vector.broadcast %jit3A_144 : i32 to vector<8192xi32>
    %max3A_147 = arith.maxsi %max3A_146, %convert_element_type3A_143 : vector<8192xi32>
    %min3A_148 = vector.broadcast %jit3A_145 : i32 to vector<8192xi32>
    %min3A_149 = arith.minsi %min3A_148, %max3A_147 : vector<8192xi32>
    %mul3A_150 = arith.constant 16 : i32
    %mul3A_151 = vector.broadcast %mul3A_150 : i32 to vector<8192xi32>
    %mul3A_152 = arith.muli %min3A_149, %mul3A_151 : vector<8192xi32>
    %add3A_153 = arith.constant 32 : i32
    %add3A_154 = vector.broadcast %add3A_153 : i32 to vector<8192xi32>
    %add3A_155 = arith.addi %add3A_154, %mul3A_152 : vector<8192xi32>
    %add3A_156 = arith.addi %add3A_155, %min3A_131 : vector<8192xi32>
    %jit3A_157 = arith.constant -1 : i32
    %broadcast_in_dim3A_158 = vector.broadcast %jit3A_157 : i32 to vector<8192xi32>
    %select_n3A = arith.select %and3A, %add3A_119, %broadcast_in_dim3A_158 : vector<8192xi1>, vector<8192xi32>
    %select_n3A_159 = arith.select %gt3A_88, %add3A_156, %select_n3A : vector<8192xi1>, vector<8192xi32>
    %swap3A_160 = arith.constant 0 : index
    %swap3A_161 = vector.load %arg14[%swap3A_160] : memref<8192xi32, #tpu.memory_space<vmem>>, vector<8192xi32>
    tpu.vector_store %arg14[%swap3A_160], %select_n3A_159 {strides = array<i32>} : memref<8192xi32, #tpu.memory_space<vmem>>, vector<8192xi32>,
    return
  }
  func.func @transform_0(%arg0: i32) -> i32 {
    %c0_i32 = arith.constant 0 : i32
    %c0_i32_0 = arith.constant 0 : i32
    return %c0_i32 : i32
  }
  func.func @transform_1(%arg0: i32) -> i32 {
    %c0_i32 = arith.constant 0 : i32
    return %arg0 : i32
  }
  func.func @transform_2(%arg0: i32) -> i32 {
    %c0_i32 = arith.constant 0 : i32
    return %arg0 : i32
  }
  func.func @transform_3(%arg0: i32) -> (i32, i32) {
    %c0_i32 = arith.constant 0 : i32
    %c0_i32_0 = arith.constant 0 : i32
    return %arg0, %c0_i32 : i32, i32
  }
  func.func @transform_4(%arg0: i32) -> (i32, i32) {
    %c0_i32 = arith.constant 0 : i32
    %c0_i32_0 = arith.constant 0 : i32
    %c0_i32_1 = arith.constant 0 : i32
    return %c0_i32, %c0_i32_0 : i32, i32
  }
  func.func @transform_5(%arg0: i32) -> i32 {
    %c0_i32 = arith.constant 0 : i32
    %c0_i32_0 = arith.constant 0 : i32
    return %c0_i32 : i32
  }
  func.func @transform_6(%arg0: i32) -> i32 {
    %c0_i32 = arith.constant 0 : i32
    %c0_i32_0 = arith.constant 0 : i32
    return %c0_i32 : i32
  }
  func.func @transform_7(%arg0: i32) -> i32 {
    %c0_i32 = arith.constant 0 : i32
    %c0_i32_0 = arith.constant 0 : i32
    return %c0_i32 : i32
  }
  func.func @transform_8(%arg0: i32) -> (i32, i32) {
    %c0_i32 = arith.constant 0 : i32
    %c0_i32_0 = arith.constant 0 : i32
    %c0_i32_1 = arith.constant 0 : i32
    return %c0_i32, %c0_i32_0 : i32, i32
  }
  func.func @transform_9(%arg0: i32) -> (i32, i32) {
    %c0_i32 = arith.constant 0 : i32
    %c0_i32_0 = arith.constant 0 : i32
    %c0_i32_1 = arith.constant 0 : i32
    return %c0_i32, %c0_i32_0 : i32, i32
  }
  func.func @transform_10(%arg0: i32) -> i32 {
    %c0_i32 = arith.constant 0 : i32
    %c0_i32_0 = arith.constant 0 : i32
    return %c0_i32 : i32
  }
  func.func @transform_11(%arg0: i32) -> i32 {
    %c0_i32 = arith.constant 0 : i32
    %c0_i32_0 = arith.constant 0 : i32
    return %c0_i32 : i32
  }
  func.func @transform_12(%arg0: i32) -> i32 {
    %c0_i32 = arith.constant 0 : i32
    return %arg0 : i32
  }
  func.func @transform_13(%arg0: i32) -> i32 {
    %c0_i32 = arith.constant 0 : i32
    return %arg0 : i32
  }
}

</mosaic_0001>

<sc_bundles>
// kernel: kernel.4.cloned.1.call-start
scs
__scs_entry_jumppad:
0x0: {  	(pc) =	sbr.rel $0x88, $3  }
0x1: {  	(tag) =	ssettag $0x0;
	lr =	simm.s32 $0x1  }
0x2: {  	[smem:$0x3F96] =	sst lr;
	_ =	strace $0xD0000000  }
0x3: {  	_ = 	snop  }
0x4: {  	_ = 	snop  }
0x5: {  	_ = 	snop  }
0x6: {  	_ = 	snop  }
0x7: {  	_ = 	snop  }
__scs_overlays_trampoline_lowered:
0x8: {  	[smem:$0x3FA5] =	sst s0  }
0x9: {  	[smem:$0x3FA6] =	sst s1  }
0xa: {  	[smem:$0x3FA7] =	sst s2  }
0xb: {  	[smem:$0x3FA8] =	sst s3  }
0xc: {  	[smem:$0x3FA9] =	sst s4  }
0xd: {  	[smem:$0x3FAA] =	sst s5  }
0xe: {  	[smem:$0x3FAB] =	sst s6  }
0xf: {  	[smem:$0x3FAC] =	sst s7  }
0x10: {  	[smem:$0x3FAD] =	sst s8  }
0x11: {  	[smem:$0x3FAE] =	sst s9;
	s0 =	simm.s32 @!p0 $0x0  }
0x12: {  	s1 =	sld [smem:$0x3F94];
	s0 =	simm.s32 @p0 $0x1  }
0x13: {  	[smem:$0x3FAF] =	sst s0;
	s0 =	simm.s32 @!p1 $0x0  }
0x14: {  	s2 =	sld [smem:$0x3F93];
	s0 =	simm.s32 @p1 $0x1  }
0x15: {  	[smem:$0x3FB0] =	sst s0;
	s0 =	simm.s32 @!p2 $0x0  }
0x16: {  	s3 =	sld [smem:$0x3FDB];
	s0 =	simm.s32 @p2 $0x1  }
0x17: {  	s4 =	simm.s32 $0x1BF5;
	[smem:$0x3FB2] =	sst s0  }
0x18: {  	s0 =	sld [smem:$0x3F95];
	_ =	swait.ge [sflag:s4], $0x0  }
0x19: {  	s7 =	sld [smem:$0x3F96]  }
0x1a: {  	s8 =	sadd.s32 $0xFFFFE003, lr  }
0x1b: {  	s9 =	sadd.s32 $0xFFFFFEF7, lr;
	s5 =	simm.s32 $0xFFFFFFFF;
	p2 =	slt.u32 s8, $0xFFFFF086  }
0x1c: {  	p1 =	slt.u32 s9, $0xF7A;
	s5 =	simm.s32 @!p2 $0x0  }
0x1d: {  	s5 =	simm.s32 @p1 $0x1;
	p0 =	seq.s32 s7, s2  }
0x1e: {  	s7 =	smul.u32 @!p0 $0xF7A, s2;
	p2 =	seq.s32 @!p0 s5, $0x0  }
0x1f: {  	s9 =	smul.u32 $0xF7A, s1;
	s8 =	simm.s32 @!p0 $0x1BF5;
	p2 =	por !p2, p0  }
0x20: {  	[sflag:s8] =	ssyncset.s32 @!p0 $0xFFFFF086;
	s6 =	sadd.s32 @!p0 s3, s7;
	s7 =	simm.s32 @!p0 $0x108  }
0x21: {  	s3 =	sadd.s32 s3, s9;
	s6 =	sadd.s32 @!p0 $0x88, s6;
	s7 =	simm.s32 @p2 $0x1082  }
0x22: {  	[simem:s7], [sflag:s8] =	dma.local @!p0 [hbm:s6], $0xF7A  }
0x23: {  	s9 =	sor.u32 $0xD0000000, s2;
	s6 =	simm.s32 $0x108;
	_ =	swait.ge @!p0 [sflag:s8], $0x0  }
0x24: {  	s3 =	sadd.s32 $0x88, s3;
	s6 =	simm.s32 @!p1 $0x1082;
	[sflag:s4] =	ssyncset.s32 $0xFFFFF086  }
0x25: {  	[simem:s6], [sflag:s4] =	dma.local [hbm:s3], $0xF7A  }
0x26: {  	[smem:$0x3F96] =	sst s1;
	(tag) =	ssettag s2;
	_ =	strace s9  }
0x27: {  	s1 =	sld [smem:$0x3FA6]  }
0x28: {  	s2 =	sld [smem:$0x3FA7]  }
0x29: {  	s4 =	sld [smem:$0x3FA9]  }
0x2a: {  	p0 =	seq.s32 s5, $0x0;
	s5 =	sld [smem:$0x3FAA]  }
0x2b: {  	s6 =	sld [smem:$0x3FAB]  }
0x2c: {  	s7 =	sld [smem:$0x3FAC]  }
0x2d: {  	s3 =	simm.s32 $0x108;
	s8 =	sld [smem:$0x3FAD]  }
0x2e: {  	s3 =	simm.s32 @!p0 $0x1082;
	s9 =	sld [smem:$0x3FAE]  }
0x2f: {  	lr =	sadd.s32 s0, s3;
	s0 =	sld [smem:$0x3FA5]  }
0x30: {  	s3 =	sld [smem:$0x3FA8]  }
0x31: {  	[smem:$0x3FB1] =	sst s10  }
0x32: {  	s10 =	sld [smem:$0x3FAF];
	_ =	sdelay $0x3  }
0x33: {  	p0 =	seq.s32 s10, $0x1;
	s10 =	sld [smem:$0x3FB1];
	_ =	sdelay $0x3  }
0x34: {  	[smem:$0x3FB1] =	sst s10  }
0x35: {  	s10 =	sld [smem:$0x3FB0];
	_ =	sdelay $0x3  }
0x36: {  	p1 =	seq.s32 s10, $0x1;
	s10 =	sld [smem:$0x3FB1];
	_ =	sdelay $0x3  }
0x37: {  	[smem:$0x3FB1] =	sst s10  }
0x38: {  	s10 =	sld [smem:$0x3FB2]  }
0x39: {  	_ = 	snop;
	(pc) =	sbr.ind lr, $3  }
0x3a: {  	_ = 	snop  }
0x3b: {  	_ = 	snop  }
0x3c: {  	p2 =	seq.s32 s10, $0x1;
	s10 =	sld [smem:$0x3FB1]  }
0x3d: {  	_ =	shalt  }
0x3e: {  	_ =	shalt  }
0x3f: {  	_ =	shalt  }
0x40: {  	_ =	shalt  }
0x41: {  	_ =	shalt  }
0x42: {  	_ =	shalt  }
0x43: {  	_ =	shalt  }
0x44: {  	_ =	shalt  }
0x45: {  	_ =	shalt  }
0x46: {  	_ =	shalt  }
0x47: {  	_ =	shalt  }
0x48: {  	_ =	shalt  }
0x49: {  	_ =	shalt  }
0x4a: {  	_ =	shalt  }
0x4b: {  	_ =	shalt  }
0x4c: {  	_ =	shalt  }
0x4d: {  	_ =	shalt  }
0x4e: {  	_ =	shalt  }
0x4f: {  	_ =	shalt  }
0x50: {  	_ =	shalt  }
0x51: {  	_ =	shalt  }
0x52: {  	_ =	shalt  }
0x53: {  	_ =	shalt  }
0x54: {  	_ =	shalt  }
0x55: {  	_ =	shalt  }
0x56: {  	_ =	shalt  }
0x57: {  	_ =	shalt  }
0x58: {  	_ =	shalt  }
0x59: {  	_ =	shalt  }
0x5a: {  	_ =	shalt  }
0x5b: {  	_ =	shalt  }
0x5c: {  	_ =	shalt  }
0x5d: {  	_ =	shalt  }
0x5e: {  	_ =	shalt  }
0x5f: {  	_ =	shalt  }
0x60: {  	_ =	shalt  }
0x61: {  	_ =	shalt  }
0x62: {  	_ =	shalt  }
0x63: {  	_ =	shalt  }
0x64: {  	_ =	shalt  }
0x65: {  	_ =	shalt  }
0x66: {  	_ =	shalt  }
0x67: {  	_ =	shalt  }
0x68: {  	_ =	shalt  }
0x69: {  	_ =	shalt  }
0x6a: {  	_ =	shalt  }
0x6b: {  	_ =	shalt  }
0x6c: {  	_ =	shalt  }
0x6d: {  	_ =	shalt  }
0x6e: {  	_ =	shalt  }
0x6f: {  	_ =	shalt  }
0x70: {  	_ =	shalt  }
0x71: {  	_ =	shalt  }
0x72: {  	_ =	shalt  }
0x73: {  	_ =	shalt  }
0x74: {  	_ =	shalt  }
0x75: {  	_ =	shalt  }
0x76: {  	_ =	shalt  }
0x77: {  	_ =	shalt  }
0x78: {  	_ =	shalt  }
0x79: {  	_ =	shalt  }
0x7a: {  	_ =	shalt  }
0x7b: {  	_ =	shalt  }
0x7c: {  	_ =	shalt  }
0x7d: {  	_ =	shalt  }
0x7e: {  	_ =	shalt  }
0x7f: {  	_ =	shalt  }
0x80: {  	_ =	shalt  }
0x81: {  	_ =	shalt  }
0x82: {  	_ =	shalt  }
0x83: {  	_ =	shalt  }
0x84: {  	_ =	shalt  }
0x85: {  	_ =	shalt  }
0x86: {  	_ =	shalt  }
0x87: {  	_ =	shalt  }
.Lfunc_end0:
.L_simem_size_0:
called_computation_lowered:
.L_overlay_start_0:
0x88: {  	s2 =	sld [smem:$0x3FD9]  }
0x89: {  	s3 =	sld [smem:$0x3FFE];
	_ =	sdelay $0x1  }
0x8a: {  	s1 =	srdreg.scid  }
0x8b: {  	s0 =	sand.u32 $0x1, s1  }
0x8c: {  	s14 =	sshll.u32 s0, $0xA;
	s2 =	sadd.s32 s3, s2  }
0x8d: {  	s2 =	sadd.s32 s2, s14  }
0x8e: {  	[smem:$0x3FBD] =	sst s2  }
0x8f: {  	_ = 	snop  }
0x90: {  	s2 =	sld [smem:$0x3FD0];
	_ =	sdelay $0x2  }
0x91: {  	s4 =	simm.s32 $0xA;
	s5 =	simm.s32 $0x10;
	s15 =	sld [smem:$0x3FC8]  }
0x92: {  	[smem:s5], [sflag:s4] =	dma.local [hbm:s2], $0x1  }
0x93: {  	_ =	swait.eq [sflag:s4], $0x1  }
0x94: {  	[sflag:s4] =	ssyncset.done $0x0  }
0x95: {  	s16 =	sld [smem:$0x10];
	[sflag:s4] =	ssyncadd.s32 $0xFFFFFFFF  }
0x96: {  	s17 =	sld [smem:$0x12];
	(tm) =	ssettm $0x1  }
0x97: {  	s18 =	sld [smem:$0x3FFB];
	_ =	sdelay $0x3  }
0x98: {  	_ =	strace s18  }
0x99: {  	s5 =	sld [smem:$0x3FFC];
	_ =	sdelay $0x3  }
0x9a: {  	_ =	strace s5  }
0x9b: {  	s5 =	sld [smem:$0x3FFD];
	_ =	sdelay $0x3  }
0x9c: {  	_ =	strace s5  }
0x9d: {  	_ =	strace $0x8FFFFFFF  }
0x9e: {  	s19 =	sld [smem:$0x3FDB];
	_ =	sdelay $0x1  }
0x9f: {  	s6 =	simm.s32 $_scs_section_size  }
0xa0: {  	s7 =	simm.s32 $_size__tile_overlayer_lowered;
	s8 =	simm.s32 $_tile_overlayer_lowered  }
0xa1: {  	s22 =	simm.s32 $0x1BFF;
	s21 =	sshll.u32 s8, $0x1;
	s5 =	sadd.s32 s6, s19  }
0xa2: {  	s9 =	simm.s32 $0x0;
	s20 =	sshll.u32 s7, $0x1;
	s7 =	sadd.s32 s21, s5  }
0xa3: {  	[timem:s9], [sflag:s22] =	dma.local [hbm:s7], s20  }
0xa4: {  	_ =	swait.ge [sflag:s22], s20  }
0xa5: {  	s6 =	ssub.s32 $0x0, s20;
	[sflag:s22] =	ssyncset.done $0x0  }
0xa6: {  	[sflag:s22] =	ssyncadd.s32 s6;
	_ =	sdelay $0x1  }
0xa7: {  	s23 =	simm.s32 $0x1B8B  }
0xa8: {  	_ =	swait.ge [sflag:s23], $0x1  }
0xa9: {  	[sflag:s23] =	ssyncset.done $0x0  }
0xaa: {  	s25 =	simm.s32 $0x1B8E;
	s24 =	sld [smem:$0x3FFE];
	[sflag:s23] =	ssyncadd.s32 $0xFFFFFFFF  }
0xab: {  	s26 =	simm.s32 $execute0_lowered;
	[smem:$0x3FD2] =	sst s25  }
0xac: {  	s7 =	sshll.u32 s26, $0x1;
	_ =	strace $0x80000046;
	[dreg:$0x1] =	wrdreg $0xFFFFFFFF  }
0xad: {  	s28 =	simm.s32 $_size_execute0_lowered;
	s5 =	sadd.s32 s5, s7;
	[dreg:$0x0] =	wrdreg $0x0  }
0xae: {  	s7 =	sshll.u32 s28, $0x1;
	[dreg:$0x2] =	wrdreg s5  }
0xaf: {  	[dreg:$0x3] =	wrdreg s7  }
0xb0: {  	[dreg:$0x4] =	wrdreg $0xC0  }
0xb1: {  	_ =	task [dreg:s9], $0x5FFFF  }
0xb2: {  	[dreg:$0x1] =	wrdreg $0xFFFFFFFF  }
0xb3: {  	[dreg:$0x0] =	wrdreg $0x60  }
0xb4: {  	[dreg:$0x2] =	wrdreg s24  }
0xb5: {  	[dreg:$0x3] =	wrdreg s15  }
0xb6: {  	[dreg:$0x4] =	wrdreg s17  }
0xb7: {  	[dreg:$0x5] =	wrdreg s16  }
0xb8: {  	[dreg:$0x6] =	wrdreg $0x1F000  }
0xb9: {  	[dreg:$0x7] =	wrdreg $0x1F800  }
0xba: {  	[dreg:$0x8] =	wrdreg $0x20000  }
0xbb: {  	[dreg:$0x9] =	wrdreg $0x9  }
0xbc: {  	_ =	task.clear_ibuf [dreg:s9], $0xAFFFF;
	_ =	strace $0x90000046  }
0xbd: {  	s29 =	simm.s32 $0x9;
	_ =	strace $0x80000048  }
0xbe: {  	_ =	swait.ge [sflag:s29], $0x1  }
0xbf: {  	[sflag:s29] =	ssyncadd.s32 $0xFFFFFFFF  }
0xc0: {  	_ =	strace $0x90000048  }
0xc1: {  	_ =	sfence  }
0xc2: {  	s30 =	sld [smem:$0x0];
	_ =	sdelay $0x2  }
0xc3: {  	s31 =	sshll.u32 s1, $0xD;
	s1 =	sshrl.u32 s1, $0x2  }
0xc4: {  	s3 =	sand.u32 $0x4000, s31;
	s1 =	sadd.s32 s1, s30  }
0xc5: {  	s0 =	sor.u32 s3, s0;
	s1 =	sshll.u32 s1, $0x11  }
0xc6: {  	s0 =	sor.u32 s1, s0  }
0xc7: {  	s0 =	sadd.s32 $0x8F2B, s0  }
0xc8: {  	[sflag:s0] =	ssyncadd.remote.s32 $0x1  }
0xc9: {  	_ =	sfence.sel $0xFFFF  }
0xca: {  	[dreg:$0x0] =	wrdreg $0xFFFFFFFF;
	(pc) =	sbr.abs _section_cstart, $3  }
0xcb: {  	[dreg:$0x1] =	wrdreg $0xFFFFFFFF  }
0xcc: {  	_ =	task.clear_ibuf [dreg:s9], $0x2FFFF;
	_ =	strace $0x9FFFFFFF  }
0xcd: {  	(tm) =	ssettm $0x7FFFFFFF  }
tec
execute0_lowered:
.L_overlay_start_1:
0x0: {  	(tag) =	ssettag $0x1  }
0x1: {  	s5 =	rddreg [dreg:$0x0]  }
0x2: {  	s1 =	rddreg [dreg:$0x1]  }
0x3: {  	s9 =	rddreg [dreg:$0x2]  }
0x4: {  	s0 =	srdreg.scid;
	s11 =	rddreg [dreg:$0x4]  }
0x5: {  	s21 =	stileid.u32;
	s12 =	rddreg [dreg:$0x5]  }
0x6: {  	s13 =	rddreg [dreg:$0x6];
	s3 =	simm.s32 $0x0;
	s28 =	simm.s32 $0x6A00  }
0x7: {  	s29 =	simm.s32 $0x2;
	s30 =	simm.s32 $0x3;
	s6 =	sand.u32 $0x1, s0  }
0x8: {  	s7 =	sshrl.u32 s21, $0x2;
	s8 =	sand.u32 $0x3, s21;
	[smem:$0x7FF] =	sst s3  }
0x9: {  	s14 =	sadd.s32 $0x4000, s5;
	s0 =	sshll.u32 s6, $0x2;
	s2 =	smul.u32 $0x4F0, s8  }
0xa: {  	p0 =	seq.s32 s8, $0x3;
	s6 =	ssub.s32 $0x2, s6;
	s10 =	sor.u32 s7, s0  }
0xb: {  	s20 =	sshrl.u32 s6, $0x1;
	s7 =	sshll.u32 s7, $0x9;
	s0 =	smul.u32 $0x1388, s10  }
0xc: {  	s2 =	simm.s32 @p0 $0xE98;
	s17 =	sshll.u32 s10, $0x7;
	s10 =	sshll.u32 s10, $0x4  }
0xd: {  	s6 =	ssub.s32 s6, s20;
	s7 =	sadd.s32 s7, s13;
	s9 =	sadd.s32 s9, s10  }
0xe: {  	[dreg:$0x14] =	wrdreg s7;
	s4 =	sadd.s32 s2, s0;
	s18 =	sshrl.u32 s0, $0x3  }
0xf: {  	[dreg:$0xc] =	wrdreg s9;
	s15 =	sshrl.u32 s4, $0x3;
	s4 =	sshll.u32 s8, $0x5  }
0x10: {  	s22 =	sadd.s32 s18, s5;
	s16 =	sadd.s32 s15, s5;
	s17 =	sor.u32 s4, s17  }
0x11: {  	s15 =	sadd.s32 s14, s15;
	s14 =	sadd.s32 s14, s18;
	s19 =	sshll.u32 s17, $0x4  }
0x12: {  	[dreg:$0x8] =	wrdreg s15;
	s5 =	sadd.s32 s19, s5;
	s19 =	sshll.u32 s21, $0x7  }
0x13: {  	[dreg:$0xb] =	wrdreg s14;
	s21 =	sadd.s32 s19, s11;
	s23 =	sor.u32 $0x80, s19  }
0x14: {  	s25 =	sor.u32 $0x100, s19;
	[dreg:$0x9] =	wrdreg s21;
	s24 =	sadd.s32 s23, s11  }
0x15: {  	s10 =	sadd.s32 s25, s11;
	s20 =	sadd.s32 s25, s12;
	s25 =	rddreg [dreg:$0x3]  }
0x16: {  	s31 =	simm.s32 $0xA00;
	s26 =	sor.u32 $0x180, s19;
	[dreg:$0xa] =	wrdreg s24  }
0x17: {  	p0 =	sne.s32 s8, $0x0;
	s11 =	sadd.s32 s26, s11;
	[dreg:$0xd] =	wrdreg s10  }
0x18: {  	s9 =	simm.s32 $0x2080;
	s18 =	sadd.s32 s23, s12;
	[dreg:$0xe] =	wrdreg s11  }
0x19: {  	s8 =	simm.s32 $0x6;
	s15 =	simm.s32 $0x1200;
	[dreg:$0xf] =	wrdreg s18  }
0x1a: {  	s14 =	simm.s32 $0x7E00;
	s21 =	sadd.s32 s26, s12;
	[dreg:$0x10] =	wrdreg s20  }
0x1b: {  	s23 =	sadd.s32 s19, s12;
	s26 =	sshll.u32 s17, $0x5;
	[dreg:$0x11] =	wrdreg s21  }
0x1c: {  	s12 =	simm.s32 $0x4;
	s17 =	simm.s32 $0x3600;
	[dreg:$0x12] =	wrdreg s23  }
.Ltmp0:
0x1d: {  	s24 =	sadd.s32 s19, s13;
	s19 =	sadd.s32 s25, s26;
	(pc) =	sbr.rel .LBB2_1-.Ltmp0, $4  }
0x1e: {  	s20 =	sadd.s32 $0x5400, s16;
	s21 =	sadd.s32 $0x2C00, s22;
	s22 =	sadd.s32 $0x1800, s22  }
0x1f: {  	s23 =	sadd.s32 $0x6800, s5;
	s26 =	simm.s32 $0x5600;
	s10 =	simm.s32 $0x2100  }
0x20: {  	v1 =	vlaneseq.u32;
	v2 =	vimm.f32 $-Inf;
	s13 =	simm.s32 $0x5;
	s11 =	simm.s32 $0x1;
	[dreg:$0x13] =	wrdreg s24  }
0x21: {  	v4 =	vimm.s32 $0x0;
	v3 =	vmul.u32 $0x80, v1;
	v0 =	vmov s0;
	s25 =	simm.s32 $0x0;
	s24 =	smax.u32 s6, $0x1;
	_ =	strace $0x80000047  }
.LBB2_13:
0x22: {  	s0 =	rddreg [dreg:$0x13]  }
0x23: {  	[spmem:s0] =	stream.linear.scatter [tilespmem:s9], [sflag:$0x6], $0x80, $0x38;
	[tilespmem:$0x8E00] =	vst v63  }
0x24: {  	_ =	swait.ge [sflag:s8], $0x80  }
0x25: {  	[sflag:s8] =	ssyncset.done $0x0  }
0x26: {  	s18 =	rddreg [dreg:$0xc];
	[sflag:s8] =	ssyncadd.s32 $0xFFFFFF80  }
0x27: {  	[hbm4b:s18+s3] =	stream.linear.scatter [tilespmem:s9], [sflag:$0x6], $0x80, $0x38;
	[tilespmem:$0x8E00] =	vst v63  }
0x28: {  	_ =	swait.ge [sflag:s8], $0x80  }
0x29: {  	[sflag:s8] =	ssyncset.done $0x0  }
0x2a: {  	[sflag:s8] =	ssyncadd.s32 $0xFFFFFF80  }
.LBB2_14:
0x2b: {  	[bflag:$0x0] =	sbarrier.arrive $0xFFFF  }
0x2c: {  	s5 =	simm.s32 $0x3500;
	s0 =	rddreg [dreg:$0x14]  }
0x2d: {  	[tilespmem:s5], [sflag:$0x6] =	stream.linear.gather [spmem:s0], $0x80, $0x38;
	[tilespmem:$0x8E00] =	vst v63  }
0x2e: {  	_ =	swait.ge [sflag:s8], $0x80  }
0x2f: {  	[sflag:s8] =	ssyncset.done $0x0  }
0x30: {  	[sflag:s8] =	ssyncadd.s32 $0xFFFFFF80  }
0x31: {  	_ =	swait.ge [sflag:s12], $0x1388  }
0x32: {  	[sflag:s12] =	ssyncset.done $0x0  }
0x33: {  	[sflag:s12] =	ssyncadd.s32 $0xFFFFEC78  }
0x34: {  	_ =	swait.ge [sflag:s13], $0x1388  }
0x35: {  	[sflag:s13] =	ssyncset.done $0x0  }
0x36: {  	[sflag:s13] =	ssyncadd.s32 $0xFFFFEC78  }
0x37: {  	v5 =	vld [tilespmem:s4+$0x3500];
	_ =	sdelay $0x5  }
0x38: {  	v6 =	vadd.s32 v0, v5  }
0x39: {  	[tilespmem:$0x3580] =	vst v6  }
0x3a: {  	v6 =	vld.idx.msk [tilespmem:v5+s26+$0x0], $0xffff;
	_ =	sdelay $0x4  }
0x3b: {  	[tilespmem:v3+s14+$0x0] =	vst.idx.msk $0xffff, v6  }
0x3c: {  	v6 =	vor.u32 $0x1, v3;
	v5 =	vld.idx.msk [tilespmem:v5+s28+$0x0], $0xffff;
	_ =	sdelay $0x4  }
0x3d: {  	[tilespmem:v6+s14+$0x0] =	vst.idx.msk $0xffff, v5  }
0x3e: {  	v5 =	vld [tilespmem:s4+$0x3510];
	_ =	sdelay $0x5  }
0x3f: {  	v6 =	vadd.s32 v0, v5  }
0x40: {  	[tilespmem:$0x3590] =	vst v6  }
0x41: {  	v7 =	vor.u32 $0x800, v3;
	v6 =	vld.idx.msk [tilespmem:v5+s26+$0x0], $0xffff;
	_ =	sdelay $0x4  }
0x42: {  	[tilespmem:v7+s14+$0x0] =	vst.idx.msk $0xffff, v6  }
0x43: {  	v6 =	vor.u32 $0x801, v3;
	v5 =	vld.idx.msk [tilespmem:v5+s28+$0x0], $0xffff;
	_ =	sdelay $0x4  }
0x44: {  	[tilespmem:v6+s14+$0x0] =	vst.idx.msk $0xffff, v5  }
0x45: {  	v5 =	vld [tilespmem:$0x3580];
	_ =	sdelay $0x4  }
0x46: {  	v6 =	vshll.u32 v5, $0x1  }
0x47: {  	v5 =	vand.u32 $0x7, v5;
	v6 =	vand.u32 $0xFFFFFFF0, v6  }
0x48: {  	v7 =	vshrl.u32 v1, $0x3;
	v5 =	vor.u32 v5, v6;
	v6 =	vand.u32 $0x7, v1  }
0x49: {  	v7 =	vmul.u32 $0x8, v7;
	v8 =	vperm.xlane v5, v6  }
0x4a: {  	v9 =	vor.u32 $0x8, v1  }
0x4b: {  	v5 =	vperm.xlane v5, v9;
	v8 =	vadd.s32 v7, v8;
	_ =	sdelay $0x1  }
0x4c: {  	v5 =	vadd.s32 v7, v5;
	_ =	sdelay $0x1  }
0x4d: {  	vm0 =	vmmov $0xffff  }
0x4e: {  	[tilespmem:s17], [sflag:$0x1] =	stream.indirect_vreg.gather [hbm4b:s1+s3], $0x80, v8, vm0, $0xb8;
	[tilespmem:$0x8E00] =	vst v63  }
0x4f: {  	s7 =	simm.s32 $0x3E00  }
0x50: {  	[tilespmem:s7], [sflag:$0x1] =	stream.indirect_vreg.gather [hbm4b:s1+s3], $0x80, v5, vm0, $0xb8;
	[tilespmem:$0x8E00] =	vst v63  }
0x51: {  	v5 =	vld [tilespmem:$0x3590];
	_ =	sdelay $0x4  }
0x52: {  	v63 =	vshll.u32 v5, $0x1  }
0x53: {  	v5 =	vand.u32 $0x7, v5;
	v8 =	vand.u32 $0xFFFFFFF0, v63  }
0x54: {  	v5 =	vor.u32 v5, v8  }
0x55: {  	v6 =	vperm.xlane v5, v6;
	_ =	sdelay $0x1  }
0x56: {  	v5 =	vperm.xlane v5, v9;
	v6 =	vadd.s32 v7, v6;
	_ =	sdelay $0x1  }
0x57: {  	v5 =	vadd.s32 v7, v5;
	_ =	sdelay $0x1  }
0x58: {  	s16 =	simm.s32 $0x4600  }
0x59: {  	[tilespmem:s16], [sflag:$0x1] =	stream.indirect_vreg.gather [hbm4b:s1+s3], $0x80, v6, vm0, $0xb8;
	[tilespmem:$0x8E00] =	vst v63  }
0x5a: {  	s18 =	simm.s32 $0x4E00  }
0x5b: {  	[tilespmem:s18], [sflag:$0x1] =	stream.indirect_vreg.gather [hbm4b:s1+s3], $0x80, v5, vm0, $0xb8;
	[tilespmem:$0x8E00] =	vst v63  }
0x5c: {  	_ =	swait.ge [sflag:s11], $0x2000  }
0x5d: {  	[sflag:s11] =	ssyncset.done $0x0  }
0x5e: {  	[sflag:s11] =	ssyncadd.s32 $0xFFFFE000  }
0x5f: {  	[hbm4b:s19+s3] =	stream.linear.scatter [tilespmem:s17], [sflag:$0x6], $0x2000, $0x38;
	[tilespmem:$0x8E00] =	vst v63  }
0x60: {  	s25 =	sadd.s32 $0x1, s25;
	_ =	swait.ge [sflag:s8], $0x2000  }
0x61: {  	p1 =	sne.s32 s25, s24;
	[sflag:s8] =	ssyncset.done $0x0  }
.Ltmp1:
0x62: {  	[sflag:s8] =	ssyncadd.s32 $0xFFFFE000;
	(pc) =	sbr.rel @!p1 .LBB2_15-.Ltmp1, $4  }
0x63: {  	[hbm4b:s23+s3] =	stream.linear.scatter [tilespmem:s14], [sflag:$0x6], $0x1000, $0x38;
	[tilespmem:$0x8E00] =	vst v63  }
0x64: {  	_ =	swait.ge [sflag:s8], $0x1000  }
0x65: {  	[sflag:s8] =	ssyncset.done $0x0  }
0x66: {  	[sflag:s8] =	ssyncadd.s32 $0xFFFFF000  }
.LBB2_1:
0x67: {  	s0 =	rddreg [dreg:$0x8]  }
0x68: {  	[tilespmem:s3], [sflag:$0x2] =	stream.linear.gather [hbm4b:s0+s3], $0x4F0, $0x38;
	[tilespmem:$0x8E00] =	vst v63  }
0x69: {  	s18 =	simm.s32 $0x500  }
0x6a: {  	[tilespmem:s18], [sflag:$0x3] =	stream.linear.gather [hbm4b:s20+s3], $0x4F0, $0x38;
	[tilespmem:$0x8E00] =	vst v63  }
0x6b: {  	_ = 	snop  }
0x6c: {  	[tilespmem:s26], [sflag:$0x4] =	stream.linear.gather [hbm4b:s21+s3], $0x1388, $0x38;
	[tilespmem:$0x8E00] =	vst v63  }
0x6d: {  	s5 =	simm.s32 $0x0;
	s0 =	simm.s32 $0x40  }
0x6e: {  	[tilespmem:s28], [sflag:$0x5] =	stream.linear.gather [hbm4b:s22+s3], $0x1388, $0x38;
	[tilespmem:$0x8E00] =	vst v63  }
.LBB2_2:
0x6f: {  	p1 =	sne.s32 s0, $0x1FC0;
	[tilespmem:s5+$0xA00] =	vst v2;
	s5 =	smov.u32 s0;
	s0 =	sadd.s32 $0x40, s0  }
.Ltmp2:
0x70: {  	(pc) =	sbr.rel @p1 .LBB2_2-.Ltmp2, $2  }
0x71: {  	_ =	sdelay $0x2  }
0x72: {  	s5 =	sshra.s32 s5, $0x2  }
0x73: {  	[tilespmem:s5+$0xA00] =	vst v2  }
0x74: {  	_ =	swait.ge [sflag:s29], $0x4F0  }
0x75: {  	[sflag:s29] =	ssyncset.done $0x0  }
0x76: {  	[sflag:s29] =	ssyncadd.s32 $0xFFFFFB10  }
0x77: {  	_ =	swait.ge [sflag:s30], $0x4F0  }
0x78: {  	s0 =	simm.s32 $0x0;
	[sflag:s30] =	ssyncset.done $0x0  }
0x79: {  	s5 =	simm.s32 $0x500;
	s7 =	simm.s32 $0x0;
	[sflag:s30] =	ssyncadd.s32 $0xFFFFFB10  }
.LBB2_4:
0x7a: {  	v5 =	vld [tilespmem:s5+$0x0];
	_ =	sdelay $0x4  }
0x7b: {  	vm0 =	vgt.s32 v5, $0x0  }
0x7c: {  	v6 =	vnsel vm0, $0x0, v5  }
0x7d: {  	v6 =	vmin.u32 v6, $0x7F  }
0x7e: {  	v6 =	vor.u32 v3, v6;
	_ =	sdelay $0x3  }
0x7f: {  	v7 =	vld [tilespmem:s0+$0x0]  }
0x80: {  	v8 =	vld.idx.msk [tilespmem:v6+s31+$0x0], $0xffff;
	_ =	sdelay $0x4  }
0x81: {  	vm15 =	vgt.s32 v5, $0xFFFFFFFF;
	vm1 =	vgt.f32 v7, v8  }
0x82: {  	vm0 =	vmand vm15, vm1;
	_ =	sdelay $0x1  }
0x83: {  	p1 =	sne.s32 s7, $0x4E0  }
.Ltmp3:
0x84: {  	_ = 	snop;
	(pc) =	sbr.rel @p1 .LBB2_4-.Ltmp3, $4  }
0x85: {  	_ = 	snop  }
0x86: {  	s6 =	sadd.s32 s2, s7  }
0x87: {  	v5 =	vadd.s32 s6, v1;
	[tilespmem:v6+s31+$0x0] =	vst.idx.msk vm0, v7  }
0x88: {  	s5 =	sadd.s32 $0x10, s5;
	s0 =	sadd.s32 $0x10, s0;
	s7 =	sadd.s32 $0x10, s7;
	[tilespmem:v6+s15+$0x0] =	vst.idx.msk vm0, v5  }
0x89: {  	v5 =	vld [tilespmem:$0xA00]  }
0x8a: {  	v6 =	vld [tilespmem:$0x1200];
	_ =	sdelay $0x2  }
0x8b: {  	v7 =	vld [tilespmem:$0xA80]  }
0x8c: {  	v8 =	vld [tilespmem:$0x1280];
	vm0 =	vlt.f32 v5, $-Inf  }
0x8d: {  	vm1 =	vgt.f32 v5, $-Inf;
	vm2 =	veq.f32 v5, $-Inf;
	vm3 =	vlt.s32 v6, $0x40000000  }
0x8e: {  	vm0 =	vmor vm1, vm0;
	vm14 =	vmand vm2, vm3  }
0x8f: {  	v9 =	vld [tilespmem:$0xB00];
	vm0 =	vmor vm0, vm14  }
0x90: {  	v10 =	vld [tilespmem:$0x1300];
	v5 =	vnsel vm0, $0xFF800000, v5;
	v6 =	vnsel vm0, $0x40000000, v6  }
0x91: {  	vm15 =	veq.f32 v7, v5;
	vm4 =	vlt.s32 v8, v6  }
0x92: {  	vm5 =	vgt.f32 v7, v5;
	vm0 =	vmand vm15, vm4  }
0x93: {  	v11 =	vld [tilespmem:$0xB80];
	vm0 =	vmor vm5, vm0  }
0x94: {  	v5 =	vsel vm0, v7, v5;
	v6 =	vsel vm0, v8, v6;
	v7 =	vld [tilespmem:$0x1380]  }
0x95: {  	vm6 =	veq.f32 v9, v5;
	vm7 =	vlt.s32 v10, v6  }
0x96: {  	vm8 =	vgt.f32 v9, v5;
	vm0 =	vmand vm6, vm7  }
0x97: {  	v26 =	vld [tilespmem:$0xC00];
	vm0 =	vmor vm8, vm0  }
0x98: {  	v27 =	vld [tilespmem:$0x1400];
	v5 =	vsel vm0, v9, v5;
	v6 =	vsel vm0, v10, v6  }
0x99: {  	vm9 =	veq.f32 v11, v5;
	vm10 =	vlt.s32 v7, v6  }
0x9a: {  	vm11 =	vgt.f32 v11, v5;
	vm0 =	vmand vm9, vm10  }
0x9b: {  	v28 =	vld [tilespmem:$0xC80];
	vm0 =	vmor vm11, vm0  }
0x9c: {  	v5 =	vsel vm0, v11, v5;
	v6 =	vsel vm0, v7, v6;
	v7 =	vld [tilespmem:$0x1480]  }
0x9d: {  	vm12 =	veq.f32 v26, v5;
	vm13 =	vlt.s32 v27, v6  }
0x9e: {  	vm14 =	vgt.f32 v26, v5;
	vm0 =	vmand vm12, vm13  }
0x9f: {  	v29 =	vld [tilespmem:$0xD00];
	vm0 =	vmor vm14, vm0  }
0xa0: {  	v30 =	vld [tilespmem:$0x1500];
	v5 =	vsel vm0, v26, v5;
	v6 =	vsel vm0, v27, v6  }
0xa1: {  	vm15 =	veq.f32 v28, v5;
	vm4 =	vlt.s32 v7, v6  }
0xa2: {  	vm5 =	vgt.f32 v28, v5;
	vm0 =	vmand vm15, vm4  }
0xa3: {  	v31 =	vld [tilespmem:$0xD80];
	vm0 =	vmor vm5, vm0  }
0xa4: {  	v5 =	vsel vm0, v28, v5;
	v6 =	vsel vm0, v7, v6;
	v7 =	vld [tilespmem:$0x1580]  }
0xa5: {  	vm6 =	veq.f32 v29, v5;
	vm7 =	vlt.s32 v30, v6  }
0xa6: {  	vm8 =	vgt.f32 v29, v5;
	vm0 =	vmand vm6, vm7  }
0xa7: {  	v32 =	vld [tilespmem:$0xE00];
	vm0 =	vmor vm8, vm0  }
0xa8: {  	v33 =	vld [tilespmem:$0x1600];
	v5 =	vsel vm0, v29, v5;
	v6 =	vsel vm0, v30, v6  }
0xa9: {  	vm9 =	veq.f32 v31, v5;
	vm10 =	vlt.s32 v7, v6  }
0xaa: {  	vm11 =	vgt.f32 v31, v5;
	vm0 =	vmand vm9, vm10  }
0xab: {  	v34 =	vld [tilespmem:$0xE80];
	vm0 =	vmor vm11, vm0  }
0xac: {  	v35 =	vld [tilespmem:$0x1210];
	v5 =	vsel vm0, v31, v5;
	v6 =	vsel vm0, v7, v6  }
0xad: {  	v7 =	vld [tilespmem:$0xA10];
	vm12 =	veq.f32 v32, v5;
	vm13 =	vlt.s32 v33, v6  }
0xae: {  	v12 =	vld [tilespmem:$0x1680];
	vm14 =	vgt.f32 v32, v5;
	vm0 =	vmand vm12, vm13  }
0xaf: {  	vm0 =	vmor vm14, vm0  }
0xb0: {  	v36 =	vld [tilespmem:$0xA90];
	v5 =	vsel vm0, v32, v5  }
0xb1: {  	v37 =	vld [tilespmem:$0x1290];
	vm4 =	vlt.s32 v35, $0x40000000;
	v6 =	vsel vm0, v33, v6;
	vm15 =	veq.f32 v34, v5  }
0xb2: {  	v13 =	vld [tilespmem:$0xF00];
	vm8 =	vlt.f32 v7, $-Inf;
	vm9 =	vgt.f32 v7, $-Inf;
	vm10 =	veq.f32 v7, $-Inf  }
0xb3: {  	v14 =	vld [tilespmem:$0x1700];
	vm5 =	vlt.s32 v12, v6;
	vm1 =	vmor vm9, vm8;
	vm11 =	vmand vm10, vm4  }
0xb4: {  	vm12 =	vgt.f32 v34, v5;
	vm0 =	vmand vm15, vm5;
	vm1 =	vmor vm1, vm11  }
0xb5: {  	v15 =	vld [tilespmem:$0xB10];
	vm0 =	vmor vm12, vm0;
	v7 =	vnsel vm1, $0xFF800000, v7  }
0xb6: {  	v16 =	vld [tilespmem:$0x1310];
	v9 =	vnsel vm1, $0x40000000, v35;
	v5 =	vsel vm0, v34, v5;
	v6 =	vsel vm0, v12, v6  }
0xb7: {  	v38 =	vld [tilespmem:$0xF80];
	vm13 =	veq.f32 v36, v7;
	vm14 =	vlt.s32 v37, v9;
	vm15 =	vgt.f32 v36, v7  }
0xb8: {  	v41 =	vld [tilespmem:$0x1780];
	vm7 =	veq.f32 v13, v5;
	vm8 =	vlt.s32 v14, v6;
	vm1 =	vmand vm13, vm14  }
0xb9: {  	v39 =	vld [tilespmem:$0xB90];
	vm6 =	vgt.f32 v13, v5;
	vm9 =	vmand vm7, vm8;
	vm0 =	vmor vm15, vm1  }
0xba: {  	v40 =	vld [tilespmem:$0x1390];
	v7 =	vsel vm0, v36, v7;
	v8 =	vsel vm0, v37, v9;
	vm0 =	vmor vm6, vm9  }
0xbb: {  	vm10 =	veq.f32 v15, v7;
	vm11 =	vlt.s32 v16, v8;
	vm12 =	vgt.f32 v15, v7  }
0xbc: {  	v42 =	vld [tilespmem:$0xC10];
	v5 =	vsel vm0, v13, v5;
	v6 =	vsel vm0, v14, v6;
	vm1 =	vmand vm10, vm11  }
0xbd: {  	v43 =	vld [tilespmem:$0x1410];
	vm13 =	veq.f32 v38, v5;
	vm8 =	vlt.s32 v41, v6;
	vm1 =	vmor vm12, vm1  }
0xbe: {  	v44 =	vld [tilespmem:$0x1000];
	vm10 =	vgt.f32 v38, v5;
	v7 =	vsel vm1, v15, v7;
	v8 =	vsel vm1, v16, v8  }
0xbf: {  	v45 =	vld [tilespmem:$0x1800];
	vm0 =	vmand vm13, vm8;
	vm14 =	veq.f32 v39, v7;
	vm15 =	vlt.s32 v40, v8  }
0xc0: {  	vm0 =	vmor vm10, vm0;
	vm9 =	vgt.f32 v39, v7;
	vm1 =	vmand vm14, vm15  }
0xc1: {  	v17 =	vld [tilespmem:$0xC90];
	v5 =	vsel vm0, v38, v5;
	vm1 =	vmor vm9, vm1  }
0xc2: {  	v46 =	vld [tilespmem:$0x1490];
	v6 =	vsel vm0, v41, v6;
	v7 =	vsel vm1, v39, v7;
	v8 =	vsel vm1, v40, v8  }
0xc3: {  	v47 =	vld [tilespmem:$0x1080];
	vm15 =	veq.f32 v44, v5;
	vm11 =	veq.f32 v42, v7;
	vm12 =	vlt.s32 v43, v8  }
0xc4: {  	v50 =	vld [tilespmem:$0x1880];
	vm6 =	vlt.s32 v45, v6;
	vm13 =	vgt.f32 v42, v7;
	vm1 =	vmand vm11, vm12  }
0xc5: {  	v48 =	vld [tilespmem:$0xD10];
	vm14 =	vgt.f32 v44, v5;
	vm7 =	vmand vm15, vm6;
	vm0 =	vmor vm13, vm1  }
0xc6: {  	v49 =	vld [tilespmem:$0x1510];
	v7 =	vsel vm0, v42, v7;
	v8 =	vsel vm0, v43, v8;
	vm0 =	vmor vm14, vm7  }
0xc7: {  	vm8 =	veq.f32 v17, v7;
	vm9 =	vlt.s32 v46, v8;
	vm10 =	vgt.f32 v17, v7  }
0xc8: {  	v51 =	vld [tilespmem:$0xD90];
	v5 =	vsel vm0, v44, v5;
	v6 =	vsel vm0, v45, v6;
	vm1 =	vmand vm8, vm9  }
0xc9: {  	v53 =	vld [tilespmem:$0x1100];
	vm11 =	veq.f32 v47, v5;
	vm14 =	vlt.s32 v50, v6;
	vm1 =	vmor vm10, vm1  }
0xca: {  	v52 =	vld [tilespmem:$0x1590];
	vm7 =	vgt.f32 v47, v5;
	v7 =	vsel vm1, v17, v7;
	v8 =	vsel vm1, v46, v8  }
0xcb: {  	v54 =	vld [tilespmem:$0x1900];
	vm0 =	vmand vm11, vm14;
	vm12 =	veq.f32 v48, v7;
	vm13 =	vlt.s32 v49, v8  }
0xcc: {  	v18 =	vld [tilespmem:$0xA20];
	vm0 =	vmor vm7, vm0;
	vm15 =	vgt.f32 v48, v7;
	vm1 =	vmand vm12, vm13  }
0xcd: {  	v55 =	vld [tilespmem:$0xE10];
	v5 =	vsel vm0, v47, v5;
	v57 =	vsel vm0, v50, v6;
	vm1 =	vmor vm15, vm1  }
0xce: {  	v56 =	vld [tilespmem:$0x1610];
	vm11 =	vgt.f32 v53, v5;
	v7 =	vsel vm1, v48, v7;
	v8 =	vsel vm1, v49, v8  }
0xcf: {  	v58 =	vld [tilespmem:$0x1180];
	vm12 =	veq.f32 v53, v5;
	vm8 =	veq.f32 v51, v7;
	vm9 =	vlt.s32 v52, v8  }
0xd0: {  	v59 =	vld [tilespmem:$0xE90];
	vm13 =	vlt.s32 v54, v57;
	vm10 =	vgt.f32 v51, v7;
	vm1 =	vmand vm8, vm9  }
0xd1: {  	v6 =	vld [tilespmem:$0x1980];
	vm14 =	vmand vm12, vm13;
	vm13 =	vlt.f32 v18, $-Inf;
	vm0 =	vmor vm10, vm1  }
0xd2: {  	v60 =	vld [tilespmem:$0x1690];
	v14 =	vsel vm0, v51, v7;
	v8 =	vsel vm0, v52, v8;
	vm0 =	vmor vm11, vm14  }
0xd3: {  	v61 =	vld [tilespmem:$0x1220];
	vm14 =	vgt.f32 v18, $-Inf;
	vm15 =	veq.f32 v55, v14;
	vm6 =	vlt.s32 v56, v8  }
0xd4: {  	vm7 =	vgt.f32 v55, v14;
	v5 =	vsel vm0, v53, v5;
	v7 =	vsel vm0, v54, v57  }
0xd5: {  	v62 =	vld [tilespmem:$0xF10];
	vm3 =	vmor vm14, vm13;
	vm1 =	vmand vm15, vm6;
	vm0 =	vgt.f32 v58, v5  }
0xd6: {  	v63 =	vld [tilespmem:$0x1710];
	vm8 =	veq.f32 v58, v5;
	vm11 =	vlt.s32 v6, v7;
	vm1 =	vmor vm7, vm1  }
0xd7: {  	v24 =	vld [tilespmem:$0xAA0];
	vm15 =	veq.f32 v18, $-Inf;
	v14 =	vsel vm1, v55, v14;
	v8 =	vsel vm1, v56, v8  }
0xd8: {  	v25 =	vld [tilespmem:$0x12A0];
	vm6 =	vlt.s32 v61, $0x40000000;
	vm9 =	veq.f32 v59, v14;
	vm10 =	vlt.s32 v60, v8  }
0xd9: {  	vm12 =	vgt.f32 v59, v14;
	vm2 =	vmand vm9, vm10;
	vm9 =	vmand vm15, vm6  }
0xda: {  	v19 =	vld [tilespmem:$0xF90];
	vm1 =	vmand vm8, vm11;
	vm2 =	vmor vm12, vm2;
	vm3 =	vmor vm3, vm9  }
0xdb: {  	v26 =	vld [tilespmem:$0xB20];
	v13 =	vsel vm2, v59, v14;
	v8 =	vsel vm2, v60, v8;
	v27 =	vnsel vm3, $0xFF800000, v18  }
0xdc: {  	v28 =	vld [tilespmem:$0x1320];
	v10 =	vnsel vm3, $0x40000000, v61;
	vm10 =	vgt.f32 v62, v13;
	vm11 =	veq.f32 v62, v13  }
0xdd: {  	v20 =	vld [tilespmem:$0x1790];
	vm12 =	vlt.s32 v63, v8;
	vm13 =	veq.f32 v24, v27;
	vm14 =	vlt.s32 v25, v10  }
0xde: {  	vm15 =	vgt.f32 v24, v27;
	vm3 =	vmand vm11, vm12;
	vm5 =	vmand vm13, vm14  }
0xdf: {  	vm0 =	vmor vm0, vm1;
	vm7 =	vmor vm10, vm3;
	vm8 =	vmor vm15, vm5  }
0xe0: {  	v21 =	vld [tilespmem:$0xBA0];
	v11 =	vsel vm7, v62, v13;
	v29 =	vsel vm8, v24, v27;
	v10 =	vsel vm8, v25, v10  }
0xe1: {  	v30 =	vld [tilespmem:$0x13A0];
	v8 =	vsel vm7, v63, v8;
	vm9 =	veq.f32 v26, v29;
	vm2 =	vlt.s32 v28, v10  }
0xe2: {  	v31 =	vld [tilespmem:$0x1010];
	vm10 =	vgt.f32 v19, v11;
	vm12 =	veq.f32 v19, v11;
	vm13 =	vlt.s32 v20, v8  }
0xe3: {  	v32 =	vld [tilespmem:$0x1810];
	vm11 =	vgt.f32 v26, v29;
	vm1 =	vmand vm9, vm2;
	vm2 =	vmand vm12, vm13  }
0xe4: {  	v33 =	vld [tilespmem:$0xC20];
	v5 =	vsel vm0, v58, v5;
	vm1 =	vmor vm11, vm1;
	vm14 =	vmor vm10, vm2  }
0xe5: {  	v34 =	vld [tilespmem:$0x1420];
	v9 =	vsel vm1, v26, v29;
	v10 =	vsel vm1, v28, v10;
	v11 =	vsel vm14, v19, v11  }
0xe6: {  	v35 =	vld [tilespmem:$0xCA0];
	v8 =	vsel vm14, v20, v8;
	vm15 =	veq.f32 v21, v9;
	vm8 =	vlt.s32 v30, v10  }
0xe7: {  	v37 =	vld [tilespmem:$0x1090];
	vm9 =	vgt.f32 v21, v9;
	vm10 =	vgt.f32 v31, v11;
	vm2 =	vmand vm15, vm8  }
0xe8: {  	v36 =	vld [tilespmem:$0x14A0];
	vm11 =	veq.f32 v31, v11;
	vm12 =	vlt.s32 v32, v8;
	vm2 =	vmor vm9, vm2  }
0xe9: {  	v38 =	vld [tilespmem:$0x1890];
	v9 =	vsel vm2, v21, v9;
	v10 =	vsel vm2, v30, v10;
	vm2 =	vmand vm11, vm12  }
0xea: {  	vm13 =	veq.f32 v33, v9;
	vm14 =	vlt.s32 v34, v10;
	vm1 =	vmor vm10, vm2  }
0xeb: {  	vm15 =	vgt.f32 v33, v9;
	vm4 =	vmand vm13, vm14;
	v11 =	vsel vm1, v31, v11  }
0xec: {  	v39 =	vld [tilespmem:$0xD20];
	v8 =	vsel vm1, v32, v8;
	vm8 =	vmor vm15, vm4;
	vm10 =	vgt.f32 v37, v11  }
0xed: {  	v40 =	vld [tilespmem:$0x1520];
	vm12 =	veq.f32 v37, v11;
	v9 =	vsel vm8, v33, v9;
	v10 =	vsel vm8, v34, v10  }
0xee: {  	v41 =	vld [tilespmem:$0x1110];
	vm13 =	vlt.s32 v38, v8;
	vm9 =	veq.f32 v35, v9;
	vm2 =	vlt.s32 v36, v10  }
0xef: {  	v42 =	vld [tilespmem:$0x1910];
	vm11 =	vgt.f32 v35, v9;
	vm1 =	vmand vm9, vm2;
	vm2 =	vmand vm12, vm13  }
0xf0: {  	v43 =	vld [tilespmem:$0xDA0];
	v6 =	vsel vm0, v6, v7;
	vm1 =	vmor vm11, vm1;
	vm14 =	vmor vm10, vm2  }
0xf1: {  	v44 =	vld [tilespmem:$0x15A0];
	v9 =	vsel vm1, v35, v9;
	v10 =	vsel vm1, v36, v10;
	v11 =	vsel vm14, v37, v11  }
0xf2: {  	v45 =	vsel vm14, v38, v8;
	vm15 =	veq.f32 v39, v9;
	vm8 =	vlt.s32 v40, v10  }
0xf3: {  	v49 =	vld [tilespmem:$0xA30];
	vm9 =	vgt.f32 v39, v9;
	vm10 =	vgt.f32 v41, v11;
	vm2 =	vmand vm15, vm8  }
0xf4: {  	v48 =	vld [tilespmem:$0x1190];
	vm11 =	veq.f32 v41, v11;
	vm12 =	vlt.s32 v42, v45;
	vm2 =	vmor vm9, vm2  }
0xf5: {  	v46 =	vld [tilespmem:$0xE20];
	v9 =	vsel vm2, v39, v9;
	v10 =	vsel vm2, v40, v10;
	vm2 =	vmand vm11, vm12  }
0xf6: {  	v47 =	vld [tilespmem:$0x1620];
	vm13 =	veq.f32 v43, v9;
	vm14 =	vlt.s32 v44, v10;
	vm7 =	vmor vm10, vm2  }
0xf7: {  	v7 =	vld [tilespmem:$0x1230];
	vm15 =	vgt.f32 v43, v9;
	vm4 =	vmand vm13, vm14;
	v11 =	vsel vm7, v41, v11  }
0xf8: {  	v50 =	vld [tilespmem:$0x1990];
	v52 =	vsel vm7, v42, v45;
	vm13 =	vlt.f32 v49, $-Inf;
	vm14 =	vgt.f32 v49, $-Inf  }
0xf9: {  	v53 =	vld [tilespmem:$0xEA0];
	vm8 =	vmor vm15, vm4;
	vm0 =	vgt.f32 v48, v11;
	vm12 =	veq.f32 v48, v11  }
0xfa: {  	v54 =	vld [tilespmem:$0xAB0];
	vm15 =	veq.f32 v49, $-Inf;
	v51 =	vsel vm8, v43, v9;
	v10 =	vsel vm8, v44, v10  }
0xfb: {  	v56 =	vld [tilespmem:$0x16A0];
	vm4 =	vmor vm14, vm13;
	vm9 =	veq.f32 v46, v51;
	vm10 =	vlt.s32 v47, v10  }
0xfc: {  	v55 =	vld [tilespmem:$0x12B0];
	vm11 =	vgt.f32 v46, v51;
	vm1 =	vmand vm9, vm10;
	vm9 =	vlt.s32 v7, $0x40000000  }
0xfd: {  	vm10 =	vlt.s32 v50, v52;
	vm3 =	vmor vm11, vm1;
	vm5 =	vmand vm15, vm9  }
0xfe: {  	v57 =	vld [tilespmem:$0xB30];
	vm1 =	vmand vm12, vm10;
	v15 =	vsel vm3, v46, v51;
	vm11 =	vmor vm4, vm5  }
0xff: {  	v59 =	vld [tilespmem:$0x1330];
	v10 =	vsel vm3, v47, v10;
	v58 =	vnsel vm11, $0xFF800000, v49;
	v7 =	vnsel vm11, $0x40000000, v7  }
0x100: {  	v60 =	vld [tilespmem:$0xF20];
	vm12 =	veq.f32 v53, v15;
	vm15 =	vlt.s32 v56, v10;
	vm10 =	vgt.f32 v53, v15  }
0x101: {  	v22 =	vld [tilespmem:$0x1720];
	vm13 =	veq.f32 v54, v58;
	vm14 =	vlt.s32 v55, v7;
	vm2 =	vmand vm12, vm15  }
0x102: {  	vm9 =	vgt.f32 v54, v58;
	vm3 =	vmand vm13, vm14;
	vm2 =	vmor vm10, vm2  }
0x103: {  	v23 =	vld [tilespmem:$0xBB0];
	vm0 =	vmor vm0, vm1;
	vm3 =	vmor vm9, vm3;
	v14 =	vsel vm2, v53, v15  }
0x104: {  	v61 =	vld [tilespmem:$0x13B0];
	v10 =	vsel vm2, v56, v10;
	v12 =	vsel vm3, v54, v58;
	v7 =	vsel vm3, v55, v7  }
0x105: {  	v62 =	vld [tilespmem:$0xFA0];
	vm15 =	veq.f32 v60, v14;
	vm11 =	veq.f32 v57, v12;
	vm12 =	vlt.s32 v59, v7  }
0x106: {  	v25 =	vld [tilespmem:$0x17A0];
	vm8 =	vlt.s32 v22, v10;
	vm13 =	vgt.f32 v57, v12;
	vm3 =	vmand vm11, vm12  }
0x107: {  	v63 =	vld [tilespmem:$0xC30];
	vm14 =	vgt.f32 v60, v14;
	vm9 =	vmand vm15, vm8;
	vm2 =	vmor vm13, vm3  }
0x108: {  	v24 =	vld [tilespmem:$0x1430];
	v12 =	vsel vm2, v57, v12;
	v7 =	vsel vm2, v59, v7;
	vm2 =	vmor vm14, vm9  }
0x109: {  	vm10 =	veq.f32 v23, v12;
	vm11 =	vlt.s32 v61, v7;
	vm12 =	vgt.f32 v23, v12  }
0x10a: {  	v27 =	vld [tilespmem:$0x14B0];
	v14 =	vsel vm2, v60, v14;
	v10 =	vsel vm2, v22, v10;
	vm3 =	vmand vm10, vm11  }
0x10b: {  	v26 =	vld [tilespmem:$0xCB0];
	vm14 =	veq.f32 v62, v14;
	vm9 =	vlt.s32 v25, v10;
	vm13 =	vmor vm12, vm3  }
0x10c: {  	v28 =	vld [tilespmem:$0x1020];
	vm11 =	vgt.f32 v62, v14;
	v12 =	vsel vm13, v23, v12;
	v7 =	vsel vm13, v61, v7  }
0x10d: {  	v29 =	vld [tilespmem:$0x1820];
	vm1 =	vmand vm14, vm9;
	vm15 =	veq.f32 v63, v12;
	vm8 =	vlt.s32 v24, v7  }
0x10e: {  	vm1 =	vmor vm11, vm1;
	vm10 =	vgt.f32 v63, v12;
	vm2 =	vmand vm15, vm8  }
0x10f: {  	v30 =	vld [tilespmem:$0xD30];
	v8 =	vsel vm0, v50, v52;
	v14 =	vsel vm1, v62, v14;
	vm2 =	vmor vm10, vm2  }
0x110: {  	v31 =	vld [tilespmem:$0x1530];
	v10 =	vsel vm1, v25, v10;
	v12 =	vsel vm2, v63, v12;
	v7 =	vsel vm2, v24, v7  }
0x111: {  	v32 =	vld [tilespmem:$0x10A0];
	vm8 =	veq.f32 v28, v14;
	vm12 =	veq.f32 v26, v12;
	vm13 =	vlt.s32 v27, v7  }
0x112: {  	v35 =	vld [tilespmem:$0x18A0];
	vm9 =	vlt.s32 v29, v10;
	vm14 =	vgt.f32 v26, v12;
	vm2 =	vmand vm12, vm13  }
0x113: {  	v33 =	vld [tilespmem:$0xDB0];
	vm15 =	vgt.f32 v28, v14;
	vm10 =	vmand vm8, vm9;
	vm1 =	vmor vm14, vm2  }
0x114: {  	v34 =	vld [tilespmem:$0x15B0];
	v12 =	vsel vm1, v26, v12;
	v16 =	vsel vm1, v27, v7;
	vm1 =	vmor vm15, vm10  }
0x115: {  	vm11 =	veq.f32 v30, v12;
	vm12 =	vlt.s32 v31, v16;
	vm13 =	vgt.f32 v30, v12  }
0x116: {  	v37 =	vld [tilespmem:$0xE30];
	v36 =	vsel vm1, v28, v14;
	v10 =	vsel vm1, v29, v10;
	vm2 =	vmand vm11, vm12  }
0x117: {  	v39 =	vld [tilespmem:$0x1630];
	vm14 =	veq.f32 v32, v36;
	vm9 =	vlt.s32 v35, v10;
	vm2 =	vmor vm13, vm2  }
0x118: {  	v40 =	vld [tilespmem:$0x1120];
	vm11 =	vgt.f32 v32, v36;
	v12 =	vsel vm2, v30, v12;
	v38 =	vsel vm2, v31, v16  }
0x119: {  	v41 =	vld [tilespmem:$0x1920];
	vm1 =	vmand vm14, vm9;
	vm15 =	veq.f32 v33, v12;
	vm8 =	vlt.s32 v34, v38  }
0x11a: {  	v42 =	vld [tilespmem:$0xEB0];
	vm1 =	vmor vm11, vm1;
	vm10 =	vgt.f32 v33, v12;
	vm2 =	vmand vm15, vm8  }
0x11b: {  	v43 =	vld [tilespmem:$0x16B0];
	v7 =	vsel vm0, v48, v11;
	v11 =	vsel vm1, v32, v36;
	vm2 =	vmor vm10, vm2  }
0x11c: {  	v44 =	vld [tilespmem:$0x11A0];
	v10 =	vsel vm1, v35, v10;
	v12 =	vsel vm2, v33, v12;
	v14 =	vsel vm2, v34, v38  }
0x11d: {  	v49 =	vld [tilespmem:$0xA40];
	vm8 =	veq.f32 v40, v11;
	vm12 =	veq.f32 v37, v12;
	vm13 =	vlt.s32 v39, v14  }
0x11e: {  	v48 =	vld [tilespmem:$0x19A0];
	vm9 =	vlt.s32 v41, v10;
	vm14 =	vgt.f32 v37, v12;
	vm2 =	vmand vm12, vm13  }
0x11f: {  	vm15 =	vgt.f32 v40, v11;
	vm10 =	vmand vm8, vm9;
	vm1 =	vmor vm14, vm2  }
0x120: {  	v51 =	vld [tilespmem:$0x1240];
	v12 =	vsel vm1, v37, v12;
	v46 =	vsel vm1, v39, v14;
	vm1 =	vmor vm15, vm10  }
0x121: {  	v45 =	vld [tilespmem:$0xF30];
	vm11 =	veq.f32 v42, v12;
	vm12 =	vlt.s32 v43, v46;
	vm13 =	vgt.f32 v42, v12  }
0x122: {  	v47 =	vld [tilespmem:$0x1730];
	v50 =	vsel vm1, v40, v11;
	v10 =	vsel vm1, v41, v10;
	vm2 =	vmand vm11, vm12  }
0x123: {  	vm15 =	veq.f32 v44, v50;
	vm10 =	vlt.s32 v48, v10;
	vm12 =	vlt.f32 v49, $-Inf  }
0x124: {  	v52 =	vld [tilespmem:$0xFB0];
	vm14 =	vmor vm13, vm2;
	vm0 =	vmand vm15, vm10;
	vm13 =	vgt.f32 v49, $-Inf  }
0x125: {  	v53 =	vld [tilespmem:$0xAC0];
	vm15 =	vlt.s32 v51, $0x40000000;
	v12 =	vsel vm14, v42, v12;
	v13 =	vsel vm14, v43, v46  }
0x126: {  	v54 =	vld [tilespmem:$0x12C0];
	vm14 =	veq.f32 v49, $-Inf;
	vm2 =	vmor vm13, vm12;
	vm8 =	veq.f32 v45, v12  }
0x127: {  	v55 =	vld [tilespmem:$0x17B0];
	vm9 =	vlt.s32 v47, v13;
	vm11 =	vgt.f32 v45, v12;
	vm10 =	vmand vm14, vm15  }
0x128: {  	vm1 =	vmand vm8, vm9;
	vm9 =	vgt.f32 v44, v50;
	vm2 =	vmor vm2, vm10  }
0x129: {  	v56 =	vld [tilespmem:$0xB40];
	vm1 =	vmor vm11, vm1;
	vm0 =	vmor vm9, vm0;
	v57 =	vnsel vm2, $0xFF800000, v49  }
0x12a: {  	v58 =	vld [tilespmem:$0x1340];
	v11 =	vnsel vm2, $0x40000000, v51;
	v12 =	vsel vm1, v45, v12;
	v13 =	vsel vm1, v47, v13  }
0x12b: {  	v59 =	vld [tilespmem:$0x1030];
	vm12 =	veq.f32 v53, v57;
	vm13 =	vlt.s32 v54, v11;
	vm15 =	vgt.f32 v53, v57  }
0x12c: {  	v24 =	vld [tilespmem:$0x1830];
	vm11 =	veq.f32 v52, v12;
	vm14 =	vlt.s32 v55, v13;
	vm2 =	vmand vm12, vm13  }
0x12d: {  	vm8 =	vgt.f32 v52, v12;
	vm1 =	vmand vm11, vm14;
	vm2 =	vmor vm15, vm2  }
0x12e: {  	v60 =	vld [tilespmem:$0x13C0];
	v9 =	vsel vm0, v44, v50;
	vm1 =	vmor vm8, vm1;
	v14 =	vsel vm2, v53, v57  }
0x12f: {  	v25 =	vld [tilespmem:$0xBC0];
	v11 =	vsel vm2, v54, v11;
	v12 =	vsel vm1, v52, v12;
	vm9 =	veq.f32 v56, v14  }
0x130: {  	v61 =	vld [tilespmem:$0x10B0];
	vm10 =	vlt.s32 v58, v11;
	v13 =	vsel vm1, v55, v13;
	vm11 =	vgt.f32 v56, v14  }
0x131: {  	v28 =	vld [tilespmem:$0x18B0];
	vm2 =	vmand vm9, vm10;
	vm13 =	veq.f32 v59, v12;
	vm14 =	vlt.s32 v24, v13  }
0x132: {  	v62 =	vld [tilespmem:$0xC40];
	vm12 =	vgt.f32 v59, v12;
	vm1 =	vmor vm11, vm2;
	vm15 =	vmand vm13, vm14  }
0x133: {  	v63 =	vld [tilespmem:$0x1440];
	v14 =	vsel vm1, v56, v14;
	v11 =	vsel vm1, v58, v11;
	vm1 =	vmor vm12, vm15  }
0x134: {  	vm8 =	veq.f32 v25, v14;
	vm9 =	vlt.s32 v60, v11;
	vm10 =	vgt.f32 v25, v14  }
0x135: {  	v29 =	vld [tilespmem:$0xCC0];
	v12 =	vsel vm1, v59, v12;
	v13 =	vsel vm1, v24, v13;
	vm2 =	vmand vm8, vm9  }
0x136: {  	v30 =	vld [tilespmem:$0x14C0];
	vm11 =	veq.f32 v61, v12;
	vm14 =	vlt.s32 v28, v13;
	vm2 =	vmor vm10, vm2  }
0x137: {  	v31 =	vld [tilespmem:$0x1130];
	vm6 =	vgt.f32 v61, v12;
	v14 =	vsel vm2, v25, v14;
	v11 =	vsel vm2, v60, v11  }
0x138: {  	v32 =	vld [tilespmem:$0x1930];
	vm1 =	vmand vm11, vm14;
	vm12 =	veq.f32 v62, v14;
	vm13 =	vlt.s32 v63, v11  }
0x139: {  	vm1 =	vmor vm6, vm1;
	vm15 =	vgt.f32 v62, v14;
	vm2 =	vmand vm12, vm13  }
0x13a: {  	v38 =	vld [tilespmem:$0xA50];
	v10 =	vsel vm0, v48, v10;
	v17 =	vsel vm1, v61, v12;
	vm2 =	vmor vm15, vm2  }
0x13b: {  	v33 =	vld [tilespmem:$0xD40];
	v13 =	vsel vm1, v28, v13;
	v14 =	vsel vm2, v62, v14;
	v19 =	vsel vm2, v63, v11  }
0x13c: {  	v34 =	vld [tilespmem:$0x1540];
	vm11 =	veq.f32 v31, v17;
	vm7 =	veq.f32 v29, v14;
	vm8 =	vlt.s32 v30, v19  }
0x13d: {  	v35 =	vld [tilespmem:$0x11B0];
	vm12 =	vlt.s32 v32, v13;
	vm9 =	vgt.f32 v29, v14;
	vm2 =	vmand vm7, vm8  }
0x13e: {  	v40 =	vld [tilespmem:$0x1250];
	vm10 =	vgt.f32 v31, v17;
	vm13 =	vmand vm11, vm12;
	vm1 =	vmor vm9, vm2  }
0x13f: {  	v36 =	vld [tilespmem:$0xDC0];
	vm12 =	vlt.f32 v38, $-Inf;
	v15 =	vsel vm1, v29, v14;
	v18 =	vsel vm1, v30, v19  }
0x140: {  	v37 =	vld [tilespmem:$0x15C0];
	vm1 =	vmor vm10, vm13;
	vm13 =	vgt.f32 v38, $-Inf;
	vm14 =	veq.f32 v33, v15  }
0x141: {  	v44 =	vld [tilespmem:$0xAD0];
	vm15 =	vlt.s32 v34, v18;
	vm7 =	vgt.f32 v33, v15;
	v39 =	vsel vm1, v31, v17  }
0x142: {  	v45 =	vld [tilespmem:$0x12D0];
	v13 =	vsel vm1, v32, v13;
	vm2 =	vmand vm14, vm15;
	vm0 =	vgt.f32 v35, v39  }
0x143: {  	v12 =	vld [tilespmem:$0x19B0];
	vm3 =	veq.f32 v35, v39;
	vm14 =	veq.f32 v38, $-Inf;
	vm15 =	vlt.s32 v40, $0x40000000  }
0x144: {  	vm8 =	vmor vm7, vm2;
	vm2 =	vmor vm13, vm12;
	vm4 =	vmand vm14, vm15  }
0x145: {  	v42 =	vld [tilespmem:$0xE40];
	v15 =	vsel vm8, v33, v15;
	v41 =	vsel vm8, v34, v18;
	vm2 =	vmor vm2, vm4  }
0x146: {  	v43 =	vld [tilespmem:$0x1640];
	vm9 =	veq.f32 v36, v15;
	vm10 =	vlt.s32 v37, v41;
	vm11 =	vgt.f32 v36, v15  }
0x147: {  	v47 =	vnsel vm2, $0xFF800000, v38;
	v16 =	vnsel vm2, $0x40000000, v40;
	vm1 =	vmand vm9, vm10  }
0x148: {  	v46 =	vld [tilespmem:$0xB50];
	vm9 =	vlt.s32 v12, v13;
	vm13 =	veq.f32 v44, v47;
	vm14 =	vlt.s32 v45, v16  }
0x149: {  	v48 =	vld [tilespmem:$0x1350];
	vm7 =	vgt.f32 v44, v47;
	vm1 =	vmor vm11, vm1;
	vm4 =	vmand vm13, vm14  }
0x14a: {  	v26 =	vld [tilespmem:$0x16C0];
	v15 =	vsel vm1, v36, v15;
	v17 =	vsel vm1, v37, v41;
	vm1 =	vmand vm3, vm9  }
0x14b: {  	v49 =	vld [tilespmem:$0xEC0];
	vm9 =	vmor vm7, vm4;
	vm10 =	veq.f32 v42, v15;
	vm11 =	vlt.s32 v43, v17  }
0x14c: {  	vm15 =	vgt.f32 v42, v15;
	v50 =	vsel vm9, v44, v47;
	v16 =	vsel vm9, v45, v16  }
0x14d: {  	v27 =	vld [tilespmem:$0xBD0];
	vm0 =	vmor vm0, vm1;
	vm12 =	vmand vm10, vm11;
	vm10 =	veq.f32 v46, v50  }
0x14e: {  	v51 =	vld [tilespmem:$0x13D0];
	vm3 =	vlt.s32 v48, v16;
	vm2 =	vmor vm15, vm12;
	vm12 =	vgt.f32 v46, v50  }
0x14f: {  	v52 =	vld [tilespmem:$0xF40];
	v15 =	vsel vm2, v42, v15;
	v17 =	vsel vm2, v43, v17;
	vm2 =	vmand vm10, vm3  }
0x150: {  	v53 =	vld [tilespmem:$0x1740];
	vm13 =	veq.f32 v49, v15;
	vm14 =	vlt.s32 v26, v17;
	vm2 =	vmor vm12, vm2  }
0x151: {  	v54 =	vld [tilespmem:$0xC50];
	vm11 =	vgt.f32 v49, v15;
	vm3 =	vmand vm13, vm14;
	v18 =	vsel vm2, v46, v50  }
0x152: {  	v55 =	vld [tilespmem:$0x1450];
	v16 =	vsel vm2, v48, v16;
	vm15 =	vmor vm11, vm3;
	vm8 =	veq.f32 v27, v18  }
0x153: {  	v57 =	vld [tilespmem:$0x14D0];
	vm9 =	vlt.s32 v51, v16;
	vm10 =	vgt.f32 v27, v18;
	v15 =	vsel vm15, v49, v15  }
0x154: {  	v58 =	vld [tilespmem:$0xFC0];
	vm3 =	vmand vm8, vm9;
	v17 =	vsel vm15, v26, v17;
	vm11 =	vgt.f32 v52, v15  }
0x155: {  	v56 =	vld [tilespmem:$0xCD0];
	vm3 =	vmor vm10, vm3;
	vm12 =	veq.f32 v52, v15;
	vm13 =	vlt.s32 v53, v17  }
0x156: {  	v59 =	vld [tilespmem:$0x17C0];
	v18 =	vsel vm3, v27, v18;
	v16 =	vsel vm3, v51, v16;
	vm3 =	vmand vm12, vm13  }
0x157: {  	vm14 =	veq.f32 v54, v18;
	vm15 =	vlt.s32 v55, v16;
	vm9 =	vmor vm11, vm3  }
0x158: {  	vm8 =	vgt.f32 v54, v18;
	vm5 =	vmand vm14, vm15;
	v15 =	vsel vm9, v52, v15  }
0x159: {  	v60 =	vld [tilespmem:$0xD50];
	v17 =	vsel vm9, v53, v17;
	vm10 =	vmor vm8, vm5;
	vm12 =	vgt.f32 v58, v15  }
0x15a: {  	v61 =	vld [tilespmem:$0x1550];
	vm14 =	veq.f32 v58, v15;
	v18 =	vsel vm10, v54, v18;
	v16 =	vsel vm10, v55, v16  }
0x15b: {  	v62 =	vld [tilespmem:$0x1040];
	vm15 =	vlt.s32 v59, v17;
	vm11 =	veq.f32 v56, v18;
	vm2 =	vlt.s32 v57, v16  }
0x15c: {  	v63 =	vld [tilespmem:$0x1840];
	vm13 =	vgt.f32 v56, v18;
	vm1 =	vmand vm11, vm2;
	vm2 =	vmand vm14, vm15  }
0x15d: {  	v28 =	vld [tilespmem:$0xDD0];
	v11 =	vsel vm0, v35, v39;
	vm1 =	vmor vm13, vm1;
	vm8 =	vmor vm12, vm2  }
0x15e: {  	v29 =	vld [tilespmem:$0x15D0];
	v18 =	vsel vm1, v56, v18;
	v16 =	vsel vm1, v57, v16;
	v15 =	vsel vm8, v58, v15  }
0x15f: {  	v30 =	vld [tilespmem:$0xE50];
	v17 =	vsel vm8, v59, v17;
	vm9 =	veq.f32 v60, v18;
	vm10 =	vlt.s32 v61, v16  }
0x160: {  	v32 =	vld [tilespmem:$0x10C0];
	vm11 =	vgt.f32 v60, v18;
	vm12 =	vgt.f32 v62, v15;
	vm2 =	vmand vm9, vm10  }
0x161: {  	v31 =	vld [tilespmem:$0x1650];
	vm13 =	veq.f32 v62, v15;
	vm14 =	vlt.s32 v63, v17;
	vm2 =	vmor vm11, vm2  }
0x162: {  	v33 =	vld [tilespmem:$0x18C0];
	v18 =	vsel vm2, v60, v18;
	v16 =	vsel vm2, v61, v16;
	vm2 =	vmand vm13, vm14  }
0x163: {  	vm15 =	veq.f32 v28, v18;
	vm8 =	vlt.s32 v29, v16;
	vm1 =	vmor vm12, vm2  }
0x164: {  	vm9 =	vgt.f32 v28, v18;
	vm4 =	vmand vm15, vm8;
	v15 =	vsel vm1, v62, v15  }
0x165: {  	v34 =	vld [tilespmem:$0xED0];
	v17 =	vsel vm1, v63, v17;
	vm10 =	vmor vm9, vm4;
	vm12 =	vgt.f32 v32, v15  }
0x166: {  	v35 =	vld [tilespmem:$0x16D0];
	vm14 =	veq.f32 v32, v15;
	v18 =	vsel vm10, v28, v18;
	v16 =	vsel vm10, v29, v16  }
0x167: {  	v36 =	vld [tilespmem:$0x1140];
	vm15 =	vlt.s32 v33, v17;
	vm11 =	veq.f32 v30, v18;
	vm2 =	vlt.s32 v31, v16  }
0x168: {  	v37 =	vld [tilespmem:$0x1940];
	vm13 =	vgt.f32 v30, v18;
	vm1 =	vmand vm11, vm2;
	vm2 =	vmand vm14, vm15  }
0x169: {  	v38 =	vld [tilespmem:$0xF50];
	v12 =	vsel vm0, v12, v13;
	vm1 =	vmor vm13, vm1;
	vm8 =	vmor vm12, vm2  }
0x16a: {  	v39 =	vld [tilespmem:$0x1750];
	v18 =	vsel vm1, v30, v18;
	v16 =	vsel vm1, v31, v16;
	v15 =	vsel vm8, v32, v15  }
0x16b: {  	v40 =	vld [tilespmem:$0xFD0];
	v17 =	vsel vm8, v33, v17;
	vm9 =	veq.f32 v34, v18;
	vm10 =	vlt.s32 v35, v16  }
0x16c: {  	v42 =	vld [tilespmem:$0x11C0];
	vm11 =	vgt.f32 v34, v18;
	vm12 =	vgt.f32 v36, v15;
	vm2 =	vmand vm9, vm10  }
0x16d: {  	v41 =	vld [tilespmem:$0x17D0];
	vm13 =	veq.f32 v36, v15;
	vm14 =	vlt.s32 v37, v17;
	vm2 =	vmor vm11, vm2  }
0x16e: {  	v43 =	vld [tilespmem:$0x19C0];
	v14 =	vsel vm2, v34, v18;
	v16 =	vsel vm2, v35, v16;
	vm2 =	vmand vm13, vm14  }
0x16f: {  	v48 =	vld [tilespmem:$0xA60];
	vm15 =	veq.f32 v38, v14;
	vm8 =	vlt.s32 v39, v16;
	vm10 =	vmor vm12, vm2  }
0x170: {  	v49 =	vld [tilespmem:$0x1260];
	vm9 =	vgt.f32 v38, v14;
	vm4 =	vmand vm15, vm8;
	v45 =	vsel vm10, v36, v15  }
0x171: {  	v44 =	vld [tilespmem:$0x1050];
	v17 =	vsel vm10, v37, v17;
	vm11 =	vmor vm9, vm4;
	vm13 =	vgt.f32 v42, v45  }
0x172: {  	v47 =	vld [tilespmem:$0x1850];
	vm15 =	veq.f32 v42, v45;
	v14 =	vsel vm11, v38, v14;
	v46 =	vsel vm11, v39, v16  }
0x173: {  	vm8 =	vlt.s32 v43, v17;
	vm12 =	veq.f32 v40, v14;
	vm1 =	vlt.s32 v41, v46  }
0x174: {  	vm14 =	vgt.f32 v40, v14;
	vm0 =	vmand vm12, vm1;
	vm1 =	vmand vm15, vm8  }
0x175: {  	v50 =	vld [tilespmem:$0x10D0];
	vm12 =	vlt.f32 v48, $-Inf;
	vm15 =	vlt.s32 v49, $0x40000000;
	vm0 =	vmor vm14, vm0  }
0x176: {  	v51 =	vld [tilespmem:$0xAE0];
	vm14 =	veq.f32 v48, $-Inf;
	v14 =	vsel vm0, v40, v14;
	v15 =	vsel vm0, v41, v46  }
0x177: {  	v52 =	vld [tilespmem:$0x12E0];
	vm0 =	vmor vm13, vm1;
	vm9 =	veq.f32 v44, v14;
	vm10 =	vlt.s32 v47, v15  }
0x178: {  	v53 =	vld [tilespmem:$0x18D0];
	vm13 =	vgt.f32 v48, $-Inf;
	vm11 =	vgt.f32 v44, v14;
	vm1 =	vmand vm9, vm10  }
0x179: {  	vm2 =	vmor vm13, vm12;
	vm9 =	vmand vm14, vm15;
	vm1 =	vmor vm11, vm1  }
0x17a: {  	v54 =	vld [tilespmem:$0xB60];
	vm2 =	vmor vm2, vm9;
	v14 =	vsel vm1, v44, v14  }
0x17b: {  	v57 =	vld [tilespmem:$0x1360];
	v15 =	vsel vm1, v47, v15;
	v55 =	vnsel vm2, $0xFF800000, v48;
	v56 =	vnsel vm2, $0x40000000, v49  }
0x17c: {  	v58 =	vld [tilespmem:$0x1150];
	vm10 =	veq.f32 v50, v14;
	vm11 =	veq.f32 v51, v55;
	vm12 =	vlt.s32 v52, v56  }
0x17d: {  	v59 =	vld [tilespmem:$0x1950];
	vm13 =	vlt.s32 v53, v15;
	vm14 =	vgt.f32 v51, v55;
	vm2 =	vmand vm11, vm12  }
0x17e: {  	vm15 =	vgt.f32 v50, v14;
	vm1 =	vmand vm10, vm13;
	vm2 =	vmor vm14, vm2  }
0x17f: {  	v62 =	vld [tilespmem:$0xA70];
	v13 =	vsel vm0, v42, v45;
	vm1 =	vmor vm15, vm1;
	v16 =	vsel vm2, v51, v55  }
0x180: {  	v63 =	vld [tilespmem:$0x1270];
	v19 =	vsel vm2, v52, v56;
	v18 =	vsel vm1, v50, v14;
	v61 =	vsel vm1, v53, v15  }
0x181: {  	v28 =	vld [tilespmem:$0xBE0];
	v14 =	vsel vm0, v43, v17;
	vm7 =	veq.f32 v54, v16;
	vm8 =	vlt.s32 v57, v19  }
0x182: {  	v60 =	vld [tilespmem:$0x13E0];
	vm9 =	vgt.f32 v54, v16;
	vm11 =	veq.f32 v58, v18;
	vm12 =	vlt.s32 v59, v61  }
0x183: {  	vm10 =	vgt.f32 v58, v18;
	vm2 =	vmand vm7, vm8;
	vm13 =	vmand vm11, vm12  }
0x184: {  	v29 =	vld [tilespmem:$0x1460];
	vm11 =	vgt.f32 v62, $-Inf;
	vm12 =	veq.f32 v62, $-Inf;
	vm1 =	vmor vm9, vm2  }
0x185: {  	v33 =	vld [tilespmem:$0xAF0];
	v16 =	vsel vm1, v54, v16;
	v19 =	vsel vm1, v57, v19;
	vm1 =	vmor vm10, vm13  }
0x186: {  	v35 =	vld [tilespmem:$0x12F0];
	vm10 =	vlt.f32 v62, $-Inf;
	vm13 =	vlt.s32 v63, $0x40000000;
	vm14 =	veq.f32 v28, v16  }
0x187: {  	v32 =	vld [tilespmem:$0xC60];
	vm15 =	vlt.s32 v60, v19;
	vm0 =	vmor vm11, vm10;
	vm3 =	vmand vm12, vm13  }
0x188: {  	vm8 =	vgt.f32 v28, v16;
	vm2 =	vmand vm14, vm15;
	vm0 =	vmor vm0, vm3  }
0x189: {  	v36 =	vld [tilespmem:$0xCE0];
	vm9 =	vmor vm8, vm2;
	v24 =	vnsel vm0, $0xFF800000, v62  }
0x18a: {  	v38 =	vld [tilespmem:$0xB70];
	v20 =	vnsel vm0, $0x40000000, v63;
	v16 =	vsel vm9, v28, v16;
	v34 =	vsel vm9, v60, v19  }
0x18b: {  	v39 =	vld [tilespmem:$0x1370];
	vm9 =	veq.f32 v33, v24;
	vm10 =	vlt.s32 v35, v20;
	vm11 =	vgt.f32 v33, v24  }
0x18c: {  	v37 =	vld [tilespmem:$0x14E0];
	vm15 =	veq.f32 v32, v16;
	vm7 =	vlt.s32 v29, v34;
	vm2 =	vmand vm9, vm10  }
0x18d: {  	vm14 =	vgt.f32 v32, v16;
	vm3 =	vmand vm15, vm7;
	vm2 =	vmor vm11, vm2  }
0x18e: {  	v30 =	vld [tilespmem:$0x1560];
	v15 =	vsel vm1, v58, v18;
	vm8 =	vmor vm14, vm3;
	v17 =	vsel vm2, v33, v24  }
0x18f: {  	v40 =	vld [tilespmem:$0xBF0];
	v19 =	vsel vm2, v35, v20;
	v21 =	vsel vm8, v32, v16;
	v18 =	vsel vm8, v29, v34  }
0x190: {  	v41 =	vld [tilespmem:$0x13F0];
	vm14 =	veq.f32 v38, v17;
	vm15 =	vlt.s32 v39, v19;
	vm9 =	vgt.f32 v38, v17  }
0x191: {  	v42 =	vld [tilespmem:$0xD60];
	vm12 =	veq.f32 v36, v21;
	vm13 =	vlt.s32 v37, v18;
	vm2 =	vmand vm14, vm15  }
0x192: {  	vm8 =	vgt.f32 v36, v21;
	vm0 =	vmand vm12, vm13;
	vm10 =	vmor vm9, vm2  }
0x193: {  	v44 =	vld [tilespmem:$0x1470];
	v16 =	vsel vm1, v59, v61;
	vm0 =	vmor vm8, vm0;
	v17 =	vsel vm10, v38, v17  }
0x194: {  	v43 =	vld [tilespmem:$0xC70];
	v19 =	vsel vm10, v39, v19;
	v21 =	vsel vm0, v36, v21;
	v18 =	vsel vm0, v37, v18  }
0x195: {  	v46 =	vld [tilespmem:$0x15E0];
	vm11 =	veq.f32 v40, v17;
	vm1 =	vlt.s32 v41, v19;
	vm13 =	vgt.f32 v40, v17  }
0x196: {  	v45 =	vld [tilespmem:$0xDE0];
	vm0 =	vmand vm11, vm1;
	vm14 =	veq.f32 v42, v21;
	vm15 =	vlt.s32 v30, v18  }
0x197: {  	v47 =	vld [tilespmem:$0xCF0];
	vm12 =	vgt.f32 v42, v21;
	vm0 =	vmor vm13, vm0;
	vm1 =	vmand vm14, vm15  }
0x198: {  	v49 =	vld [tilespmem:$0x14F0];
	v48 =	vsel vm0, v40, v17;
	v19 =	vsel vm0, v41, v19;
	vm7 =	vmor vm12, vm1  }
0x199: {  	v51 =	vld [tilespmem:$0xD70];
	vm8 =	veq.f32 v43, v48;
	vm9 =	vlt.s32 v44, v19;
	v21 =	vsel vm7, v42, v21  }
0x19a: {  	v17 =	vld [tilespmem:$0x11D0];
	vm10 =	vgt.f32 v43, v48;
	v50 =	vsel vm7, v30, v18;
	vm1 =	vmand vm8, vm9  }
0x19b: {  	v53 =	vld [tilespmem:$0x1570];
	vm11 =	vgt.f32 v45, v21;
	vm13 =	veq.f32 v45, v21;
	vm12 =	vmor vm10, vm1  }
0x19c: {  	v54 =	vld [tilespmem:$0xE60];
	vm14 =	vlt.s32 v46, v50;
	v52 =	vsel vm12, v43, v48;
	v19 =	vsel vm12, v44, v19  }
0x19d: {  	v55 =	vld [tilespmem:$0x1660];
	vm1 =	vmand vm13, vm14;
	vm15 =	veq.f32 v47, v52;
	vm8 =	vlt.s32 v49, v19  }
0x19e: {  	v56 =	vld [tilespmem:$0xDF0];
	vm1 =	vmor vm11, vm1;
	vm9 =	vgt.f32 v47, v52;
	vm3 =	vmand vm15, vm8  }
0x19f: {  	v59 =	vld [tilespmem:$0x19D0];
	vm0 =	veq.f32 v17, v15;
	v21 =	vsel vm1, v45, v21;
	vm10 =	vmor vm9, vm3  }
0x1a0: {  	v58 =	vld [tilespmem:$0x15F0];
	v24 =	vsel vm1, v46, v50;
	v57 =	vsel vm10, v47, v52;
	v19 =	vsel vm10, v49, v19  }
0x1a1: {  	v60 =	vld [tilespmem:$0xEE0];
	vm14 =	veq.f32 v54, v21;
	vm11 =	veq.f32 v51, v57;
	vm2 =	vlt.s32 v53, v19  }
0x1a2: {  	v61 =	vld [tilespmem:$0x16E0];
	vm15 =	vlt.s32 v55, v24;
	vm13 =	vgt.f32 v51, v57;
	vm1 =	vmand vm11, vm2  }
0x1a3: {  	vm12 =	vgt.f32 v54, v21;
	vm2 =	vmand vm14, vm15;
	vm1 =	vmor vm13, vm1  }
0x1a4: {  	v62 =	vld [tilespmem:$0xE70];
	vm8 =	vmor vm12, vm2;
	vm12 =	vlt.s32 v59, v16;
	v25 =	vsel vm1, v51, v57  }
0x1a5: {  	v63 =	vld [tilespmem:$0x1670];
	v19 =	vsel vm1, v53, v19;
	v21 =	vsel vm8, v54, v21;
	v24 =	vsel vm8, v55, v24  }
0x1a6: {  	v33 =	vld [tilespmem:$0xF60];
	vm9 =	veq.f32 v56, v25;
	vm10 =	vlt.s32 v58, v19;
	vm11 =	vgt.f32 v56, v25  }
0x1a7: {  	v34 =	vld [tilespmem:$0x1760];
	vm15 =	veq.f32 v60, v21;
	vm8 =	vlt.s32 v61, v24;
	vm2 =	vmand vm9, vm10  }
0x1a8: {  	vm14 =	vgt.f32 v60, v21;
	vm9 =	vmand vm15, vm8;
	vm13 =	vmor vm11, vm2  }
0x1a9: {  	v35 =	vld [tilespmem:$0xEF0];
	vm0 =	vmand vm0, vm12;
	vm1 =	vmor vm14, vm9;
	v25 =	vsel vm13, v56, v25  }
0x1aa: {  	v36 =	vld [tilespmem:$0x16F0];
	v19 =	vsel vm13, v58, v19;
	v21 =	vsel vm1, v60, v21;
	v24 =	vsel vm1, v61, v24  }
0x1ab: {  	vm10 =	veq.f32 v62, v25;
	vm11 =	vlt.s32 v63, v19;
	vm12 =	vgt.f32 v62, v25  }
0x1ac: {  	v38 =	vld [tilespmem:$0x1770];
	vm14 =	veq.f32 v33, v21;
	vm15 =	vlt.s32 v34, v24;
	vm3 =	vmand vm10, vm11  }
0x1ad: {  	v39 =	vld [tilespmem:$0xFE0];
	vm1 =	vmand vm14, vm15;
	vm13 =	vmor vm12, vm3  }
0x1ae: {  	v37 =	vld [tilespmem:$0xF70];
	vm11 =	vgt.f32 v17, v15;
	v22 =	vsel vm13, v62, v25;
	v19 =	vsel vm13, v63, v19  }
0x1af: {  	v40 =	vld [tilespmem:$0x17E0];
	vm12 =	vgt.f32 v33, v21;
	vm8 =	veq.f32 v35, v22;
	vm9 =	vlt.s32 v36, v19  }
0x1b0: {  	vm1 =	vmor vm12, vm1;
	vm10 =	vgt.f32 v35, v22;
	vm3 =	vmand vm8, vm9  }
0x1b1: {  	vm0 =	vmor vm11, vm0;
	v21 =	vsel vm1, v33, v21;
	vm2 =	vmor vm10, vm3  }
0x1b2: {  	v41 =	vld [tilespmem:$0xFF0];
	v24 =	vsel vm1, v34, v24;
	v22 =	vsel vm2, v35, v22;
	v19 =	vsel vm2, v36, v19  }
0x1b3: {  	v42 =	vld [tilespmem:$0x17F0];
	vm6 =	veq.f32 v39, v21;
	vm13 =	veq.f32 v37, v22;
	vm14 =	vlt.s32 v38, v19  }
0x1b4: {  	v43 =	vld [tilespmem:$0x1060];
	vm7 =	vlt.s32 v40, v24;
	vm15 =	vgt.f32 v37, v22;
	vm2 =	vmand vm13, vm14  }
0x1b5: {  	[tilespmem:$0x1A80] =	vst v6;
	v44 =	vld [tilespmem:$0x1860];
	vm8 =	vgt.f32 v39, v21;
	vm1 =	vmor vm15, vm2;
	vm2 =	vmand vm6, vm7  }
0x1b6: {  	[tilespmem:$0x1A10] =	vst v7;
	v45 =	vld [tilespmem:$0x1070];
	v6 =	vsel vm0, v17, v15;
	v7 =	vsel vm0, v59, v16;
	vm2 =	vmor vm8, vm2  }
0x1b7: {  	v46 =	vld [tilespmem:$0x1870];
	v22 =	vsel vm1, v37, v22;
	v19 =	vsel vm1, v38, v19;
	v21 =	vsel vm2, v39, v21  }
0x1b8: {  	v48 =	vld [tilespmem:$0x18E0];
	vm9 =	veq.f32 v41, v22;
	vm10 =	vlt.s32 v42, v19;
	v24 =	vsel vm2, v40, v24  }
0x1b9: {  	v47 =	vld [tilespmem:$0x10E0];
	vm11 =	vgt.f32 v41, v22;
	vm1 =	vmand vm9, vm10;
	vm12 =	vgt.f32 v43, v21  }
0x1ba: {  	vm13 =	veq.f32 v43, v21;
	vm14 =	vlt.s32 v44, v24;
	vm1 =	vmor vm11, vm1  }
0x1bb: {  	v50 =	vld [tilespmem:$0x18F0];
	vm15 =	vmand vm13, vm14;
	v20 =	vsel vm1, v41, v22;
	v19 =	vsel vm1, v42, v19  }
0x1bc: {  	v49 =	vld [tilespmem:$0x10F0];
	vm1 =	vmor vm12, vm15;
	vm8 =	veq.f32 v45, v20;
	vm9 =	vlt.s32 v46, v19  }
0x1bd: {  	v52 =	vld [tilespmem:$0x1960];
	vm10 =	vgt.f32 v45, v20;
	v21 =	vsel vm1, v43, v21;
	v24 =	vsel vm1, v44, v24  }
0x1be: {  	v51 =	vld [tilespmem:$0x1160];
	vm2 =	vmand vm8, vm9;
	vm12 =	veq.f32 v47, v21;
	vm13 =	vlt.s32 v48, v24  }
0x1bf: {  	vm14 =	vgt.f32 v47, v21;
	vm11 =	vmor vm10, vm2;
	vm2 =	vmand vm12, vm13  }
0x1c0: {  	v53 =	vld [tilespmem:$0x1170];
	v20 =	vsel vm11, v45, v20;
	v19 =	vsel vm11, v46, v19;
	vm15 =	vmor vm14, vm2  }
0x1c1: {  	[tilespmem:$0x1A00] =	vst v5;
	v5 =	vld [tilespmem:$0x1970];
	vm6 =	veq.f32 v49, v20;
	vm7 =	vlt.s32 v50, v19;
	vm8 =	vgt.f32 v49, v20  }
0x1c2: {  	v55 =	vld [tilespmem:$0x11E0];
	v54 =	vsel vm15, v47, v21;
	v56 =	vsel vm15, v48, v24;
	vm2 =	vmand vm6, vm7  }
0x1c3: {  	[tilespmem:$0x1A90] =	vst v8;
	v58 =	vld [tilespmem:$0x19E0];
	vm11 =	veq.f32 v51, v54;
	vm12 =	vlt.s32 v52, v56;
	vm9 =	vmor vm8, vm2  }
0x1c4: {  	[tilespmem:$0x1A20] =	vst v9;
	v60 =	vld [tilespmem:$0x11F0];
	vm10 =	vgt.f32 v51, v54;
	vm13 =	vmand vm11, vm12;
	v57 =	vsel vm9, v49, v20  }
0x1c5: {  	[tilespmem:$0x1AA0] =	vst v10;
	v61 =	vld [tilespmem:$0x19F0];
	v59 =	vsel vm9, v50, v19;
	vm0 =	vmor vm10, vm13;
	vm14 =	veq.f32 v53, v57  }
0x1c6: {  	[tilespmem:$0x1A30] =	vst v11;
	vm15 =	vlt.s32 v5, v59;
	vm6 =	vgt.f32 v53, v57;
	v62 =	vsel vm0, v51, v54  }
0x1c7: {  	[tilespmem:$0x1AB0] =	vst v12;
	v8 =	vsel vm0, v52, v56;
	vm5 =	vmand vm14, vm15;
	vm8 =	veq.f32 v55, v62  }
0x1c8: {  	[tilespmem:$0x1A40] =	vst v13;
	vm9 =	vlt.s32 v58, v8;
	vm11 =	vgt.f32 v55, v62;
	vm7 =	vmor vm6, vm5  }
0x1c9: {  	[tilespmem:$0x1AC0] =	vst v14;
	vm10 =	vmand vm8, vm9;
	v63 =	vsel vm7, v53, v57;
	v5 =	vsel vm7, v5, v59  }
0x1ca: {  	[tilespmem:$0x1A50] =	vst v6;
	vm0 =	vmor vm11, vm10;
	vm12 =	veq.f32 v60, v63;
	vm13 =	vlt.s32 v61, v5  }
0x1cb: {  	[tilespmem:$0x1AD0] =	vst v7;
	v6 =	vsel vm0, v55, v62;
	vm14 =	vgt.f32 v60, v63;
	vm1 =	vmand vm12, vm13  }
0x1cc: {  	v7 =	vsel vm0, v58, v8;
	[tilespmem:$0x1A60] =	vst v6;
	vm15 =	vmor vm14, vm1  }
0x1cd: {  	[tilespmem:$0x1AE0] =	vst v7;
	v6 =	vsel vm15, v60, v63  }
0x1ce: {  	v5 =	vsel vm15, v61, v5;
	[tilespmem:$0x1A70] =	vst v6  }
0x1cf: {  	s0 =	rddreg [dreg:$0x9];
	s5 =	simm.s32 $0x1A00;
	[tilespmem:$0x1AF0] =	vst v5  }
0x1d0: {  	[spmem:s0] =	stream.linear.scatter [tilespmem:s5], [sflag:$0x6], $0x80, $0x38;
	[tilespmem:$0x8E00] =	vst v63  }
0x1d1: {  	_ =	swait.ge [sflag:s8], $0x80  }
0x1d2: {  	[sflag:s8] =	ssyncset.done $0x0  }
0x1d3: {  	s18 =	simm.s32 $0x1A80;
	s16 =	rddreg [dreg:$0x12];
	[sflag:s8] =	ssyncadd.s32 $0xFFFFFF80  }
0x1d4: {  	[spmem:s16] =	stream.linear.scatter [tilespmem:s18], [sflag:$0x6], $0x80, $0x38;
	[tilespmem:$0x8E00] =	vst v63  }
.Ltmp4:
0x1d5: {  	_ =	swait.ge [sflag:s8], $0x80;
	(pc) =	sbr.rel @p0 .LBB2_14-.Ltmp4, $3  }
0x1d6: {  	[sflag:s8] =	ssyncset.done $0x0  }
0x1d7: {  	[sflag:s8] =	ssyncadd.s32 $0xFFFFFF80  }
0x1d8: {  	[bflag:$0x0] =	sbarrier.arrive $0xFFFF;
	_ =	sdelay $0x1  }
0x1d9: {  	s0 =	rddreg [dreg:$0xa];
	s5 =	simm.s32 $0x1B00  }
0x1da: {  	[tilespmem:s5], [sflag:$0x2] =	stream.linear.gather [spmem:s0], $0x80, $0x38;
	[tilespmem:$0x8E00] =	vst v63  }
0x1db: {  	s16 =	rddreg [dreg:$0xd];
	s18 =	simm.s32 $0x1B80  }
0x1dc: {  	[tilespmem:s18], [sflag:$0x2] =	stream.linear.gather [spmem:s16], $0x80, $0x38;
	[tilespmem:$0x8E00] =	vst v63  }
0x1dd: {  	s6 =	rddreg [dreg:$0xe];
	s7 =	simm.s32 $0x1C00  }
0x1de: {  	[tilespmem:s7], [sflag:$0x2] =	stream.linear.gather [spmem:s6], $0x80, $0x38;
	[tilespmem:$0x8E00] =	vst v63  }
0x1df: {  	s16 =	rddreg [dreg:$0xf];
	s18 =	simm.s32 $0x1D00  }
0x1e0: {  	[tilespmem:s18], [sflag:$0x3] =	stream.linear.gather [spmem:s16], $0x80, $0x38;
	[tilespmem:$0x8E00] =	vst v63  }
0x1e1: {  	s6 =	rddreg [dreg:$0x10];
	s7 =	simm.s32 $0x1D80  }
0x1e2: {  	[tilespmem:s7], [sflag:$0x3] =	stream.linear.gather [spmem:s6], $0x80, $0x38;
	[tilespmem:$0x8E00] =	vst v63  }
0x1e3: {  	s16 =	rddreg [dreg:$0x11];
	s18 =	simm.s32 $0x1E00  }
0x1e4: {  	[tilespmem:s18], [sflag:$0x3] =	stream.linear.gather [spmem:s16], $0x80, $0x38;
	[tilespmem:$0x8E00] =	vst v63  }
0x1e5: {  	_ =	swait.ge [sflag:s29], $0x80  }
0x1e6: {  	[sflag:s29] =	ssyncset.done $0x0  }
0x1e7: {  	[sflag:s29] =	ssyncadd.s32 $0xFFFFFF80  }
0x1e8: {  	_ =	swait.ge [sflag:s29], $0x80  }
0x1e9: {  	[sflag:s29] =	ssyncset.done $0x0  }
0x1ea: {  	[sflag:s29] =	ssyncadd.s32 $0xFFFFFF80  }
0x1eb: {  	_ =	swait.ge [sflag:s29], $0x80  }
0x1ec: {  	[sflag:s29] =	ssyncset.done $0x0  }
0x1ed: {  	[sflag:s29] =	ssyncadd.s32 $0xFFFFFF80  }
0x1ee: {  	_ =	swait.ge [sflag:s30], $0x80  }
0x1ef: {  	[sflag:s30] =	ssyncset.done $0x0  }
0x1f0: {  	[sflag:s30] =	ssyncadd.s32 $0xFFFFFF80  }
0x1f1: {  	_ =	swait.ge [sflag:s30], $0x80  }
0x1f2: {  	[sflag:s30] =	ssyncset.done $0x0  }
0x1f3: {  	[sflag:s30] =	ssyncadd.s32 $0xFFFFFF80  }
0x1f4: {  	_ =	swait.ge [sflag:s30], $0x80  }
0x1f5: {  	[sflag:s30] =	ssyncset.done $0x0  }
0x1f6: {  	[sflag:s30] =	ssyncadd.s32 $0xFFFFFF80  }
0x1f7: {  	v5 =	vld [tilespmem:$0x1A00]  }
0x1f8: {  	v6 =	vld [tilespmem:$0x1A80]  }
0x1f9: {  	v7 =	vld [tilespmem:$0x1B00]  }
0x1fa: {  	v8 =	vld [tilespmem:$0x1D00]  }
0x1fb: {  	v9 =	vld [tilespmem:$0x1A10]  }
0x1fc: {  	v10 =	vld [tilespmem:$0x1A90]  }
0x1fd: {  	v11 =	vld [tilespmem:$0x1B10]  }
0x1fe: {  	v12 =	vld [tilespmem:$0x1D10]  }
0x1ff: {  	v13 =	vld [tilespmem:$0x1A20]  }
0x200: {  	v14 =	vld [tilespmem:$0x1AA0]  }
0x201: {  	v15 =	vld [tilespmem:$0x1B20]  }
0x202: {  	v16 =	vld [tilespmem:$0x1D20]  }
0x203: {  	v17 =	vld [tilespmem:$0x1A30]  }
0x204: {  	v18 =	vld [tilespmem:$0x1AB0]  }
0x205: {  	v19 =	vld [tilespmem:$0x1B30]  }
0x206: {  	v20 =	vld [tilespmem:$0x1D30]  }
0x207: {  	v21 =	vld [tilespmem:$0x1A40]  }
0x208: {  	v22 =	vld [tilespmem:$0x1AC0]  }
0x209: {  	v23 =	vld [tilespmem:$0x1B40]  }
0x20a: {  	v24 =	vld [tilespmem:$0x1D40]  }
0x20b: {  	v25 =	vld [tilespmem:$0x1A50]  }
0x20c: {  	v26 =	vld [tilespmem:$0x1AD0]  }
0x20d: {  	v27 =	vld [tilespmem:$0x1B50]  }
0x20e: {  	v28 =	vld [tilespmem:$0x1D50]  }
0x20f: {  	v29 =	vld [tilespmem:$0x1A60]  }
0x210: {  	v30 =	vld [tilespmem:$0x1AE0]  }
0x211: {  	v31 =	vld [tilespmem:$0x1B60]  }
0x212: {  	v32 =	vld [tilespmem:$0x1D60]  }
0x213: {  	v33 =	vld [tilespmem:$0x1A70]  }
0x214: {  	v34 =	vld [tilespmem:$0x1AF0]  }
0x215: {  	v46 =	vld [tilespmem:$0x1D80]  }
0x216: {  	v49 =	vld [tilespmem:$0x1B90]  }
0x217: {  	v51 =	vld [tilespmem:$0x1D90]  }
0x218: {  	v54 =	vld [tilespmem:$0x1BA0]  }
0x219: {  	v56 =	vld [tilespmem:$0x1DA0]  }
0x21a: {  	v58 =	vld [tilespmem:$0x1BB0]  }
0x21b: {  	v60 =	vld [tilespmem:$0x1DB0]  }
0x21c: {  	v63 =	vld [tilespmem:$0x1BC0]  }
0x21d: {  	v37 =	vld [tilespmem:$0x1DC0]  }
0x21e: {  	v40 =	vld [tilespmem:$0x1BD0];
	vm0 =	veq.f32 v7, v5;
	vm1 =	vlt.s32 v8, v6  }
0x21f: {  	v42 =	vld [tilespmem:$0x1DD0];
	vm2 =	vgt.f32 v7, v5;
	vm0 =	vmand vm0, vm1  }
0x220: {  	v35 =	vld [tilespmem:$0x1C30];
	vm0 =	vmor vm2, vm0  }
0x221: {  	vm9 =	veq.f32 v11, v9;
	vm10 =	vlt.s32 v12, v10;
	v5 =	vsel vm0, v7, v5;
	v7 =	vld [tilespmem:$0x1B70]  }
0x222: {  	vm11 =	vgt.f32 v11, v9;
	[tilespmem:$0x1A00] =	vst v5;
	v5 =	vsel vm0, v8, v6;
	v6 =	vld [tilespmem:$0x1D70];
	vm0 =	vmand vm9, vm10  }
0x223: {  	vm12 =	veq.f32 v15, v13;
	vm13 =	vlt.s32 v16, v14;
	[tilespmem:$0x1A80] =	vst v5;
	v5 =	vld [tilespmem:$0x1A00];
	vm0 =	vmor vm11, vm0  }
0x224: {  	vm14 =	vgt.f32 v15, v13;
	vm15 =	veq.f32 v19, v17;
	v8 =	vld [tilespmem:$0x1A80];
	v9 =	vsel vm0, v11, v9  }
0x225: {  	vm4 =	vlt.s32 v20, v18;
	v11 =	vld [tilespmem:$0x1B80];
	v45 =	vsel vm0, v12, v10;
	vm0 =	vmand vm12, vm13;
	[tilespmem:$0x1A10] =	vst v9  }
0x226: {  	vm5 =	vgt.f32 v19, v17;
	vm6 =	veq.f32 v23, v21;
	[tilespmem:$0x1A90] =	vst v45;
	vm0 =	vmor vm14, vm0;
	v45 =	vld [tilespmem:$0x1BE0]  }
0x227: {  	v47 =	vld [tilespmem:$0x1A10];
	v13 =	vsel vm0, v15, v13;
	v50 =	vsel vm0, v16, v14;
	vm0 =	vmand vm15, vm4  }
0x228: {  	vm7 =	vlt.s32 v24, v22;
	vm8 =	vgt.f32 v23, v21;
	v48 =	vld [tilespmem:$0x1A90];
	[tilespmem:$0x1A20] =	vst v13;
	vm0 =	vmor vm5, vm0  }
0x229: {  	[tilespmem:$0x1AA0] =	vst v50;
	v52 =	vld [tilespmem:$0x1A20];
	v17 =	vsel vm0, v19, v17;
	v55 =	vsel vm0, v20, v18;
	vm0 =	vmand vm6, vm7  }
0x22a: {  	v53 =	vld [tilespmem:$0x1AA0];
	[tilespmem:$0x1A30] =	vst v17;
	vm0 =	vmor vm8, vm0  }
0x22b: {  	vm9 =	veq.f32 v27, v25;
	vm10 =	vlt.s32 v28, v26;
	[tilespmem:$0x1AB0] =	vst v55;
	v57 =	vld [tilespmem:$0x1A30];
	v21 =	vsel vm0, v23, v21  }
0x22c: {  	vm11 =	vgt.f32 v27, v25;
	v20 =	vld [tilespmem:$0x1AB0];
	v59 =	vsel vm0, v24, v22;
	vm0 =	vmand vm9, vm10;
	[tilespmem:$0x1A40] =	vst v21  }
0x22d: {  	[tilespmem:$0x1AC0] =	vst v59;
	vm0 =	vmor vm11, vm0;
	v59 =	vld [tilespmem:$0x1E20]  }
0x22e: {  	vm12 =	veq.f32 v31, v29;
	vm13 =	vlt.s32 v32, v30;
	v61 =	vld [tilespmem:$0x1A40];
	v25 =	vsel vm0, v27, v25  }
0x22f: {  	vm14 =	vgt.f32 v31, v29;
	v62 =	vld [tilespmem:$0x1AC0];
	v36 =	vsel vm0, v28, v26;
	vm0 =	vmand vm12, vm13;
	[tilespmem:$0x1A50] =	vst v25  }
0x230: {  	[tilespmem:$0x1AD0] =	vst v36;
	vm0 =	vmor vm14, vm0;
	v36 =	vld [tilespmem:$0x1E30]  }
0x231: {  	vm15 =	veq.f32 v7, v33;
	vm4 =	vlt.s32 v6, v34;
	v38 =	vld [tilespmem:$0x1A50];
	v29 =	vsel vm0, v31, v29  }
0x232: {  	vm5 =	vgt.f32 v7, v33;
	v39 =	vld [tilespmem:$0x1AD0];
	v41 =	vsel vm0, v32, v30;
	vm0 =	vmand vm15, vm4;
	[tilespmem:$0x1A60] =	vst v29  }
0x233: {  	[tilespmem:$0x1AE0] =	vst v41;
	vm0 =	vmor vm5, vm0;
	v43 =	vld [tilespmem:$0x1A60]  }
0x234: {  	v44 =	vld [tilespmem:$0x1AE0];
	v7 =	vsel vm0, v7, v33  }
0x235: {  	vm6 =	veq.f32 v11, v5;
	vm7 =	vlt.s32 v46, v8;
	v6 =	vsel vm0, v6, v34;
	[tilespmem:$0x1A70] =	vst v7;
	v7 =	vld [tilespmem:$0x1DE0]  }
0x236: {  	vm8 =	vgt.f32 v11, v5;
	vm0 =	vmand vm6, vm7;
	[tilespmem:$0x1AF0] =	vst v6;
	v6 =	vld [tilespmem:$0x1A70]  }
0x237: {  	vm0 =	vmor vm8, vm0;
	v34 =	vld [tilespmem:$0x1AF0]  }
0x238: {  	vm9 =	veq.f32 v49, v47;
	vm10 =	vlt.s32 v51, v48;
	v5 =	vsel vm0, v11, v5;
	v11 =	vld [tilespmem:$0x1BF0]  }
0x239: {  	vm11 =	vgt.f32 v49, v47;
	vm12 =	veq.f32 v54, v52;
	[tilespmem:$0x1A00] =	vst v5;
	v5 =	vsel vm0, v46, v8;
	v8 =	vld [tilespmem:$0x1DF0]  }
0x23a: {  	vm13 =	vlt.s32 v56, v53;
	vm14 =	vgt.f32 v54, v52;
	vm0 =	vmand vm9, vm10;
	[tilespmem:$0x1A80] =	vst v5;
	v5 =	vld [tilespmem:$0x1A00]  }
0x23b: {  	vm15 =	veq.f32 v58, v57;
	vm4 =	vlt.s32 v60, v20;
	vm0 =	vmor vm11, vm0;
	v46 =	vld [tilespmem:$0x1A80]  }
0x23c: {  	vm6 =	veq.f32 v63, v61;
	vm7 =	vlt.s32 v37, v62;
	v9 =	vsel vm0, v49, v47;
	v47 =	vld [tilespmem:$0x1C00]  }
0x23d: {  	vm3 =	vgt.f32 v63, v61;
	vm1 =	vmand vm6, vm7;
	v48 =	vsel vm0, v51, v48;
	v49 =	vld [tilespmem:$0x1E00];
	[tilespmem:$0x1A10] =	vst v9  }
0x23e: {  	vm5 =	vgt.f32 v58, v57;
	vm8 =	vmor vm3, vm1;
	vm0 =	vmand vm12, vm13;
	[tilespmem:$0x1A90] =	vst v48;
	v50 =	vld [tilespmem:$0x1A10]  }
0x23f: {  	vm9 =	vgt.f32 v40, v38;
	vm10 =	veq.f32 v40, v38;
	vm0 =	vmor vm14, vm0;
	v51 =	vld [tilespmem:$0x1A90]  }
0x240: {  	vm11 =	vlt.s32 v42, v39;
	vm12 =	veq.f32 v45, v43;
	v13 =	vsel vm0, v54, v52;
	v52 =	vld [tilespmem:$0x1C10]  }
0x241: {  	vm13 =	vlt.s32 v7, v44;
	v53 =	vsel vm0, v56, v53;
	v54 =	vld [tilespmem:$0x1E10];
	vm0 =	vmand vm15, vm4;
	[tilespmem:$0x1A20] =	vst v13  }
0x242: {  	vm14 =	vgt.f32 v45, v43;
	vm2 =	vmand vm12, vm13;
	[tilespmem:$0x1AA0] =	vst v53;
	vm0 =	vmor vm5, vm0;
	v55 =	vld [tilespmem:$0x1A20]  }
0x243: {  	vm1 =	vmand vm10, vm11;
	vm15 =	vmor vm14, vm2;
	v56 =	vld [tilespmem:$0x1AA0];
	v17 =	vsel vm0, v58, v57  }
0x244: {  	v57 =	vld [tilespmem:$0x1C20];
	v58 =	vsel vm0, v60, v20;
	v60 =	vsel vm8, v63, v61;
	vm0 =	vmor vm9, vm1  }
0x245: {  	v61 =	vsel vm8, v37, v62;
	v37 =	vsel vm0, v40, v38;
	v38 =	vsel vm0, v42, v39;
	v42 =	vld [tilespmem:$0x1C40]  }
0x246: {  	[tilespmem:$0x1A30] =	vst v17;
	v40 =	vsel vm15, v45, v43;
	v43 =	vld [tilespmem:$0x1E40]  }
0x247: {  	[tilespmem:$0x1A40] =	vst v60;
	v60 =	vld [tilespmem:$0x1E70]  }
0x248: {  	vm6 =	veq.f32 v11, v6;
	vm4 =	vgt.f32 v11, v6;
	vm7 =	vlt.s32 v8, v34;
	[tilespmem:$0x1AB0] =	vst v58;
	v62 =	vld [tilespmem:$0x1A30]  }
0x249: {  	vm1 =	vmand vm6, vm7;
	vm8 =	veq.f32 v47, v5;
	vm9 =	vlt.s32 v49, v46;
	v63 =	vld [tilespmem:$0x1AB0]  }
0x24a: {  	[tilespmem:$0x1AC0] =	vst v61;
	vm10 =	vgt.f32 v47, v5;
	vm11 =	vmor vm4, vm1;
	v39 =	vld [tilespmem:$0x1A40];
	vm2 =	vmand vm8, vm9  }
0x24b: {  	v7 =	vsel vm15, v7, v44;
	v41 =	vld [tilespmem:$0x1AC0];
	[tilespmem:$0x1A50] =	vst v37;
	v6 =	vsel vm11, v11, v6;
	vm12 =	vmor vm10, vm2  }
0x24c: {  	[tilespmem:$0x1AD0] =	vst v38;
	v44 =	vld [tilespmem:$0x1A50];
	vm13 =	veq.f32 v52, v50;
	vm14 =	vlt.s32 v54, v51;
	v5 =	vsel vm12, v47, v5  }
0x24d: {  	v8 =	vsel vm11, v8, v34;
	v45 =	vld [tilespmem:$0x1AD0];
	vm15 =	vgt.f32 v52, v50;
	vm2 =	vmand vm13, vm14;
	[tilespmem:$0x1A00] =	vst v5  }
0x24e: {  	[tilespmem:$0x1A60] =	vst v40;
	v10 =	vsel vm12, v49, v46;
	vm7 =	veq.f32 v57, v55;
	vm8 =	vlt.s32 v59, v56;
	v46 =	vld [tilespmem:$0x1A00]  }
0x24f: {  	[tilespmem:$0x1AE0] =	vst v7;
	v48 =	vld [tilespmem:$0x1A60];
	vm6 =	vmor vm15, vm2;
	vm9 =	vgt.f32 v57, v55;
	vm1 =	vmand vm7, vm8  }
0x250: {  	[tilespmem:$0x1A70] =	vst v6;
	v47 =	vld [tilespmem:$0x1E50];
	v7 =	vsel vm6, v52, v50;
	v6 =	vsel vm6, v54, v51;
	vm1 =	vmor vm9, vm1  }
0x251: {  	v49 =	vld [tilespmem:$0x1AE0];
	vm10 =	veq.f32 v35, v62;
	vm11 =	vlt.s32 v36, v63;
	vm12 =	vgt.f32 v35, v62  }
0x252: {  	[tilespmem:$0x1AF0] =	vst v8;
	v5 =	vld [tilespmem:$0x1C50];
	vm15 =	veq.f32 v42, v39;
	vm8 =	vlt.s32 v43, v41;
	vm9 =	vgt.f32 v42, v39  }
0x253: {  	[tilespmem:$0x1A80] =	vst v10;
	v51 =	vld [tilespmem:$0x1C60];
	vm0 =	vmand vm10, vm11;
	vm13 =	vlt.f32 v46, $-Inf;
	vm14 =	vgt.f32 v46, $-Inf  }
0x254: {  	[tilespmem:$0x1A10] =	vst v7;
	v7 =	vld [tilespmem:$0x1E60];
	v50 =	vsel vm1, v57, v55;
	vm2 =	vmor vm12, vm0;
	vm0 =	vmor vm14, vm13  }
0x255: {  	[tilespmem:$0x1A90] =	vst v6;
	v6 =	vld [tilespmem:$0x1A70];
	vm3 =	vmand vm15, vm8;
	v54 =	vsel vm1, v59, v56;
	v53 =	vsel vm0, $0x1, v4  }
0x256: {  	v56 =	vld [tilespmem:$0x1C70];
	[tilespmem:$0x1A20] =	vst v50;
	vm10 =	vmor vm9, vm3;
	v55 =	vsel vm2, v35, v62;
	(xrf0) =	vadd.scan.msk.s32 $0xffff, v53  }
0x257: {  	v52 =	vld [tilespmem:$0x1AF0];
	[tilespmem:$0x1AA0] =	vst v54;
	v57 =	vsel vm2, v36, v63;
	v58 =	vsel vm10, v42, v39;
	v59 =	vsel vm10, v43, v41  }
0x258: {  	vm11 =	vgt.f32 v5, v44;
	vm12 =	veq.f32 v5, v44;
	[tilespmem:$0x1A30] =	vst v55;
	vm13 =	vlt.s32 v47, v45  }
0x259: {  	[tilespmem:$0x1AB0] =	vst v57;
	vm14 =	veq.f32 v51, v48;
	vm15 =	vlt.s32 v7, v49;
	vm2 =	vmand vm12, vm13  }
0x25a: {  	[tilespmem:$0x1A40] =	vst v58;
	vm8 =	vgt.f32 v51, v48;
	vm7 =	vmand vm14, vm15;
	vm1 =	vmor vm11, vm2  }
0x25b: {  	[tilespmem:$0x1AC0] =	vst v59;
	vm10 =	veq.f32 v56, v6;
	vm12 =	vgt.f32 v56, v6;
	v5 =	vsel vm1, v5, v44  }
0x25c: {  	vm9 =	vmor vm8, vm7;
	vm11 =	vlt.s32 v60, v52;
	v9 =	vsel vm1, v47, v45;
	[tilespmem:$0x1A50] =	vst v5;
	v61, _, _ =	vpop (xrf0)  }
0x25d: {  	v63 =	vld [tilespmem:$0x1A80];
	vm2 =	vmand vm10, vm11;
	v7 =	vsel vm9, v7, v49;
	[tilespmem:$0x1AD0] =	vst v9;
	v62 =	vsub.s32 v61, v53  }
0x25e: {  	v5 =	vsel vm9, v51, v48;
	vm13 =	vmor vm12, vm2;
	[tilespmem:$0x1AE0] =	vst v7  }
0x25f: {  	[tilespmem:$0x1A60] =	vst v5;
	v5 =	vsel vm13, v56, v6  }
0x260: {  	[tilespmem:$0x1A70] =	vst v5;
	v5 =	vsel vm13, v60, v52  }
0x261: {  	[tilespmem:$0x1AF0] =	vst v5  }
0x262: {  	[tilespmem:v62+s9+$0x0] =	vst.idx.msk vm0, v63  }
0x263: {  	v5 =	vld [tilespmem:$0x1A10];
	_ =	sdelay $0x4  }
0x264: {  	vm14 =	vlt.f32 v5, $-Inf;
	vm15 =	vgt.f32 v5, $-Inf  }
0x265: {  	vm0 =	vmor vm15, vm14  }
0x266: {  	v5 =	vsel vm0, $0x1, v4  }
0x267: {  	(xrf0) =	vadd.scan.msk.s32 $0xffff, v5;
	_ =	sdelay $0x3  }
0x268: {  	v5 =	vbroadcast v61, $0xF  }
0x269: {  	v6 =	vsel vm0, $0xFFFFFFFF, v4  }
0x26a: {  	v5 =	vadd.s32 v6, v5;
	v7, _, _ =	vpop (xrf0)  }
0x26b: {  	v6 =	vld [tilespmem:$0x1A90];
	v5 =	vadd.s32 v7, v5;
	_ =	sdelay $0x3  }
0x26c: {  	(v2sf) =	vpush v61, $0xF  }
0x26d: {  	(v2sf) =	vpush v7, $0xF;
	[tilespmem:v5+s9+$0x0] =	vst.idx.msk vm0, v6  }
0x26e: {  	v5 =	vld [tilespmem:$0x1A20];
	_ =	sdelay $0x4  }
0x26f: {  	vm4 =	vlt.f32 v5, $-Inf;
	vm5 =	vgt.f32 v5, $-Inf  }
0x270: {  	vm0 =	vmor vm5, vm4  }
0x271: {  	v5 =	vsel vm0, $0x1, v4  }
0x272: {  	(xrf0) =	vadd.scan.msk.s32 $0xffff, v5;
	_ =	sdelay $0x4  }
0x273: {  	s6 =	spop (v2sf)  }
0x274: {  	v5 =	vsel vm0, $0xFFFFFFFF, v4;
	s7 =	spop (v2sf);
	v6, _, _ =	vpop (xrf0)  }
0x275: {  	s0 =	sadd.s32 s6, s7;
	v5 =	vadd.s32 v5, v6  }
0x276: {  	v7 =	vld [tilespmem:$0x1AA0];
	v5 =	vadd.s32 s0, v5;
	_ =	sdelay $0x4  }
0x277: {  	(v2sf) =	vpush v6, $0xF;
	[tilespmem:v5+s9+$0x0] =	vst.idx.msk vm0, v7  }
0x278: {  	v5 =	vld [tilespmem:$0x1A30];
	_ =	sdelay $0x4  }
0x279: {  	vm6 =	vlt.f32 v5, $-Inf;
	vm7 =	vgt.f32 v5, $-Inf  }
0x27a: {  	vm0 =	vmor vm7, vm6  }
0x27b: {  	v5 =	vsel vm0, $0x1, v4  }
0x27c: {  	(xrf0) =	vadd.scan.msk.s32 $0xffff, v5;
	_ =	sdelay $0x5  }
0x27d: {  	s16 =	spop (v2sf);
	v5 =	vsel vm0, $0xFFFFFFFF, v4;
	v6, _, _ =	vpop (xrf0)  }
0x27e: {  	s0 =	sadd.s32 s0, s16;
	v5 =	vadd.s32 v5, v6  }
0x27f: {  	v7 =	vld [tilespmem:$0x1AB0];
	v5 =	vadd.s32 s0, v5;
	_ =	sdelay $0x4  }
0x280: {  	(v2sf) =	vpush v6, $0xF;
	[tilespmem:v5+s9+$0x0] =	vst.idx.msk vm0, v7  }
0x281: {  	v5 =	vld [tilespmem:$0x1A40];
	_ =	sdelay $0x4  }
0x282: {  	vm8 =	vlt.f32 v5, $-Inf;
	vm9 =	vgt.f32 v5, $-Inf  }
0x283: {  	vm0 =	vmor vm9, vm8  }
0x284: {  	v5 =	vsel vm0, $0x1, v4  }
0x285: {  	(xrf0) =	vadd.scan.msk.s32 $0xffff, v5;
	_ =	sdelay $0x5  }
0x286: {  	s18 =	spop (v2sf);
	v5 =	vsel vm0, $0xFFFFFFFF, v4;
	v6, _, _ =	vpop (xrf0)  }
0x287: {  	s0 =	sadd.s32 s0, s18;
	v5 =	vadd.s32 v5, v6  }
0x288: {  	v7 =	vld [tilespmem:$0x1AC0];
	v5 =	vadd.s32 s0, v5;
	_ =	sdelay $0x4  }
0x289: {  	(v2sf) =	vpush v6, $0xF;
	[tilespmem:v5+s9+$0x0] =	vst.idx.msk vm0, v7  }
0x28a: {  	v5 =	vld [tilespmem:$0x1A50];
	_ =	sdelay $0x4  }
0x28b: {  	vm10 =	vlt.f32 v5, $-Inf;
	vm11 =	vgt.f32 v5, $-Inf  }
0x28c: {  	vm0 =	vmor vm11, vm10  }
0x28d: {  	v5 =	vsel vm0, $0x1, v4  }
0x28e: {  	(xrf0) =	vadd.scan.msk.s32 $0xffff, v5;
	_ =	sdelay $0x5  }
0x28f: {  	s6 =	spop (v2sf);
	v5 =	vsel vm0, $0xFFFFFFFF, v4;
	v6, _, _ =	vpop (xrf0)  }
0x290: {  	s0 =	sadd.s32 s0, s6;
	v5 =	vadd.s32 v5, v6  }
0x291: {  	v7 =	vld [tilespmem:$0x1AD0];
	v5 =	vadd.s32 s0, v5;
	_ =	sdelay $0x4  }
0x292: {  	(v2sf) =	vpush v6, $0xF;
	[tilespmem:v5+s9+$0x0] =	vst.idx.msk vm0, v7  }
0x293: {  	v5 =	vld [tilespmem:$0x1A60];
	_ =	sdelay $0x4  }
0x294: {  	vm12 =	vlt.f32 v5, $-Inf;
	vm13 =	vgt.f32 v5, $-Inf  }
0x295: {  	vm0 =	vmor vm13, vm12  }
0x296: {  	v5 =	vsel vm0, $0x1, v4  }
0x297: {  	(xrf0) =	vadd.scan.msk.s32 $0xffff, v5;
	_ =	sdelay $0x5  }
0x298: {  	s7 =	spop (v2sf);
	v5 =	vsel vm0, $0xFFFFFFFF, v4;
	v6, _, _ =	vpop (xrf0)  }
0x299: {  	s0 =	sadd.s32 s0, s7;
	v5 =	vadd.s32 v5, v6  }
0x29a: {  	v7 =	vld [tilespmem:$0x1AE0];
	v5 =	vadd.s32 s0, v5;
	_ =	sdelay $0x4  }
0x29b: {  	[tilespmem:v5+s9+$0x0] =	vst.idx.msk vm0, v7  }
0x29c: {  	v5 =	vld [tilespmem:$0x1A70];
	_ =	sdelay $0x4  }
0x29d: {  	vm14 =	vlt.f32 v5, $-Inf;
	vm15 =	vgt.f32 v5, $-Inf  }
0x29e: {  	vm0 =	vmor vm15, vm14  }
0x29f: {  	v5 =	vsel vm0, $0x1, v4  }
0x2a0: {  	(xrf0) =	vadd.scan.msk.s32 $0xffff, v5;
	_ =	sdelay $0x5  }
0x2a1: {  	(v2sf) =	vpush v6, $0xF;
	v5, _, _ =	vpop (xrf0)  }
0x2a2: {  	(v2sf) =	vpush v5, $0xF;
	_ =	sdelay $0xd  }
0x2a3: {  	v6 =	vsel vm0, $0xFFFFFFFF, v4;
	s16 =	spop (v2sf)  }
0x2a4: {  	s0 =	sadd.s32 s0, s16;
	v5 =	vadd.s32 v6, v5;
	s18 =	spop (v2sf)  }
0x2a5: {  	v5 =	vadd.s32 s0, v5;
	s0 =	sadd.s32 s0, s18  }
0x2a6: {  	v6 =	vld [tilespmem:$0x1AF0];
	p1 =	sgt.s32 s0, $0x7F  }
.Ltmp5:
0x2a7: {  	_ = 	snop;
	(pc) =	sbr.rel @p1 .LBB2_13-.Ltmp5, $2  }
0x2a8: {  	_ =	sdelay $0x2  }
0x2a9: {  	[tilespmem:v5+s9+$0x0] =	vst.idx.msk vm0, v6  }
0x2aa: {  	s7 =	simm.s32 $0x0;
	s5 =	rddreg [dreg:$0xb]  }
0x2ab: {  	[tilespmem:s10], [sflag:$0x6] =	stream.linear.gather [hbm4b:s5+s7], $0x1388, $0x38;
	[tilespmem:$0x8E00] =	vst v63  }
0x2ac: {  	_ =	swait.ge [sflag:s8], $0x1388  }
0x2ad: {  	[sflag:s8] =	ssyncset.done $0x0  }
0x2ae: {  	[sflag:s8] =	ssyncadd.s32 $0xFFFFEC78  }
0x2af: {  	v5 =	vld [tilespmem:$0x1A00]  }
0x2b0: {  	v6 =	vld [tilespmem:$0x1A80];
	_ =	sdelay $0x4  }
0x2b1: {  	vm0 =	vlt.f32 v5, $-Inf;
	vm1 =	vgt.f32 v5, $-Inf;
	v5 =	vld [tilespmem:$0x3480];
	vm2 =	vgt.s32 v6, $0x0  }
0x2b2: {  	vm0 =	vmor vm1, vm0;
	v6 =	vnsel vm2, $0x0, v6  }
0x2b3: {  	v6 =	vmin.u32 v6, $0x1387;
	_ =	sdelay $0x1  }
0x2b4: {  	vm6 =	vmmov $0xff  }
0x2b5: {  	v5 =	vnsel vm6, $0xFF800000, v5  }
0x2b6: {  	[tilespmem:$0x3480] =	vst v5  }
0x2b7: {  	[tilespmem:v6+s10+$0x0] =	vst.idx.msk vm0, v2  }
0x2b8: {  	v5 =	vld [tilespmem:$0x1A10]  }
0x2b9: {  	v6 =	vld [tilespmem:$0x1A90];
	_ =	sdelay $0x4  }
0x2ba: {  	vm7 =	vlt.f32 v5, $-Inf;
	vm8 =	vgt.f32 v5, $-Inf;
	vm9 =	vgt.s32 v6, $0x0  }
0x2bb: {  	vm0 =	vmor vm8, vm7;
	v5 =	vnsel vm9, $0x0, v6  }
0x2bc: {  	v5 =	vmin.u32 v5, $0x1387;
	_ =	sdelay $0x4  }
0x2bd: {  	[tilespmem:v5+s10+$0x0] =	vst.idx.msk vm0, v2  }
0x2be: {  	v5 =	vld [tilespmem:$0x1A20]  }
0x2bf: {  	v6 =	vld [tilespmem:$0x1AA0];
	_ =	sdelay $0x4  }
0x2c0: {  	vm10 =	vlt.f32 v5, $-Inf;
	vm11 =	vgt.f32 v5, $-Inf;
	vm12 =	vgt.s32 v6, $0x0  }
0x2c1: {  	vm0 =	vmor vm11, vm10;
	v5 =	vnsel vm12, $0x0, v6  }
0x2c2: {  	v5 =	vmin.u32 v5, $0x1387;
	_ =	sdelay $0x4  }
0x2c3: {  	[tilespmem:v5+s10+$0x0] =	vst.idx.msk vm0, v2  }
0x2c4: {  	v5 =	vld [tilespmem:$0x1A30]  }
0x2c5: {  	v6 =	vld [tilespmem:$0x1AB0];
	_ =	sdelay $0x4  }
0x2c6: {  	vm13 =	vlt.f32 v5, $-Inf;
	vm14 =	vgt.f32 v5, $-Inf;
	vm15 =	vgt.s32 v6, $0x0  }
0x2c7: {  	vm0 =	vmor vm14, vm13;
	v5 =	vnsel vm15, $0x0, v6  }
0x2c8: {  	v5 =	vmin.u32 v5, $0x1387;
	_ =	sdelay $0x4  }
0x2c9: {  	[tilespmem:v5+s10+$0x0] =	vst.idx.msk vm0, v2  }
0x2ca: {  	v5 =	vld [tilespmem:$0x1A40]  }
0x2cb: {  	v6 =	vld [tilespmem:$0x1AC0];
	_ =	sdelay $0x4  }
0x2cc: {  	vm4 =	vlt.f32 v5, $-Inf;
	vm5 =	vgt.f32 v5, $-Inf;
	vm6 =	vgt.s32 v6, $0x0  }
0x2cd: {  	vm0 =	vmor vm5, vm4;
	v5 =	vnsel vm6, $0x0, v6  }
0x2ce: {  	v5 =	vmin.u32 v5, $0x1387;
	_ =	sdelay $0x4  }
0x2cf: {  	[tilespmem:v5+s10+$0x0] =	vst.idx.msk vm0, v2  }
0x2d0: {  	v5 =	vld [tilespmem:$0x1A50]  }
0x2d1: {  	v6 =	vld [tilespmem:$0x1AD0];
	_ =	sdelay $0x4  }
0x2d2: {  	vm7 =	vlt.f32 v5, $-Inf;
	vm8 =	vgt.f32 v5, $-Inf;
	vm9 =	vgt.s32 v6, $0x0  }
0x2d3: {  	vm0 =	vmor vm8, vm7;
	v5 =	vnsel vm9, $0x0, v6  }
0x2d4: {  	v5 =	vmin.u32 v5, $0x1387;
	_ =	sdelay $0x4  }
0x2d5: {  	[tilespmem:v5+s10+$0x0] =	vst.idx.msk vm0, v2  }
0x2d6: {  	v5 =	vld [tilespmem:$0x1A60]  }
0x2d7: {  	v6 =	vld [tilespmem:$0x1AE0];
	_ =	sdelay $0x4  }
0x2d8: {  	vm10 =	vlt.f32 v5, $-Inf;
	vm11 =	vgt.f32 v5, $-Inf;
	vm12 =	vgt.s32 v6, $0x0  }
0x2d9: {  	vm0 =	vmor vm11, vm10;
	v5 =	vnsel vm12, $0x0, v6  }
0x2da: {  	v5 =	vmin.u32 v5, $0x1387;
	_ =	sdelay $0x4  }
0x2db: {  	[tilespmem:v5+s10+$0x0] =	vst.idx.msk vm0, v2  }
0x2dc: {  	v5 =	vld [tilespmem:$0x1A70]  }
0x2dd: {  	v6 =	vld [tilespmem:$0x1AF0];
	_ =	sdelay $0x4  }
0x2de: {  	vm13 =	vlt.f32 v5, $-Inf;
	vm14 =	vgt.f32 v5, $-Inf;
	vm15 =	vgt.s32 v6, $0x0  }
0x2df: {  	vm0 =	vmor vm14, vm13;
	v5 =	vnsel vm15, $0x0, v6  }
0x2e0: {  	v5 =	vmin.u32 v5, $0x1387  }
.Ltmp6:
0x2e1: {  	_ = 	snop;
	(pc) =	sbr.rel .LBB2_8-.Ltmp6, $2  }
0x2e2: {  	_ =	sdelay $0x2  }
0x2e3: {  	s5 =	simm.s32 $0x0;
	[tilespmem:v5+s10+$0x0] =	vst.idx.msk vm0, v2  }
.LBB2_12:
0x2e4: {  	s5 =	sadd.s32 $0x1, s5  }
0x2e5: {  	p1 =	sne.s32 s5, $0x80  }
.Ltmp7:
0x2e6: {  	_ = 	snop;
	(pc) =	sbr.rel @!p1 .LBB2_13-.Ltmp7, $1  }
0x2e7: {  	_ =	sdelay $0x3  }
.LBB2_8:
0x2e8: {  	p1 =	slt.s32 s5, s0  }
.Ltmp8:
0x2e9: {  	_ = 	snop;
	(pc) =	sbr.rel @p1 .LBB2_12-.Ltmp8, $1  }
0x2ea: {  	_ =	sdelay $0x3  }
0x2eb: {  	s6 =	simm.s32 $0x2100  }
0x2ec: {  	v6 =	vld [tilespmem:s6+$0x0];
	_ =	sdelay $0x3  }
0x2ed: {  	v7 =	vimm.f32 $-Inf  }
0x2ee: {  	v5 =	vimm.s32 $0x40000000;
	v8 =	vor.u32 s7, v1;
	s16 =	simm.s32 $0x2110;
	s6 =	simm.s32 $0x10;
	vm0 =	vgt.f32 v6, v7  }
.LBB2_10:
0x2ef: {  	p1 =	sne.s32 s6, $0x1380;
	v7 =	vsel vm0, v6, v7;
	v6 =	vld [tilespmem:s16+$0x0];
	v5 =	vsel vm0, v8, v5;
	s18 =	smov.u32 s6;
	s6 =	sadd.s32 $0x10, s6  }
.Ltmp9:
0x2f0: {  	(pc) =	sbr.rel @p1 .LBB2_10-.Ltmp9, $2  }
0x2f1: {  	_ =	sdelay $0x2  }
0x2f2: {  	s16 =	sadd.s32 $0x10, s16;
	v8 =	vor.u32 s18, v1;
	vm0 =	vgt.f32 v6, v7  }
0x2f3: {  	v6 =	vsel vm0, v6, v7  }
0x2f4: {  	(xrf0) =	vmax.scan.msk.f32 $0xffff, v6;
	_ =	sdelay $0x5  }
0x2f5: {  	v7, _, _ =	vpop (xrf0)  }
0x2f6: {  	v7 =	vbroadcast v7, $0xF  }
0x2f7: {  	v5 =	vsel vm0, v8, v5  }
0x2f8: {  	v5 =	vxor.u32 $0x80000000, v5;
	vm15 =	veq.f32 v6, v7  }
0x2f9: {  	v5 =	vnsel vm15, $0xC0000000, v5  }
0x2fa: {  	(xrf0) =	vmin.scan.msk.u32 $0xffff, v5;
	_ =	sdelay $0x5  }
0x2fb: {  	v5, _, _ =	vpop (xrf0)  }
0x2fc: {  	(v2sf) =	vpush v5, $0xF;
	_ =	sdelay $0xe  }
0x2fd: {  	s6 =	spop (v2sf)  }
0x2fe: {  	v5 =	vmov s5;
	s6 =	sxor.u32 $0x80000000, s6  }
0x2ff: {  	v6 =	vmov s6  }
.Ltmp10:
0x300: {  	_ = 	snop;
	(pc) =	sbr.rel .LBB2_12-.Ltmp10, $3  }
0x301: {  	_ =	sdelay $0x1  }
0x302: {  	[tilespmem:v5+s9+$0x0] =	vst.idx.msk $0x1, v6  }
0x303: {  	[tilespmem:v6+s10+$0x0] =	vst.idx.msk $0x1, v2  }
.LBB2_15:
0x304: {  	_ =	sfence.sel $0x180000  }
0x305: {  	[bflag:$0x0] =	sbarrier.arrive $0xFFFF  }
0x306: {  	_ =	strace $0x90000047  }
0x307: {  	s0 =	stileid.u32;
	[bflag:$0x2] =	sbarrier.arrive $0xFFFF  }
0x308: {  	p0 =	sne.s32 s0, $0x0;
	s0 =	rddreg [dreg:$0x7]  }
0x309: {  	s0 =	sadd.s32 @!p0 $0x100000, s0  }
0x30a: {  	[sflag:s0] =	ssyncadd.tile.s32 @!p0 $0x1;
	_ =	shalt  }
.Lfunc_end2:
_tile_overlayer_lowered:
.L_overlay_start_2:
0x30b: {  	(tag) =	ssettag $0x2  }
0x30c: {  	s0 =	rddreg [dreg:$0x0];
	s2 =	stileid.u32  }
0x30d: {  	s1 =	rddreg [dreg:$0x1];
	p0 =	sne.s32 s2, $0x0  }
0x30e: {  	s3 =	rddreg [dreg:$0x2];
	[bflag:$0x3] =	sbarrier.arrive $0xFFFF;
	s2 =	simm.s32 @!p0 $0x1C06  }
0x30f: {  	[timem:s3], [sflag:s2] =	dma.local @!p0 [hbm:s0], s1  }
0x310: {  	s0 =	simm.s32 @!p0 $0x6  }
0x311: {  	_ =	swait.ge @!p0 [sflag:s0], s1  }
0x312: {  	s1 =	ssub.s32 @!p0 $0x0, s1;
	[sflag:s0] =	ssyncset.done @!p0 $0x0  }
0x313: {  	[sflag:s0] =	ssyncadd.s32 @!p0 s1  }
0x314: {  	[bflag:$0x3] =	sbarrier.arrive $0xFFFF  }
0x315: {  	_ =	shalt  }

</sc_bundles>
